<compile_context>
chip_gen: v7x
topology: tpu7x:2x2x1
jax: 0.10.2.dev20260603
libtpu: 0.0.44.dev20260713+nightly
codegen_flags: <defaults>
</compile_context>

<pallas_src>
import functools

import jax
import jax.numpy as jnp
from jax import lax
from jax.experimental import pallas as pl
from jax.experimental.pallas import tpu as pltpu
from jax.experimental.pallas import tpu_sc as plsc

_N = 100000
_E = 6400000
_C = 6
_OUT = 3

_K = 256
_SUB = _K // 128
_NW = 32
_PT = 200704
_EP = _PT * _NW
_NCH = _PT // _K
_ACC_N = 100016
_AW = 16
_ZR = _ACC_N // 16
_WR = _N // 16
_BLK = 5000


def _prep_body(x_ref, wl_ref, bl_ref, wr_ref, br_ref, xl_ref, xr_ref):
    x = x_ref[...]
    xl_ref[...] = x @ wl_ref[...] + bl_ref[...]
    xr_ref[...] = x @ wr_ref[...] + br_ref[...]


def _prep(x, wl8, bl8, wr8, br8):
    grid = (_N // _BLK,)
    return pl.pallas_call(
        _prep_body,
        grid=grid,
        in_specs=[
            pl.BlockSpec((_BLK, _C), lambda i: (i, 0)),
            pl.BlockSpec((_C, 8), lambda i: (0, 0)),
            pl.BlockSpec((1, 8), lambda i: (0, 0)),
            pl.BlockSpec((_C, 8), lambda i: (0, 0)),
            pl.BlockSpec((1, 8), lambda i: (0, 0)),
        ],
        out_specs=[
            pl.BlockSpec((_BLK, 8), lambda i: (i, 0)),
            pl.BlockSpec((_BLK, 8), lambda i: (i, 0)),
        ],
        out_shape=[
            jax.ShapeDtypeStruct((_N, 8), jnp.float32),
            jax.ShapeDtypeStruct((_N, 8), jnp.float32),
        ],
    )(x, wl8, bl8, wr8, br8)


_GRP = _K // 16


def _edge_body(src_hbm, dst_hbm, a0_hbm, a1_hbm, xl_hbm, xr_hbm, zero_hbm,
               par_hbm, out_hbm, acc,
               src_v0, src_v1, src_v2, src_v3,
               dst_v0, dst_v1, dst_v2, dst_v3,
               a0_v0, a0_v1, a0_v2, a0_v3,
               a1_v0, a1_v1, a1_v2, a1_v3,
               xl_v0, xl_v1, xr_v0, xr_v1, s_v0, s_v1, par_v,
               semA0, semA1, semA2, semA3, semB0, semB1,
               semD0, semD1, semD2, semD3):
    cid = lax.axis_index("c")
    sid = lax.axis_index("s")
    wid = sid * 2 + cid

    src_vs = [src_v0, src_v1, src_v2, src_v3]
    dst_vs = [dst_v0, dst_v1, dst_v2, dst_v3]
    a0_vs = [a0_v0, a0_v1, a0_v2, a0_v3]
    a1_vs = [a1_v0, a1_v1, a1_v2, a1_v3]
    xl_vs = [xl_v0, xl_v1]
    xr_vs = [xr_v0, xr_v1]
    s_vs = [s_v0, s_v1]
    semA = [semA0, semA1, semA2, semA3]
    semB = [semB0, semB1]
    semD = [semD0, semD1, semD2, semD3]

    pltpu.sync_copy(par_hbm, par_v)
    pltpu.sync_copy(zero_hbm.at[pl.ds(0, _K)], s_v0)
    pltpu.sync_copy(zero_hbm.at[pl.ds(0, _K)], s_v1)
    pltpu.sync_copy(zero_hbm.at[pl.ds(sid * _ZR, _ZR)],
                    acc.at[pl.ds(sid * _ZR, _ZR)])
    plsc.subcore_barrier()

    lanes = lax.iota(jnp.int32, 16)
    cols = [jnp.full((16,), j, jnp.int32) for j in range(10)]
    p_lo = par_v[pl.ds(0, 16)]
    p_hi = par_v[pl.ds(8, 16)]
    we0 = [p_lo[j] for j in range(6)]
    we1 = [p_lo[6 + j] for j in range(6)]
    att_s = [p_hi[4 + j] for j in range(6)]
    ones16 = jnp.ones((16,), jnp.float32)

    def issue_a(i, slot):
        e_base = wid * _PT + i * _K
        r_base = wid * (_PT // 128) + i * _SUB
        pltpu.async_copy(src_hbm.at[pl.ds(r_base, _SUB)], src_vs[slot],
                         semA[slot])
        pltpu.async_copy(dst_hbm.at[pl.ds(r_base, _SUB)], dst_vs[slot],
                         semA[slot])
        pltpu.async_copy(a0_hbm.at[pl.ds(e_base, _K)], a0_vs[slot],
                         semA[slot])
        pltpu.async_copy(a1_hbm.at[pl.ds(e_base, _K)], a1_vs[slot],
                         semA[slot])

    def drain_a(slot):
        pltpu.make_async_copy(src_hbm.at[pl.ds(0, _SUB)], src_vs[slot],
                              semA[slot]).wait()
        pltpu.make_async_copy(dst_hbm.at[pl.ds(0, _SUB)], dst_vs[slot],
                              semA[slot]).wait()
        pltpu.make_async_copy(a0_hbm.at[pl.ds(0, _K)], a0_vs[slot],
                              semA[slot]).wait()
        pltpu.make_async_copy(a1_hbm.at[pl.ds(0, _K)], a1_vs[slot],
                              semA[slot]).wait()

    def issue_b(slot, g):
        for c in range(_SUB):
            pltpu.async_copy(xl_hbm.at[src_vs[slot].at[c]],
                             xl_vs[g].at[pl.ds(c * 128, 128)], semB[g])
            pltpu.async_copy(xr_hbm.at[dst_vs[slot].at[c]],
                             xr_vs[g].at[pl.ds(c * 128, 128)], semB[g])

    def drain_b(g):
        for c in range(_SUB):
            pltpu.make_async_copy(xl_hbm.at[pl.ds(0, 128)],
                                  xl_vs[g].at[pl.ds(c * 128, 128)],
                                  semB[g]).wait()
            pltpu.make_async_copy(xr_hbm.at[pl.ds(0, 128)],
                                  xr_vs[g].at[pl.ds(c * 128, 128)],
                                  semB[g]).wait()

    def issue_d(slot, g):
        for c in range(_SUB):
            pltpu.async_copy(s_vs[g].at[pl.ds(c * 128, 128)],
                             acc.at[dst_vs[slot].at[c]], semD[slot],
                             add=True)

    def drain_d(slot):
        for c in range(_SUB):
            pltpu.make_async_copy(zero_hbm.at[pl.ds(0, 128)],
                                  s_vs[0].at[pl.ds(c * 128, 128)],
                                  semD[slot]).wait()

    def compute(slot, g):
        xl_v = xl_vs[g]
        xr_v = xr_vs[g]
        s_v = s_vs[g]
        a0_r = a0_vs[slot]
        a1_r = a1_vs[slot]

        def group_body(gi, c_):
            eidx = gi * 16 + lanes
            a0 = a0_r[pl.ds(gi * 16, 16)]
            a1 = a1_r[pl.ds(gi * 16, 16)]
            xl = [plsc.load_gather(xl_v, [eidx, cols[j]]) for j in range(6)]
            xr = [plsc.load_gather(xr_v, [eidx, cols[j]]) for j in range(6)]
            logit = jnp.zeros((16,), jnp.float32)
            for j in range(6):
                m = xl[j] + xr[j] + a0 * we0[j] + a1 * we1[j]
                lk = jnp.maximum(m, m * 0.2)
                logit = logit + lk * att_s[j]
            ex = jnp.exp(logit)
            plsc.store_scatter(s_v, [eidx, cols[0]], ex)
            for j in range(6):
                plsc.store_scatter(s_v, [eidx, cols[1 + j]], ex * xl[j])
            plsc.store_scatter(s_v, [eidx, cols[7]], ones16)
            plsc.store_scatter(s_v, [eidx, cols[8]], a0)
            plsc.store_scatter(s_v, [eidx, cols[9]], a1)
            return c_

        lax.fori_loop(0, _GRP, group_body, 0, unroll=4)

    issue_a(0, 0)
    issue_a(1, 1)
    drain_a(0)
    issue_b(0, 0)

    n_quads = _NCH // 4

    def quad_body(mq, c_):
        for k in range(4):
            g = k % 2
            i = mq * 4 + k

            drain_b(g)
            if k < 2:
                @pl.when(mq > 0)
                def _():
                    drain_d((k + 2) % 4)
            else:
                drain_d((k + 2) % 4)
            if k < 2:
                issue_a(i + 2, (k + 2) % 4)
            else:
                @pl.when(mq < n_quads - 1)
                def _():
                    issue_a(i + 2, (k + 2) % 4)
            if k == 3:
                @pl.when(mq < n_quads - 1)
                def _():
                    drain_a(0)
                    issue_b(0, 0)
            else:
                drain_a((k + 1) % 4)
                issue_b((k + 1) % 4, (k + 1) % 2)
            compute(k, g)
            issue_d(k, g)
        return c_

    lax.fori_loop(0, n_quads, quad_body, 0)
    drain_d(2)
    drain_d(3)
    plsc.subcore_barrier()
    pltpu.sync_copy(acc.at[pl.ds(sid * _WR, _WR)],
                    out_hbm.at[cid, pl.ds(sid * _WR, _WR)])


_edge_kernel = functools.partial(
    pl.kernel,
    out_type=jax.ShapeDtypeStruct((2, _N, _AW), jnp.float32),
    mesh=plsc.VectorSubcoreMesh(core_axis_name="c", subcore_axis_name="s"),
    compiler_params=pltpu.CompilerParams(use_tc_tiling_on_sc=False,
                                         needs_layout_passes=False),
    scratch_types=(
        [pltpu.VMEM_SHARED((_ACC_N, _AW), jnp.float32)]
        + [pltpu.VMEM((_SUB, 128), jnp.int32) for _ in range(8)]
        + [pltpu.VMEM((_K,), jnp.float32) for _ in range(8)]
        + [pltpu.VMEM((_K, 8), jnp.float32) for _ in range(4)]
        + [pltpu.VMEM((_K, _AW), jnp.float32) for _ in range(2)]
        + [pltpu.VMEM((24,), jnp.float32)]
        + [pltpu.SemaphoreType.DMA for _ in range(10)]
    ),
)(_edge_body)


def _finish_body(acc_ref, xl_ref, xr_ref, we_ref, att_ref, bias_ref,
                 w1_ref, b1_ref, w2_ref, b2_ref, out_ref):
    acc = acc_ref[0] + acc_ref[1]
    den_e = acc[:, 0]
    num = acc[:, 1:7]
    deg = acc[:, 7]
    asum = acc[:, 8:10]
    sl = asum / jnp.maximum(deg, 1.0)[:, None]
    xl = xl_ref[:, :6]
    xr = xr_ref[:, :6]
    msg = xl + xr + sl @ we_ref[...]
    lk = jnp.maximum(msg, 0.2 * msg)
    logit = jnp.sum(lk * att_ref[...], axis=1)
    ex = jnp.exp(logit)
    den = den_e + ex
    numt = num + ex[:, None] * xl
    out0 = numt / (den[:, None] + 1e-16) + bias_ref[...]
    h = jnp.maximum(out0, 0.0)
    h = jnp.maximum(h @ w1_ref[...] + b1_ref[...], 0.0)
    h = jnp.maximum(h @ w2_ref[...] + b2_ref[...], 0.0)
    out_ref[...] = h * 2.0 - 1.0


def _finish(acc2, xl_pad, xr_pad, we, att2, bias2, w1, b12, w2, b22):
    grid = (_N // _BLK,)
    return pl.pallas_call(
        _finish_body,
        grid=grid,
        in_specs=[
            pl.BlockSpec((2, _BLK, _AW), lambda i: (0, i, 0)),
            pl.BlockSpec((_BLK, 8), lambda i: (i, 0)),
            pl.BlockSpec((_BLK, 8), lambda i: (i, 0)),
            pl.BlockSpec((2, _C), lambda i: (0, 0)),
            pl.BlockSpec((1, _C), lambda i: (0, 0)),
            pl.BlockSpec((1, _C), lambda i: (0, 0)),
            pl.BlockSpec((_C, _C), lambda i: (0, 0)),
            pl.BlockSpec((1, _C), lambda i: (0, 0)),
            pl.BlockSpec((_C, _OUT), lambda i: (0, 0)),
            pl.BlockSpec((1, _OUT), lambda i: (0, 0)),
        ],
        out_specs=pl.BlockSpec((_BLK, _OUT), lambda i: (i, 0)),
        out_shape=jax.ShapeDtypeStruct((_N, _OUT), jnp.float32),
    )(acc2, xl_pad, xr_pad, we, att2, bias2, w1, b12, w2, b22)


def kernel(x, edge_index, edge_attr, W_l, b_l, W_r, b_r, W_e, att, bias,
           W1, b1, W2, b2):
    wl8 = jnp.pad(W_l, ((0, 0), (0, 2)))
    bl8 = jnp.pad(b_l, (0, 2)).reshape(1, 8)
    wr8 = jnp.pad(W_r, ((0, 0), (0, 2)))
    br8 = jnp.pad(b_r, (0, 2)).reshape(1, 8)
    xl_pad, xr_pad = _prep(x, wl8, bl8, wr8, br8)

    pad = _EP - _E
    src_p = jnp.concatenate(
        [edge_index[0], jnp.zeros((pad,), jnp.int32)]).reshape(_EP // 128, 128)
    dst_p = jnp.concatenate(
        [edge_index[1], jnp.full((pad,), _N, jnp.int32)]).reshape(_EP // 128, 128)
    a0_p = jnp.pad(edge_attr[:, 0], (0, pad))
    a1_p = jnp.pad(edge_attr[:, 1], (0, pad))
    params = jnp.concatenate(
        [W_e.reshape(-1), att, jnp.zeros((6,), jnp.float32)])
    zeros_acc = jnp.zeros((_ACC_N, _AW), jnp.float32)

    acc2 = _edge_kernel(src_p, dst_p, a0_p, a1_p, xl_pad, xr_pad,
                        zeros_acc, params)

    return _finish(acc2, xl_pad, xr_pad, W_e, att.reshape(1, _C),
                   bias.reshape(1, _C), W1, b1.reshape(1, _C), W2,
                   b2.reshape(1, _OUT))

# --- scband reference (transcript-rebuilt; emitter-appended) ---
"""Pipeline reference for scband-gnca-11544872091947 (READ-ONLY COPY).

The authoritative reference and input builder live on the scoring server;
editing this copy changes nothing except your own understanding.
"""

import jax, jax.numpy as jnp
import numpy as np

N = 100000
E = 6400000
C = 6
ED = 2
OUT = 3


def segment_softmax(logits, seg, num_segments):
    m = jax.ops.segment_max(logits, seg, num_segments=num_segments)
    m = jnp.where(jnp.isfinite(m), m, 0.0)
    ex = jnp.exp(logits - m[seg])
    s = jax.ops.segment_sum(ex, seg, num_segments=num_segments)
    return ex / (s[seg] + 1e-16)


def setup_inputs(seed: int = 0) -> dict:
    key = jax.random.key(seed)
    ks = jax.random.split(key, 14)
    x = jax.random.uniform(ks[0], (N, C), dtype=jnp.float32)
    edge_index = jax.random.randint(ks[1], (2, E), 0, N, dtype=jnp.int32)
    edge_attr = jax.random.normal(ks[2], (E, ED), dtype=jnp.float32)
    s = 1.0 / np.sqrt(C)
    W_l = jax.random.normal(ks[3], (C, C), dtype=jnp.float32) * s
    b_l = jnp.zeros((C,), dtype=jnp.float32)
    W_r = jax.random.normal(ks[4], (C, C), dtype=jnp.float32) * s
    b_r = jnp.zeros((C,), dtype=jnp.float32)
    W_e = jax.random.normal(ks[5], (ED, C), dtype=jnp.float32) * (1.0 / np.sqrt(ED))
    att = jax.random.normal(ks[6], (C,), dtype=jnp.float32) * s
    bias = jnp.zeros((C,), dtype=jnp.float32)
    W1 = jax.random.normal(ks[7], (C, C), dtype=jnp.float32) * s
    b1 = jnp.zeros((C,), dtype=jnp.float32)
    W2 = jax.random.normal(ks[8], (C, OUT), dtype=jnp.float32) * s
    b2 = jnp.zeros((OUT,), dtype=jnp.float32)
    return {"x": x, "edge_index": edge_index, "edge_attr": edge_attr,
            "W_l": W_l, "b_l": b_l, "W_r": W_r, "b_r": b_r, "W_e": W_e,
            "att": att, "bias": bias, "W1": W1, "b1": b1, "W2": W2, "b2": b2}


def reference(x, edge_index, edge_attr, W_l, b_l, W_r, b_r, W_e, att, bias, W1, b1, W2, b2):
    src = edge_index[0]
    dst = edge_index[1]
    # add_self_loops=True with fill_value='mean' for edge_attr (PyG GATv2Conv semantics)
    deg = jax.ops.segment_sum(jnp.ones((E,), dtype=jnp.float32), dst, num_segments=N)
    sl_attr = jax.ops.segment_sum(edge_attr, dst, num_segments=N) / jnp.maximum(deg, 1.0)[:, None]
    loop = jnp.arange(N, dtype=src.dtype)
    src_f = jnp.concatenate([src, loop])
    dst_f = jnp.concatenate([dst, loop])
    ea_f = jnp.concatenate([edge_attr, sl_attr], axis=0)
    # GATv2Conv, heads=1, concat=False, share_weights=False, edge_dim=2
    x_l = x @ W_l + b_l
    x_r = x @ W_r + b_r
    e_emb = ea_f @ W_e
    msg = x_l[src_f] + x_r[dst_f] + e_emb
    logits = jax.nn.leaky_relu(msg, 0.2) @ att
    alpha = segment_softmax(logits, dst_f, N)
    out = jax.ops.segment_sum(alpha[:, None] * x_l[src_f], dst_f, num_segments=N)
    out = out + bias
    # mlp: ReLU, Linear(C,C), ReLU, Linear(C,OUT), ReLU; then h*2-1
    h = jax.nn.relu(out)
    h = jax.nn.relu(h @ W1 + b1)
    h = jax.nn.relu(h @ W2 + b2)
    h = h * 2.0 - 1.0
    return h

if __name__ == "__main__":
    import jax
    _d = setup_inputs()
    print(jax.jit(kernel)(*tuple(_d.values())))

</pallas_src>

<mosaic_0001>
#map = affine_map<(d0, d1) -> (0, 0)>
#map1 = affine_map<(d0, d1) -> (0)>
#map2 = affine_map<(d0, d1) -> (0, 0, 0)>
module attributes {stable_mosaic.version = 14 : i64} {
  func.func @_edge_body(%arg0: i32, %arg1: i32, %arg2: memref<50176x128xi32, #tpu.memory_space<hbm>>, %arg3: memref<50176x128xi32, #tpu.memory_space<hbm>>, %arg4: memref<6422528xf32, #tpu.memory_space<hbm>>, %arg5: memref<6422528xf32, #tpu.memory_space<hbm>>, %arg6: memref<100000x8xf32, #tpu.memory_space<hbm>>, %arg7: memref<100000x8xf32, #tpu.memory_space<hbm>>, %arg8: memref<100016x16xf32, #tpu.memory_space<hbm>>, %arg9: memref<24xf32, #tpu.memory_space<hbm>>, %arg10: memref<2x100000x16xf32, #tpu.memory_space<hbm>>, %arg11: memref<100016x16xf32, #tpu.memory_space<vmem_shared>>, %arg12: memref<2x128xi32, #tpu.memory_space<vmem>>, %arg13: memref<2x128xi32, #tpu.memory_space<vmem>>, %arg14: memref<2x128xi32, #tpu.memory_space<vmem>>, %arg15: memref<2x128xi32, #tpu.memory_space<vmem>>, %arg16: memref<2x128xi32, #tpu.memory_space<vmem>>, %arg17: memref<2x128xi32, #tpu.memory_space<vmem>>, %arg18: memref<2x128xi32, #tpu.memory_space<vmem>>, %arg19: memref<2x128xi32, #tpu.memory_space<vmem>>, %arg20: memref<256xf32, #tpu.memory_space<vmem>>, %arg21: memref<256xf32, #tpu.memory_space<vmem>>, %arg22: memref<256xf32, #tpu.memory_space<vmem>>, %arg23: memref<256xf32, #tpu.memory_space<vmem>>, %arg24: memref<256xf32, #tpu.memory_space<vmem>>, %arg25: memref<256xf32, #tpu.memory_space<vmem>>, %arg26: memref<256xf32, #tpu.memory_space<vmem>>, %arg27: memref<256xf32, #tpu.memory_space<vmem>>, %arg28: memref<256x8xf32, #tpu.memory_space<vmem>>, %arg29: memref<256x8xf32, #tpu.memory_space<vmem>>, %arg30: memref<256x8xf32, #tpu.memory_space<vmem>>, %arg31: memref<256x8xf32, #tpu.memory_space<vmem>>, %arg32: memref<256x16xf32, #tpu.memory_space<vmem>>, %arg33: memref<256x16xf32, #tpu.memory_space<vmem>>, %arg34: memref<24xf32, #tpu.memory_space<vmem>>, %arg35: memref<!tpu.dma_semaphore, #tpu.memory_space<semaphore_mem>>, %arg36: memref<!tpu.dma_semaphore, #tpu.memory_space<semaphore_mem>>, %arg37: memref<!tpu.dma_semaphore, #tpu.memory_space<semaphore_mem>>, %arg38: memref<!tpu.dma_semaphore, #tpu.memory_space<semaphore_mem>>, %arg39: memref<!tpu.dma_semaphore, #tpu.memory_space<semaphore_mem>>, %arg40: memref<!tpu.dma_semaphore, #tpu.memory_space<semaphore_mem>>, %arg41: memref<!tpu.dma_semaphore, #tpu.memory_space<semaphore_mem>>, %arg42: memref<!tpu.dma_semaphore, #tpu.memory_space<semaphore_mem>>, %arg43: memref<!tpu.dma_semaphore, #tpu.memory_space<semaphore_mem>>, %arg44: memref<!tpu.dma_semaphore, #tpu.memory_space<semaphore_mem>>) attributes {dimension_semantics = [#tpu.dimension_semantics<core_parallel>, #tpu.dimension_semantics<subcore_parallel>], iteration_bounds = array<i64: 2, 16>, scalar_prefetch = 0 : i64, scratch_operands = 34 : i64, tpu.core_type = #tpu.core_type<sc_vector_subcore>, window_params = [{transform_indices = #map}, {transform_indices = #map}, {transform_indices = #map1}, {transform_indices = #map1}, {transform_indices = #map}, {transform_indices = #map}, {transform_indices = #map}, {transform_indices = #map1}, {transform_indices = #map2}]} {
    %mul3A = arith.constant 2 : i32
    %mul3A_0 = arith.muli %arg1, %mul3A : i32
    %add3A = arith.addi %mul3A_0, %arg0 : i32
    "tpu.region"() ({
      %run_scoped3A = tpu.sem_alloc : memref<!tpu.dma_semaphore, #tpu.memory_space<semaphore_mem>>
      tpu.enqueue_dma source(%arg9 : memref<24xf32, #tpu.memory_space<hbm>>) target(%arg34 : memref<24xf32, #tpu.memory_space<vmem>>) target_semaphore(%run_scoped3A : memref<!tpu.dma_semaphore, #tpu.memory_space<semaphore_mem>>)
      tpu.wait_dma2 semaphore(%run_scoped3A : memref<!tpu.dma_semaphore, #tpu.memory_space<semaphore_mem>>) src(%arg9 : memref<24xf32, #tpu.memory_space<hbm>>) dst(%arg34 : memref<24xf32, #tpu.memory_space<vmem>>)
      tpu.yield
    }) : () -> ()
    "tpu.region"() ({
      %run_scoped3A = tpu.sem_alloc : memref<!tpu.dma_semaphore, #tpu.memory_space<semaphore_mem>>
      %dma_start3A_219 = arith.constant 0 : i32
      %dma_start3A_220 = arith.constant 0 : i32
      %dma_start3A_221 = tpu.memref_slice %arg8[%dma_start3A_219, %dma_start3A_220] : memref<100016x16xf32, #tpu.memory_space<hbm>> -> memref<256x16xf32, #tpu.memory_space<hbm>>
      %dma_start3A_222 = arith.constant 0 : i32
      %dma_start3A_223 = arith.constant 0 : i32
      %dma_start3A_224 = tpu.memref_slice %arg8[%dma_start3A_222, %dma_start3A_223] : memref<100016x16xf32, #tpu.memory_space<hbm>> -> memref<256x16xf32, #tpu.memory_space<hbm>>
      tpu.enqueue_dma source(%dma_start3A_224 : memref<256x16xf32, #tpu.memory_space<hbm>>) target(%arg32 : memref<256x16xf32, #tpu.memory_space<vmem>>) target_semaphore(%run_scoped3A : memref<!tpu.dma_semaphore, #tpu.memory_space<semaphore_mem>>)
      %dma_wait3A_225 = arith.constant 0 : i32
      %dma_wait3A_226 = arith.constant 0 : i32
      %dma_wait3A_227 = tpu.memref_slice %arg8[%dma_wait3A_225, %dma_wait3A_226] : memref<100016x16xf32, #tpu.memory_space<hbm>> -> memref<256x16xf32, #tpu.memory_space<hbm>>
      %dma_wait3A_228 = arith.constant 0 : i32
      %dma_wait3A_229 = arith.constant 0 : i32
      %dma_wait3A_230 = tpu.memref_slice %arg8[%dma_wait3A_228, %dma_wait3A_229] : memref<100016x16xf32, #tpu.memory_space<hbm>> -> memref<256x16xf32, #tpu.memory_space<hbm>>
      tpu.wait_dma2 semaphore(%run_scoped3A : memref<!tpu.dma_semaphore, #tpu.memory_space<semaphore_mem>>) src(%dma_wait3A_230 : memref<256x16xf32, #tpu.memory_space<hbm>>) dst(%arg32 : memref<256x16xf32, #tpu.memory_space<vmem>>)
      tpu.yield
    }) : () -> ()
    "tpu.region"() ({
      %run_scoped3A = tpu.sem_alloc : memref<!tpu.dma_semaphore, #tpu.memory_space<semaphore_mem>>
      %dma_start3A_219 = arith.constant 0 : i32
      %dma_start3A_220 = arith.constant 0 : i32
      %dma_start3A_221 = tpu.memref_slice %arg8[%dma_start3A_219, %dma_start3A_220] : memref<100016x16xf32, #tpu.memory_space<hbm>> -> memref<256x16xf32, #tpu.memory_space<hbm>>
      %dma_start3A_222 = arith.constant 0 : i32
      %dma_start3A_223 = arith.constant 0 : i32
      %dma_start3A_224 = tpu.memref_slice %arg8[%dma_start3A_222, %dma_start3A_223] : memref<100016x16xf32, #tpu.memory_space<hbm>> -> memref<256x16xf32, #tpu.memory_space<hbm>>
      tpu.enqueue_dma source(%dma_start3A_224 : memref<256x16xf32, #tpu.memory_space<hbm>>) target(%arg33 : memref<256x16xf32, #tpu.memory_space<vmem>>) target_semaphore(%run_scoped3A : memref<!tpu.dma_semaphore, #tpu.memory_space<semaphore_mem>>)
      %dma_wait3A_225 = arith.constant 0 : i32
      %dma_wait3A_226 = arith.constant 0 : i32
      %dma_wait3A_227 = tpu.memref_slice %arg8[%dma_wait3A_225, %dma_wait3A_226] : memref<100016x16xf32, #tpu.memory_space<hbm>> -> memref<256x16xf32, #tpu.memory_space<hbm>>
      %dma_wait3A_228 = arith.constant 0 : i32
      %dma_wait3A_229 = arith.constant 0 : i32
      %dma_wait3A_230 = tpu.memref_slice %arg8[%dma_wait3A_228, %dma_wait3A_229] : memref<100016x16xf32, #tpu.memory_space<hbm>> -> memref<256x16xf32, #tpu.memory_space<hbm>>
      tpu.wait_dma2 semaphore(%run_scoped3A : memref<!tpu.dma_semaphore, #tpu.memory_space<semaphore_mem>>) src(%dma_wait3A_230 : memref<256x16xf32, #tpu.memory_space<hbm>>) dst(%arg33 : memref<256x16xf32, #tpu.memory_space<vmem>>)
      tpu.yield
    }) : () -> ()
    %mul3A_1 = arith.constant 6251 : i32
    %mul3A_2 = arith.muli %arg1, %mul3A_1 : i32
    %mul3A_3 = arith.constant 6251 : i32
    %mul3A_4 = arith.muli %arg1, %mul3A_3 : i32
    "tpu.region"() ({
      %run_scoped3A = tpu.sem_alloc : memref<!tpu.dma_semaphore, #tpu.memory_space<semaphore_mem>>
      %dma_start3A_219 = arith.constant 0 : i32
      %dma_start3A_220 = tpu.memref_slice %arg11[%mul3A_4, %dma_start3A_219] : memref<100016x16xf32, #tpu.memory_space<vmem_shared>> -> memref<6251x16xf32, #tpu.memory_space<vmem_shared>>
      %dma_start3A_221 = arith.constant 0 : i32
      %dma_start3A_222 = tpu.memref_slice %arg8[%mul3A_2, %dma_start3A_221] : memref<100016x16xf32, #tpu.memory_space<hbm>> -> memref<6251x16xf32, #tpu.memory_space<hbm>>
      tpu.enqueue_dma source(%dma_start3A_222 : memref<6251x16xf32, #tpu.memory_space<hbm>>) target(%dma_start3A_220 : memref<6251x16xf32, #tpu.memory_space<vmem_shared>>) target_semaphore(%run_scoped3A : memref<!tpu.dma_semaphore, #tpu.memory_space<semaphore_mem>>)
      %dma_wait3A_223 = arith.constant 0 : i32
      %dma_wait3A_224 = tpu.memref_slice %arg11[%mul3A_4, %dma_wait3A_223] : memref<100016x16xf32, #tpu.memory_space<vmem_shared>> -> memref<6251x16xf32, #tpu.memory_space<vmem_shared>>
      %dma_wait3A_225 = arith.constant 0 : i32
      %dma_wait3A_226 = tpu.memref_slice %arg8[%mul3A_2, %dma_wait3A_225] : memref<100016x16xf32, #tpu.memory_space<hbm>> -> memref<6251x16xf32, #tpu.memory_space<hbm>>
      tpu.wait_dma2 semaphore(%run_scoped3A : memref<!tpu.dma_semaphore, #tpu.memory_space<semaphore_mem>>) src(%dma_wait3A_226 : memref<6251x16xf32, #tpu.memory_space<hbm>>) dst(%dma_wait3A_224 : memref<6251x16xf32, #tpu.memory_space<vmem_shared>>)
      tpu.yield
    }) : () -> ()
    %barrier3A = arith.constant 0 : index
    tpu.barrier barrier_id(%barrier3A)
    %iota3A = tpu.iota {dimensions = array<i32: 0>} : vector<16xi32>
    %broadcast_in_dim3A = arith.constant 0 : i32
    %broadcast_in_dim3A_5 = vector.broadcast %broadcast_in_dim3A : i32 to vector<16xi32>
    %broadcast_in_dim3A_6 = arith.constant 1 : i32
    %broadcast_in_dim3A_7 = vector.broadcast %broadcast_in_dim3A_6 : i32 to vector<16xi32>
    %broadcast_in_dim3A_8 = arith.constant 2 : i32
    %broadcast_in_dim3A_9 = vector.broadcast %broadcast_in_dim3A_8 : i32 to vector<16xi32>
    %broadcast_in_dim3A_10 = arith.constant 3 : i32
    %broadcast_in_dim3A_11 = vector.broadcast %broadcast_in_dim3A_10 : i32 to vector<16xi32>
    %broadcast_in_dim3A_12 = arith.constant 4 : i32
    %broadcast_in_dim3A_13 = vector.broadcast %broadcast_in_dim3A_12 : i32 to vector<16xi32>
    %broadcast_in_dim3A_14 = arith.constant 5 : i32
    %broadcast_in_dim3A_15 = vector.broadcast %broadcast_in_dim3A_14 : i32 to vector<16xi32>
    %broadcast_in_dim3A_16 = arith.constant 6 : i32
    %broadcast_in_dim3A_17 = vector.broadcast %broadcast_in_dim3A_16 : i32 to vector<16xi32>
    %broadcast_in_dim3A_18 = arith.constant 7 : i32
    %broadcast_in_dim3A_19 = vector.broadcast %broadcast_in_dim3A_18 : i32 to vector<16xi32>
    %broadcast_in_dim3A_20 = arith.constant 8 : i32
    %broadcast_in_dim3A_21 = vector.broadcast %broadcast_in_dim3A_20 : i32 to vector<16xi32>
    %broadcast_in_dim3A_22 = arith.constant 9 : i32
    %broadcast_in_dim3A_23 = vector.broadcast %broadcast_in_dim3A_22 : i32 to vector<16xi32>
    %get3A = arith.constant 0 : index
    %get3A_24 = tpu.vector_load %arg34[%get3A] {strides = array<i32>} : memref<24xf32, #tpu.memory_space<vmem>>, vector<16xf32>,
    %get3A_25 = arith.constant 8 : index
    %get3A_26 = tpu.vector_load %arg34[%get3A_25] {strides = array<i32>} : memref<24xf32, #tpu.memory_space<vmem>>, vector<16xf32>,
    %slice3A = vector.extract_strided_slice %get3A_24 {offsets = [0], sizes = [1], strides = [1]} : vector<16xf32> to vector<1xf32>
    %squeeze3A = vector.extract %slice3A[0] : f32 from vector<1xf32>
    %slice3A_27 = vector.extract_strided_slice %get3A_24 {offsets = [1], sizes = [1], strides = [1]} : vector<16xf32> to vector<1xf32>
    %squeeze3A_28 = vector.extract %slice3A_27[0] : f32 from vector<1xf32>
    %slice3A_29 = vector.extract_strided_slice %get3A_24 {offsets = [2], sizes = [1], strides = [1]} : vector<16xf32> to vector<1xf32>
    %squeeze3A_30 = vector.extract %slice3A_29[0] : f32 from vector<1xf32>
    %slice3A_31 = vector.extract_strided_slice %get3A_24 {offsets = [3], sizes = [1], strides = [1]} : vector<16xf32> to vector<1xf32>
    %squeeze3A_32 = vector.extract %slice3A_31[0] : f32 from vector<1xf32>
    %slice3A_33 = vector.extract_strided_slice %get3A_24 {offsets = [4], sizes = [1], strides = [1]} : vector<16xf32> to vector<1xf32>
    %squeeze3A_34 = vector.extract %slice3A_33[0] : f32 from vector<1xf32>
    %slice3A_35 = vector.extract_strided_slice %get3A_24 {offsets = [5], sizes = [1], strides = [1]} : vector<16xf32> to vector<1xf32>
    %squeeze3A_36 = vector.extract %slice3A_35[0] : f32 from vector<1xf32>
    %slice3A_37 = vector.extract_strided_slice %get3A_24 {offsets = [6], sizes = [1], strides = [1]} : vector<16xf32> to vector<1xf32>
    %squeeze3A_38 = vector.extract %slice3A_37[0] : f32 from vector<1xf32>
    %slice3A_39 = vector.extract_strided_slice %get3A_24 {offsets = [7], sizes = [1], strides = [1]} : vector<16xf32> to vector<1xf32>
    %squeeze3A_40 = vector.extract %slice3A_39[0] : f32 from vector<1xf32>
    %slice3A_41 = vector.extract_strided_slice %get3A_24 {offsets = [8], sizes = [1], strides = [1]} : vector<16xf32> to vector<1xf32>
    %squeeze3A_42 = vector.extract %slice3A_41[0] : f32 from vector<1xf32>
    %slice3A_43 = vector.extract_strided_slice %get3A_24 {offsets = [9], sizes = [1], strides = [1]} : vector<16xf32> to vector<1xf32>
    %squeeze3A_44 = vector.extract %slice3A_43[0] : f32 from vector<1xf32>
    %slice3A_45 = vector.extract_strided_slice %get3A_24 {offsets = [10], sizes = [1], strides = [1]} : vector<16xf32> to vector<1xf32>
    %squeeze3A_46 = vector.extract %slice3A_45[0] : f32 from vector<1xf32>
    %slice3A_47 = vector.extract_strided_slice %get3A_24 {offsets = [11], sizes = [1], strides = [1]} : vector<16xf32> to vector<1xf32>
    %squeeze3A_48 = vector.extract %slice3A_47[0] : f32 from vector<1xf32>
    %slice3A_49 = vector.extract_strided_slice %get3A_26 {offsets = [4], sizes = [1], strides = [1]} : vector<16xf32> to vector<1xf32>
    %squeeze3A_50 = vector.extract %slice3A_49[0] : f32 from vector<1xf32>
    %slice3A_51 = vector.extract_strided_slice %get3A_26 {offsets = [5], sizes = [1], strides = [1]} : vector<16xf32> to vector<1xf32>
    %squeeze3A_52 = vector.extract %slice3A_51[0] : f32 from vector<1xf32>
    %slice3A_53 = vector.extract_strided_slice %get3A_26 {offsets = [6], sizes = [1], strides = [1]} : vector<16xf32> to vector<1xf32>
    %squeeze3A_54 = vector.extract %slice3A_53[0] : f32 from vector<1xf32>
    %slice3A_55 = vector.extract_strided_slice %get3A_26 {offsets = [7], sizes = [1], strides = [1]} : vector<16xf32> to vector<1xf32>
    %squeeze3A_56 = vector.extract %slice3A_55[0] : f32 from vector<1xf32>
    %slice3A_57 = vector.extract_strided_slice %get3A_26 {offsets = [8], sizes = [1], strides = [1]} : vector<16xf32> to vector<1xf32>
    %squeeze3A_58 = vector.extract %slice3A_57[0] : f32 from vector<1xf32>
    %slice3A_59 = vector.extract_strided_slice %get3A_26 {offsets = [9], sizes = [1], strides = [1]} : vector<16xf32> to vector<1xf32>
    %squeeze3A_60 = vector.extract %slice3A_59[0] : f32 from vector<1xf32>
    %broadcast_in_dim3A_61 = arith.constant 1.000000e+00 : f32
    %broadcast_in_dim3A_62 = vector.broadcast %broadcast_in_dim3A_61 : f32 to vector<16xf32>
    %mul3A_63 = arith.constant 200704 : i32
    %mul3A_64 = arith.muli %add3A, %mul3A_63 : i32
    %add3A_65 = arith.constant 0 : i32
    %add3A_66 = arith.addi %mul3A_64, %add3A_65 : i32
    %mul3A_67 = arith.constant 1568 : i32
    %mul3A_68 = arith.muli %add3A, %mul3A_67 : i32
    %add3A_69 = arith.constant 0 : i32
    %add3A_70 = arith.addi %mul3A_68, %add3A_69 : i32
    %dma_start3A = arith.constant 0 : i32
    %dma_start3A_71 = tpu.memref_slice %arg2[%add3A_70, %dma_start3A] : memref<50176x128xi32, #tpu.memory_space<hbm>> -> memref<2x128xi32, #tpu.memory_space<hbm>>
    %dma_start3A_72 = arith.constant 0 : i32
    %dma_start3A_73 = tpu.memref_slice %arg2[%add3A_70, %dma_start3A_72] : memref<50176x128xi32, #tpu.memory_space<hbm>> -> memref<2x128xi32, #tpu.memory_space<hbm>>
    tpu.enqueue_dma source(%dma_start3A_73 : memref<2x128xi32, #tpu.memory_space<hbm>>) target(%arg12 : memref<2x128xi32, #tpu.memory_space<vmem>>) target_semaphore(%arg35 : memref<!tpu.dma_semaphore, #tpu.memory_space<semaphore_mem>>)
    %dma_start3A_74 = arith.constant 0 : i32
    %dma_start3A_75 = tpu.memref_slice %arg3[%add3A_70, %dma_start3A_74] : memref<50176x128xi32, #tpu.memory_space<hbm>> -> memref<2x128xi32, #tpu.memory_space<hbm>>
    %dma_start3A_76 = arith.constant 0 : i32
    %dma_start3A_77 = tpu.memref_slice %arg3[%add3A_70, %dma_start3A_76] : memref<50176x128xi32, #tpu.memory_space<hbm>> -> memref<2x128xi32, #tpu.memory_space<hbm>>
    tpu.enqueue_dma source(%dma_start3A_77 : memref<2x128xi32, #tpu.memory_space<hbm>>) target(%arg16 : memref<2x128xi32, #tpu.memory_space<vmem>>) target_semaphore(%arg35 : memref<!tpu.dma_semaphore, #tpu.memory_space<semaphore_mem>>)
    %dma_start3A_78 = tpu.memref_slice %arg4[%add3A_66] : memref<6422528xf32, #tpu.memory_space<hbm>> -> memref<256xf32, #tpu.memory_space<hbm>>
    %dma_start3A_79 = tpu.memref_slice %arg4[%add3A_66] : memref<6422528xf32, #tpu.memory_space<hbm>> -> memref<256xf32, #tpu.memory_space<hbm>>
    tpu.enqueue_dma source(%dma_start3A_79 : memref<256xf32, #tpu.memory_space<hbm>>) target(%arg20 : memref<256xf32, #tpu.memory_space<vmem>>) target_semaphore(%arg35 : memref<!tpu.dma_semaphore, #tpu.memory_space<semaphore_mem>>)
    %dma_start3A_80 = tpu.memref_slice %arg5[%add3A_66] : memref<6422528xf32, #tpu.memory_space<hbm>> -> memref<256xf32, #tpu.memory_space<hbm>>
    %dma_start3A_81 = tpu.memref_slice %arg5[%add3A_66] : memref<6422528xf32, #tpu.memory_space<hbm>> -> memref<256xf32, #tpu.memory_space<hbm>>
    tpu.enqueue_dma source(%dma_start3A_81 : memref<256xf32, #tpu.memory_space<hbm>>) target(%arg24 : memref<256xf32, #tpu.memory_space<vmem>>) target_semaphore(%arg35 : memref<!tpu.dma_semaphore, #tpu.memory_space<semaphore_mem>>)
    %mul3A_82 = arith.constant 200704 : i32
    %mul3A_83 = arith.muli %add3A, %mul3A_82 : i32
    %add3A_84 = arith.constant 256 : i32
    %add3A_85 = arith.addi %mul3A_83, %add3A_84 : i32
    %mul3A_86 = arith.constant 1568 : i32
    %mul3A_87 = arith.muli %add3A, %mul3A_86 : i32
    %add3A_88 = arith.constant 2 : i32
    %add3A_89 = arith.addi %mul3A_87, %add3A_88 : i32
    %dma_start3A_90 = arith.constant 0 : i32
    %dma_start3A_91 = tpu.memref_slice %arg2[%add3A_89, %dma_start3A_90] : memref<50176x128xi32, #tpu.memory_space<hbm>> -> memref<2x128xi32, #tpu.memory_space<hbm>>
    %dma_start3A_92 = arith.constant 0 : i32
    %dma_start3A_93 = tpu.memref_slice %arg2[%add3A_89, %dma_start3A_92] : memref<50176x128xi32, #tpu.memory_space<hbm>> -> memref<2x128xi32, #tpu.memory_space<hbm>>
    tpu.enqueue_dma source(%dma_start3A_93 : memref<2x128xi32, #tpu.memory_space<hbm>>) target(%arg13 : memref<2x128xi32, #tpu.memory_space<vmem>>) target_semaphore(%arg36 : memref<!tpu.dma_semaphore, #tpu.memory_space<semaphore_mem>>)
    %dma_start3A_94 = arith.constant 0 : i32
    %dma_start3A_95 = tpu.memref_slice %arg3[%add3A_89, %dma_start3A_94] : memref<50176x128xi32, #tpu.memory_space<hbm>> -> memref<2x128xi32, #tpu.memory_space<hbm>>
    %dma_start3A_96 = arith.constant 0 : i32
    %dma_start3A_97 = tpu.memref_slice %arg3[%add3A_89, %dma_start3A_96] : memref<50176x128xi32, #tpu.memory_space<hbm>> -> memref<2x128xi32, #tpu.memory_space<hbm>>
    tpu.enqueue_dma source(%dma_start3A_97 : memref<2x128xi32, #tpu.memory_space<hbm>>) target(%arg17 : memref<2x128xi32, #tpu.memory_space<vmem>>) target_semaphore(%arg36 : memref<!tpu.dma_semaphore, #tpu.memory_space<semaphore_mem>>)
    %dma_start3A_98 = tpu.memref_slice %arg4[%add3A_85] : memref<6422528xf32, #tpu.memory_space<hbm>> -> memref<256xf32, #tpu.memory_space<hbm>>
    %dma_start3A_99 = tpu.memref_slice %arg4[%add3A_85] : memref<6422528xf32, #tpu.memory_space<hbm>> -> memref<256xf32, #tpu.memory_space<hbm>>
    tpu.enqueue_dma source(%dma_start3A_99 : memref<256xf32, #tpu.memory_space<hbm>>) target(%arg21 : memref<256xf32, #tpu.memory_space<vmem>>) target_semaphore(%arg36 : memref<!tpu.dma_semaphore, #tpu.memory_space<semaphore_mem>>)
    %dma_start3A_100 = tpu.memref_slice %arg5[%add3A_85] : memref<6422528xf32, #tpu.memory_space<hbm>> -> memref<256xf32, #tpu.memory_space<hbm>>
    %dma_start3A_101 = tpu.memref_slice %arg5[%add3A_85] : memref<6422528xf32, #tpu.memory_space<hbm>> -> memref<256xf32, #tpu.memory_space<hbm>>
    tpu.enqueue_dma source(%dma_start3A_101 : memref<256xf32, #tpu.memory_space<hbm>>) target(%arg25 : memref<256xf32, #tpu.memory_space<vmem>>) target_semaphore(%arg36 : memref<!tpu.dma_semaphore, #tpu.memory_space<semaphore_mem>>)
    %dma_wait3A = arith.constant 0 : i32
    %dma_wait3A_102 = arith.constant 0 : i32
    %dma_wait3A_103 = tpu.memref_slice %arg2[%dma_wait3A, %dma_wait3A_102] : memref<50176x128xi32, #tpu.memory_space<hbm>> -> memref<2x128xi32, #tpu.memory_space<hbm>>
    %dma_wait3A_104 = arith.constant 0 : i32
    %dma_wait3A_105 = arith.constant 0 : i32
    %dma_wait3A_106 = tpu.memref_slice %arg2[%dma_wait3A_104, %dma_wait3A_105] : memref<50176x128xi32, #tpu.memory_space<hbm>> -> memref<2x128xi32, #tpu.memory_space<hbm>>
    tpu.wait_dma2 semaphore(%arg35 : memref<!tpu.dma_semaphore, #tpu.memory_space<semaphore_mem>>) src(%dma_wait3A_106 : memref<2x128xi32, #tpu.memory_space<hbm>>) dst(%arg12 : memref<2x128xi32, #tpu.memory_space<vmem>>)
    %dma_wait3A_107 = arith.constant 0 : i32
    %dma_wait3A_108 = arith.constant 0 : i32
    %dma_wait3A_109 = tpu.memref_slice %arg3[%dma_wait3A_107, %dma_wait3A_108] : memref<50176x128xi32, #tpu.memory_space<hbm>> -> memref<2x128xi32, #tpu.memory_space<hbm>>
    %dma_wait3A_110 = arith.constant 0 : i32
    %dma_wait3A_111 = arith.constant 0 : i32
    %dma_wait3A_112 = tpu.memref_slice %arg3[%dma_wait3A_110, %dma_wait3A_111] : memref<50176x128xi32, #tpu.memory_space<hbm>> -> memref<2x128xi32, #tpu.memory_space<hbm>>
    tpu.wait_dma2 semaphore(%arg35 : memref<!tpu.dma_semaphore, #tpu.memory_space<semaphore_mem>>) src(%dma_wait3A_112 : memref<2x128xi32, #tpu.memory_space<hbm>>) dst(%arg16 : memref<2x128xi32, #tpu.memory_space<vmem>>)
    %dma_wait3A_113 = arith.constant 0 : i32
    %dma_wait3A_114 = tpu.memref_slice %arg4[%dma_wait3A_113] : memref<6422528xf32, #tpu.memory_space<hbm>> -> memref<256xf32, #tpu.memory_space<hbm>>
    %dma_wait3A_115 = arith.constant 0 : i32
    %dma_wait3A_116 = tpu.memref_slice %arg4[%dma_wait3A_115] : memref<6422528xf32, #tpu.memory_space<hbm>> -> memref<256xf32, #tpu.memory_space<hbm>>
    tpu.wait_dma2 semaphore(%arg35 : memref<!tpu.dma_semaphore, #tpu.memory_space<semaphore_mem>>) src(%dma_wait3A_116 : memref<256xf32, #tpu.memory_space<hbm>>) dst(%arg20 : memref<256xf32, #tpu.memory_space<vmem>>)
    %dma_wait3A_117 = arith.constant 0 : i32
    %dma_wait3A_118 = tpu.memref_slice %arg5[%dma_wait3A_117] : memref<6422528xf32, #tpu.memory_space<hbm>> -> memref<256xf32, #tpu.memory_space<hbm>>
    %dma_wait3A_119 = arith.constant 0 : i32
    %dma_wait3A_120 = tpu.memref_slice %arg5[%dma_wait3A_119] : memref<6422528xf32, #tpu.memory_space<hbm>> -> memref<256xf32, #tpu.memory_space<hbm>>
    tpu.wait_dma2 semaphore(%arg35 : memref<!tpu.dma_semaphore, #tpu.memory_space<semaphore_mem>>) src(%dma_wait3A_120 : memref<256xf32, #tpu.memory_space<hbm>>) dst(%arg24 : memref<256xf32, #tpu.memory_space<vmem>>)
    %dma_start3A_121 = arith.constant 0 : i32
    %dma_start3A_122 = arith.constant 0 : i32
    %dma_start3A_123 = arith.constant 0 : i32
    %dma_start3A_124 = tpu.memref_slice %arg28[%dma_start3A_122, %dma_start3A_123] : memref<256x8xf32, #tpu.memory_space<vmem>> -> memref<128x8xf32, #tpu.memory_space<vmem>>
    %dma_start3A_125 = arith.constant 0 : i32
    %dma_start3A_126 = tpu.memref_slice %arg12[%dma_start3A_121, %dma_start3A_125] : memref<2x128xi32, #tpu.memory_space<vmem>> -> memref<1x128xi32, #tpu.memory_space<vmem>>
    %dma_start3A_127 = tpu.memref_squeeze %dma_start3A_126 : memref<1x128xi32, #tpu.memory_space<vmem>> -> memref<128xi32, #tpu.memory_space<vmem>>
    %dma_start3A_128 = arith.constant 0 : i32
    %dma_start3A_129 = arith.constant 0 : i32
    %dma_start3A_130 = tpu.memref_slice %arg6[%dma_start3A_128, %dma_start3A_129] : memref<100000x8xf32, #tpu.memory_space<hbm>> -> memref<100000x8xf32, #tpu.memory_space<hbm>>
    tpu.enqueue_indirect_dma source(%dma_start3A_130 : memref<100000x8xf32, #tpu.memory_space<hbm>>) target(%dma_start3A_124 : memref<128x8xf32, #tpu.memory_space<vmem>>) offsets(%dma_start3A_127 : memref<128xi32, #tpu.memory_space<vmem>>) semaphore(%arg39 : memref<!tpu.dma_semaphore, #tpu.memory_space<semaphore_mem>>)
    %dma_start3A_131 = arith.constant 0 : i32
    %dma_start3A_132 = arith.constant 0 : i32
    %dma_start3A_133 = arith.constant 0 : i32
    %dma_start3A_134 = tpu.memref_slice %arg30[%dma_start3A_132, %dma_start3A_133] : memref<256x8xf32, #tpu.memory_space<vmem>> -> memref<128x8xf32, #tpu.memory_space<vmem>>
    %dma_start3A_135 = arith.constant 0 : i32
    %dma_start3A_136 = tpu.memref_slice %arg16[%dma_start3A_131, %dma_start3A_135] : memref<2x128xi32, #tpu.memory_space<vmem>> -> memref<1x128xi32, #tpu.memory_space<vmem>>
    %dma_start3A_137 = tpu.memref_squeeze %dma_start3A_136 : memref<1x128xi32, #tpu.memory_space<vmem>> -> memref<128xi32, #tpu.memory_space<vmem>>
    %dma_start3A_138 = arith.constant 0 : i32
    %dma_start3A_139 = arith.constant 0 : i32
    %dma_start3A_140 = tpu.memref_slice %arg7[%dma_start3A_138, %dma_start3A_139] : memref<100000x8xf32, #tpu.memory_space<hbm>> -> memref<100000x8xf32, #tpu.memory_space<hbm>>
    tpu.enqueue_indirect_dma source(%dma_start3A_140 : memref<100000x8xf32, #tpu.memory_space<hbm>>) target(%dma_start3A_134 : memref<128x8xf32, #tpu.memory_space<vmem>>) offsets(%dma_start3A_137 : memref<128xi32, #tpu.memory_space<vmem>>) semaphore(%arg39 : memref<!tpu.dma_semaphore, #tpu.memory_space<semaphore_mem>>)
    %dma_start3A_141 = arith.constant 1 : i32
    %dma_start3A_142 = arith.constant 128 : i32
    %dma_start3A_143 = arith.constant 0 : i32
    %dma_start3A_144 = tpu.memref_slice %arg28[%dma_start3A_142, %dma_start3A_143] : memref<256x8xf32, #tpu.memory_space<vmem>> -> memref<128x8xf32, #tpu.memory_space<vmem>>
    %dma_start3A_145 = arith.constant 0 : i32
    %dma_start3A_146 = tpu.memref_slice %arg12[%dma_start3A_141, %dma_start3A_145] : memref<2x128xi32, #tpu.memory_space<vmem>> -> memref<1x128xi32, #tpu.memory_space<vmem>>
    %dma_start3A_147 = tpu.memref_squeeze %dma_start3A_146 : memref<1x128xi32, #tpu.memory_space<vmem>> -> memref<128xi32, #tpu.memory_space<vmem>>
    %dma_start3A_148 = arith.constant 0 : i32
    %dma_start3A_149 = arith.constant 0 : i32
    %dma_start3A_150 = tpu.memref_slice %arg6[%dma_start3A_148, %dma_start3A_149] : memref<100000x8xf32, #tpu.memory_space<hbm>> -> memref<100000x8xf32, #tpu.memory_space<hbm>>
    tpu.enqueue_indirect_dma source(%dma_start3A_150 : memref<100000x8xf32, #tpu.memory_space<hbm>>) target(%dma_start3A_144 : memref<128x8xf32, #tpu.memory_space<vmem>>) offsets(%dma_start3A_147 : memref<128xi32, #tpu.memory_space<vmem>>) semaphore(%arg39 : memref<!tpu.dma_semaphore, #tpu.memory_space<semaphore_mem>>)
    %dma_start3A_151 = arith.constant 1 : i32
    %dma_start3A_152 = arith.constant 128 : i32
    %dma_start3A_153 = arith.constant 0 : i32
    %dma_start3A_154 = tpu.memref_slice %arg30[%dma_start3A_152, %dma_start3A_153] : memref<256x8xf32, #tpu.memory_space<vmem>> -> memref<128x8xf32, #tpu.memory_space<vmem>>
    %dma_start3A_155 = arith.constant 0 : i32
    %dma_start3A_156 = tpu.memref_slice %arg16[%dma_start3A_151, %dma_start3A_155] : memref<2x128xi32, #tpu.memory_space<vmem>> -> memref<1x128xi32, #tpu.memory_space<vmem>>
    %dma_start3A_157 = tpu.memref_squeeze %dma_start3A_156 : memref<1x128xi32, #tpu.memory_space<vmem>> -> memref<128xi32, #tpu.memory_space<vmem>>
    %dma_start3A_158 = arith.constant 0 : i32
    %dma_start3A_159 = arith.constant 0 : i32
    %dma_start3A_160 = tpu.memref_slice %arg7[%dma_start3A_158, %dma_start3A_159] : memref<100000x8xf32, #tpu.memory_space<hbm>> -> memref<100000x8xf32, #tpu.memory_space<hbm>>
    tpu.enqueue_indirect_dma source(%dma_start3A_160 : memref<100000x8xf32, #tpu.memory_space<hbm>>) target(%dma_start3A_154 : memref<128x8xf32, #tpu.memory_space<vmem>>) offsets(%dma_start3A_157 : memref<128xi32, #tpu.memory_space<vmem>>) semaphore(%arg39 : memref<!tpu.dma_semaphore, #tpu.memory_space<semaphore_mem>>)
    %scan3A = arith.constant 0 : i32
    %scan3A_161 = arith.constant 0 : i32
    %scan3A_162 = arith.constant 196 : i32
    %scan3A_163 = arith.addi %scan3A_161, %scan3A_162 : i32
    %scan3A_164 = arith.constant 1 : i32
    scf.for %scan3A_219 = %scan3A_161 to %scan3A_163 step %scan3A_164  : i32 {
      %mul3A_220 = arith.constant 4 : i32
      %mul3A_221 = arith.muli %scan3A_219, %mul3A_220 : i32
      %add3A_222 = arith.constant 0 : i32
      %add3A_223 = arith.addi %mul3A_221, %add3A_222 : i32
      %dma_wait3A_224 = arith.constant 0 : i32
      %dma_wait3A_225 = arith.constant 0 : i32
      %dma_wait3A_226 = tpu.memref_slice %arg28[%dma_wait3A_224, %dma_wait3A_225] : memref<256x8xf32, #tpu.memory_space<vmem>> -> memref<128x8xf32, #tpu.memory_space<vmem>>
      %dma_wait3A_227 = arith.constant 0 : i32
      %dma_wait3A_228 = arith.constant 0 : i32
      %dma_wait3A_229 = tpu.memref_slice %arg6[%dma_wait3A_227, %dma_wait3A_228] : memref<100000x8xf32, #tpu.memory_space<hbm>> -> memref<128x8xf32, #tpu.memory_space<hbm>>
      %dma_wait3A_230 = arith.constant 0 : i32
      %dma_wait3A_231 = arith.constant 0 : i32
      %dma_wait3A_232 = tpu.memref_slice %arg28[%dma_wait3A_230, %dma_wait3A_231] : memref<256x8xf32, #tpu.memory_space<vmem>> -> memref<128x8xf32, #tpu.memory_space<vmem>>
      %dma_wait3A_233 = arith.constant 0 : i32
      %dma_wait3A_234 = arith.constant 0 : i32
      %dma_wait3A_235 = tpu.memref_slice %arg6[%dma_wait3A_233, %dma_wait3A_234] : memref<100000x8xf32, #tpu.memory_space<hbm>> -> memref<128x8xf32, #tpu.memory_space<hbm>>
      tpu.wait_dma2 semaphore(%arg39 : memref<!tpu.dma_semaphore, #tpu.memory_space<semaphore_mem>>) src(%dma_wait3A_235 : memref<128x8xf32, #tpu.memory_space<hbm>>) dst(%dma_wait3A_232 : memref<128x8xf32, #tpu.memory_space<vmem>>)
      %dma_wait3A_236 = arith.constant 0 : i32
      %dma_wait3A_237 = arith.constant 0 : i32
      %dma_wait3A_238 = tpu.memref_slice %arg30[%dma_wait3A_236, %dma_wait3A_237] : memref<256x8xf32, #tpu.memory_space<vmem>> -> memref<128x8xf32, #tpu.memory_space<vmem>>
      %dma_wait3A_239 = arith.constant 0 : i32
      %dma_wait3A_240 = arith.constant 0 : i32
      %dma_wait3A_241 = tpu.memref_slice %arg7[%dma_wait3A_239, %dma_wait3A_240] : memref<100000x8xf32, #tpu.memory_space<hbm>> -> memref<128x8xf32, #tpu.memory_space<hbm>>
      %dma_wait3A_242 = arith.constant 0 : i32
      %dma_wait3A_243 = arith.constant 0 : i32
      %dma_wait3A_244 = tpu.memref_slice %arg30[%dma_wait3A_242, %dma_wait3A_243] : memref<256x8xf32, #tpu.memory_space<vmem>> -> memref<128x8xf32, #tpu.memory_space<vmem>>
      %dma_wait3A_245 = arith.constant 0 : i32
      %dma_wait3A_246 = arith.constant 0 : i32
      %dma_wait3A_247 = tpu.memref_slice %arg7[%dma_wait3A_245, %dma_wait3A_246] : memref<100000x8xf32, #tpu.memory_space<hbm>> -> memref<128x8xf32, #tpu.memory_space<hbm>>
      tpu.wait_dma2 semaphore(%arg39 : memref<!tpu.dma_semaphore, #tpu.memory_space<semaphore_mem>>) src(%dma_wait3A_247 : memref<128x8xf32, #tpu.memory_space<hbm>>) dst(%dma_wait3A_244 : memref<128x8xf32, #tpu.memory_space<vmem>>)
      %dma_wait3A_248 = arith.constant 128 : i32
      %dma_wait3A_249 = arith.constant 0 : i32
      %dma_wait3A_250 = tpu.memref_slice %arg28[%dma_wait3A_248, %dma_wait3A_249] : memref<256x8xf32, #tpu.memory_space<vmem>> -> memref<128x8xf32, #tpu.memory_space<vmem>>
      %dma_wait3A_251 = arith.constant 0 : i32
      %dma_wait3A_252 = arith.constant 0 : i32
      %dma_wait3A_253 = tpu.memref_slice %arg6[%dma_wait3A_251, %dma_wait3A_252] : memref<100000x8xf32, #tpu.memory_space<hbm>> -> memref<128x8xf32, #tpu.memory_space<hbm>>
      %dma_wait3A_254 = arith.constant 128 : i32
      %dma_wait3A_255 = arith.constant 0 : i32
      %dma_wait3A_256 = tpu.memref_slice %arg28[%dma_wait3A_254, %dma_wait3A_255] : memref<256x8xf32, #tpu.memory_space<vmem>> -> memref<128x8xf32, #tpu.memory_space<vmem>>
      %dma_wait3A_257 = arith.constant 0 : i32
      %dma_wait3A_258 = arith.constant 0 : i32
      %dma_wait3A_259 = tpu.memref_slice %arg6[%dma_wait3A_257, %dma_wait3A_258] : memref<100000x8xf32, #tpu.memory_space<hbm>> -> memref<128x8xf32, #tpu.memory_space<hbm>>
      tpu.wait_dma2 semaphore(%arg39 : memref<!tpu.dma_semaphore, #tpu.memory_space<semaphore_mem>>) src(%dma_wait3A_259 : memref<128x8xf32, #tpu.memory_space<hbm>>) dst(%dma_wait3A_256 : memref<128x8xf32, #tpu.memory_space<vmem>>)
      %dma_wait3A_260 = arith.constant 128 : i32
      %dma_wait3A_261 = arith.constant 0 : i32
      %dma_wait3A_262 = tpu.memref_slice %arg30[%dma_wait3A_260, %dma_wait3A_261] : memref<256x8xf32, #tpu.memory_space<vmem>> -> memref<128x8xf32, #tpu.memory_space<vmem>>
      %dma_wait3A_263 = arith.constant 0 : i32
      %dma_wait3A_264 = arith.constant 0 : i32
      %dma_wait3A_265 = tpu.memref_slice %arg7[%dma_wait3A_263, %dma_wait3A_264] : memref<100000x8xf32, #tpu.memory_space<hbm>> -> memref<128x8xf32, #tpu.memory_space<hbm>>
      %dma_wait3A_266 = arith.constant 128 : i32
      %dma_wait3A_267 = arith.constant 0 : i32
      %dma_wait3A_268 = tpu.memref_slice %arg30[%dma_wait3A_266, %dma_wait3A_267] : memref<256x8xf32, #tpu.memory_space<vmem>> -> memref<128x8xf32, #tpu.memory_space<vmem>>
      %dma_wait3A_269 = arith.constant 0 : i32
      %dma_wait3A_270 = arith.constant 0 : i32
      %dma_wait3A_271 = tpu.memref_slice %arg7[%dma_wait3A_269, %dma_wait3A_270] : memref<100000x8xf32, #tpu.memory_space<hbm>> -> memref<128x8xf32, #tpu.memory_space<hbm>>
      tpu.wait_dma2 semaphore(%arg39 : memref<!tpu.dma_semaphore, #tpu.memory_space<semaphore_mem>>) src(%dma_wait3A_271 : memref<128x8xf32, #tpu.memory_space<hbm>>) dst(%dma_wait3A_268 : memref<128x8xf32, #tpu.memory_space<vmem>>)
      %gt3A = arith.constant 0 : i32
      %gt3A_272 = arith.cmpi sgt, %scan3A_219, %gt3A : i32
      %convert_element_type3A = arith.extui %gt3A_272 : i1 to i32
      %cond3A = arith.constant 0 : i32
      %cond3A_273 = arith.cmpi ne, %convert_element_type3A, %cond3A : i32
      scf.if %cond3A_273 {
        %dma_wait3A_829 = arith.constant 0 : i32
        %dma_wait3A_830 = arith.constant 0 : i32
        %dma_wait3A_831 = tpu.memref_slice %arg32[%dma_wait3A_829, %dma_wait3A_830] : memref<256x16xf32, #tpu.memory_space<vmem>> -> memref<128x16xf32, #tpu.memory_space<vmem>>
        %dma_wait3A_832 = arith.constant 0 : i32
        %dma_wait3A_833 = arith.constant 0 : i32
        %dma_wait3A_834 = tpu.memref_slice %arg8[%dma_wait3A_832, %dma_wait3A_833] : memref<100016x16xf32, #tpu.memory_space<hbm>> -> memref<128x16xf32, #tpu.memory_space<hbm>>
        %dma_wait3A_835 = arith.constant 0 : i32
        %dma_wait3A_836 = arith.constant 0 : i32
        %dma_wait3A_837 = tpu.memref_slice %arg32[%dma_wait3A_835, %dma_wait3A_836] : memref<256x16xf32, #tpu.memory_space<vmem>> -> memref<128x16xf32, #tpu.memory_space<vmem>>
        %dma_wait3A_838 = arith.constant 0 : i32
        %dma_wait3A_839 = arith.constant 0 : i32
        %dma_wait3A_840 = tpu.memref_slice %arg8[%dma_wait3A_838, %dma_wait3A_839] : memref<100016x16xf32, #tpu.memory_space<hbm>> -> memref<128x16xf32, #tpu.memory_space<hbm>>
        tpu.wait_dma2 semaphore(%arg43 : memref<!tpu.dma_semaphore, #tpu.memory_space<semaphore_mem>>) src(%dma_wait3A_840 : memref<128x16xf32, #tpu.memory_space<hbm>>) dst(%dma_wait3A_837 : memref<128x16xf32, #tpu.memory_space<vmem>>)
        %dma_wait3A_841 = arith.constant 128 : i32
        %dma_wait3A_842 = arith.constant 0 : i32
        %dma_wait3A_843 = tpu.memref_slice %arg32[%dma_wait3A_841, %dma_wait3A_842] : memref<256x16xf32, #tpu.memory_space<vmem>> -> memref<128x16xf32, #tpu.memory_space<vmem>>
        %dma_wait3A_844 = arith.constant 0 : i32
        %dma_wait3A_845 = arith.constant 0 : i32
        %dma_wait3A_846 = tpu.memref_slice %arg8[%dma_wait3A_844, %dma_wait3A_845] : memref<100016x16xf32, #tpu.memory_space<hbm>> -> memref<128x16xf32, #tpu.memory_space<hbm>>
        %dma_wait3A_847 = arith.constant 128 : i32
        %dma_wait3A_848 = arith.constant 0 : i32
        %dma_wait3A_849 = tpu.memref_slice %arg32[%dma_wait3A_847, %dma_wait3A_848] : memref<256x16xf32, #tpu.memory_space<vmem>> -> memref<128x16xf32, #tpu.memory_space<vmem>>
        %dma_wait3A_850 = arith.constant 0 : i32
        %dma_wait3A_851 = arith.constant 0 : i32
        %dma_wait3A_852 = tpu.memref_slice %arg8[%dma_wait3A_850, %dma_wait3A_851] : memref<100016x16xf32, #tpu.memory_space<hbm>> -> memref<128x16xf32, #tpu.memory_space<hbm>>
        tpu.wait_dma2 semaphore(%arg43 : memref<!tpu.dma_semaphore, #tpu.memory_space<semaphore_mem>>) src(%dma_wait3A_852 : memref<128x16xf32, #tpu.memory_space<hbm>>) dst(%dma_wait3A_849 : memref<128x16xf32, #tpu.memory_space<vmem>>)
      } else {
      }
      %add3A_274 = arith.constant 2 : i32
      %add3A_275 = arith.addi %add3A_223, %add3A_274 : i32
      %mul3A_276 = arith.constant 200704 : i32
      %mul3A_277 = arith.muli %add3A, %mul3A_276 : i32
      %mul3A_278 = arith.constant 256 : i32
      %mul3A_279 = arith.muli %add3A_275, %mul3A_278 : i32
      %add3A_280 = arith.addi %mul3A_277, %mul3A_279 : i32
      %mul3A_281 = arith.constant 1568 : i32
      %mul3A_282 = arith.muli %add3A, %mul3A_281 : i32
      %mul3A_283 = arith.constant 2 : i32
      %mul3A_284 = arith.muli %add3A_275, %mul3A_283 : i32
      %add3A_285 = arith.addi %mul3A_282, %mul3A_284 : i32
      %dma_start3A_286 = arith.constant 0 : i32
      %dma_start3A_287 = tpu.memref_slice %arg2[%add3A_285, %dma_start3A_286] : memref<50176x128xi32, #tpu.memory_space<hbm>> -> memref<2x128xi32, #tpu.memory_space<hbm>>
      %dma_start3A_288 = arith.constant 0 : i32
      %dma_start3A_289 = tpu.memref_slice %arg2[%add3A_285, %dma_start3A_288] : memref<50176x128xi32, #tpu.memory_space<hbm>> -> memref<2x128xi32, #tpu.memory_space<hbm>>
      tpu.enqueue_dma source(%dma_start3A_289 : memref<2x128xi32, #tpu.memory_space<hbm>>) target(%arg14 : memref<2x128xi32, #tpu.memory_space<vmem>>) target_semaphore(%arg37 : memref<!tpu.dma_semaphore, #tpu.memory_space<semaphore_mem>>)
      %dma_start3A_290 = arith.constant 0 : i32
      %dma_start3A_291 = tpu.memref_slice %arg3[%add3A_285, %dma_start3A_290] : memref<50176x128xi32, #tpu.memory_space<hbm>> -> memref<2x128xi32, #tpu.memory_space<hbm>>
      %dma_start3A_292 = arith.constant 0 : i32
      %dma_start3A_293 = tpu.memref_slice %arg3[%add3A_285, %dma_start3A_292] : memref<50176x128xi32, #tpu.memory_space<hbm>> -> memref<2x128xi32, #tpu.memory_space<hbm>>
      tpu.enqueue_dma source(%dma_start3A_293 : memref<2x128xi32, #tpu.memory_space<hbm>>) target(%arg18 : memref<2x128xi32, #tpu.memory_space<vmem>>) target_semaphore(%arg37 : memref<!tpu.dma_semaphore, #tpu.memory_space<semaphore_mem>>)
      %dma_start3A_294 = tpu.memref_slice %arg4[%add3A_280] : memref<6422528xf32, #tpu.memory_space<hbm>> -> memref<256xf32, #tpu.memory_space<hbm>>
      %dma_start3A_295 = tpu.memref_slice %arg4[%add3A_280] : memref<6422528xf32, #tpu.memory_space<hbm>> -> memref<256xf32, #tpu.memory_space<hbm>>
      tpu.enqueue_dma source(%dma_start3A_295 : memref<256xf32, #tpu.memory_space<hbm>>) target(%arg22 : memref<256xf32, #tpu.memory_space<vmem>>) target_semaphore(%arg37 : memref<!tpu.dma_semaphore, #tpu.memory_space<semaphore_mem>>)
      %dma_start3A_296 = tpu.memref_slice %arg5[%add3A_280] : memref<6422528xf32, #tpu.memory_space<hbm>> -> memref<256xf32, #tpu.memory_space<hbm>>
      %dma_start3A_297 = tpu.memref_slice %arg5[%add3A_280] : memref<6422528xf32, #tpu.memory_space<hbm>> -> memref<256xf32, #tpu.memory_space<hbm>>
      tpu.enqueue_dma source(%dma_start3A_297 : memref<256xf32, #tpu.memory_space<hbm>>) target(%arg26 : memref<256xf32, #tpu.memory_space<vmem>>) target_semaphore(%arg37 : memref<!tpu.dma_semaphore, #tpu.memory_space<semaphore_mem>>)
      %dma_wait3A_298 = arith.constant 0 : i32
      %dma_wait3A_299 = arith.constant 0 : i32
      %dma_wait3A_300 = tpu.memref_slice %arg2[%dma_wait3A_298, %dma_wait3A_299] : memref<50176x128xi32, #tpu.memory_space<hbm>> -> memref<2x128xi32, #tpu.memory_space<hbm>>
      %dma_wait3A_301 = arith.constant 0 : i32
      %dma_wait3A_302 = arith.constant 0 : i32
      %dma_wait3A_303 = tpu.memref_slice %arg2[%dma_wait3A_301, %dma_wait3A_302] : memref<50176x128xi32, #tpu.memory_space<hbm>> -> memref<2x128xi32, #tpu.memory_space<hbm>>
      tpu.wait_dma2 semaphore(%arg36 : memref<!tpu.dma_semaphore, #tpu.memory_space<semaphore_mem>>) src(%dma_wait3A_303 : memref<2x128xi32, #tpu.memory_space<hbm>>) dst(%arg13 : memref<2x128xi32, #tpu.memory_space<vmem>>)
      %dma_wait3A_304 = arith.constant 0 : i32
      %dma_wait3A_305 = arith.constant 0 : i32
      %dma_wait3A_306 = tpu.memref_slice %arg3[%dma_wait3A_304, %dma_wait3A_305] : memref<50176x128xi32, #tpu.memory_space<hbm>> -> memref<2x128xi32, #tpu.memory_space<hbm>>
      %dma_wait3A_307 = arith.constant 0 : i32
      %dma_wait3A_308 = arith.constant 0 : i32
      %dma_wait3A_309 = tpu.memref_slice %arg3[%dma_wait3A_307, %dma_wait3A_308] : memref<50176x128xi32, #tpu.memory_space<hbm>> -> memref<2x128xi32, #tpu.memory_space<hbm>>
      tpu.wait_dma2 semaphore(%arg36 : memref<!tpu.dma_semaphore, #tpu.memory_space<semaphore_mem>>) src(%dma_wait3A_309 : memref<2x128xi32, #tpu.memory_space<hbm>>) dst(%arg17 : memref<2x128xi32, #tpu.memory_space<vmem>>)
      %dma_wait3A_310 = arith.constant 0 : i32
      %dma_wait3A_311 = tpu.memref_slice %arg4[%dma_wait3A_310] : memref<6422528xf32, #tpu.memory_space<hbm>> -> memref<256xf32, #tpu.memory_space<hbm>>
      %dma_wait3A_312 = arith.constant 0 : i32
      %dma_wait3A_313 = tpu.memref_slice %arg4[%dma_wait3A_312] : memref<6422528xf32, #tpu.memory_space<hbm>> -> memref<256xf32, #tpu.memory_space<hbm>>
      tpu.wait_dma2 semaphore(%arg36 : memref<!tpu.dma_semaphore, #tpu.memory_space<semaphore_mem>>) src(%dma_wait3A_313 : memref<256xf32, #tpu.memory_space<hbm>>) dst(%arg21 : memref<256xf32, #tpu.memory_space<vmem>>)
      %dma_wait3A_314 = arith.constant 0 : i32
      %dma_wait3A_315 = tpu.memref_slice %arg5[%dma_wait3A_314] : memref<6422528xf32, #tpu.memory_space<hbm>> -> memref<256xf32, #tpu.memory_space<hbm>>
      %dma_wait3A_316 = arith.constant 0 : i32
      %dma_wait3A_317 = tpu.memref_slice %arg5[%dma_wait3A_316] : memref<6422528xf32, #tpu.memory_space<hbm>> -> memref<256xf32, #tpu.memory_space<hbm>>
      tpu.wait_dma2 semaphore(%arg36 : memref<!tpu.dma_semaphore, #tpu.memory_space<semaphore_mem>>) src(%dma_wait3A_317 : memref<256xf32, #tpu.memory_space<hbm>>) dst(%arg25 : memref<256xf32, #tpu.memory_space<vmem>>)
      %dma_start3A_318 = arith.constant 0 : i32
      %dma_start3A_319 = arith.constant 0 : i32
      %dma_start3A_320 = arith.constant 0 : i32
      %dma_start3A_321 = tpu.memref_slice %arg29[%dma_start3A_319, %dma_start3A_320] : memref<256x8xf32, #tpu.memory_space<vmem>> -> memref<128x8xf32, #tpu.memory_space<vmem>>
      %dma_start3A_322 = arith.constant 0 : i32
      %dma_start3A_323 = tpu.memref_slice %arg13[%dma_start3A_318, %dma_start3A_322] : memref<2x128xi32, #tpu.memory_space<vmem>> -> memref<1x128xi32, #tpu.memory_space<vmem>>
      %dma_start3A_324 = tpu.memref_squeeze %dma_start3A_323 : memref<1x128xi32, #tpu.memory_space<vmem>> -> memref<128xi32, #tpu.memory_space<vmem>>
      %dma_start3A_325 = arith.constant 0 : i32
      %dma_start3A_326 = arith.constant 0 : i32
      %dma_start3A_327 = tpu.memref_slice %arg6[%dma_start3A_325, %dma_start3A_326] : memref<100000x8xf32, #tpu.memory_space<hbm>> -> memref<100000x8xf32, #tpu.memory_space<hbm>>
      tpu.enqueue_indirect_dma source(%dma_start3A_327 : memref<100000x8xf32, #tpu.memory_space<hbm>>) target(%dma_start3A_321 : memref<128x8xf32, #tpu.memory_space<vmem>>) offsets(%dma_start3A_324 : memref<128xi32, #tpu.memory_space<vmem>>) semaphore(%arg40 : memref<!tpu.dma_semaphore, #tpu.memory_space<semaphore_mem>>)
      %dma_start3A_328 = arith.constant 0 : i32
      %dma_start3A_329 = arith.constant 0 : i32
      %dma_start3A_330 = arith.constant 0 : i32
      %dma_start3A_331 = tpu.memref_slice %arg31[%dma_start3A_329, %dma_start3A_330] : memref<256x8xf32, #tpu.memory_space<vmem>> -> memref<128x8xf32, #tpu.memory_space<vmem>>
      %dma_start3A_332 = arith.constant 0 : i32
      %dma_start3A_333 = tpu.memref_slice %arg17[%dma_start3A_328, %dma_start3A_332] : memref<2x128xi32, #tpu.memory_space<vmem>> -> memref<1x128xi32, #tpu.memory_space<vmem>>
      %dma_start3A_334 = tpu.memref_squeeze %dma_start3A_333 : memref<1x128xi32, #tpu.memory_space<vmem>> -> memref<128xi32, #tpu.memory_space<vmem>>
      %dma_start3A_335 = arith.constant 0 : i32
      %dma_start3A_336 = arith.constant 0 : i32
      %dma_start3A_337 = tpu.memref_slice %arg7[%dma_start3A_335, %dma_start3A_336] : memref<100000x8xf32, #tpu.memory_space<hbm>> -> memref<100000x8xf32, #tpu.memory_space<hbm>>
      tpu.enqueue_indirect_dma source(%dma_start3A_337 : memref<100000x8xf32, #tpu.memory_space<hbm>>) target(%dma_start3A_331 : memref<128x8xf32, #tpu.memory_space<vmem>>) offsets(%dma_start3A_334 : memref<128xi32, #tpu.memory_space<vmem>>) semaphore(%arg40 : memref<!tpu.dma_semaphore, #tpu.memory_space<semaphore_mem>>)
      %dma_start3A_338 = arith.constant 1 : i32
      %dma_start3A_339 = arith.constant 128 : i32
      %dma_start3A_340 = arith.constant 0 : i32
      %dma_start3A_341 = tpu.memref_slice %arg29[%dma_start3A_339, %dma_start3A_340] : memref<256x8xf32, #tpu.memory_space<vmem>> -> memref<128x8xf32, #tpu.memory_space<vmem>>
      %dma_start3A_342 = arith.constant 0 : i32
      %dma_start3A_343 = tpu.memref_slice %arg13[%dma_start3A_338, %dma_start3A_342] : memref<2x128xi32, #tpu.memory_space<vmem>> -> memref<1x128xi32, #tpu.memory_space<vmem>>
      %dma_start3A_344 = tpu.memref_squeeze %dma_start3A_343 : memref<1x128xi32, #tpu.memory_space<vmem>> -> memref<128xi32, #tpu.memory_space<vmem>>
      %dma_start3A_345 = arith.constant 0 : i32
      %dma_start3A_346 = arith.constant 0 : i32
      %dma_start3A_347 = tpu.memref_slice %arg6[%dma_start3A_345, %dma_start3A_346] : memref<100000x8xf32, #tpu.memory_space<hbm>> -> memref<100000x8xf32, #tpu.memory_space<hbm>>
      tpu.enqueue_indirect_dma source(%dma_start3A_347 : memref<100000x8xf32, #tpu.memory_space<hbm>>) target(%dma_start3A_341 : memref<128x8xf32, #tpu.memory_space<vmem>>) offsets(%dma_start3A_344 : memref<128xi32, #tpu.memory_space<vmem>>) semaphore(%arg40 : memref<!tpu.dma_semaphore, #tpu.memory_space<semaphore_mem>>)
      %dma_start3A_348 = arith.constant 1 : i32
      %dma_start3A_349 = arith.constant 128 : i32
      %dma_start3A_350 = arith.constant 0 : i32
      %dma_start3A_351 = tpu.memref_slice %arg31[%dma_start3A_349, %dma_start3A_350] : memref<256x8xf32, #tpu.memory_space<vmem>> -> memref<128x8xf32, #tpu.memory_space<vmem>>
      %dma_start3A_352 = arith.constant 0 : i32
      %dma_start3A_353 = tpu.memref_slice %arg17[%dma_start3A_348, %dma_start3A_352] : memref<2x128xi32, #tpu.memory_space<vmem>> -> memref<1x128xi32, #tpu.memory_space<vmem>>
      %dma_start3A_354 = tpu.memref_squeeze %dma_start3A_353 : memref<1x128xi32, #tpu.memory_space<vmem>> -> memref<128xi32, #tpu.memory_space<vmem>>
      %dma_start3A_355 = arith.constant 0 : i32
      %dma_start3A_356 = arith.constant 0 : i32
      %dma_start3A_357 = tpu.memref_slice %arg7[%dma_start3A_355, %dma_start3A_356] : memref<100000x8xf32, #tpu.memory_space<hbm>> -> memref<100000x8xf32, #tpu.memory_space<hbm>>
      tpu.enqueue_indirect_dma source(%dma_start3A_357 : memref<100000x8xf32, #tpu.memory_space<hbm>>) target(%dma_start3A_351 : memref<128x8xf32, #tpu.memory_space<vmem>>) offsets(%dma_start3A_354 : memref<128xi32, #tpu.memory_space<vmem>>) semaphore(%arg40 : memref<!tpu.dma_semaphore, #tpu.memory_space<semaphore_mem>>)
      %scan3A_358 = arith.constant 0 : i32
      %scan3A_359 = arith.constant 0 : i32
      %scan3A_360 = arith.constant 16 : i32
      %scan3A_361 = arith.addi %scan3A_359, %scan3A_360 : i32
      %scan3A_362 = arith.constant 4 : i32
      scf.for %scan3A_829 = %scan3A_359 to %scan3A_361 step %scan3A_362  : i32 {
        %mul3A_830 = arith.constant 16 : i32
        %mul3A_831 = arith.muli %scan3A_829, %mul3A_830 : i32
        %add3A_832 = vector.broadcast %mul3A_831 : i32 to vector<16xi32>
        %add3A_833 = arith.addi %add3A_832, %iota3A : vector<16xi32>
        %mul3A_834 = arith.constant 16 : i32
        %mul3A_835 = arith.muli %scan3A_829, %mul3A_834 : i32
        %get3A_836 = arith.index_cast %mul3A_835 : i32 to index
        %get3A_837 = tpu.vector_load %arg20[%get3A_836] {strides = array<i32>} : memref<256xf32, #tpu.memory_space<vmem>>, vector<16xf32>,
        %mul3A_838 = arith.constant 16 : i32
        %mul3A_839 = arith.muli %scan3A_829, %mul3A_838 : i32
        %get3A_840 = arith.index_cast %mul3A_839 : i32 to index
        %get3A_841 = tpu.vector_load %arg24[%get3A_840] {strides = array<i32>} : memref<256xf32, #tpu.memory_space<vmem>>, vector<16xf32>,
        %gather3A = tpu.vector_load_idx %arg28[%add3A_833, %broadcast_in_dim3A_5] : memref<256x8xf32, #tpu.memory_space<vmem>>[vector<16xi32>, vector<16xi32>], vector<16xf32>,
        %gather3A_842 = tpu.vector_load_idx %arg28[%add3A_833, %broadcast_in_dim3A_7] : memref<256x8xf32, #tpu.memory_space<vmem>>[vector<16xi32>, vector<16xi32>], vector<16xf32>,
        %gather3A_843 = tpu.vector_load_idx %arg28[%add3A_833, %broadcast_in_dim3A_9] : memref<256x8xf32, #tpu.memory_space<vmem>>[vector<16xi32>, vector<16xi32>], vector<16xf32>,
        %gather3A_844 = tpu.vector_load_idx %arg28[%add3A_833, %broadcast_in_dim3A_11] : memref<256x8xf32, #tpu.memory_space<vmem>>[vector<16xi32>, vector<16xi32>], vector<16xf32>,
        %gather3A_845 = tpu.vector_load_idx %arg28[%add3A_833, %broadcast_in_dim3A_13] : memref<256x8xf32, #tpu.memory_space<vmem>>[vector<16xi32>, vector<16xi32>], vector<16xf32>,
        %gather3A_846 = tpu.vector_load_idx %arg28[%add3A_833, %broadcast_in_dim3A_15] : memref<256x8xf32, #tpu.memory_space<vmem>>[vector<16xi32>, vector<16xi32>], vector<16xf32>,
        %gather3A_847 = tpu.vector_load_idx %arg30[%add3A_833, %broadcast_in_dim3A_5] : memref<256x8xf32, #tpu.memory_space<vmem>>[vector<16xi32>, vector<16xi32>], vector<16xf32>,
        %gather3A_848 = tpu.vector_load_idx %arg30[%add3A_833, %broadcast_in_dim3A_7] : memref<256x8xf32, #tpu.memory_space<vmem>>[vector<16xi32>, vector<16xi32>], vector<16xf32>,
        %gather3A_849 = tpu.vector_load_idx %arg30[%add3A_833, %broadcast_in_dim3A_9] : memref<256x8xf32, #tpu.memory_space<vmem>>[vector<16xi32>, vector<16xi32>], vector<16xf32>,
        %gather3A_850 = tpu.vector_load_idx %arg30[%add3A_833, %broadcast_in_dim3A_11] : memref<256x8xf32, #tpu.memory_space<vmem>>[vector<16xi32>, vector<16xi32>], vector<16xf32>,
        %gather3A_851 = tpu.vector_load_idx %arg30[%add3A_833, %broadcast_in_dim3A_13] : memref<256x8xf32, #tpu.memory_space<vmem>>[vector<16xi32>, vector<16xi32>], vector<16xf32>,
        %gather3A_852 = tpu.vector_load_idx %arg30[%add3A_833, %broadcast_in_dim3A_15] : memref<256x8xf32, #tpu.memory_space<vmem>>[vector<16xi32>, vector<16xi32>], vector<16xf32>,
        %broadcast_in_dim3A_853 = arith.constant 0.000000e+00 : f32
        %broadcast_in_dim3A_854 = vector.broadcast %broadcast_in_dim3A_853 : f32 to vector<16xf32>
        %add3A_855 = arith.addf %gather3A, %gather3A_847 : vector<16xf32>
        %mul3A_856 = vector.broadcast %squeeze3A : f32 to vector<16xf32>
        %mul3A_857 = arith.mulf %get3A_837, %mul3A_856 : vector<16xf32>
        %add3A_858 = arith.addf %add3A_855, %mul3A_857 : vector<16xf32>
        %mul3A_859 = vector.broadcast %squeeze3A_38 : f32 to vector<16xf32>
        %mul3A_860 = arith.mulf %get3A_841, %mul3A_859 : vector<16xf32>
        %add3A_861 = arith.addf %add3A_858, %mul3A_860 : vector<16xf32>
        %mul3A_862 = arith.constant 2.000000e-01 : f32
        %mul3A_863 = vector.broadcast %mul3A_862 : f32 to vector<16xf32>
        %mul3A_864 = arith.mulf %add3A_861, %mul3A_863 : vector<16xf32>
        %max3A = arith.maximumf %add3A_861, %mul3A_864 : vector<16xf32>
        %mul3A_865 = vector.broadcast %squeeze3A_50 : f32 to vector<16xf32>
        %mul3A_866 = arith.mulf %max3A, %mul3A_865 : vector<16xf32>
        %add3A_867 = arith.addf %broadcast_in_dim3A_854, %mul3A_866 : vector<16xf32>
        %add3A_868 = arith.addf %gather3A_842, %gather3A_848 : vector<16xf32>
        %mul3A_869 = vector.broadcast %squeeze3A_28 : f32 to vector<16xf32>
        %mul3A_870 = arith.mulf %get3A_837, %mul3A_869 : vector<16xf32>
        %add3A_871 = arith.addf %add3A_868, %mul3A_870 : vector<16xf32>
        %mul3A_872 = vector.broadcast %squeeze3A_40 : f32 to vector<16xf32>
        %mul3A_873 = arith.mulf %get3A_841, %mul3A_872 : vector<16xf32>
        %add3A_874 = arith.addf %add3A_871, %mul3A_873 : vector<16xf32>
        %mul3A_875 = arith.constant 2.000000e-01 : f32
        %mul3A_876 = vector.broadcast %mul3A_875 : f32 to vector<16xf32>
        %mul3A_877 = arith.mulf %add3A_874, %mul3A_876 : vector<16xf32>
        %max3A_878 = arith.maximumf %add3A_874, %mul3A_877 : vector<16xf32>
        %mul3A_879 = vector.broadcast %squeeze3A_52 : f32 to vector<16xf32>
        %mul3A_880 = arith.mulf %max3A_878, %mul3A_879 : vector<16xf32>
        %add3A_881 = arith.addf %add3A_867, %mul3A_880 : vector<16xf32>
        %add3A_882 = arith.addf %gather3A_843, %gather3A_849 : vector<16xf32>
        %mul3A_883 = vector.broadcast %squeeze3A_30 : f32 to vector<16xf32>
        %mul3A_884 = arith.mulf %get3A_837, %mul3A_883 : vector<16xf32>
        %add3A_885 = arith.addf %add3A_882, %mul3A_884 : vector<16xf32>
        %mul3A_886 = vector.broadcast %squeeze3A_42 : f32 to vector<16xf32>
        %mul3A_887 = arith.mulf %get3A_841, %mul3A_886 : vector<16xf32>
        %add3A_888 = arith.addf %add3A_885, %mul3A_887 : vector<16xf32>
        %mul3A_889 = arith.constant 2.000000e-01 : f32
        %mul3A_890 = vector.broadcast %mul3A_889 : f32 to vector<16xf32>
        %mul3A_891 = arith.mulf %add3A_888, %mul3A_890 : vector<16xf32>
        %max3A_892 = arith.maximumf %add3A_888, %mul3A_891 : vector<16xf32>
        %mul3A_893 = vector.broadcast %squeeze3A_54 : f32 to vector<16xf32>
        %mul3A_894 = arith.mulf %max3A_892, %mul3A_893 : vector<16xf32>
        %add3A_895 = arith.addf %add3A_881, %mul3A_894 : vector<16xf32>
        %add3A_896 = arith.addf %gather3A_844, %gather3A_850 : vector<16xf32>
        %mul3A_897 = vector.broadcast %squeeze3A_32 : f32 to vector<16xf32>
        %mul3A_898 = arith.mulf %get3A_837, %mul3A_897 : vector<16xf32>
        %add3A_899 = arith.addf %add3A_896, %mul3A_898 : vector<16xf32>
        %mul3A_900 = vector.broadcast %squeeze3A_44 : f32 to vector<16xf32>
        %mul3A_901 = arith.mulf %get3A_841, %mul3A_900 : vector<16xf32>
        %add3A_902 = arith.addf %add3A_899, %mul3A_901 : vector<16xf32>
        %mul3A_903 = arith.constant 2.000000e-01 : f32
        %mul3A_904 = vector.broadcast %mul3A_903 : f32 to vector<16xf32>
        %mul3A_905 = arith.mulf %add3A_902, %mul3A_904 : vector<16xf32>
        %max3A_906 = arith.maximumf %add3A_902, %mul3A_905 : vector<16xf32>
        %mul3A_907 = vector.broadcast %squeeze3A_56 : f32 to vector<16xf32>
        %mul3A_908 = arith.mulf %max3A_906, %mul3A_907 : vector<16xf32>
        %add3A_909 = arith.addf %add3A_895, %mul3A_908 : vector<16xf32>
        %add3A_910 = arith.addf %gather3A_845, %gather3A_851 : vector<16xf32>
        %mul3A_911 = vector.broadcast %squeeze3A_34 : f32 to vector<16xf32>
        %mul3A_912 = arith.mulf %get3A_837, %mul3A_911 : vector<16xf32>
        %add3A_913 = arith.addf %add3A_910, %mul3A_912 : vector<16xf32>
        %mul3A_914 = vector.broadcast %squeeze3A_46 : f32 to vector<16xf32>
        %mul3A_915 = arith.mulf %get3A_841, %mul3A_914 : vector<16xf32>
        %add3A_916 = arith.addf %add3A_913, %mul3A_915 : vector<16xf32>
        %mul3A_917 = arith.constant 2.000000e-01 : f32
        %mul3A_918 = vector.broadcast %mul3A_917 : f32 to vector<16xf32>
        %mul3A_919 = arith.mulf %add3A_916, %mul3A_918 : vector<16xf32>
        %max3A_920 = arith.maximumf %add3A_916, %mul3A_919 : vector<16xf32>
        %mul3A_921 = vector.broadcast %squeeze3A_58 : f32 to vector<16xf32>
        %mul3A_922 = arith.mulf %max3A_920, %mul3A_921 : vector<16xf32>
        %add3A_923 = arith.addf %add3A_909, %mul3A_922 : vector<16xf32>
        %add3A_924 = arith.addf %gather3A_846, %gather3A_852 : vector<16xf32>
        %mul3A_925 = vector.broadcast %squeeze3A_36 : f32 to vector<16xf32>
        %mul3A_926 = arith.mulf %get3A_837, %mul3A_925 : vector<16xf32>
        %add3A_927 = arith.addf %add3A_924, %mul3A_926 : vector<16xf32>
        %mul3A_928 = vector.broadcast %squeeze3A_48 : f32 to vector<16xf32>
        %mul3A_929 = arith.mulf %get3A_841, %mul3A_928 : vector<16xf32>
        %add3A_930 = arith.addf %add3A_927, %mul3A_929 : vector<16xf32>
        %mul3A_931 = arith.constant 2.000000e-01 : f32
        %mul3A_932 = vector.broadcast %mul3A_931 : f32 to vector<16xf32>
        %mul3A_933 = arith.mulf %add3A_930, %mul3A_932 : vector<16xf32>
        %max3A_934 = arith.maximumf %add3A_930, %mul3A_933 : vector<16xf32>
        %mul3A_935 = vector.broadcast %squeeze3A_60 : f32 to vector<16xf32>
        %mul3A_936 = arith.mulf %max3A_934, %mul3A_935 : vector<16xf32>
        %add3A_937 = arith.addf %add3A_923, %mul3A_936 : vector<16xf32>
        %exp3A = math.exp %add3A_937 : vector<16xf32>
        tpu.vector_store_idx %arg32[%add3A_833, %broadcast_in_dim3A_5], %exp3A : memref<256x16xf32, #tpu.memory_space<vmem>>[vector<16xi32>, vector<16xi32>], vector<16xf32>,
        %mul3A_938 = arith.mulf %exp3A, %gather3A : vector<16xf32>
        tpu.vector_store_idx %arg32[%add3A_833, %broadcast_in_dim3A_7], %mul3A_938 : memref<256x16xf32, #tpu.memory_space<vmem>>[vector<16xi32>, vector<16xi32>], vector<16xf32>,
        %mul3A_939 = arith.mulf %exp3A, %gather3A_842 : vector<16xf32>
        tpu.vector_store_idx %arg32[%add3A_833, %broadcast_in_dim3A_9], %mul3A_939 : memref<256x16xf32, #tpu.memory_space<vmem>>[vector<16xi32>, vector<16xi32>], vector<16xf32>,
        %mul3A_940 = arith.mulf %exp3A, %gather3A_843 : vector<16xf32>
        tpu.vector_store_idx %arg32[%add3A_833, %broadcast_in_dim3A_11], %mul3A_940 : memref<256x16xf32, #tpu.memory_space<vmem>>[vector<16xi32>, vector<16xi32>], vector<16xf32>,
        %mul3A_941 = arith.mulf %exp3A, %gather3A_844 : vector<16xf32>
        tpu.vector_store_idx %arg32[%add3A_833, %broadcast_in_dim3A_13], %mul3A_941 : memref<256x16xf32, #tpu.memory_space<vmem>>[vector<16xi32>, vector<16xi32>], vector<16xf32>,
        %mul3A_942 = arith.mulf %exp3A, %gather3A_845 : vector<16xf32>
        tpu.vector_store_idx %arg32[%add3A_833, %broadcast_in_dim3A_15], %mul3A_942 : memref<256x16xf32, #tpu.memory_space<vmem>>[vector<16xi32>, vector<16xi32>], vector<16xf32>,
        %mul3A_943 = arith.mulf %exp3A, %gather3A_846 : vector<16xf32>
        tpu.vector_store_idx %arg32[%add3A_833, %broadcast_in_dim3A_17], %mul3A_943 : memref<256x16xf32, #tpu.memory_space<vmem>>[vector<16xi32>, vector<16xi32>], vector<16xf32>,
        tpu.vector_store_idx %arg32[%add3A_833, %broadcast_in_dim3A_19], %broadcast_in_dim3A_62 : memref<256x16xf32, #tpu.memory_space<vmem>>[vector<16xi32>, vector<16xi32>], vector<16xf32>,
        tpu.vector_store_idx %arg32[%add3A_833, %broadcast_in_dim3A_21], %get3A_837 : memref<256x16xf32, #tpu.memory_space<vmem>>[vector<16xi32>, vector<16xi32>], vector<16xf32>,
        tpu.vector_store_idx %arg32[%add3A_833, %broadcast_in_dim3A_23], %get3A_841 : memref<256x16xf32, #tpu.memory_space<vmem>>[vector<16xi32>, vector<16xi32>], vector<16xf32>,
        %scan3A_944 = arith.constant 1 : i32
        %scan3A_945 = arith.addi %scan3A_829, %scan3A_944 : i32
        %mul3A_946 = arith.constant 16 : i32
        %mul3A_947 = arith.muli %scan3A_945, %mul3A_946 : i32
        %add3A_948 = vector.broadcast %mul3A_947 : i32 to vector<16xi32>
        %add3A_949 = arith.addi %add3A_948, %iota3A : vector<16xi32>
        %mul3A_950 = arith.constant 16 : i32
        %mul3A_951 = arith.muli %scan3A_945, %mul3A_950 : i32
        %get3A_952 = arith.index_cast %mul3A_951 : i32 to index
        %get3A_953 = tpu.vector_load %arg20[%get3A_952] {strides = array<i32>} : memref<256xf32, #tpu.memory_space<vmem>>, vector<16xf32>,
        %mul3A_954 = arith.constant 16 : i32
        %mul3A_955 = arith.muli %scan3A_945, %mul3A_954 : i32
        %get3A_956 = arith.index_cast %mul3A_955 : i32 to index
        %get3A_957 = tpu.vector_load %arg24[%get3A_956] {strides = array<i32>} : memref<256xf32, #tpu.memory_space<vmem>>, vector<16xf32>,
        %gather3A_958 = tpu.vector_load_idx %arg28[%add3A_949, %broadcast_in_dim3A_5] : memref<256x8xf32, #tpu.memory_space<vmem>>[vector<16xi32>, vector<16xi32>], vector<16xf32>,
        %gather3A_959 = tpu.vector_load_idx %arg28[%add3A_949, %broadcast_in_dim3A_7] : memref<256x8xf32, #tpu.memory_space<vmem>>[vector<16xi32>, vector<16xi32>], vector<16xf32>,
        %gather3A_960 = tpu.vector_load_idx %arg28[%add3A_949, %broadcast_in_dim3A_9] : memref<256x8xf32, #tpu.memory_space<vmem>>[vector<16xi32>, vector<16xi32>], vector<16xf32>,
        %gather3A_961 = tpu.vector_load_idx %arg28[%add3A_949, %broadcast_in_dim3A_11] : memref<256x8xf32, #tpu.memory_space<vmem>>[vector<16xi32>, vector<16xi32>], vector<16xf32>,
        %gather3A_962 = tpu.vector_load_idx %arg28[%add3A_949, %broadcast_in_dim3A_13] : memref<256x8xf32, #tpu.memory_space<vmem>>[vector<16xi32>, vector<16xi32>], vector<16xf32>,
        %gather3A_963 = tpu.vector_load_idx %arg28[%add3A_949, %broadcast_in_dim3A_15] : memref<256x8xf32, #tpu.memory_space<vmem>>[vector<16xi32>, vector<16xi32>], vector<16xf32>,
        %gather3A_964 = tpu.vector_load_idx %arg30[%add3A_949, %broadcast_in_dim3A_5] : memref<256x8xf32, #tpu.memory_space<vmem>>[vector<16xi32>, vector<16xi32>], vector<16xf32>,
        %gather3A_965 = tpu.vector_load_idx %arg30[%add3A_949, %broadcast_in_dim3A_7] : memref<256x8xf32, #tpu.memory_space<vmem>>[vector<16xi32>, vector<16xi32>], vector<16xf32>,
        %gather3A_966 = tpu.vector_load_idx %arg30[%add3A_949, %broadcast_in_dim3A_9] : memref<256x8xf32, #tpu.memory_space<vmem>>[vector<16xi32>, vector<16xi32>], vector<16xf32>,
        %gather3A_967 = tpu.vector_load_idx %arg30[%add3A_949, %broadcast_in_dim3A_11] : memref<256x8xf32, #tpu.memory_space<vmem>>[vector<16xi32>, vector<16xi32>], vector<16xf32>,
        %gather3A_968 = tpu.vector_load_idx %arg30[%add3A_949, %broadcast_in_dim3A_13] : memref<256x8xf32, #tpu.memory_space<vmem>>[vector<16xi32>, vector<16xi32>], vector<16xf32>,
        %gather3A_969 = tpu.vector_load_idx %arg30[%add3A_949, %broadcast_in_dim3A_15] : memref<256x8xf32, #tpu.memory_space<vmem>>[vector<16xi32>, vector<16xi32>], vector<16xf32>,
        %broadcast_in_dim3A_970 = arith.constant 0.000000e+00 : f32
        %broadcast_in_dim3A_971 = vector.broadcast %broadcast_in_dim3A_970 : f32 to vector<16xf32>
        %add3A_972 = arith.addf %gather3A_958, %gather3A_964 : vector<16xf32>
        %mul3A_973 = vector.broadcast %squeeze3A : f32 to vector<16xf32>
        %mul3A_974 = arith.mulf %get3A_953, %mul3A_973 : vector<16xf32>
        %add3A_975 = arith.addf %add3A_972, %mul3A_974 : vector<16xf32>
        %mul3A_976 = vector.broadcast %squeeze3A_38 : f32 to vector<16xf32>
        %mul3A_977 = arith.mulf %get3A_957, %mul3A_976 : vector<16xf32>
        %add3A_978 = arith.addf %add3A_975, %mul3A_977 : vector<16xf32>
        %mul3A_979 = arith.constant 2.000000e-01 : f32
        %mul3A_980 = vector.broadcast %mul3A_979 : f32 to vector<16xf32>
        %mul3A_981 = arith.mulf %add3A_978, %mul3A_980 : vector<16xf32>
        %max3A_982 = arith.maximumf %add3A_978, %mul3A_981 : vector<16xf32>
        %mul3A_983 = vector.broadcast %squeeze3A_50 : f32 to vector<16xf32>
        %mul3A_984 = arith.mulf %max3A_982, %mul3A_983 : vector<16xf32>
        %add3A_985 = arith.addf %broadcast_in_dim3A_971, %mul3A_984 : vector<16xf32>
        %add3A_986 = arith.addf %gather3A_959, %gather3A_965 : vector<16xf32>
        %mul3A_987 = vector.broadcast %squeeze3A_28 : f32 to vector<16xf32>
        %mul3A_988 = arith.mulf %get3A_953, %mul3A_987 : vector<16xf32>
        %add3A_989 = arith.addf %add3A_986, %mul3A_988 : vector<16xf32>
        %mul3A_990 = vector.broadcast %squeeze3A_40 : f32 to vector<16xf32>
        %mul3A_991 = arith.mulf %get3A_957, %mul3A_990 : vector<16xf32>
        %add3A_992 = arith.addf %add3A_989, %mul3A_991 : vector<16xf32>
        %mul3A_993 = arith.constant 2.000000e-01 : f32
        %mul3A_994 = vector.broadcast %mul3A_993 : f32 to vector<16xf32>
        %mul3A_995 = arith.mulf %add3A_992, %mul3A_994 : vector<16xf32>
        %max3A_996 = arith.maximumf %add3A_992, %mul3A_995 : vector<16xf32>
        %mul3A_997 = vector.broadcast %squeeze3A_52 : f32 to vector<16xf32>
        %mul3A_998 = arith.mulf %max3A_996, %mul3A_997 : vector<16xf32>
        %add3A_999 = arith.addf %add3A_985, %mul3A_998 : vector<16xf32>
        %add3A_1000 = arith.addf %gather3A_960, %gather3A_966 : vector<16xf32>
        %mul3A_1001 = vector.broadcast %squeeze3A_30 : f32 to vector<16xf32>
        %mul3A_1002 = arith.mulf %get3A_953, %mul3A_1001 : vector<16xf32>
        %add3A_1003 = arith.addf %add3A_1000, %mul3A_1002 : vector<16xf32>
        %mul3A_1004 = vector.broadcast %squeeze3A_42 : f32 to vector<16xf32>
        %mul3A_1005 = arith.mulf %get3A_957, %mul3A_1004 : vector<16xf32>
        %add3A_1006 = arith.addf %add3A_1003, %mul3A_1005 : vector<16xf32>
        %mul3A_1007 = arith.constant 2.000000e-01 : f32
        %mul3A_1008 = vector.broadcast %mul3A_1007 : f32 to vector<16xf32>
        %mul3A_1009 = arith.mulf %add3A_1006, %mul3A_1008 : vector<16xf32>
        %max3A_1010 = arith.maximumf %add3A_1006, %mul3A_1009 : vector<16xf32>
        %mul3A_1011 = vector.broadcast %squeeze3A_54 : f32 to vector<16xf32>
        %mul3A_1012 = arith.mulf %max3A_1010, %mul3A_1011 : vector<16xf32>
        %add3A_1013 = arith.addf %add3A_999, %mul3A_1012 : vector<16xf32>
        %add3A_1014 = arith.addf %gather3A_961, %gather3A_967 : vector<16xf32>
        %mul3A_1015 = vector.broadcast %squeeze3A_32 : f32 to vector<16xf32>
        %mul3A_1016 = arith.mulf %get3A_953, %mul3A_1015 : vector<16xf32>
        %add3A_1017 = arith.addf %add3A_1014, %mul3A_1016 : vector<16xf32>
        %mul3A_1018 = vector.broadcast %squeeze3A_44 : f32 to vector<16xf32>
        %mul3A_1019 = arith.mulf %get3A_957, %mul3A_1018 : vector<16xf32>
        %add3A_1020 = arith.addf %add3A_1017, %mul3A_1019 : vector<16xf32>
        %mul3A_1021 = arith.constant 2.000000e-01 : f32
        %mul3A_1022 = vector.broadcast %mul3A_1021 : f32 to vector<16xf32>
        %mul3A_1023 = arith.mulf %add3A_1020, %mul3A_1022 : vector<16xf32>
        %max3A_1024 = arith.maximumf %add3A_1020, %mul3A_1023 : vector<16xf32>
        %mul3A_1025 = vector.broadcast %squeeze3A_56 : f32 to vector<16xf32>
        %mul3A_1026 = arith.mulf %max3A_1024, %mul3A_1025 : vector<16xf32>
        %add3A_1027 = arith.addf %add3A_1013, %mul3A_1026 : vector<16xf32>
        %add3A_1028 = arith.addf %gather3A_962, %gather3A_968 : vector<16xf32>
        %mul3A_1029 = vector.broadcast %squeeze3A_34 : f32 to vector<16xf32>
        %mul3A_1030 = arith.mulf %get3A_953, %mul3A_1029 : vector<16xf32>
        %add3A_1031 = arith.addf %add3A_1028, %mul3A_1030 : vector<16xf32>
        %mul3A_1032 = vector.broadcast %squeeze3A_46 : f32 to vector<16xf32>
        %mul3A_1033 = arith.mulf %get3A_957, %mul3A_1032 : vector<16xf32>
        %add3A_1034 = arith.addf %add3A_1031, %mul3A_1033 : vector<16xf32>
        %mul3A_1035 = arith.constant 2.000000e-01 : f32
        %mul3A_1036 = vector.broadcast %mul3A_1035 : f32 to vector<16xf32>
        %mul3A_1037 = arith.mulf %add3A_1034, %mul3A_1036 : vector<16xf32>
        %max3A_1038 = arith.maximumf %add3A_1034, %mul3A_1037 : vector<16xf32>
        %mul3A_1039 = vector.broadcast %squeeze3A_58 : f32 to vector<16xf32>
        %mul3A_1040 = arith.mulf %max3A_1038, %mul3A_1039 : vector<16xf32>
        %add3A_1041 = arith.addf %add3A_1027, %mul3A_1040 : vector<16xf32>
        %add3A_1042 = arith.addf %gather3A_963, %gather3A_969 : vector<16xf32>
        %mul3A_1043 = vector.broadcast %squeeze3A_36 : f32 to vector<16xf32>
        %mul3A_1044 = arith.mulf %get3A_953, %mul3A_1043 : vector<16xf32>
        %add3A_1045 = arith.addf %add3A_1042, %mul3A_1044 : vector<16xf32>
        %mul3A_1046 = vector.broadcast %squeeze3A_48 : f32 to vector<16xf32>
        %mul3A_1047 = arith.mulf %get3A_957, %mul3A_1046 : vector<16xf32>
        %add3A_1048 = arith.addf %add3A_1045, %mul3A_1047 : vector<16xf32>
        %mul3A_1049 = arith.constant 2.000000e-01 : f32
        %mul3A_1050 = vector.broadcast %mul3A_1049 : f32 to vector<16xf32>
        %mul3A_1051 = arith.mulf %add3A_1048, %mul3A_1050 : vector<16xf32>
        %max3A_1052 = arith.maximumf %add3A_1048, %mul3A_1051 : vector<16xf32>
        %mul3A_1053 = vector.broadcast %squeeze3A_60 : f32 to vector<16xf32>
        %mul3A_1054 = arith.mulf %max3A_1052, %mul3A_1053 : vector<16xf32>
        %add3A_1055 = arith.addf %add3A_1041, %mul3A_1054 : vector<16xf32>
        %exp3A_1056 = math.exp %add3A_1055 : vector<16xf32>
        tpu.vector_store_idx %arg32[%add3A_949, %broadcast_in_dim3A_5], %exp3A_1056 : memref<256x16xf32, #tpu.memory_space<vmem>>[vector<16xi32>, vector<16xi32>], vector<16xf32>,
        %mul3A_1057 = arith.mulf %exp3A_1056, %gather3A_958 : vector<16xf32>
        tpu.vector_store_idx %arg32[%add3A_949, %broadcast_in_dim3A_7], %mul3A_1057 : memref<256x16xf32, #tpu.memory_space<vmem>>[vector<16xi32>, vector<16xi32>], vector<16xf32>,
        %mul3A_1058 = arith.mulf %exp3A_1056, %gather3A_959 : vector<16xf32>
        tpu.vector_store_idx %arg32[%add3A_949, %broadcast_in_dim3A_9], %mul3A_1058 : memref<256x16xf32, #tpu.memory_space<vmem>>[vector<16xi32>, vector<16xi32>], vector<16xf32>,
        %mul3A_1059 = arith.mulf %exp3A_1056, %gather3A_960 : vector<16xf32>
        tpu.vector_store_idx %arg32[%add3A_949, %broadcast_in_dim3A_11], %mul3A_1059 : memref<256x16xf32, #tpu.memory_space<vmem>>[vector<16xi32>, vector<16xi32>], vector<16xf32>,
        %mul3A_1060 = arith.mulf %exp3A_1056, %gather3A_961 : vector<16xf32>
        tpu.vector_store_idx %arg32[%add3A_949, %broadcast_in_dim3A_13], %mul3A_1060 : memref<256x16xf32, #tpu.memory_space<vmem>>[vector<16xi32>, vector<16xi32>], vector<16xf32>,
        %mul3A_1061 = arith.mulf %exp3A_1056, %gather3A_962 : vector<16xf32>
        tpu.vector_store_idx %arg32[%add3A_949, %broadcast_in_dim3A_15], %mul3A_1061 : memref<256x16xf32, #tpu.memory_space<vmem>>[vector<16xi32>, vector<16xi32>], vector<16xf32>,
        %mul3A_1062 = arith.mulf %exp3A_1056, %gather3A_963 : vector<16xf32>
        tpu.vector_store_idx %arg32[%add3A_949, %broadcast_in_dim3A_17], %mul3A_1062 : memref<256x16xf32, #tpu.memory_space<vmem>>[vector<16xi32>, vector<16xi32>], vector<16xf32>,
        tpu.vector_store_idx %arg32[%add3A_949, %broadcast_in_dim3A_19], %broadcast_in_dim3A_62 : memref<256x16xf32, #tpu.memory_space<vmem>>[vector<16xi32>, vector<16xi32>], vector<16xf32>,
        tpu.vector_store_idx %arg32[%add3A_949, %broadcast_in_dim3A_21], %get3A_953 : memref<256x16xf32, #tpu.memory_space<vmem>>[vector<16xi32>, vector<16xi32>], vector<16xf32>,
        tpu.vector_store_idx %arg32[%add3A_949, %broadcast_in_dim3A_23], %get3A_957 : memref<256x16xf32, #tpu.memory_space<vmem>>[vector<16xi32>, vector<16xi32>], vector<16xf32>,
        %scan3A_1063 = arith.constant 2 : i32
        %scan3A_1064 = arith.addi %scan3A_829, %scan3A_1063 : i32
        %mul3A_1065 = arith.constant 16 : i32
        %mul3A_1066 = arith.muli %scan3A_1064, %mul3A_1065 : i32
        %add3A_1067 = vector.broadcast %mul3A_1066 : i32 to vector<16xi32>
        %add3A_1068 = arith.addi %add3A_1067, %iota3A : vector<16xi32>
        %mul3A_1069 = arith.constant 16 : i32
        %mul3A_1070 = arith.muli %scan3A_1064, %mul3A_1069 : i32
        %get3A_1071 = arith.index_cast %mul3A_1070 : i32 to index
        %get3A_1072 = tpu.vector_load %arg20[%get3A_1071] {strides = array<i32>} : memref<256xf32, #tpu.memory_space<vmem>>, vector<16xf32>,
        %mul3A_1073 = arith.constant 16 : i32
        %mul3A_1074 = arith.muli %scan3A_1064, %mul3A_1073 : i32
        %get3A_1075 = arith.index_cast %mul3A_1074 : i32 to index
        %get3A_1076 = tpu.vector_load %arg24[%get3A_1075] {strides = array<i32>} : memref<256xf32, #tpu.memory_space<vmem>>, vector<16xf32>,
        %gather3A_1077 = tpu.vector_load_idx %arg28[%add3A_1068, %broadcast_in_dim3A_5] : memref<256x8xf32, #tpu.memory_space<vmem>>[vector<16xi32>, vector<16xi32>], vector<16xf32>,
        %gather3A_1078 = tpu.vector_load_idx %arg28[%add3A_1068, %broadcast_in_dim3A_7] : memref<256x8xf32, #tpu.memory_space<vmem>>[vector<16xi32>, vector<16xi32>], vector<16xf32>,
        %gather3A_1079 = tpu.vector_load_idx %arg28[%add3A_1068, %broadcast_in_dim3A_9] : memref<256x8xf32, #tpu.memory_space<vmem>>[vector<16xi32>, vector<16xi32>], vector<16xf32>,
        %gather3A_1080 = tpu.vector_load_idx %arg28[%add3A_1068, %broadcast_in_dim3A_11] : memref<256x8xf32, #tpu.memory_space<vmem>>[vector<16xi32>, vector<16xi32>], vector<16xf32>,
        %gather3A_1081 = tpu.vector_load_idx %arg28[%add3A_1068, %broadcast_in_dim3A_13] : memref<256x8xf32, #tpu.memory_space<vmem>>[vector<16xi32>, vector<16xi32>], vector<16xf32>,
        %gather3A_1082 = tpu.vector_load_idx %arg28[%add3A_1068, %broadcast_in_dim3A_15] : memref<256x8xf32, #tpu.memory_space<vmem>>[vector<16xi32>, vector<16xi32>], vector<16xf32>,
        %gather3A_1083 = tpu.vector_load_idx %arg30[%add3A_1068, %broadcast_in_dim3A_5] : memref<256x8xf32, #tpu.memory_space<vmem>>[vector<16xi32>, vector<16xi32>], vector<16xf32>,
        %gather3A_1084 = tpu.vector_load_idx %arg30[%add3A_1068, %broadcast_in_dim3A_7] : memref<256x8xf32, #tpu.memory_space<vmem>>[vector<16xi32>, vector<16xi32>], vector<16xf32>,
        %gather3A_1085 = tpu.vector_load_idx %arg30[%add3A_1068, %broadcast_in_dim3A_9] : memref<256x8xf32, #tpu.memory_space<vmem>>[vector<16xi32>, vector<16xi32>], vector<16xf32>,
        %gather3A_1086 = tpu.vector_load_idx %arg30[%add3A_1068, %broadcast_in_dim3A_11] : memref<256x8xf32, #tpu.memory_space<vmem>>[vector<16xi32>, vector<16xi32>], vector<16xf32>,
        %gather3A_1087 = tpu.vector_load_idx %arg30[%add3A_1068, %broadcast_in_dim3A_13] : memref<256x8xf32, #tpu.memory_space<vmem>>[vector<16xi32>, vector<16xi32>], vector<16xf32>,
        %gather3A_1088 = tpu.vector_load_idx %arg30[%add3A_1068, %broadcast_in_dim3A_15] : memref<256x8xf32, #tpu.memory_space<vmem>>[vector<16xi32>, vector<16xi32>], vector<16xf32>,
        %broadcast_in_dim3A_1089 = arith.constant 0.000000e+00 : f32
        %broadcast_in_dim3A_1090 = vector.broadcast %broadcast_in_dim3A_1089 : f32 to vector<16xf32>
        %add3A_1091 = arith.addf %gather3A_1077, %gather3A_1083 : vector<16xf32>
        %mul3A_1092 = vector.broadcast %squeeze3A : f32 to vector<16xf32>
        %mul3A_1093 = arith.mulf %get3A_1072, %mul3A_1092 : vector<16xf32>
        %add3A_1094 = arith.addf %add3A_1091, %mul3A_1093 : vector<16xf32>
        %mul3A_1095 = vector.broadcast %squeeze3A_38 : f32 to vector<16xf32>
        %mul3A_1096 = arith.mulf %get3A_1076, %mul3A_1095 : vector<16xf32>
        %add3A_1097 = arith.addf %add3A_1094, %mul3A_1096 : vector<16xf32>
        %mul3A_1098 = arith.constant 2.000000e-01 : f32
        %mul3A_1099 = vector.broadcast %mul3A_1098 : f32 to vector<16xf32>
        %mul3A_1100 = arith.mulf %add3A_1097, %mul3A_1099 : vector<16xf32>
        %max3A_1101 = arith.maximumf %add3A_1097, %mul3A_1100 : vector<16xf32>
        %mul3A_1102 = vector.broadcast %squeeze3A_50 : f32 to vector<16xf32>
        %mul3A_1103 = arith.mulf %max3A_1101, %mul3A_1102 : vector<16xf32>
        %add3A_1104 = arith.addf %broadcast_in_dim3A_1090, %mul3A_1103 : vector<16xf32>
        %add3A_1105 = arith.addf %gather3A_1078, %gather3A_1084 : vector<16xf32>
        %mul3A_1106 = vector.broadcast %squeeze3A_28 : f32 to vector<16xf32>
        %mul3A_1107 = arith.mulf %get3A_1072, %mul3A_1106 : vector<16xf32>
        %add3A_1108 = arith.addf %add3A_1105, %mul3A_1107 : vector<16xf32>
        %mul3A_1109 = vector.broadcast %squeeze3A_40 : f32 to vector<16xf32>
        %mul3A_1110 = arith.mulf %get3A_1076, %mul3A_1109 : vector<16xf32>
        %add3A_1111 = arith.addf %add3A_1108, %mul3A_1110 : vector<16xf32>
        %mul3A_1112 = arith.constant 2.000000e-01 : f32
        %mul3A_1113 = vector.broadcast %mul3A_1112 : f32 to vector<16xf32>
        %mul3A_1114 = arith.mulf %add3A_1111, %mul3A_1113 : vector<16xf32>
        %max3A_1115 = arith.maximumf %add3A_1111, %mul3A_1114 : vector<16xf32>
        %mul3A_1116 = vector.broadcast %squeeze3A_52 : f32 to vector<16xf32>
        %mul3A_1117 = arith.mulf %max3A_1115, %mul3A_1116 : vector<16xf32>
        %add3A_1118 = arith.addf %add3A_1104, %mul3A_1117 : vector<16xf32>
        %add3A_1119 = arith.addf %gather3A_1079, %gather3A_1085 : vector<16xf32>
        %mul3A_1120 = vector.broadcast %squeeze3A_30 : f32 to vector<16xf32>
        %mul3A_1121 = arith.mulf %get3A_1072, %mul3A_1120 : vector<16xf32>
        %add3A_1122 = arith.addf %add3A_1119, %mul3A_1121 : vector<16xf32>
        %mul3A_1123 = vector.broadcast %squeeze3A_42 : f32 to vector<16xf32>
        %mul3A_1124 = arith.mulf %get3A_1076, %mul3A_1123 : vector<16xf32>
        %add3A_1125 = arith.addf %add3A_1122, %mul3A_1124 : vector<16xf32>
        %mul3A_1126 = arith.constant 2.000000e-01 : f32
        %mul3A_1127 = vector.broadcast %mul3A_1126 : f32 to vector<16xf32>
        %mul3A_1128 = arith.mulf %add3A_1125, %mul3A_1127 : vector<16xf32>
        %max3A_1129 = arith.maximumf %add3A_1125, %mul3A_1128 : vector<16xf32>
        %mul3A_1130 = vector.broadcast %squeeze3A_54 : f32 to vector<16xf32>
        %mul3A_1131 = arith.mulf %max3A_1129, %mul3A_1130 : vector<16xf32>
        %add3A_1132 = arith.addf %add3A_1118, %mul3A_1131 : vector<16xf32>
        %add3A_1133 = arith.addf %gather3A_1080, %gather3A_1086 : vector<16xf32>
        %mul3A_1134 = vector.broadcast %squeeze3A_32 : f32 to vector<16xf32>
        %mul3A_1135 = arith.mulf %get3A_1072, %mul3A_1134 : vector<16xf32>
        %add3A_1136 = arith.addf %add3A_1133, %mul3A_1135 : vector<16xf32>
        %mul3A_1137 = vector.broadcast %squeeze3A_44 : f32 to vector<16xf32>
        %mul3A_1138 = arith.mulf %get3A_1076, %mul3A_1137 : vector<16xf32>
        %add3A_1139 = arith.addf %add3A_1136, %mul3A_1138 : vector<16xf32>
        %mul3A_1140 = arith.constant 2.000000e-01 : f32
        %mul3A_1141 = vector.broadcast %mul3A_1140 : f32 to vector<16xf32>
        %mul3A_1142 = arith.mulf %add3A_1139, %mul3A_1141 : vector<16xf32>
        %max3A_1143 = arith.maximumf %add3A_1139, %mul3A_1142 : vector<16xf32>
        %mul3A_1144 = vector.broadcast %squeeze3A_56 : f32 to vector<16xf32>
        %mul3A_1145 = arith.mulf %max3A_1143, %mul3A_1144 : vector<16xf32>
        %add3A_1146 = arith.addf %add3A_1132, %mul3A_1145 : vector<16xf32>
        %add3A_1147 = arith.addf %gather3A_1081, %gather3A_1087 : vector<16xf32>
        %mul3A_1148 = vector.broadcast %squeeze3A_34 : f32 to vector<16xf32>
        %mul3A_1149 = arith.mulf %get3A_1072, %mul3A_1148 : vector<16xf32>
        %add3A_1150 = arith.addf %add3A_1147, %mul3A_1149 : vector<16xf32>
        %mul3A_1151 = vector.broadcast %squeeze3A_46 : f32 to vector<16xf32>
        %mul3A_1152 = arith.mulf %get3A_1076, %mul3A_1151 : vector<16xf32>
        %add3A_1153 = arith.addf %add3A_1150, %mul3A_1152 : vector<16xf32>
        %mul3A_1154 = arith.constant 2.000000e-01 : f32
        %mul3A_1155 = vector.broadcast %mul3A_1154 : f32 to vector<16xf32>
        %mul3A_1156 = arith.mulf %add3A_1153, %mul3A_1155 : vector<16xf32>
        %max3A_1157 = arith.maximumf %add3A_1153, %mul3A_1156 : vector<16xf32>
        %mul3A_1158 = vector.broadcast %squeeze3A_58 : f32 to vector<16xf32>
        %mul3A_1159 = arith.mulf %max3A_1157, %mul3A_1158 : vector<16xf32>
        %add3A_1160 = arith.addf %add3A_1146, %mul3A_1159 : vector<16xf32>
        %add3A_1161 = arith.addf %gather3A_1082, %gather3A_1088 : vector<16xf32>
        %mul3A_1162 = vector.broadcast %squeeze3A_36 : f32 to vector<16xf32>
        %mul3A_1163 = arith.mulf %get3A_1072, %mul3A_1162 : vector<16xf32>
        %add3A_1164 = arith.addf %add3A_1161, %mul3A_1163 : vector<16xf32>
        %mul3A_1165 = vector.broadcast %squeeze3A_48 : f32 to vector<16xf32>
        %mul3A_1166 = arith.mulf %get3A_1076, %mul3A_1165 : vector<16xf32>
        %add3A_1167 = arith.addf %add3A_1164, %mul3A_1166 : vector<16xf32>
        %mul3A_1168 = arith.constant 2.000000e-01 : f32
        %mul3A_1169 = vector.broadcast %mul3A_1168 : f32 to vector<16xf32>
        %mul3A_1170 = arith.mulf %add3A_1167, %mul3A_1169 : vector<16xf32>
        %max3A_1171 = arith.maximumf %add3A_1167, %mul3A_1170 : vector<16xf32>
        %mul3A_1172 = vector.broadcast %squeeze3A_60 : f32 to vector<16xf32>
        %mul3A_1173 = arith.mulf %max3A_1171, %mul3A_1172 : vector<16xf32>
        %add3A_1174 = arith.addf %add3A_1160, %mul3A_1173 : vector<16xf32>
        %exp3A_1175 = math.exp %add3A_1174 : vector<16xf32>
        tpu.vector_store_idx %arg32[%add3A_1068, %broadcast_in_dim3A_5], %exp3A_1175 : memref<256x16xf32, #tpu.memory_space<vmem>>[vector<16xi32>, vector<16xi32>], vector<16xf32>,
        %mul3A_1176 = arith.mulf %exp3A_1175, %gather3A_1077 : vector<16xf32>
        tpu.vector_store_idx %arg32[%add3A_1068, %broadcast_in_dim3A_7], %mul3A_1176 : memref<256x16xf32, #tpu.memory_space<vmem>>[vector<16xi32>, vector<16xi32>], vector<16xf32>,
        %mul3A_1177 = arith.mulf %exp3A_1175, %gather3A_1078 : vector<16xf32>
        tpu.vector_store_idx %arg32[%add3A_1068, %broadcast_in_dim3A_9], %mul3A_1177 : memref<256x16xf32, #tpu.memory_space<vmem>>[vector<16xi32>, vector<16xi32>], vector<16xf32>,
        %mul3A_1178 = arith.mulf %exp3A_1175, %gather3A_1079 : vector<16xf32>
        tpu.vector_store_idx %arg32[%add3A_1068, %broadcast_in_dim3A_11], %mul3A_1178 : memref<256x16xf32, #tpu.memory_space<vmem>>[vector<16xi32>, vector<16xi32>], vector<16xf32>,
        %mul3A_1179 = arith.mulf %exp3A_1175, %gather3A_1080 : vector<16xf32>
        tpu.vector_store_idx %arg32[%add3A_1068, %broadcast_in_dim3A_13], %mul3A_1179 : memref<256x16xf32, #tpu.memory_space<vmem>>[vector<16xi32>, vector<16xi32>], vector<16xf32>,
        %mul3A_1180 = arith.mulf %exp3A_1175, %gather3A_1081 : vector<16xf32>
        tpu.vector_store_idx %arg32[%add3A_1068, %broadcast_in_dim3A_15], %mul3A_1180 : memref<256x16xf32, #tpu.memory_space<vmem>>[vector<16xi32>, vector<16xi32>], vector<16xf32>,
        %mul3A_1181 = arith.mulf %exp3A_1175, %gather3A_1082 : vector<16xf32>
        tpu.vector_store_idx %arg32[%add3A_1068, %broadcast_in_dim3A_17], %mul3A_1181 : memref<256x16xf32, #tpu.memory_space<vmem>>[vector<16xi32>, vector<16xi32>], vector<16xf32>,
        tpu.vector_store_idx %arg32[%add3A_1068, %broadcast_in_dim3A_19], %broadcast_in_dim3A_62 : memref<256x16xf32, #tpu.memory_space<vmem>>[vector<16xi32>, vector<16xi32>], vector<16xf32>,
        tpu.vector_store_idx %arg32[%add3A_1068, %broadcast_in_dim3A_21], %get3A_1072 : memref<256x16xf32, #tpu.memory_space<vmem>>[vector<16xi32>, vector<16xi32>], vector<16xf32>,
        tpu.vector_store_idx %arg32[%add3A_1068, %broadcast_in_dim3A_23], %get3A_1076 : memref<256x16xf32, #tpu.memory_space<vmem>>[vector<16xi32>, vector<16xi32>], vector<16xf32>,
        %scan3A_1182 = arith.constant 3 : i32
        %scan3A_1183 = arith.addi %scan3A_829, %scan3A_1182 : i32
        %mul3A_1184 = arith.constant 16 : i32
        %mul3A_1185 = arith.muli %scan3A_1183, %mul3A_1184 : i32
        %add3A_1186 = vector.broadcast %mul3A_1185 : i32 to vector<16xi32>
        %add3A_1187 = arith.addi %add3A_1186, %iota3A : vector<16xi32>
        %mul3A_1188 = arith.constant 16 : i32
        %mul3A_1189 = arith.muli %scan3A_1183, %mul3A_1188 : i32
        %get3A_1190 = arith.index_cast %mul3A_1189 : i32 to index
        %get3A_1191 = tpu.vector_load %arg20[%get3A_1190] {strides = array<i32>} : memref<256xf32, #tpu.memory_space<vmem>>, vector<16xf32>,
        %mul3A_1192 = arith.constant 16 : i32
        %mul3A_1193 = arith.muli %scan3A_1183, %mul3A_1192 : i32
        %get3A_1194 = arith.index_cast %mul3A_1193 : i32 to index
        %get3A_1195 = tpu.vector_load %arg24[%get3A_1194] {strides = array<i32>} : memref<256xf32, #tpu.memory_space<vmem>>, vector<16xf32>,
        %gather3A_1196 = tpu.vector_load_idx %arg28[%add3A_1187, %broadcast_in_dim3A_5] : memref<256x8xf32, #tpu.memory_space<vmem>>[vector<16xi32>, vector<16xi32>], vector<16xf32>,
        %gather3A_1197 = tpu.vector_load_idx %arg28[%add3A_1187, %broadcast_in_dim3A_7] : memref<256x8xf32, #tpu.memory_space<vmem>>[vector<16xi32>, vector<16xi32>], vector<16xf32>,
        %gather3A_1198 = tpu.vector_load_idx %arg28[%add3A_1187, %broadcast_in_dim3A_9] : memref<256x8xf32, #tpu.memory_space<vmem>>[vector<16xi32>, vector<16xi32>], vector<16xf32>,
        %gather3A_1199 = tpu.vector_load_idx %arg28[%add3A_1187, %broadcast_in_dim3A_11] : memref<256x8xf32, #tpu.memory_space<vmem>>[vector<16xi32>, vector<16xi32>], vector<16xf32>,
        %gather3A_1200 = tpu.vector_load_idx %arg28[%add3A_1187, %broadcast_in_dim3A_13] : memref<256x8xf32, #tpu.memory_space<vmem>>[vector<16xi32>, vector<16xi32>], vector<16xf32>,
        %gather3A_1201 = tpu.vector_load_idx %arg28[%add3A_1187, %broadcast_in_dim3A_15] : memref<256x8xf32, #tpu.memory_space<vmem>>[vector<16xi32>, vector<16xi32>], vector<16xf32>,
        %gather3A_1202 = tpu.vector_load_idx %arg30[%add3A_1187, %broadcast_in_dim3A_5] : memref<256x8xf32, #tpu.memory_space<vmem>>[vector<16xi32>, vector<16xi32>], vector<16xf32>,
        %gather3A_1203 = tpu.vector_load_idx %arg30[%add3A_1187, %broadcast_in_dim3A_7] : memref<256x8xf32, #tpu.memory_space<vmem>>[vector<16xi32>, vector<16xi32>], vector<16xf32>,
        %gather3A_1204 = tpu.vector_load_idx %arg30[%add3A_1187, %broadcast_in_dim3A_9] : memref<256x8xf32, #tpu.memory_space<vmem>>[vector<16xi32>, vector<16xi32>], vector<16xf32>,
        %gather3A_1205 = tpu.vector_load_idx %arg30[%add3A_1187, %broadcast_in_dim3A_11] : memref<256x8xf32, #tpu.memory_space<vmem>>[vector<16xi32>, vector<16xi32>], vector<16xf32>,
        %gather3A_1206 = tpu.vector_load_idx %arg30[%add3A_1187, %broadcast_in_dim3A_13] : memref<256x8xf32, #tpu.memory_space<vmem>>[vector<16xi32>, vector<16xi32>], vector<16xf32>,
        %gather3A_1207 = tpu.vector_load_idx %arg30[%add3A_1187, %broadcast_in_dim3A_15] : memref<256x8xf32, #tpu.memory_space<vmem>>[vector<16xi32>, vector<16xi32>], vector<16xf32>,
        %broadcast_in_dim3A_1208 = arith.constant 0.000000e+00 : f32
        %broadcast_in_dim3A_1209 = vector.broadcast %broadcast_in_dim3A_1208 : f32 to vector<16xf32>
        %add3A_1210 = arith.addf %gather3A_1196, %gather3A_1202 : vector<16xf32>
        %mul3A_1211 = vector.broadcast %squeeze3A : f32 to vector<16xf32>
        %mul3A_1212 = arith.mulf %get3A_1191, %mul3A_1211 : vector<16xf32>
        %add3A_1213 = arith.addf %add3A_1210, %mul3A_1212 : vector<16xf32>
        %mul3A_1214 = vector.broadcast %squeeze3A_38 : f32 to vector<16xf32>
        %mul3A_1215 = arith.mulf %get3A_1195, %mul3A_1214 : vector<16xf32>
        %add3A_1216 = arith.addf %add3A_1213, %mul3A_1215 : vector<16xf32>
        %mul3A_1217 = arith.constant 2.000000e-01 : f32
        %mul3A_1218 = vector.broadcast %mul3A_1217 : f32 to vector<16xf32>
        %mul3A_1219 = arith.mulf %add3A_1216, %mul3A_1218 : vector<16xf32>
        %max3A_1220 = arith.maximumf %add3A_1216, %mul3A_1219 : vector<16xf32>
        %mul3A_1221 = vector.broadcast %squeeze3A_50 : f32 to vector<16xf32>
        %mul3A_1222 = arith.mulf %max3A_1220, %mul3A_1221 : vector<16xf32>
        %add3A_1223 = arith.addf %broadcast_in_dim3A_1209, %mul3A_1222 : vector<16xf32>
        %add3A_1224 = arith.addf %gather3A_1197, %gather3A_1203 : vector<16xf32>
        %mul3A_1225 = vector.broadcast %squeeze3A_28 : f32 to vector<16xf32>
        %mul3A_1226 = arith.mulf %get3A_1191, %mul3A_1225 : vector<16xf32>
        %add3A_1227 = arith.addf %add3A_1224, %mul3A_1226 : vector<16xf32>
        %mul3A_1228 = vector.broadcast %squeeze3A_40 : f32 to vector<16xf32>
        %mul3A_1229 = arith.mulf %get3A_1195, %mul3A_1228 : vector<16xf32>
        %add3A_1230 = arith.addf %add3A_1227, %mul3A_1229 : vector<16xf32>
        %mul3A_1231 = arith.constant 2.000000e-01 : f32
        %mul3A_1232 = vector.broadcast %mul3A_1231 : f32 to vector<16xf32>
        %mul3A_1233 = arith.mulf %add3A_1230, %mul3A_1232 : vector<16xf32>
        %max3A_1234 = arith.maximumf %add3A_1230, %mul3A_1233 : vector<16xf32>
        %mul3A_1235 = vector.broadcast %squeeze3A_52 : f32 to vector<16xf32>
        %mul3A_1236 = arith.mulf %max3A_1234, %mul3A_1235 : vector<16xf32>
        %add3A_1237 = arith.addf %add3A_1223, %mul3A_1236 : vector<16xf32>
        %add3A_1238 = arith.addf %gather3A_1198, %gather3A_1204 : vector<16xf32>
        %mul3A_1239 = vector.broadcast %squeeze3A_30 : f32 to vector<16xf32>
        %mul3A_1240 = arith.mulf %get3A_1191, %mul3A_1239 : vector<16xf32>
        %add3A_1241 = arith.addf %add3A_1238, %mul3A_1240 : vector<16xf32>
        %mul3A_1242 = vector.broadcast %squeeze3A_42 : f32 to vector<16xf32>
        %mul3A_1243 = arith.mulf %get3A_1195, %mul3A_1242 : vector<16xf32>
        %add3A_1244 = arith.addf %add3A_1241, %mul3A_1243 : vector<16xf32>
        %mul3A_1245 = arith.constant 2.000000e-01 : f32
        %mul3A_1246 = vector.broadcast %mul3A_1245 : f32 to vector<16xf32>
        %mul3A_1247 = arith.mulf %add3A_1244, %mul3A_1246 : vector<16xf32>
        %max3A_1248 = arith.maximumf %add3A_1244, %mul3A_1247 : vector<16xf32>
        %mul3A_1249 = vector.broadcast %squeeze3A_54 : f32 to vector<16xf32>
        %mul3A_1250 = arith.mulf %max3A_1248, %mul3A_1249 : vector<16xf32>
        %add3A_1251 = arith.addf %add3A_1237, %mul3A_1250 : vector<16xf32>
        %add3A_1252 = arith.addf %gather3A_1199, %gather3A_1205 : vector<16xf32>
        %mul3A_1253 = vector.broadcast %squeeze3A_32 : f32 to vector<16xf32>
        %mul3A_1254 = arith.mulf %get3A_1191, %mul3A_1253 : vector<16xf32>
        %add3A_1255 = arith.addf %add3A_1252, %mul3A_1254 : vector<16xf32>
        %mul3A_1256 = vector.broadcast %squeeze3A_44 : f32 to vector<16xf32>
        %mul3A_1257 = arith.mulf %get3A_1195, %mul3A_1256 : vector<16xf32>
        %add3A_1258 = arith.addf %add3A_1255, %mul3A_1257 : vector<16xf32>
        %mul3A_1259 = arith.constant 2.000000e-01 : f32
        %mul3A_1260 = vector.broadcast %mul3A_1259 : f32 to vector<16xf32>
        %mul3A_1261 = arith.mulf %add3A_1258, %mul3A_1260 : vector<16xf32>
        %max3A_1262 = arith.maximumf %add3A_1258, %mul3A_1261 : vector<16xf32>
        %mul3A_1263 = vector.broadcast %squeeze3A_56 : f32 to vector<16xf32>
        %mul3A_1264 = arith.mulf %max3A_1262, %mul3A_1263 : vector<16xf32>
        %add3A_1265 = arith.addf %add3A_1251, %mul3A_1264 : vector<16xf32>
        %add3A_1266 = arith.addf %gather3A_1200, %gather3A_1206 : vector<16xf32>
        %mul3A_1267 = vector.broadcast %squeeze3A_34 : f32 to vector<16xf32>
        %mul3A_1268 = arith.mulf %get3A_1191, %mul3A_1267 : vector<16xf32>
        %add3A_1269 = arith.addf %add3A_1266, %mul3A_1268 : vector<16xf32>
        %mul3A_1270 = vector.broadcast %squeeze3A_46 : f32 to vector<16xf32>
        %mul3A_1271 = arith.mulf %get3A_1195, %mul3A_1270 : vector<16xf32>
        %add3A_1272 = arith.addf %add3A_1269, %mul3A_1271 : vector<16xf32>
        %mul3A_1273 = arith.constant 2.000000e-01 : f32
        %mul3A_1274 = vector.broadcast %mul3A_1273 : f32 to vector<16xf32>
        %mul3A_1275 = arith.mulf %add3A_1272, %mul3A_1274 : vector<16xf32>
        %max3A_1276 = arith.maximumf %add3A_1272, %mul3A_1275 : vector<16xf32>
        %mul3A_1277 = vector.broadcast %squeeze3A_58 : f32 to vector<16xf32>
        %mul3A_1278 = arith.mulf %max3A_1276, %mul3A_1277 : vector<16xf32>
        %add3A_1279 = arith.addf %add3A_1265, %mul3A_1278 : vector<16xf32>
        %add3A_1280 = arith.addf %gather3A_1201, %gather3A_1207 : vector<16xf32>
        %mul3A_1281 = vector.broadcast %squeeze3A_36 : f32 to vector<16xf32>
        %mul3A_1282 = arith.mulf %get3A_1191, %mul3A_1281 : vector<16xf32>
        %add3A_1283 = arith.addf %add3A_1280, %mul3A_1282 : vector<16xf32>
        %mul3A_1284 = vector.broadcast %squeeze3A_48 : f32 to vector<16xf32>
        %mul3A_1285 = arith.mulf %get3A_1195, %mul3A_1284 : vector<16xf32>
        %add3A_1286 = arith.addf %add3A_1283, %mul3A_1285 : vector<16xf32>
        %mul3A_1287 = arith.constant 2.000000e-01 : f32
        %mul3A_1288 = vector.broadcast %mul3A_1287 : f32 to vector<16xf32>
        %mul3A_1289 = arith.mulf %add3A_1286, %mul3A_1288 : vector<16xf32>
        %max3A_1290 = arith.maximumf %add3A_1286, %mul3A_1289 : vector<16xf32>
        %mul3A_1291 = vector.broadcast %squeeze3A_60 : f32 to vector<16xf32>
        %mul3A_1292 = arith.mulf %max3A_1290, %mul3A_1291 : vector<16xf32>
        %add3A_1293 = arith.addf %add3A_1279, %mul3A_1292 : vector<16xf32>
        %exp3A_1294 = math.exp %add3A_1293 : vector<16xf32>
        tpu.vector_store_idx %arg32[%add3A_1187, %broadcast_in_dim3A_5], %exp3A_1294 : memref<256x16xf32, #tpu.memory_space<vmem>>[vector<16xi32>, vector<16xi32>], vector<16xf32>,
        %mul3A_1295 = arith.mulf %exp3A_1294, %gather3A_1196 : vector<16xf32>
        tpu.vector_store_idx %arg32[%add3A_1187, %broadcast_in_dim3A_7], %mul3A_1295 : memref<256x16xf32, #tpu.memory_space<vmem>>[vector<16xi32>, vector<16xi32>], vector<16xf32>,
        %mul3A_1296 = arith.mulf %exp3A_1294, %gather3A_1197 : vector<16xf32>
        tpu.vector_store_idx %arg32[%add3A_1187, %broadcast_in_dim3A_9], %mul3A_1296 : memref<256x16xf32, #tpu.memory_space<vmem>>[vector<16xi32>, vector<16xi32>], vector<16xf32>,
        %mul3A_1297 = arith.mulf %exp3A_1294, %gather3A_1198 : vector<16xf32>
        tpu.vector_store_idx %arg32[%add3A_1187, %broadcast_in_dim3A_11], %mul3A_1297 : memref<256x16xf32, #tpu.memory_space<vmem>>[vector<16xi32>, vector<16xi32>], vector<16xf32>,
        %mul3A_1298 = arith.mulf %exp3A_1294, %gather3A_1199 : vector<16xf32>
        tpu.vector_store_idx %arg32[%add3A_1187, %broadcast_in_dim3A_13], %mul3A_1298 : memref<256x16xf32, #tpu.memory_space<vmem>>[vector<16xi32>, vector<16xi32>], vector<16xf32>,
        %mul3A_1299 = arith.mulf %exp3A_1294, %gather3A_1200 : vector<16xf32>
        tpu.vector_store_idx %arg32[%add3A_1187, %broadcast_in_dim3A_15], %mul3A_1299 : memref<256x16xf32, #tpu.memory_space<vmem>>[vector<16xi32>, vector<16xi32>], vector<16xf32>,
        %mul3A_1300 = arith.mulf %exp3A_1294, %gather3A_1201 : vector<16xf32>
        tpu.vector_store_idx %arg32[%add3A_1187, %broadcast_in_dim3A_17], %mul3A_1300 : memref<256x16xf32, #tpu.memory_space<vmem>>[vector<16xi32>, vector<16xi32>], vector<16xf32>,
        tpu.vector_store_idx %arg32[%add3A_1187, %broadcast_in_dim3A_19], %broadcast_in_dim3A_62 : memref<256x16xf32, #tpu.memory_space<vmem>>[vector<16xi32>, vector<16xi32>], vector<16xf32>,
        tpu.vector_store_idx %arg32[%add3A_1187, %broadcast_in_dim3A_21], %get3A_1191 : memref<256x16xf32, #tpu.memory_space<vmem>>[vector<16xi32>, vector<16xi32>], vector<16xf32>,
        tpu.vector_store_idx %arg32[%add3A_1187, %broadcast_in_dim3A_23], %get3A_1195 : memref<256x16xf32, #tpu.memory_space<vmem>>[vector<16xi32>, vector<16xi32>], vector<16xf32>,
      }
      %scan3A_363 = arith.constant 16 : i32
      %dma_start3A_364 = arith.constant 0 : i32
      %dma_start3A_365 = arith.constant 0 : i32
      %dma_start3A_366 = arith.constant 0 : i32
      %dma_start3A_367 = tpu.memref_slice %arg32[%dma_start3A_365, %dma_start3A_366] : memref<256x16xf32, #tpu.memory_space<vmem>> -> memref<128x16xf32, #tpu.memory_space<vmem>>
      %dma_start3A_368 = arith.constant 0 : i32
      %dma_start3A_369 = tpu.memref_slice %arg16[%dma_start3A_364, %dma_start3A_368] : memref<2x128xi32, #tpu.memory_space<vmem>> -> memref<1x128xi32, #tpu.memory_space<vmem>>
      %dma_start3A_370 = tpu.memref_squeeze %dma_start3A_369 : memref<1x128xi32, #tpu.memory_space<vmem>> -> memref<128xi32, #tpu.memory_space<vmem>>
      %dma_start3A_371 = arith.constant 0 : i32
      %dma_start3A_372 = arith.constant 0 : i32
      %dma_start3A_373 = tpu.memref_slice %arg11[%dma_start3A_371, %dma_start3A_372] : memref<100016x16xf32, #tpu.memory_space<vmem_shared>> -> memref<100016x16xf32, #tpu.memory_space<vmem_shared>>
      tpu.enqueue_indirect_dma source(%dma_start3A_367 : memref<128x16xf32, #tpu.memory_space<vmem>>) target(%dma_start3A_373 : memref<100016x16xf32, #tpu.memory_space<vmem_shared>>) offsets(%dma_start3A_370 : memref<128xi32, #tpu.memory_space<vmem>>) semaphore(%arg41 : memref<!tpu.dma_semaphore, #tpu.memory_space<semaphore_mem>>) {add = true}
      %dma_start3A_374 = arith.constant 1 : i32
      %dma_start3A_375 = arith.constant 128 : i32
      %dma_start3A_376 = arith.constant 0 : i32
      %dma_start3A_377 = tpu.memref_slice %arg32[%dma_start3A_375, %dma_start3A_376] : memref<256x16xf32, #tpu.memory_space<vmem>> -> memref<128x16xf32, #tpu.memory_space<vmem>>
      %dma_start3A_378 = arith.constant 0 : i32
      %dma_start3A_379 = tpu.memref_slice %arg16[%dma_start3A_374, %dma_start3A_378] : memref<2x128xi32, #tpu.memory_space<vmem>> -> memref<1x128xi32, #tpu.memory_space<vmem>>
      %dma_start3A_380 = tpu.memref_squeeze %dma_start3A_379 : memref<1x128xi32, #tpu.memory_space<vmem>> -> memref<128xi32, #tpu.memory_space<vmem>>
      %dma_start3A_381 = arith.constant 0 : i32
      %dma_start3A_382 = arith.constant 0 : i32
      %dma_start3A_383 = tpu.memref_slice %arg11[%dma_start3A_381, %dma_start3A_382] : memref<100016x16xf32, #tpu.memory_space<vmem_shared>> -> memref<100016x16xf32, #tpu.memory_space<vmem_shared>>
      tpu.enqueue_indirect_dma source(%dma_start3A_377 : memref<128x16xf32, #tpu.memory_space<vmem>>) target(%dma_start3A_383 : memref<100016x16xf32, #tpu.memory_space<vmem_shared>>) offsets(%dma_start3A_380 : memref<128xi32, #tpu.memory_space<vmem>>) semaphore(%arg41 : memref<!tpu.dma_semaphore, #tpu.memory_space<semaphore_mem>>) {add = true}
      %mul3A_384 = arith.constant 4 : i32
      %mul3A_385 = arith.muli %scan3A_219, %mul3A_384 : i32
      %add3A_386 = arith.constant 1 : i32
      %add3A_387 = arith.addi %mul3A_385, %add3A_386 : i32
      %dma_wait3A_388 = arith.constant 0 : i32
      %dma_wait3A_389 = arith.constant 0 : i32
      %dma_wait3A_390 = tpu.memref_slice %arg29[%dma_wait3A_388, %dma_wait3A_389] : memref<256x8xf32, #tpu.memory_space<vmem>> -> memref<128x8xf32, #tpu.memory_space<vmem>>
      %dma_wait3A_391 = arith.constant 0 : i32
      %dma_wait3A_392 = arith.constant 0 : i32
      %dma_wait3A_393 = tpu.memref_slice %arg6[%dma_wait3A_391, %dma_wait3A_392] : memref<100000x8xf32, #tpu.memory_space<hbm>> -> memref<128x8xf32, #tpu.memory_space<hbm>>
      %dma_wait3A_394 = arith.constant 0 : i32
      %dma_wait3A_395 = arith.constant 0 : i32
      %dma_wait3A_396 = tpu.memref_slice %arg29[%dma_wait3A_394, %dma_wait3A_395] : memref<256x8xf32, #tpu.memory_space<vmem>> -> memref<128x8xf32, #tpu.memory_space<vmem>>
      %dma_wait3A_397 = arith.constant 0 : i32
      %dma_wait3A_398 = arith.constant 0 : i32
      %dma_wait3A_399 = tpu.memref_slice %arg6[%dma_wait3A_397, %dma_wait3A_398] : memref<100000x8xf32, #tpu.memory_space<hbm>> -> memref<128x8xf32, #tpu.memory_space<hbm>>
      tpu.wait_dma2 semaphore(%arg40 : memref<!tpu.dma_semaphore, #tpu.memory_space<semaphore_mem>>) src(%dma_wait3A_399 : memref<128x8xf32, #tpu.memory_space<hbm>>) dst(%dma_wait3A_396 : memref<128x8xf32, #tpu.memory_space<vmem>>)
      %dma_wait3A_400 = arith.constant 0 : i32
      %dma_wait3A_401 = arith.constant 0 : i32
      %dma_wait3A_402 = tpu.memref_slice %arg31[%dma_wait3A_400, %dma_wait3A_401] : memref<256x8xf32, #tpu.memory_space<vmem>> -> memref<128x8xf32, #tpu.memory_space<vmem>>
      %dma_wait3A_403 = arith.constant 0 : i32
      %dma_wait3A_404 = arith.constant 0 : i32
      %dma_wait3A_405 = tpu.memref_slice %arg7[%dma_wait3A_403, %dma_wait3A_404] : memref<100000x8xf32, #tpu.memory_space<hbm>> -> memref<128x8xf32, #tpu.memory_space<hbm>>
      %dma_wait3A_406 = arith.constant 0 : i32
      %dma_wait3A_407 = arith.constant 0 : i32
      %dma_wait3A_408 = tpu.memref_slice %arg31[%dma_wait3A_406, %dma_wait3A_407] : memref<256x8xf32, #tpu.memory_space<vmem>> -> memref<128x8xf32, #tpu.memory_space<vmem>>
      %dma_wait3A_409 = arith.constant 0 : i32
      %dma_wait3A_410 = arith.constant 0 : i32
      %dma_wait3A_411 = tpu.memref_slice %arg7[%dma_wait3A_409, %dma_wait3A_410] : memref<100000x8xf32, #tpu.memory_space<hbm>> -> memref<128x8xf32, #tpu.memory_space<hbm>>
      tpu.wait_dma2 semaphore(%arg40 : memref<!tpu.dma_semaphore, #tpu.memory_space<semaphore_mem>>) src(%dma_wait3A_411 : memref<128x8xf32, #tpu.memory_space<hbm>>) dst(%dma_wait3A_408 : memref<128x8xf32, #tpu.memory_space<vmem>>)
      %dma_wait3A_412 = arith.constant 128 : i32
      %dma_wait3A_413 = arith.constant 0 : i32
      %dma_wait3A_414 = tpu.memref_slice %arg29[%dma_wait3A_412, %dma_wait3A_413] : memref<256x8xf32, #tpu.memory_space<vmem>> -> memref<128x8xf32, #tpu.memory_space<vmem>>
      %dma_wait3A_415 = arith.constant 0 : i32
      %dma_wait3A_416 = arith.constant 0 : i32
      %dma_wait3A_417 = tpu.memref_slice %arg6[%dma_wait3A_415, %dma_wait3A_416] : memref<100000x8xf32, #tpu.memory_space<hbm>> -> memref<128x8xf32, #tpu.memory_space<hbm>>
      %dma_wait3A_418 = arith.constant 128 : i32
      %dma_wait3A_419 = arith.constant 0 : i32
      %dma_wait3A_420 = tpu.memref_slice %arg29[%dma_wait3A_418, %dma_wait3A_419] : memref<256x8xf32, #tpu.memory_space<vmem>> -> memref<128x8xf32, #tpu.memory_space<vmem>>
      %dma_wait3A_421 = arith.constant 0 : i32
      %dma_wait3A_422 = arith.constant 0 : i32
      %dma_wait3A_423 = tpu.memref_slice %arg6[%dma_wait3A_421, %dma_wait3A_422] : memref<100000x8xf32, #tpu.memory_space<hbm>> -> memref<128x8xf32, #tpu.memory_space<hbm>>
      tpu.wait_dma2 semaphore(%arg40 : memref<!tpu.dma_semaphore, #tpu.memory_space<semaphore_mem>>) src(%dma_wait3A_423 : memref<128x8xf32, #tpu.memory_space<hbm>>) dst(%dma_wait3A_420 : memref<128x8xf32, #tpu.memory_space<vmem>>)
      %dma_wait3A_424 = arith.constant 128 : i32
      %dma_wait3A_425 = arith.constant 0 : i32
      %dma_wait3A_426 = tpu.memref_slice %arg31[%dma_wait3A_424, %dma_wait3A_425] : memref<256x8xf32, #tpu.memory_space<vmem>> -> memref<128x8xf32, #tpu.memory_space<vmem>>
      %dma_wait3A_427 = arith.constant 0 : i32
      %dma_wait3A_428 = arith.constant 0 : i32
      %dma_wait3A_429 = tpu.memref_slice %arg7[%dma_wait3A_427, %dma_wait3A_428] : memref<100000x8xf32, #tpu.memory_space<hbm>> -> memref<128x8xf32, #tpu.memory_space<hbm>>
      %dma_wait3A_430 = arith.constant 128 : i32
      %dma_wait3A_431 = arith.constant 0 : i32
      %dma_wait3A_432 = tpu.memref_slice %arg31[%dma_wait3A_430, %dma_wait3A_431] : memref<256x8xf32, #tpu.memory_space<vmem>> -> memref<128x8xf32, #tpu.memory_space<vmem>>
      %dma_wait3A_433 = arith.constant 0 : i32
      %dma_wait3A_434 = arith.constant 0 : i32
      %dma_wait3A_435 = tpu.memref_slice %arg7[%dma_wait3A_433, %dma_wait3A_434] : memref<100000x8xf32, #tpu.memory_space<hbm>> -> memref<128x8xf32, #tpu.memory_space<hbm>>
      tpu.wait_dma2 semaphore(%arg40 : memref<!tpu.dma_semaphore, #tpu.memory_space<semaphore_mem>>) src(%dma_wait3A_435 : memref<128x8xf32, #tpu.memory_space<hbm>>) dst(%dma_wait3A_432 : memref<128x8xf32, #tpu.memory_space<vmem>>)
      %gt3A_436 = arith.constant 0 : i32
      %gt3A_437 = arith.cmpi sgt, %scan3A_219, %gt3A_436 : i32
      %convert_element_type3A_438 = arith.extui %gt3A_437 : i1 to i32
      %cond3A_439 = arith.constant 0 : i32
      %cond3A_440 = arith.cmpi ne, %convert_element_type3A_438, %cond3A_439 : i32
      scf.if %cond3A_440 {
        %dma_wait3A_829 = arith.constant 0 : i32
        %dma_wait3A_830 = arith.constant 0 : i32
        %dma_wait3A_831 = tpu.memref_slice %arg32[%dma_wait3A_829, %dma_wait3A_830] : memref<256x16xf32, #tpu.memory_space<vmem>> -> memref<128x16xf32, #tpu.memory_space<vmem>>
        %dma_wait3A_832 = arith.constant 0 : i32
        %dma_wait3A_833 = arith.constant 0 : i32
        %dma_wait3A_834 = tpu.memref_slice %arg8[%dma_wait3A_832, %dma_wait3A_833] : memref<100016x16xf32, #tpu.memory_space<hbm>> -> memref<128x16xf32, #tpu.memory_space<hbm>>
        %dma_wait3A_835 = arith.constant 0 : i32
        %dma_wait3A_836 = arith.constant 0 : i32
        %dma_wait3A_837 = tpu.memref_slice %arg32[%dma_wait3A_835, %dma_wait3A_836] : memref<256x16xf32, #tpu.memory_space<vmem>> -> memref<128x16xf32, #tpu.memory_space<vmem>>
        %dma_wait3A_838 = arith.constant 0 : i32
        %dma_wait3A_839 = arith.constant 0 : i32
        %dma_wait3A_840 = tpu.memref_slice %arg8[%dma_wait3A_838, %dma_wait3A_839] : memref<100016x16xf32, #tpu.memory_space<hbm>> -> memref<128x16xf32, #tpu.memory_space<hbm>>
        tpu.wait_dma2 semaphore(%arg44 : memref<!tpu.dma_semaphore, #tpu.memory_space<semaphore_mem>>) src(%dma_wait3A_840 : memref<128x16xf32, #tpu.memory_space<hbm>>) dst(%dma_wait3A_837 : memref<128x16xf32, #tpu.memory_space<vmem>>)
        %dma_wait3A_841 = arith.constant 128 : i32
        %dma_wait3A_842 = arith.constant 0 : i32
        %dma_wait3A_843 = tpu.memref_slice %arg32[%dma_wait3A_841, %dma_wait3A_842] : memref<256x16xf32, #tpu.memory_space<vmem>> -> memref<128x16xf32, #tpu.memory_space<vmem>>
        %dma_wait3A_844 = arith.constant 0 : i32
        %dma_wait3A_845 = arith.constant 0 : i32
        %dma_wait3A_846 = tpu.memref_slice %arg8[%dma_wait3A_844, %dma_wait3A_845] : memref<100016x16xf32, #tpu.memory_space<hbm>> -> memref<128x16xf32, #tpu.memory_space<hbm>>
        %dma_wait3A_847 = arith.constant 128 : i32
        %dma_wait3A_848 = arith.constant 0 : i32
        %dma_wait3A_849 = tpu.memref_slice %arg32[%dma_wait3A_847, %dma_wait3A_848] : memref<256x16xf32, #tpu.memory_space<vmem>> -> memref<128x16xf32, #tpu.memory_space<vmem>>
        %dma_wait3A_850 = arith.constant 0 : i32
        %dma_wait3A_851 = arith.constant 0 : i32
        %dma_wait3A_852 = tpu.memref_slice %arg8[%dma_wait3A_850, %dma_wait3A_851] : memref<100016x16xf32, #tpu.memory_space<hbm>> -> memref<128x16xf32, #tpu.memory_space<hbm>>
        tpu.wait_dma2 semaphore(%arg44 : memref<!tpu.dma_semaphore, #tpu.memory_space<semaphore_mem>>) src(%dma_wait3A_852 : memref<128x16xf32, #tpu.memory_space<hbm>>) dst(%dma_wait3A_849 : memref<128x16xf32, #tpu.memory_space<vmem>>)
      } else {
      }
      %add3A_441 = arith.constant 2 : i32
      %add3A_442 = arith.addi %add3A_387, %add3A_441 : i32
      %mul3A_443 = arith.constant 200704 : i32
      %mul3A_444 = arith.muli %add3A, %mul3A_443 : i32
      %mul3A_445 = arith.constant 256 : i32
      %mul3A_446 = arith.muli %add3A_442, %mul3A_445 : i32
      %add3A_447 = arith.addi %mul3A_444, %mul3A_446 : i32
      %mul3A_448 = arith.constant 1568 : i32
      %mul3A_449 = arith.muli %add3A, %mul3A_448 : i32
      %mul3A_450 = arith.constant 2 : i32
      %mul3A_451 = arith.muli %add3A_442, %mul3A_450 : i32
      %add3A_452 = arith.addi %mul3A_449, %mul3A_451 : i32
      %dma_start3A_453 = arith.constant 0 : i32
      %dma_start3A_454 = tpu.memref_slice %arg2[%add3A_452, %dma_start3A_453] : memref<50176x128xi32, #tpu.memory_space<hbm>> -> memref<2x128xi32, #tpu.memory_space<hbm>>
      %dma_start3A_455 = arith.constant 0 : i32
      %dma_start3A_456 = tpu.memref_slice %arg2[%add3A_452, %dma_start3A_455] : memref<50176x128xi32, #tpu.memory_space<hbm>> -> memref<2x128xi32, #tpu.memory_space<hbm>>
      tpu.enqueue_dma source(%dma_start3A_456 : memref<2x128xi32, #tpu.memory_space<hbm>>) target(%arg15 : memref<2x128xi32, #tpu.memory_space<vmem>>) target_semaphore(%arg38 : memref<!tpu.dma_semaphore, #tpu.memory_space<semaphore_mem>>)
      %dma_start3A_457 = arith.constant 0 : i32
      %dma_start3A_458 = tpu.memref_slice %arg3[%add3A_452, %dma_start3A_457] : memref<50176x128xi32, #tpu.memory_space<hbm>> -> memref<2x128xi32, #tpu.memory_space<hbm>>
      %dma_start3A_459 = arith.constant 0 : i32
      %dma_start3A_460 = tpu.memref_slice %arg3[%add3A_452, %dma_start3A_459] : memref<50176x128xi32, #tpu.memory_space<hbm>> -> memref<2x128xi32, #tpu.memory_space<hbm>>
      tpu.enqueue_dma source(%dma_start3A_460 : memref<2x128xi32, #tpu.memory_space<hbm>>) target(%arg19 : memref<2x128xi32, #tpu.memory_space<vmem>>) target_semaphore(%arg38 : memref<!tpu.dma_semaphore, #tpu.memory_space<semaphore_mem>>)
      %dma_start3A_461 = tpu.memref_slice %arg4[%add3A_447] : memref<6422528xf32, #tpu.memory_space<hbm>> -> memref<256xf32, #tpu.memory_space<hbm>>
      %dma_start3A_462 = tpu.memref_slice %arg4[%add3A_447] : memref<6422528xf32, #tpu.memory_space<hbm>> -> memref<256xf32, #tpu.memory_space<hbm>>
      tpu.enqueue_dma source(%dma_start3A_462 : memref<256xf32, #tpu.memory_space<hbm>>) target(%arg23 : memref<256xf32, #tpu.memory_space<vmem>>) target_semaphore(%arg38 : memref<!tpu.dma_semaphore, #tpu.memory_space<semaphore_mem>>)
      %dma_start3A_463 = tpu.memref_slice %arg5[%add3A_447] : memref<6422528xf32, #tpu.memory_space<hbm>> -> memref<256xf32, #tpu.memory_space<hbm>>
      %dma_start3A_464 = tpu.memref_slice %arg5[%add3A_447] : memref<6422528xf32, #tpu.memory_space<hbm>> -> memref<256xf32, #tpu.memory_space<hbm>>
      tpu.enqueue_dma source(%dma_start3A_464 : memref<256xf32, #tpu.memory_space<hbm>>) target(%arg27 : memref<256xf32, #tpu.memory_space<vmem>>) target_semaphore(%arg38 : memref<!tpu.dma_semaphore, #tpu.memory_space<semaphore_mem>>)
      %dma_wait3A_465 = arith.constant 0 : i32
      %dma_wait3A_466 = arith.constant 0 : i32
      %dma_wait3A_467 = tpu.memref_slice %arg2[%dma_wait3A_465, %dma_wait3A_466] : memref<50176x128xi32, #tpu.memory_space<hbm>> -> memref<2x128xi32, #tpu.memory_space<hbm>>
      %dma_wait3A_468 = arith.constant 0 : i32
      %dma_wait3A_469 = arith.constant 0 : i32
      %dma_wait3A_470 = tpu.memref_slice %arg2[%dma_wait3A_468, %dma_wait3A_469] : memref<50176x128xi32, #tpu.memory_space<hbm>> -> memref<2x128xi32, #tpu.memory_space<hbm>>
      tpu.wait_dma2 semaphore(%arg37 : memref<!tpu.dma_semaphore, #tpu.memory_space<semaphore_mem>>) src(%dma_wait3A_470 : memref<2x128xi32, #tpu.memory_space<hbm>>) dst(%arg14 : memref<2x128xi32, #tpu.memory_space<vmem>>)
      %dma_wait3A_471 = arith.constant 0 : i32
      %dma_wait3A_472 = arith.constant 0 : i32
      %dma_wait3A_473 = tpu.memref_slice %arg3[%dma_wait3A_471, %dma_wait3A_472] : memref<50176x128xi32, #tpu.memory_space<hbm>> -> memref<2x128xi32, #tpu.memory_space<hbm>>
      %dma_wait3A_474 = arith.constant 0 : i32
      %dma_wait3A_475 = arith.constant 0 : i32
      %dma_wait3A_476 = tpu.memref_slice %arg3[%dma_wait3A_474, %dma_wait3A_475] : memref<50176x128xi32, #tpu.memory_space<hbm>> -> memref<2x128xi32, #tpu.memory_space<hbm>>
      tpu.wait_dma2 semaphore(%arg37 : memref<!tpu.dma_semaphore, #tpu.memory_space<semaphore_mem>>) src(%dma_wait3A_476 : memref<2x128xi32, #tpu.memory_space<hbm>>) dst(%arg18 : memref<2x128xi32, #tpu.memory_space<vmem>>)
      %dma_wait3A_477 = arith.constant 0 : i32
      %dma_wait3A_478 = tpu.memref_slice %arg4[%dma_wait3A_477] : memref<6422528xf32, #tpu.memory_space<hbm>> -> memref<256xf32, #tpu.memory_space<hbm>>
      %dma_wait3A_479 = arith.constant 0 : i32
      %dma_wait3A_480 = tpu.memref_slice %arg4[%dma_wait3A_479] : memref<6422528xf32, #tpu.memory_space<hbm>> -> memref<256xf32, #tpu.memory_space<hbm>>
      tpu.wait_dma2 semaphore(%arg37 : memref<!tpu.dma_semaphore, #tpu.memory_space<semaphore_mem>>) src(%dma_wait3A_480 : memref<256xf32, #tpu.memory_space<hbm>>) dst(%arg22 : memref<256xf32, #tpu.memory_space<vmem>>)
      %dma_wait3A_481 = arith.constant 0 : i32
      %dma_wait3A_482 = tpu.memref_slice %arg5[%dma_wait3A_481] : memref<6422528xf32, #tpu.memory_space<hbm>> -> memref<256xf32, #tpu.memory_space<hbm>>
      %dma_wait3A_483 = arith.constant 0 : i32
      %dma_wait3A_484 = tpu.memref_slice %arg5[%dma_wait3A_483] : memref<6422528xf32, #tpu.memory_space<hbm>> -> memref<256xf32, #tpu.memory_space<hbm>>
      tpu.wait_dma2 semaphore(%arg37 : memref<!tpu.dma_semaphore, #tpu.memory_space<semaphore_mem>>) src(%dma_wait3A_484 : memref<256xf32, #tpu.memory_space<hbm>>) dst(%arg26 : memref<256xf32, #tpu.memory_space<vmem>>)
      %dma_start3A_485 = arith.constant 0 : i32
      %dma_start3A_486 = arith.constant 0 : i32
      %dma_start3A_487 = arith.constant 0 : i32
      %dma_start3A_488 = tpu.memref_slice %arg28[%dma_start3A_486, %dma_start3A_487] : memref<256x8xf32, #tpu.memory_space<vmem>> -> memref<128x8xf32, #tpu.memory_space<vmem>>
      %dma_start3A_489 = arith.constant 0 : i32
      %dma_start3A_490 = tpu.memref_slice %arg14[%dma_start3A_485, %dma_start3A_489] : memref<2x128xi32, #tpu.memory_space<vmem>> -> memref<1x128xi32, #tpu.memory_space<vmem>>
      %dma_start3A_491 = tpu.memref_squeeze %dma_start3A_490 : memref<1x128xi32, #tpu.memory_space<vmem>> -> memref<128xi32, #tpu.memory_space<vmem>>
      %dma_start3A_492 = arith.constant 0 : i32
      %dma_start3A_493 = arith.constant 0 : i32
      %dma_start3A_494 = tpu.memref_slice %arg6[%dma_start3A_492, %dma_start3A_493] : memref<100000x8xf32, #tpu.memory_space<hbm>> -> memref<100000x8xf32, #tpu.memory_space<hbm>>
      tpu.enqueue_indirect_dma source(%dma_start3A_494 : memref<100000x8xf32, #tpu.memory_space<hbm>>) target(%dma_start3A_488 : memref<128x8xf32, #tpu.memory_space<vmem>>) offsets(%dma_start3A_491 : memref<128xi32, #tpu.memory_space<vmem>>) semaphore(%arg39 : memref<!tpu.dma_semaphore, #tpu.memory_space<semaphore_mem>>)
      %dma_start3A_495 = arith.constant 0 : i32
      %dma_start3A_496 = arith.constant 0 : i32
      %dma_start3A_497 = arith.constant 0 : i32
      %dma_start3A_498 = tpu.memref_slice %arg30[%dma_start3A_496, %dma_start3A_497] : memref<256x8xf32, #tpu.memory_space<vmem>> -> memref<128x8xf32, #tpu.memory_space<vmem>>
      %dma_start3A_499 = arith.constant 0 : i32
      %dma_start3A_500 = tpu.memref_slice %arg18[%dma_start3A_495, %dma_start3A_499] : memref<2x128xi32, #tpu.memory_space<vmem>> -> memref<1x128xi32, #tpu.memory_space<vmem>>
      %dma_start3A_501 = tpu.memref_squeeze %dma_start3A_500 : memref<1x128xi32, #tpu.memory_space<vmem>> -> memref<128xi32, #tpu.memory_space<vmem>>
      %dma_start3A_502 = arith.constant 0 : i32
      %dma_start3A_503 = arith.constant 0 : i32
      %dma_start3A_504 = tpu.memref_slice %arg7[%dma_start3A_502, %dma_start3A_503] : memref<100000x8xf32, #tpu.memory_space<hbm>> -> memref<100000x8xf32, #tpu.memory_space<hbm>>
      tpu.enqueue_indirect_dma source(%dma_start3A_504 : memref<100000x8xf32, #tpu.memory_space<hbm>>) target(%dma_start3A_498 : memref<128x8xf32, #tpu.memory_space<vmem>>) offsets(%dma_start3A_501 : memref<128xi32, #tpu.memory_space<vmem>>) semaphore(%arg39 : memref<!tpu.dma_semaphore, #tpu.memory_space<semaphore_mem>>)
      %dma_start3A_505 = arith.constant 1 : i32
      %dma_start3A_506 = arith.constant 128 : i32
      %dma_start3A_507 = arith.constant 0 : i32
      %dma_start3A_508 = tpu.memref_slice %arg28[%dma_start3A_506, %dma_start3A_507] : memref<256x8xf32, #tpu.memory_space<vmem>> -> memref<128x8xf32, #tpu.memory_space<vmem>>
      %dma_start3A_509 = arith.constant 0 : i32
      %dma_start3A_510 = tpu.memref_slice %arg14[%dma_start3A_505, %dma_start3A_509] : memref<2x128xi32, #tpu.memory_space<vmem>> -> memref<1x128xi32, #tpu.memory_space<vmem>>
      %dma_start3A_511 = tpu.memref_squeeze %dma_start3A_510 : memref<1x128xi32, #tpu.memory_space<vmem>> -> memref<128xi32, #tpu.memory_space<vmem>>
      %dma_start3A_512 = arith.constant 0 : i32
      %dma_start3A_513 = arith.constant 0 : i32
      %dma_start3A_514 = tpu.memref_slice %arg6[%dma_start3A_512, %dma_start3A_513] : memref<100000x8xf32, #tpu.memory_space<hbm>> -> memref<100000x8xf32, #tpu.memory_space<hbm>>
      tpu.enqueue_indirect_dma source(%dma_start3A_514 : memref<100000x8xf32, #tpu.memory_space<hbm>>) target(%dma_start3A_508 : memref<128x8xf32, #tpu.memory_space<vmem>>) offsets(%dma_start3A_511 : memref<128xi32, #tpu.memory_space<vmem>>) semaphore(%arg39 : memref<!tpu.dma_semaphore, #tpu.memory_space<semaphore_mem>>)
      %dma_start3A_515 = arith.constant 1 : i32
      %dma_start3A_516 = arith.constant 128 : i32
      %dma_start3A_517 = arith.constant 0 : i32
      %dma_start3A_518 = tpu.memref_slice %arg30[%dma_start3A_516, %dma_start3A_517] : memref<256x8xf32, #tpu.memory_space<vmem>> -> memref<128x8xf32, #tpu.memory_space<vmem>>
      %dma_start3A_519 = arith.constant 0 : i32
      %dma_start3A_520 = tpu.memref_slice %arg18[%dma_start3A_515, %dma_start3A_519] : memref<2x128xi32, #tpu.memory_space<vmem>> -> memref<1x128xi32, #tpu.memory_space<vmem>>
      %dma_start3A_521 = tpu.memref_squeeze %dma_start3A_520 : memref<1x128xi32, #tpu.memory_space<vmem>> -> memref<128xi32, #tpu.memory_space<vmem>>
      %dma_start3A_522 = arith.constant 0 : i32
      %dma_start3A_523 = arith.constant 0 : i32
      %dma_start3A_524 = tpu.memref_slice %arg7[%dma_start3A_522, %dma_start3A_523] : memref<100000x8xf32, #tpu.memory_space<hbm>> -> memref<100000x8xf32, #tpu.memory_space<hbm>>
      tpu.enqueue_indirect_dma source(%dma_start3A_524 : memref<100000x8xf32, #tpu.memory_space<hbm>>) target(%dma_start3A_518 : memref<128x8xf32, #tpu.memory_space<vmem>>) offsets(%dma_start3A_521 : memref<128xi32, #tpu.memory_space<vmem>>) semaphore(%arg39 : memref<!tpu.dma_semaphore, #tpu.memory_space<semaphore_mem>>)
      %scan3A_525 = arith.constant 0 : i32
      %scan3A_526 = arith.constant 0 : i32
      %scan3A_527 = arith.constant 16 : i32
      %scan3A_528 = arith.addi %scan3A_526, %scan3A_527 : i32
      %scan3A_529 = arith.constant 4 : i32
      scf.for %scan3A_829 = %scan3A_526 to %scan3A_528 step %scan3A_529  : i32 {
        %mul3A_830 = arith.constant 16 : i32
        %mul3A_831 = arith.muli %scan3A_829, %mul3A_830 : i32
        %add3A_832 = vector.broadcast %mul3A_831 : i32 to vector<16xi32>
        %add3A_833 = arith.addi %add3A_832, %iota3A : vector<16xi32>
        %mul3A_834 = arith.constant 16 : i32
        %mul3A_835 = arith.muli %scan3A_829, %mul3A_834 : i32
        %get3A_836 = arith.index_cast %mul3A_835 : i32 to index
        %get3A_837 = tpu.vector_load %arg21[%get3A_836] {strides = array<i32>} : memref<256xf32, #tpu.memory_space<vmem>>, vector<16xf32>,
        %mul3A_838 = arith.constant 16 : i32
        %mul3A_839 = arith.muli %scan3A_829, %mul3A_838 : i32
        %get3A_840 = arith.index_cast %mul3A_839 : i32 to index
        %get3A_841 = tpu.vector_load %arg25[%get3A_840] {strides = array<i32>} : memref<256xf32, #tpu.memory_space<vmem>>, vector<16xf32>,
        %gather3A = tpu.vector_load_idx %arg29[%add3A_833, %broadcast_in_dim3A_5] : memref<256x8xf32, #tpu.memory_space<vmem>>[vector<16xi32>, vector<16xi32>], vector<16xf32>,
        %gather3A_842 = tpu.vector_load_idx %arg29[%add3A_833, %broadcast_in_dim3A_7] : memref<256x8xf32, #tpu.memory_space<vmem>>[vector<16xi32>, vector<16xi32>], vector<16xf32>,
        %gather3A_843 = tpu.vector_load_idx %arg29[%add3A_833, %broadcast_in_dim3A_9] : memref<256x8xf32, #tpu.memory_space<vmem>>[vector<16xi32>, vector<16xi32>], vector<16xf32>,
        %gather3A_844 = tpu.vector_load_idx %arg29[%add3A_833, %broadcast_in_dim3A_11] : memref<256x8xf32, #tpu.memory_space<vmem>>[vector<16xi32>, vector<16xi32>], vector<16xf32>,
        %gather3A_845 = tpu.vector_load_idx %arg29[%add3A_833, %broadcast_in_dim3A_13] : memref<256x8xf32, #tpu.memory_space<vmem>>[vector<16xi32>, vector<16xi32>], vector<16xf32>,
        %gather3A_846 = tpu.vector_load_idx %arg29[%add3A_833, %broadcast_in_dim3A_15] : memref<256x8xf32, #tpu.memory_space<vmem>>[vector<16xi32>, vector<16xi32>], vector<16xf32>,
        %gather3A_847 = tpu.vector_load_idx %arg31[%add3A_833, %broadcast_in_dim3A_5] : memref<256x8xf32, #tpu.memory_space<vmem>>[vector<16xi32>, vector<16xi32>], vector<16xf32>,
        %gather3A_848 = tpu.vector_load_idx %arg31[%add3A_833, %broadcast_in_dim3A_7] : memref<256x8xf32, #tpu.memory_space<vmem>>[vector<16xi32>, vector<16xi32>], vector<16xf32>,
        %gather3A_849 = tpu.vector_load_idx %arg31[%add3A_833, %broadcast_in_dim3A_9] : memref<256x8xf32, #tpu.memory_space<vmem>>[vector<16xi32>, vector<16xi32>], vector<16xf32>,
        %gather3A_850 = tpu.vector_load_idx %arg31[%add3A_833, %broadcast_in_dim3A_11] : memref<256x8xf32, #tpu.memory_space<vmem>>[vector<16xi32>, vector<16xi32>], vector<16xf32>,
        %gather3A_851 = tpu.vector_load_idx %arg31[%add3A_833, %broadcast_in_dim3A_13] : memref<256x8xf32, #tpu.memory_space<vmem>>[vector<16xi32>, vector<16xi32>], vector<16xf32>,
        %gather3A_852 = tpu.vector_load_idx %arg31[%add3A_833, %broadcast_in_dim3A_15] : memref<256x8xf32, #tpu.memory_space<vmem>>[vector<16xi32>, vector<16xi32>], vector<16xf32>,
        %broadcast_in_dim3A_853 = arith.constant 0.000000e+00 : f32
        %broadcast_in_dim3A_854 = vector.broadcast %broadcast_in_dim3A_853 : f32 to vector<16xf32>
        %add3A_855 = arith.addf %gather3A, %gather3A_847 : vector<16xf32>
        %mul3A_856 = vector.broadcast %squeeze3A : f32 to vector<16xf32>
        %mul3A_857 = arith.mulf %get3A_837, %mul3A_856 : vector<16xf32>
        %add3A_858 = arith.addf %add3A_855, %mul3A_857 : vector<16xf32>
        %mul3A_859 = vector.broadcast %squeeze3A_38 : f32 to vector<16xf32>
        %mul3A_860 = arith.mulf %get3A_841, %mul3A_859 : vector<16xf32>
        %add3A_861 = arith.addf %add3A_858, %mul3A_860 : vector<16xf32>
        %mul3A_862 = arith.constant 2.000000e-01 : f32
        %mul3A_863 = vector.broadcast %mul3A_862 : f32 to vector<16xf32>
        %mul3A_864 = arith.mulf %add3A_861, %mul3A_863 : vector<16xf32>
        %max3A = arith.maximumf %add3A_861, %mul3A_864 : vector<16xf32>
        %mul3A_865 = vector.broadcast %squeeze3A_50 : f32 to vector<16xf32>
        %mul3A_866 = arith.mulf %max3A, %mul3A_865 : vector<16xf32>
        %add3A_867 = arith.addf %broadcast_in_dim3A_854, %mul3A_866 : vector<16xf32>
        %add3A_868 = arith.addf %gather3A_842, %gather3A_848 : vector<16xf32>
        %mul3A_869 = vector.broadcast %squeeze3A_28 : f32 to vector<16xf32>
        %mul3A_870 = arith.mulf %get3A_837, %mul3A_869 : vector<16xf32>
        %add3A_871 = arith.addf %add3A_868, %mul3A_870 : vector<16xf32>
        %mul3A_872 = vector.broadcast %squeeze3A_40 : f32 to vector<16xf32>
        %mul3A_873 = arith.mulf %get3A_841, %mul3A_872 : vector<16xf32>
        %add3A_874 = arith.addf %add3A_871, %mul3A_873 : vector<16xf32>
        %mul3A_875 = arith.constant 2.000000e-01 : f32
        %mul3A_876 = vector.broadcast %mul3A_875 : f32 to vector<16xf32>
        %mul3A_877 = arith.mulf %add3A_874, %mul3A_876 : vector<16xf32>
        %max3A_878 = arith.maximumf %add3A_874, %mul3A_877 : vector<16xf32>
        %mul3A_879 = vector.broadcast %squeeze3A_52 : f32 to vector<16xf32>
        %mul3A_880 = arith.mulf %max3A_878, %mul3A_879 : vector<16xf32>
        %add3A_881 = arith.addf %add3A_867, %mul3A_880 : vector<16xf32>
        %add3A_882 = arith.addf %gather3A_843, %gather3A_849 : vector<16xf32>
        %mul3A_883 = vector.broadcast %squeeze3A_30 : f32 to vector<16xf32>
        %mul3A_884 = arith.mulf %get3A_837, %mul3A_883 : vector<16xf32>
        %add3A_885 = arith.addf %add3A_882, %mul3A_884 : vector<16xf32>
        %mul3A_886 = vector.broadcast %squeeze3A_42 : f32 to vector<16xf32>
        %mul3A_887 = arith.mulf %get3A_841, %mul3A_886 : vector<16xf32>
        %add3A_888 = arith.addf %add3A_885, %mul3A_887 : vector<16xf32>
        %mul3A_889 = arith.constant 2.000000e-01 : f32
        %mul3A_890 = vector.broadcast %mul3A_889 : f32 to vector<16xf32>
        %mul3A_891 = arith.mulf %add3A_888, %mul3A_890 : vector<16xf32>
        %max3A_892 = arith.maximumf %add3A_888, %mul3A_891 : vector<16xf32>
        %mul3A_893 = vector.broadcast %squeeze3A_54 : f32 to vector<16xf32>
        %mul3A_894 = arith.mulf %max3A_892, %mul3A_893 : vector<16xf32>
        %add3A_895 = arith.addf %add3A_881, %mul3A_894 : vector<16xf32>
        %add3A_896 = arith.addf %gather3A_844, %gather3A_850 : vector<16xf32>
        %mul3A_897 = vector.broadcast %squeeze3A_32 : f32 to vector<16xf32>
        %mul3A_898 = arith.mulf %get3A_837, %mul3A_897 : vector<16xf32>
        %add3A_899 = arith.addf %add3A_896, %mul3A_898 : vector<16xf32>
        %mul3A_900 = vector.broadcast %squeeze3A_44 : f32 to vector<16xf32>
        %mul3A_901 = arith.mulf %get3A_841, %mul3A_900 : vector<16xf32>
        %add3A_902 = arith.addf %add3A_899, %mul3A_901 : vector<16xf32>
        %mul3A_903 = arith.constant 2.000000e-01 : f32
        %mul3A_904 = vector.broadcast %mul3A_903 : f32 to vector<16xf32>
        %mul3A_905 = arith.mulf %add3A_902, %mul3A_904 : vector<16xf32>
        %max3A_906 = arith.maximumf %add3A_902, %mul3A_905 : vector<16xf32>
        %mul3A_907 = vector.broadcast %squeeze3A_56 : f32 to vector<16xf32>
        %mul3A_908 = arith.mulf %max3A_906, %mul3A_907 : vector<16xf32>
        %add3A_909 = arith.addf %add3A_895, %mul3A_908 : vector<16xf32>
        %add3A_910 = arith.addf %gather3A_845, %gather3A_851 : vector<16xf32>
        %mul3A_911 = vector.broadcast %squeeze3A_34 : f32 to vector<16xf32>
        %mul3A_912 = arith.mulf %get3A_837, %mul3A_911 : vector<16xf32>
        %add3A_913 = arith.addf %add3A_910, %mul3A_912 : vector<16xf32>
        %mul3A_914 = vector.broadcast %squeeze3A_46 : f32 to vector<16xf32>
        %mul3A_915 = arith.mulf %get3A_841, %mul3A_914 : vector<16xf32>
        %add3A_916 = arith.addf %add3A_913, %mul3A_915 : vector<16xf32>
        %mul3A_917 = arith.constant 2.000000e-01 : f32
        %mul3A_918 = vector.broadcast %mul3A_917 : f32 to vector<16xf32>
        %mul3A_919 = arith.mulf %add3A_916, %mul3A_918 : vector<16xf32>
        %max3A_920 = arith.maximumf %add3A_916, %mul3A_919 : vector<16xf32>
        %mul3A_921 = vector.broadcast %squeeze3A_58 : f32 to vector<16xf32>
        %mul3A_922 = arith.mulf %max3A_920, %mul3A_921 : vector<16xf32>
        %add3A_923 = arith.addf %add3A_909, %mul3A_922 : vector<16xf32>
        %add3A_924 = arith.addf %gather3A_846, %gather3A_852 : vector<16xf32>
        %mul3A_925 = vector.broadcast %squeeze3A_36 : f32 to vector<16xf32>
        %mul3A_926 = arith.mulf %get3A_837, %mul3A_925 : vector<16xf32>
        %add3A_927 = arith.addf %add3A_924, %mul3A_926 : vector<16xf32>
        %mul3A_928 = vector.broadcast %squeeze3A_48 : f32 to vector<16xf32>
        %mul3A_929 = arith.mulf %get3A_841, %mul3A_928 : vector<16xf32>
        %add3A_930 = arith.addf %add3A_927, %mul3A_929 : vector<16xf32>
        %mul3A_931 = arith.constant 2.000000e-01 : f32
        %mul3A_932 = vector.broadcast %mul3A_931 : f32 to vector<16xf32>
        %mul3A_933 = arith.mulf %add3A_930, %mul3A_932 : vector<16xf32>
        %max3A_934 = arith.maximumf %add3A_930, %mul3A_933 : vector<16xf32>
        %mul3A_935 = vector.broadcast %squeeze3A_60 : f32 to vector<16xf32>
        %mul3A_936 = arith.mulf %max3A_934, %mul3A_935 : vector<16xf32>
        %add3A_937 = arith.addf %add3A_923, %mul3A_936 : vector<16xf32>
        %exp3A = math.exp %add3A_937 : vector<16xf32>
        tpu.vector_store_idx %arg33[%add3A_833, %broadcast_in_dim3A_5], %exp3A : memref<256x16xf32, #tpu.memory_space<vmem>>[vector<16xi32>, vector<16xi32>], vector<16xf32>,
        %mul3A_938 = arith.mulf %exp3A, %gather3A : vector<16xf32>
        tpu.vector_store_idx %arg33[%add3A_833, %broadcast_in_dim3A_7], %mul3A_938 : memref<256x16xf32, #tpu.memory_space<vmem>>[vector<16xi32>, vector<16xi32>], vector<16xf32>,
        %mul3A_939 = arith.mulf %exp3A, %gather3A_842 : vector<16xf32>
        tpu.vector_store_idx %arg33[%add3A_833, %broadcast_in_dim3A_9], %mul3A_939 : memref<256x16xf32, #tpu.memory_space<vmem>>[vector<16xi32>, vector<16xi32>], vector<16xf32>,
        %mul3A_940 = arith.mulf %exp3A, %gather3A_843 : vector<16xf32>
        tpu.vector_store_idx %arg33[%add3A_833, %broadcast_in_dim3A_11], %mul3A_940 : memref<256x16xf32, #tpu.memory_space<vmem>>[vector<16xi32>, vector<16xi32>], vector<16xf32>,
        %mul3A_941 = arith.mulf %exp3A, %gather3A_844 : vector<16xf32>
        tpu.vector_store_idx %arg33[%add3A_833, %broadcast_in_dim3A_13], %mul3A_941 : memref<256x16xf32, #tpu.memory_space<vmem>>[vector<16xi32>, vector<16xi32>], vector<16xf32>,
        %mul3A_942 = arith.mulf %exp3A, %gather3A_845 : vector<16xf32>
        tpu.vector_store_idx %arg33[%add3A_833, %broadcast_in_dim3A_15], %mul3A_942 : memref<256x16xf32, #tpu.memory_space<vmem>>[vector<16xi32>, vector<16xi32>], vector<16xf32>,
        %mul3A_943 = arith.mulf %exp3A, %gather3A_846 : vector<16xf32>
        tpu.vector_store_idx %arg33[%add3A_833, %broadcast_in_dim3A_17], %mul3A_943 : memref<256x16xf32, #tpu.memory_space<vmem>>[vector<16xi32>, vector<16xi32>], vector<16xf32>,
        tpu.vector_store_idx %arg33[%add3A_833, %broadcast_in_dim3A_19], %broadcast_in_dim3A_62 : memref<256x16xf32, #tpu.memory_space<vmem>>[vector<16xi32>, vector<16xi32>], vector<16xf32>,
        tpu.vector_store_idx %arg33[%add3A_833, %broadcast_in_dim3A_21], %get3A_837 : memref<256x16xf32, #tpu.memory_space<vmem>>[vector<16xi32>, vector<16xi32>], vector<16xf32>,
        tpu.vector_store_idx %arg33[%add3A_833, %broadcast_in_dim3A_23], %get3A_841 : memref<256x16xf32, #tpu.memory_space<vmem>>[vector<16xi32>, vector<16xi32>], vector<16xf32>,
        %scan3A_944 = arith.constant 1 : i32
        %scan3A_945 = arith.addi %scan3A_829, %scan3A_944 : i32
        %mul3A_946 = arith.constant 16 : i32
        %mul3A_947 = arith.muli %scan3A_945, %mul3A_946 : i32
        %add3A_948 = vector.broadcast %mul3A_947 : i32 to vector<16xi32>
        %add3A_949 = arith.addi %add3A_948, %iota3A : vector<16xi32>
        %mul3A_950 = arith.constant 16 : i32
        %mul3A_951 = arith.muli %scan3A_945, %mul3A_950 : i32
        %get3A_952 = arith.index_cast %mul3A_951 : i32 to index
        %get3A_953 = tpu.vector_load %arg21[%get3A_952] {strides = array<i32>} : memref<256xf32, #tpu.memory_space<vmem>>, vector<16xf32>,
        %mul3A_954 = arith.constant 16 : i32
        %mul3A_955 = arith.muli %scan3A_945, %mul3A_954 : i32
        %get3A_956 = arith.index_cast %mul3A_955 : i32 to index
        %get3A_957 = tpu.vector_load %arg25[%get3A_956] {strides = array<i32>} : memref<256xf32, #tpu.memory_space<vmem>>, vector<16xf32>,
        %gather3A_958 = tpu.vector_load_idx %arg29[%add3A_949, %broadcast_in_dim3A_5] : memref<256x8xf32, #tpu.memory_space<vmem>>[vector<16xi32>, vector<16xi32>], vector<16xf32>,
        %gather3A_959 = tpu.vector_load_idx %arg29[%add3A_949, %broadcast_in_dim3A_7] : memref<256x8xf32, #tpu.memory_space<vmem>>[vector<16xi32>, vector<16xi32>], vector<16xf32>,
        %gather3A_960 = tpu.vector_load_idx %arg29[%add3A_949, %broadcast_in_dim3A_9] : memref<256x8xf32, #tpu.memory_space<vmem>>[vector<16xi32>, vector<16xi32>], vector<16xf32>,
        %gather3A_961 = tpu.vector_load_idx %arg29[%add3A_949, %broadcast_in_dim3A_11] : memref<256x8xf32, #tpu.memory_space<vmem>>[vector<16xi32>, vector<16xi32>], vector<16xf32>,
        %gather3A_962 = tpu.vector_load_idx %arg29[%add3A_949, %broadcast_in_dim3A_13] : memref<256x8xf32, #tpu.memory_space<vmem>>[vector<16xi32>, vector<16xi32>], vector<16xf32>,
        %gather3A_963 = tpu.vector_load_idx %arg29[%add3A_949, %broadcast_in_dim3A_15] : memref<256x8xf32, #tpu.memory_space<vmem>>[vector<16xi32>, vector<16xi32>], vector<16xf32>,
        %gather3A_964 = tpu.vector_load_idx %arg31[%add3A_949, %broadcast_in_dim3A_5] : memref<256x8xf32, #tpu.memory_space<vmem>>[vector<16xi32>, vector<16xi32>], vector<16xf32>,
        %gather3A_965 = tpu.vector_load_idx %arg31[%add3A_949, %broadcast_in_dim3A_7] : memref<256x8xf32, #tpu.memory_space<vmem>>[vector<16xi32>, vector<16xi32>], vector<16xf32>,
        %gather3A_966 = tpu.vector_load_idx %arg31[%add3A_949, %broadcast_in_dim3A_9] : memref<256x8xf32, #tpu.memory_space<vmem>>[vector<16xi32>, vector<16xi32>], vector<16xf32>,
        %gather3A_967 = tpu.vector_load_idx %arg31[%add3A_949, %broadcast_in_dim3A_11] : memref<256x8xf32, #tpu.memory_space<vmem>>[vector<16xi32>, vector<16xi32>], vector<16xf32>,
        %gather3A_968 = tpu.vector_load_idx %arg31[%add3A_949, %broadcast_in_dim3A_13] : memref<256x8xf32, #tpu.memory_space<vmem>>[vector<16xi32>, vector<16xi32>], vector<16xf32>,
        %gather3A_969 = tpu.vector_load_idx %arg31[%add3A_949, %broadcast_in_dim3A_15] : memref<256x8xf32, #tpu.memory_space<vmem>>[vector<16xi32>, vector<16xi32>], vector<16xf32>,
        %broadcast_in_dim3A_970 = arith.constant 0.000000e+00 : f32
        %broadcast_in_dim3A_971 = vector.broadcast %broadcast_in_dim3A_970 : f32 to vector<16xf32>
        %add3A_972 = arith.addf %gather3A_958, %gather3A_964 : vector<16xf32>
        %mul3A_973 = vector.broadcast %squeeze3A : f32 to vector<16xf32>
        %mul3A_974 = arith.mulf %get3A_953, %mul3A_973 : vector<16xf32>
        %add3A_975 = arith.addf %add3A_972, %mul3A_974 : vector<16xf32>
        %mul3A_976 = vector.broadcast %squeeze3A_38 : f32 to vector<16xf32>
        %mul3A_977 = arith.mulf %get3A_957, %mul3A_976 : vector<16xf32>
        %add3A_978 = arith.addf %add3A_975, %mul3A_977 : vector<16xf32>
        %mul3A_979 = arith.constant 2.000000e-01 : f32
        %mul3A_980 = vector.broadcast %mul3A_979 : f32 to vector<16xf32>
        %mul3A_981 = arith.mulf %add3A_978, %mul3A_980 : vector<16xf32>
        %max3A_982 = arith.maximumf %add3A_978, %mul3A_981 : vector<16xf32>
        %mul3A_983 = vector.broadcast %squeeze3A_50 : f32 to vector<16xf32>
        %mul3A_984 = arith.mulf %max3A_982, %mul3A_983 : vector<16xf32>
        %add3A_985 = arith.addf %broadcast_in_dim3A_971, %mul3A_984 : vector<16xf32>
        %add3A_986 = arith.addf %gather3A_959, %gather3A_965 : vector<16xf32>
        %mul3A_987 = vector.broadcast %squeeze3A_28 : f32 to vector<16xf32>
        %mul3A_988 = arith.mulf %get3A_953, %mul3A_987 : vector<16xf32>
        %add3A_989 = arith.addf %add3A_986, %mul3A_988 : vector<16xf32>
        %mul3A_990 = vector.broadcast %squeeze3A_40 : f32 to vector<16xf32>
        %mul3A_991 = arith.mulf %get3A_957, %mul3A_990 : vector<16xf32>
        %add3A_992 = arith.addf %add3A_989, %mul3A_991 : vector<16xf32>
        %mul3A_993 = arith.constant 2.000000e-01 : f32
        %mul3A_994 = vector.broadcast %mul3A_993 : f32 to vector<16xf32>
        %mul3A_995 = arith.mulf %add3A_992, %mul3A_994 : vector<16xf32>
        %max3A_996 = arith.maximumf %add3A_992, %mul3A_995 : vector<16xf32>
        %mul3A_997 = vector.broadcast %squeeze3A_52 : f32 to vector<16xf32>
        %mul3A_998 = arith.mulf %max3A_996, %mul3A_997 : vector<16xf32>
        %add3A_999 = arith.addf %add3A_985, %mul3A_998 : vector<16xf32>
        %add3A_1000 = arith.addf %gather3A_960, %gather3A_966 : vector<16xf32>
        %mul3A_1001 = vector.broadcast %squeeze3A_30 : f32 to vector<16xf32>
        %mul3A_1002 = arith.mulf %get3A_953, %mul3A_1001 : vector<16xf32>
        %add3A_1003 = arith.addf %add3A_1000, %mul3A_1002 : vector<16xf32>
        %mul3A_1004 = vector.broadcast %squeeze3A_42 : f32 to vector<16xf32>
        %mul3A_1005 = arith.mulf %get3A_957, %mul3A_1004 : vector<16xf32>
        %add3A_1006 = arith.addf %add3A_1003, %mul3A_1005 : vector<16xf32>
        %mul3A_1007 = arith.constant 2.000000e-01 : f32
        %mul3A_1008 = vector.broadcast %mul3A_1007 : f32 to vector<16xf32>
        %mul3A_1009 = arith.mulf %add3A_1006, %mul3A_1008 : vector<16xf32>
        %max3A_1010 = arith.maximumf %add3A_1006, %mul3A_1009 : vector<16xf32>
        %mul3A_1011 = vector.broadcast %squeeze3A_54 : f32 to vector<16xf32>
        %mul3A_1012 = arith.mulf %max3A_1010, %mul3A_1011 : vector<16xf32>
        %add3A_1013 = arith.addf %add3A_999, %mul3A_1012 : vector<16xf32>
        %add3A_1014 = arith.addf %gather3A_961, %gather3A_967 : vector<16xf32>
        %mul3A_1015 = vector.broadcast %squeeze3A_32 : f32 to vector<16xf32>
        %mul3A_1016 = arith.mulf %get3A_953, %mul3A_1015 : vector<16xf32>
        %add3A_1017 = arith.addf %add3A_1014, %mul3A_1016 : vector<16xf32>
        %mul3A_1018 = vector.broadcast %squeeze3A_44 : f32 to vector<16xf32>
        %mul3A_1019 = arith.mulf %get3A_957, %mul3A_1018 : vector<16xf32>
        %add3A_1020 = arith.addf %add3A_1017, %mul3A_1019 : vector<16xf32>
        %mul3A_1021 = arith.constant 2.000000e-01 : f32
        %mul3A_1022 = vector.broadcast %mul3A_1021 : f32 to vector<16xf32>
        %mul3A_1023 = arith.mulf %add3A_1020, %mul3A_1022 : vector<16xf32>
        %max3A_1024 = arith.maximumf %add3A_1020, %mul3A_1023 : vector<16xf32>
        %mul3A_1025 = vector.broadcast %squeeze3A_56 : f32 to vector<16xf32>
        %mul3A_1026 = arith.mulf %max3A_1024, %mul3A_1025 : vector<16xf32>
        %add3A_1027 = arith.addf %add3A_1013, %mul3A_1026 : vector<16xf32>
        %add3A_1028 = arith.addf %gather3A_962, %gather3A_968 : vector<16xf32>
        %mul3A_1029 = vector.broadcast %squeeze3A_34 : f32 to vector<16xf32>
        %mul3A_1030 = arith.mulf %get3A_953, %mul3A_1029 : vector<16xf32>
        %add3A_1031 = arith.addf %add3A_1028, %mul3A_1030 : vector<16xf32>
        %mul3A_1032 = vector.broadcast %squeeze3A_46 : f32 to vector<16xf32>
        %mul3A_1033 = arith.mulf %get3A_957, %mul3A_1032 : vector<16xf32>
        %add3A_1034 = arith.addf %add3A_1031, %mul3A_1033 : vector<16xf32>
        %mul3A_1035 = arith.constant 2.000000e-01 : f32
        %mul3A_1036 = vector.broadcast %mul3A_1035 : f32 to vector<16xf32>
        %mul3A_1037 = arith.mulf %add3A_1034, %mul3A_1036 : vector<16xf32>
        %max3A_1038 = arith.maximumf %add3A_1034, %mul3A_1037 : vector<16xf32>
        %mul3A_1039 = vector.broadcast %squeeze3A_58 : f32 to vector<16xf32>
        %mul3A_1040 = arith.mulf %max3A_1038, %mul3A_1039 : vector<16xf32>
        %add3A_1041 = arith.addf %add3A_1027, %mul3A_1040 : vector<16xf32>
        %add3A_1042 = arith.addf %gather3A_963, %gather3A_969 : vector<16xf32>
        %mul3A_1043 = vector.broadcast %squeeze3A_36 : f32 to vector<16xf32>
        %mul3A_1044 = arith.mulf %get3A_953, %mul3A_1043 : vector<16xf32>
        %add3A_1045 = arith.addf %add3A_1042, %mul3A_1044 : vector<16xf32>
        %mul3A_1046 = vector.broadcast %squeeze3A_48 : f32 to vector<16xf32>
        %mul3A_1047 = arith.mulf %get3A_957, %mul3A_1046 : vector<16xf32>
        %add3A_1048 = arith.addf %add3A_1045, %mul3A_1047 : vector<16xf32>
        %mul3A_1049 = arith.constant 2.000000e-01 : f32
        %mul3A_1050 = vector.broadcast %mul3A_1049 : f32 to vector<16xf32>
        %mul3A_1051 = arith.mulf %add3A_1048, %mul3A_1050 : vector<16xf32>
        %max3A_1052 = arith.maximumf %add3A_1048, %mul3A_1051 : vector<16xf32>
        %mul3A_1053 = vector.broadcast %squeeze3A_60 : f32 to vector<16xf32>
        %mul3A_1054 = arith.mulf %max3A_1052, %mul3A_1053 : vector<16xf32>
        %add3A_1055 = arith.addf %add3A_1041, %mul3A_1054 : vector<16xf32>
        %exp3A_1056 = math.exp %add3A_1055 : vector<16xf32>
        tpu.vector_store_idx %arg33[%add3A_949, %broadcast_in_dim3A_5], %exp3A_1056 : memref<256x16xf32, #tpu.memory_space<vmem>>[vector<16xi32>, vector<16xi32>], vector<16xf32>,
        %mul3A_1057 = arith.mulf %exp3A_1056, %gather3A_958 : vector<16xf32>
        tpu.vector_store_idx %arg33[%add3A_949, %broadcast_in_dim3A_7], %mul3A_1057 : memref<256x16xf32, #tpu.memory_space<vmem>>[vector<16xi32>, vector<16xi32>], vector<16xf32>,
        %mul3A_1058 = arith.mulf %exp3A_1056, %gather3A_959 : vector<16xf32>
        tpu.vector_store_idx %arg33[%add3A_949, %broadcast_in_dim3A_9], %mul3A_1058 : memref<256x16xf32, #tpu.memory_space<vmem>>[vector<16xi32>, vector<16xi32>], vector<16xf32>,
        %mul3A_1059 = arith.mulf %exp3A_1056, %gather3A_960 : vector<16xf32>
        tpu.vector_store_idx %arg33[%add3A_949, %broadcast_in_dim3A_11], %mul3A_1059 : memref<256x16xf32, #tpu.memory_space<vmem>>[vector<16xi32>, vector<16xi32>], vector<16xf32>,
        %mul3A_1060 = arith.mulf %exp3A_1056, %gather3A_961 : vector<16xf32>
        tpu.vector_store_idx %arg33[%add3A_949, %broadcast_in_dim3A_13], %mul3A_1060 : memref<256x16xf32, #tpu.memory_space<vmem>>[vector<16xi32>, vector<16xi32>], vector<16xf32>,
        %mul3A_1061 = arith.mulf %exp3A_1056, %gather3A_962 : vector<16xf32>
        tpu.vector_store_idx %arg33[%add3A_949, %broadcast_in_dim3A_15], %mul3A_1061 : memref<256x16xf32, #tpu.memory_space<vmem>>[vector<16xi32>, vector<16xi32>], vector<16xf32>,
        %mul3A_1062 = arith.mulf %exp3A_1056, %gather3A_963 : vector<16xf32>
        tpu.vector_store_idx %arg33[%add3A_949, %broadcast_in_dim3A_17], %mul3A_1062 : memref<256x16xf32, #tpu.memory_space<vmem>>[vector<16xi32>, vector<16xi32>], vector<16xf32>,
        tpu.vector_store_idx %arg33[%add3A_949, %broadcast_in_dim3A_19], %broadcast_in_dim3A_62 : memref<256x16xf32, #tpu.memory_space<vmem>>[vector<16xi32>, vector<16xi32>], vector<16xf32>,
        tpu.vector_store_idx %arg33[%add3A_949, %broadcast_in_dim3A_21], %get3A_953 : memref<256x16xf32, #tpu.memory_space<vmem>>[vector<16xi32>, vector<16xi32>], vector<16xf32>,
        tpu.vector_store_idx %arg33[%add3A_949, %broadcast_in_dim3A_23], %get3A_957 : memref<256x16xf32, #tpu.memory_space<vmem>>[vector<16xi32>, vector<16xi32>], vector<16xf32>,
        %scan3A_1063 = arith.constant 2 : i32
        %scan3A_1064 = arith.addi %scan3A_829, %scan3A_1063 : i32
        %mul3A_1065 = arith.constant 16 : i32
        %mul3A_1066 = arith.muli %scan3A_1064, %mul3A_1065 : i32
        %add3A_1067 = vector.broadcast %mul3A_1066 : i32 to vector<16xi32>
        %add3A_1068 = arith.addi %add3A_1067, %iota3A : vector<16xi32>
        %mul3A_1069 = arith.constant 16 : i32
        %mul3A_1070 = arith.muli %scan3A_1064, %mul3A_1069 : i32
        %get3A_1071 = arith.index_cast %mul3A_1070 : i32 to index
        %get3A_1072 = tpu.vector_load %arg21[%get3A_1071] {strides = array<i32>} : memref<256xf32, #tpu.memory_space<vmem>>, vector<16xf32>,
        %mul3A_1073 = arith.constant 16 : i32
        %mul3A_1074 = arith.muli %scan3A_1064, %mul3A_1073 : i32
        %get3A_1075 = arith.index_cast %mul3A_1074 : i32 to index
        %get3A_1076 = tpu.vector_load %arg25[%get3A_1075] {strides = array<i32>} : memref<256xf32, #tpu.memory_space<vmem>>, vector<16xf32>,
        %gather3A_1077 = tpu.vector_load_idx %arg29[%add3A_1068, %broadcast_in_dim3A_5] : memref<256x8xf32, #tpu.memory_space<vmem>>[vector<16xi32>, vector<16xi32>], vector<16xf32>,
        %gather3A_1078 = tpu.vector_load_idx %arg29[%add3A_1068, %broadcast_in_dim3A_7] : memref<256x8xf32, #tpu.memory_space<vmem>>[vector<16xi32>, vector<16xi32>], vector<16xf32>,
        %gather3A_1079 = tpu.vector_load_idx %arg29[%add3A_1068, %broadcast_in_dim3A_9] : memref<256x8xf32, #tpu.memory_space<vmem>>[vector<16xi32>, vector<16xi32>], vector<16xf32>,
        %gather3A_1080 = tpu.vector_load_idx %arg29[%add3A_1068, %broadcast_in_dim3A_11] : memref<256x8xf32, #tpu.memory_space<vmem>>[vector<16xi32>, vector<16xi32>], vector<16xf32>,
        %gather3A_1081 = tpu.vector_load_idx %arg29[%add3A_1068, %broadcast_in_dim3A_13] : memref<256x8xf32, #tpu.memory_space<vmem>>[vector<16xi32>, vector<16xi32>], vector<16xf32>,
        %gather3A_1082 = tpu.vector_load_idx %arg29[%add3A_1068, %broadcast_in_dim3A_15] : memref<256x8xf32, #tpu.memory_space<vmem>>[vector<16xi32>, vector<16xi32>], vector<16xf32>,
        %gather3A_1083 = tpu.vector_load_idx %arg31[%add3A_1068, %broadcast_in_dim3A_5] : memref<256x8xf32, #tpu.memory_space<vmem>>[vector<16xi32>, vector<16xi32>], vector<16xf32>,
        %gather3A_1084 = tpu.vector_load_idx %arg31[%add3A_1068, %broadcast_in_dim3A_7] : memref<256x8xf32, #tpu.memory_space<vmem>>[vector<16xi32>, vector<16xi32>], vector<16xf32>,
        %gather3A_1085 = tpu.vector_load_idx %arg31[%add3A_1068, %broadcast_in_dim3A_9] : memref<256x8xf32, #tpu.memory_space<vmem>>[vector<16xi32>, vector<16xi32>], vector<16xf32>,
        %gather3A_1086 = tpu.vector_load_idx %arg31[%add3A_1068, %broadcast_in_dim3A_11] : memref<256x8xf32, #tpu.memory_space<vmem>>[vector<16xi32>, vector<16xi32>], vector<16xf32>,
        %gather3A_1087 = tpu.vector_load_idx %arg31[%add3A_1068, %broadcast_in_dim3A_13] : memref<256x8xf32, #tpu.memory_space<vmem>>[vector<16xi32>, vector<16xi32>], vector<16xf32>,
        %gather3A_1088 = tpu.vector_load_idx %arg31[%add3A_1068, %broadcast_in_dim3A_15] : memref<256x8xf32, #tpu.memory_space<vmem>>[vector<16xi32>, vector<16xi32>], vector<16xf32>,
        %broadcast_in_dim3A_1089 = arith.constant 0.000000e+00 : f32
        %broadcast_in_dim3A_1090 = vector.broadcast %broadcast_in_dim3A_1089 : f32 to vector<16xf32>
        %add3A_1091 = arith.addf %gather3A_1077, %gather3A_1083 : vector<16xf32>
        %mul3A_1092 = vector.broadcast %squeeze3A : f32 to vector<16xf32>
        %mul3A_1093 = arith.mulf %get3A_1072, %mul3A_1092 : vector<16xf32>
        %add3A_1094 = arith.addf %add3A_1091, %mul3A_1093 : vector<16xf32>
        %mul3A_1095 = vector.broadcast %squeeze3A_38 : f32 to vector<16xf32>
        %mul3A_1096 = arith.mulf %get3A_1076, %mul3A_1095 : vector<16xf32>
        %add3A_1097 = arith.addf %add3A_1094, %mul3A_1096 : vector<16xf32>
        %mul3A_1098 = arith.constant 2.000000e-01 : f32
        %mul3A_1099 = vector.broadcast %mul3A_1098 : f32 to vector<16xf32>
        %mul3A_1100 = arith.mulf %add3A_1097, %mul3A_1099 : vector<16xf32>
        %max3A_1101 = arith.maximumf %add3A_1097, %mul3A_1100 : vector<16xf32>
        %mul3A_1102 = vector.broadcast %squeeze3A_50 : f32 to vector<16xf32>
        %mul3A_1103 = arith.mulf %max3A_1101, %mul3A_1102 : vector<16xf32>
        %add3A_1104 = arith.addf %broadcast_in_dim3A_1090, %mul3A_1103 : vector<16xf32>
        %add3A_1105 = arith.addf %gather3A_1078, %gather3A_1084 : vector<16xf32>
        %mul3A_1106 = vector.broadcast %squeeze3A_28 : f32 to vector<16xf32>
        %mul3A_1107 = arith.mulf %get3A_1072, %mul3A_1106 : vector<16xf32>
        %add3A_1108 = arith.addf %add3A_1105, %mul3A_1107 : vector<16xf32>
        %mul3A_1109 = vector.broadcast %squeeze3A_40 : f32 to vector<16xf32>
        %mul3A_1110 = arith.mulf %get3A_1076, %mul3A_1109 : vector<16xf32>
        %add3A_1111 = arith.addf %add3A_1108, %mul3A_1110 : vector<16xf32>
        %mul3A_1112 = arith.constant 2.000000e-01 : f32
        %mul3A_1113 = vector.broadcast %mul3A_1112 : f32 to vector<16xf32>
        %mul3A_1114 = arith.mulf %add3A_1111, %mul3A_1113 : vector<16xf32>
        %max3A_1115 = arith.maximumf %add3A_1111, %mul3A_1114 : vector<16xf32>
        %mul3A_1116 = vector.broadcast %squeeze3A_52 : f32 to vector<16xf32>
        %mul3A_1117 = arith.mulf %max3A_1115, %mul3A_1116 : vector<16xf32>
        %add3A_1118 = arith.addf %add3A_1104, %mul3A_1117 : vector<16xf32>
        %add3A_1119 = arith.addf %gather3A_1079, %gather3A_1085 : vector<16xf32>
        %mul3A_1120 = vector.broadcast %squeeze3A_30 : f32 to vector<16xf32>
        %mul3A_1121 = arith.mulf %get3A_1072, %mul3A_1120 : vector<16xf32>
        %add3A_1122 = arith.addf %add3A_1119, %mul3A_1121 : vector<16xf32>
        %mul3A_1123 = vector.broadcast %squeeze3A_42 : f32 to vector<16xf32>
        %mul3A_1124 = arith.mulf %get3A_1076, %mul3A_1123 : vector<16xf32>
        %add3A_1125 = arith.addf %add3A_1122, %mul3A_1124 : vector<16xf32>
        %mul3A_1126 = arith.constant 2.000000e-01 : f32
        %mul3A_1127 = vector.broadcast %mul3A_1126 : f32 to vector<16xf32>
        %mul3A_1128 = arith.mulf %add3A_1125, %mul3A_1127 : vector<16xf32>
        %max3A_1129 = arith.maximumf %add3A_1125, %mul3A_1128 : vector<16xf32>
        %mul3A_1130 = vector.broadcast %squeeze3A_54 : f32 to vector<16xf32>
        %mul3A_1131 = arith.mulf %max3A_1129, %mul3A_1130 : vector<16xf32>
        %add3A_1132 = arith.addf %add3A_1118, %mul3A_1131 : vector<16xf32>
        %add3A_1133 = arith.addf %gather3A_1080, %gather3A_1086 : vector<16xf32>
        %mul3A_1134 = vector.broadcast %squeeze3A_32 : f32 to vector<16xf32>
        %mul3A_1135 = arith.mulf %get3A_1072, %mul3A_1134 : vector<16xf32>
        %add3A_1136 = arith.addf %add3A_1133, %mul3A_1135 : vector<16xf32>
        %mul3A_1137 = vector.broadcast %squeeze3A_44 : f32 to vector<16xf32>
        %mul3A_1138 = arith.mulf %get3A_1076, %mul3A_1137 : vector<16xf32>
        %add3A_1139 = arith.addf %add3A_1136, %mul3A_1138 : vector<16xf32>
        %mul3A_1140 = arith.constant 2.000000e-01 : f32
        %mul3A_1141 = vector.broadcast %mul3A_1140 : f32 to vector<16xf32>
        %mul3A_1142 = arith.mulf %add3A_1139, %mul3A_1141 : vector<16xf32>
        %max3A_1143 = arith.maximumf %add3A_1139, %mul3A_1142 : vector<16xf32>
        %mul3A_1144 = vector.broadcast %squeeze3A_56 : f32 to vector<16xf32>
        %mul3A_1145 = arith.mulf %max3A_1143, %mul3A_1144 : vector<16xf32>
        %add3A_1146 = arith.addf %add3A_1132, %mul3A_1145 : vector<16xf32>
        %add3A_1147 = arith.addf %gather3A_1081, %gather3A_1087 : vector<16xf32>
        %mul3A_1148 = vector.broadcast %squeeze3A_34 : f32 to vector<16xf32>
        %mul3A_1149 = arith.mulf %get3A_1072, %mul3A_1148 : vector<16xf32>
        %add3A_1150 = arith.addf %add3A_1147, %mul3A_1149 : vector<16xf32>
        %mul3A_1151 = vector.broadcast %squeeze3A_46 : f32 to vector<16xf32>
        %mul3A_1152 = arith.mulf %get3A_1076, %mul3A_1151 : vector<16xf32>
        %add3A_1153 = arith.addf %add3A_1150, %mul3A_1152 : vector<16xf32>
        %mul3A_1154 = arith.constant 2.000000e-01 : f32
        %mul3A_1155 = vector.broadcast %mul3A_1154 : f32 to vector<16xf32>
        %mul3A_1156 = arith.mulf %add3A_1153, %mul3A_1155 : vector<16xf32>
        %max3A_1157 = arith.maximumf %add3A_1153, %mul3A_1156 : vector<16xf32>
        %mul3A_1158 = vector.broadcast %squeeze3A_58 : f32 to vector<16xf32>
        %mul3A_1159 = arith.mulf %max3A_1157, %mul3A_1158 : vector<16xf32>
        %add3A_1160 = arith.addf %add3A_1146, %mul3A_1159 : vector<16xf32>
        %add3A_1161 = arith.addf %gather3A_1082, %gather3A_1088 : vector<16xf32>
        %mul3A_1162 = vector.broadcast %squeeze3A_36 : f32 to vector<16xf32>
        %mul3A_1163 = arith.mulf %get3A_1072, %mul3A_1162 : vector<16xf32>
        %add3A_1164 = arith.addf %add3A_1161, %mul3A_1163 : vector<16xf32>
        %mul3A_1165 = vector.broadcast %squeeze3A_48 : f32 to vector<16xf32>
        %mul3A_1166 = arith.mulf %get3A_1076, %mul3A_1165 : vector<16xf32>
        %add3A_1167 = arith.addf %add3A_1164, %mul3A_1166 : vector<16xf32>
        %mul3A_1168 = arith.constant 2.000000e-01 : f32
        %mul3A_1169 = vector.broadcast %mul3A_1168 : f32 to vector<16xf32>
        %mul3A_1170 = arith.mulf %add3A_1167, %mul3A_1169 : vector<16xf32>
        %max3A_1171 = arith.maximumf %add3A_1167, %mul3A_1170 : vector<16xf32>
        %mul3A_1172 = vector.broadcast %squeeze3A_60 : f32 to vector<16xf32>
        %mul3A_1173 = arith.mulf %max3A_1171, %mul3A_1172 : vector<16xf32>
        %add3A_1174 = arith.addf %add3A_1160, %mul3A_1173 : vector<16xf32>
        %exp3A_1175 = math.exp %add3A_1174 : vector<16xf32>
        tpu.vector_store_idx %arg33[%add3A_1068, %broadcast_in_dim3A_5], %exp3A_1175 : memref<256x16xf32, #tpu.memory_space<vmem>>[vector<16xi32>, vector<16xi32>], vector<16xf32>,
        %mul3A_1176 = arith.mulf %exp3A_1175, %gather3A_1077 : vector<16xf32>
        tpu.vector_store_idx %arg33[%add3A_1068, %broadcast_in_dim3A_7], %mul3A_1176 : memref<256x16xf32, #tpu.memory_space<vmem>>[vector<16xi32>, vector<16xi32>], vector<16xf32>,
        %mul3A_1177 = arith.mulf %exp3A_1175, %gather3A_1078 : vector<16xf32>
        tpu.vector_store_idx %arg33[%add3A_1068, %broadcast_in_dim3A_9], %mul3A_1177 : memref<256x16xf32, #tpu.memory_space<vmem>>[vector<16xi32>, vector<16xi32>], vector<16xf32>,
        %mul3A_1178 = arith.mulf %exp3A_1175, %gather3A_1079 : vector<16xf32>
        tpu.vector_store_idx %arg33[%add3A_1068, %broadcast_in_dim3A_11], %mul3A_1178 : memref<256x16xf32, #tpu.memory_space<vmem>>[vector<16xi32>, vector<16xi32>], vector<16xf32>,
        %mul3A_1179 = arith.mulf %exp3A_1175, %gather3A_1080 : vector<16xf32>
        tpu.vector_store_idx %arg33[%add3A_1068, %broadcast_in_dim3A_13], %mul3A_1179 : memref<256x16xf32, #tpu.memory_space<vmem>>[vector<16xi32>, vector<16xi32>], vector<16xf32>,
        %mul3A_1180 = arith.mulf %exp3A_1175, %gather3A_1081 : vector<16xf32>
        tpu.vector_store_idx %arg33[%add3A_1068, %broadcast_in_dim3A_15], %mul3A_1180 : memref<256x16xf32, #tpu.memory_space<vmem>>[vector<16xi32>, vector<16xi32>], vector<16xf32>,
        %mul3A_1181 = arith.mulf %exp3A_1175, %gather3A_1082 : vector<16xf32>
        tpu.vector_store_idx %arg33[%add3A_1068, %broadcast_in_dim3A_17], %mul3A_1181 : memref<256x16xf32, #tpu.memory_space<vmem>>[vector<16xi32>, vector<16xi32>], vector<16xf32>,
        tpu.vector_store_idx %arg33[%add3A_1068, %broadcast_in_dim3A_19], %broadcast_in_dim3A_62 : memref<256x16xf32, #tpu.memory_space<vmem>>[vector<16xi32>, vector<16xi32>], vector<16xf32>,
        tpu.vector_store_idx %arg33[%add3A_1068, %broadcast_in_dim3A_21], %get3A_1072 : memref<256x16xf32, #tpu.memory_space<vmem>>[vector<16xi32>, vector<16xi32>], vector<16xf32>,
        tpu.vector_store_idx %arg33[%add3A_1068, %broadcast_in_dim3A_23], %get3A_1076 : memref<256x16xf32, #tpu.memory_space<vmem>>[vector<16xi32>, vector<16xi32>], vector<16xf32>,
        %scan3A_1182 = arith.constant 3 : i32
        %scan3A_1183 = arith.addi %scan3A_829, %scan3A_1182 : i32
        %mul3A_1184 = arith.constant 16 : i32
        %mul3A_1185 = arith.muli %scan3A_1183, %mul3A_1184 : i32
        %add3A_1186 = vector.broadcast %mul3A_1185 : i32 to vector<16xi32>
        %add3A_1187 = arith.addi %add3A_1186, %iota3A : vector<16xi32>
        %mul3A_1188 = arith.constant 16 : i32
        %mul3A_1189 = arith.muli %scan3A_1183, %mul3A_1188 : i32
        %get3A_1190 = arith.index_cast %mul3A_1189 : i32 to index
        %get3A_1191 = tpu.vector_load %arg21[%get3A_1190] {strides = array<i32>} : memref<256xf32, #tpu.memory_space<vmem>>, vector<16xf32>,
        %mul3A_1192 = arith.constant 16 : i32
        %mul3A_1193 = arith.muli %scan3A_1183, %mul3A_1192 : i32
        %get3A_1194 = arith.index_cast %mul3A_1193 : i32 to index
        %get3A_1195 = tpu.vector_load %arg25[%get3A_1194] {strides = array<i32>} : memref<256xf32, #tpu.memory_space<vmem>>, vector<16xf32>,
        %gather3A_1196 = tpu.vector_load_idx %arg29[%add3A_1187, %broadcast_in_dim3A_5] : memref<256x8xf32, #tpu.memory_space<vmem>>[vector<16xi32>, vector<16xi32>], vector<16xf32>,
        %gather3A_1197 = tpu.vector_load_idx %arg29[%add3A_1187, %broadcast_in_dim3A_7] : memref<256x8xf32, #tpu.memory_space<vmem>>[vector<16xi32>, vector<16xi32>], vector<16xf32>,
        %gather3A_1198 = tpu.vector_load_idx %arg29[%add3A_1187, %broadcast_in_dim3A_9] : memref<256x8xf32, #tpu.memory_space<vmem>>[vector<16xi32>, vector<16xi32>], vector<16xf32>,
        %gather3A_1199 = tpu.vector_load_idx %arg29[%add3A_1187, %broadcast_in_dim3A_11] : memref<256x8xf32, #tpu.memory_space<vmem>>[vector<16xi32>, vector<16xi32>], vector<16xf32>,
        %gather3A_1200 = tpu.vector_load_idx %arg29[%add3A_1187, %broadcast_in_dim3A_13] : memref<256x8xf32, #tpu.memory_space<vmem>>[vector<16xi32>, vector<16xi32>], vector<16xf32>,
        %gather3A_1201 = tpu.vector_load_idx %arg29[%add3A_1187, %broadcast_in_dim3A_15] : memref<256x8xf32, #tpu.memory_space<vmem>>[vector<16xi32>, vector<16xi32>], vector<16xf32>,
        %gather3A_1202 = tpu.vector_load_idx %arg31[%add3A_1187, %broadcast_in_dim3A_5] : memref<256x8xf32, #tpu.memory_space<vmem>>[vector<16xi32>, vector<16xi32>], vector<16xf32>,
        %gather3A_1203 = tpu.vector_load_idx %arg31[%add3A_1187, %broadcast_in_dim3A_7] : memref<256x8xf32, #tpu.memory_space<vmem>>[vector<16xi32>, vector<16xi32>], vector<16xf32>,
        %gather3A_1204 = tpu.vector_load_idx %arg31[%add3A_1187, %broadcast_in_dim3A_9] : memref<256x8xf32, #tpu.memory_space<vmem>>[vector<16xi32>, vector<16xi32>], vector<16xf32>,
        %gather3A_1205 = tpu.vector_load_idx %arg31[%add3A_1187, %broadcast_in_dim3A_11] : memref<256x8xf32, #tpu.memory_space<vmem>>[vector<16xi32>, vector<16xi32>], vector<16xf32>,
        %gather3A_1206 = tpu.vector_load_idx %arg31[%add3A_1187, %broadcast_in_dim3A_13] : memref<256x8xf32, #tpu.memory_space<vmem>>[vector<16xi32>, vector<16xi32>], vector<16xf32>,
        %gather3A_1207 = tpu.vector_load_idx %arg31[%add3A_1187, %broadcast_in_dim3A_15] : memref<256x8xf32, #tpu.memory_space<vmem>>[vector<16xi32>, vector<16xi32>], vector<16xf32>,
        %broadcast_in_dim3A_1208 = arith.constant 0.000000e+00 : f32
        %broadcast_in_dim3A_1209 = vector.broadcast %broadcast_in_dim3A_1208 : f32 to vector<16xf32>
        %add3A_1210 = arith.addf %gather3A_1196, %gather3A_1202 : vector<16xf32>
        %mul3A_1211 = vector.broadcast %squeeze3A : f32 to vector<16xf32>
        %mul3A_1212 = arith.mulf %get3A_1191, %mul3A_1211 : vector<16xf32>
        %add3A_1213 = arith.addf %add3A_1210, %mul3A_1212 : vector<16xf32>
        %mul3A_1214 = vector.broadcast %squeeze3A_38 : f32 to vector<16xf32>
        %mul3A_1215 = arith.mulf %get3A_1195, %mul3A_1214 : vector<16xf32>
        %add3A_1216 = arith.addf %add3A_1213, %mul3A_1215 : vector<16xf32>
        %mul3A_1217 = arith.constant 2.000000e-01 : f32
        %mul3A_1218 = vector.broadcast %mul3A_1217 : f32 to vector<16xf32>
        %mul3A_1219 = arith.mulf %add3A_1216, %mul3A_1218 : vector<16xf32>
        %max3A_1220 = arith.maximumf %add3A_1216, %mul3A_1219 : vector<16xf32>
        %mul3A_1221 = vector.broadcast %squeeze3A_50 : f32 to vector<16xf32>
        %mul3A_1222 = arith.mulf %max3A_1220, %mul3A_1221 : vector<16xf32>
        %add3A_1223 = arith.addf %broadcast_in_dim3A_1209, %mul3A_1222 : vector<16xf32>
        %add3A_1224 = arith.addf %gather3A_1197, %gather3A_1203 : vector<16xf32>
        %mul3A_1225 = vector.broadcast %squeeze3A_28 : f32 to vector<16xf32>
        %mul3A_1226 = arith.mulf %get3A_1191, %mul3A_1225 : vector<16xf32>
        %add3A_1227 = arith.addf %add3A_1224, %mul3A_1226 : vector<16xf32>
        %mul3A_1228 = vector.broadcast %squeeze3A_40 : f32 to vector<16xf32>
        %mul3A_1229 = arith.mulf %get3A_1195, %mul3A_1228 : vector<16xf32>
        %add3A_1230 = arith.addf %add3A_1227, %mul3A_1229 : vector<16xf32>
        %mul3A_1231 = arith.constant 2.000000e-01 : f32
        %mul3A_1232 = vector.broadcast %mul3A_1231 : f32 to vector<16xf32>
        %mul3A_1233 = arith.mulf %add3A_1230, %mul3A_1232 : vector<16xf32>
        %max3A_1234 = arith.maximumf %add3A_1230, %mul3A_1233 : vector<16xf32>
        %mul3A_1235 = vector.broadcast %squeeze3A_52 : f32 to vector<16xf32>
        %mul3A_1236 = arith.mulf %max3A_1234, %mul3A_1235 : vector<16xf32>
        %add3A_1237 = arith.addf %add3A_1223, %mul3A_1236 : vector<16xf32>
        %add3A_1238 = arith.addf %gather3A_1198, %gather3A_1204 : vector<16xf32>
        %mul3A_1239 = vector.broadcast %squeeze3A_30 : f32 to vector<16xf32>
        %mul3A_1240 = arith.mulf %get3A_1191, %mul3A_1239 : vector<16xf32>
        %add3A_1241 = arith.addf %add3A_1238, %mul3A_1240 : vector<16xf32>
        %mul3A_1242 = vector.broadcast %squeeze3A_42 : f32 to vector<16xf32>
        %mul3A_1243 = arith.mulf %get3A_1195, %mul3A_1242 : vector<16xf32>
        %add3A_1244 = arith.addf %add3A_1241, %mul3A_1243 : vector<16xf32>
        %mul3A_1245 = arith.constant 2.000000e-01 : f32
        %mul3A_1246 = vector.broadcast %mul3A_1245 : f32 to vector<16xf32>
        %mul3A_1247 = arith.mulf %add3A_1244, %mul3A_1246 : vector<16xf32>
        %max3A_1248 = arith.maximumf %add3A_1244, %mul3A_1247 : vector<16xf32>
        %mul3A_1249 = vector.broadcast %squeeze3A_54 : f32 to vector<16xf32>
        %mul3A_1250 = arith.mulf %max3A_1248, %mul3A_1249 : vector<16xf32>
        %add3A_1251 = arith.addf %add3A_1237, %mul3A_1250 : vector<16xf32>
        %add3A_1252 = arith.addf %gather3A_1199, %gather3A_1205 : vector<16xf32>
        %mul3A_1253 = vector.broadcast %squeeze3A_32 : f32 to vector<16xf32>
        %mul3A_1254 = arith.mulf %get3A_1191, %mul3A_1253 : vector<16xf32>
        %add3A_1255 = arith.addf %add3A_1252, %mul3A_1254 : vector<16xf32>
        %mul3A_1256 = vector.broadcast %squeeze3A_44 : f32 to vector<16xf32>
        %mul3A_1257 = arith.mulf %get3A_1195, %mul3A_1256 : vector<16xf32>
        %add3A_1258 = arith.addf %add3A_1255, %mul3A_1257 : vector<16xf32>
        %mul3A_1259 = arith.constant 2.000000e-01 : f32
        %mul3A_1260 = vector.broadcast %mul3A_1259 : f32 to vector<16xf32>
        %mul3A_1261 = arith.mulf %add3A_1258, %mul3A_1260 : vector<16xf32>
        %max3A_1262 = arith.maximumf %add3A_1258, %mul3A_1261 : vector<16xf32>
        %mul3A_1263 = vector.broadcast %squeeze3A_56 : f32 to vector<16xf32>
        %mul3A_1264 = arith.mulf %max3A_1262, %mul3A_1263 : vector<16xf32>
        %add3A_1265 = arith.addf %add3A_1251, %mul3A_1264 : vector<16xf32>
        %add3A_1266 = arith.addf %gather3A_1200, %gather3A_1206 : vector<16xf32>
        %mul3A_1267 = vector.broadcast %squeeze3A_34 : f32 to vector<16xf32>
        %mul3A_1268 = arith.mulf %get3A_1191, %mul3A_1267 : vector<16xf32>
        %add3A_1269 = arith.addf %add3A_1266, %mul3A_1268 : vector<16xf32>
        %mul3A_1270 = vector.broadcast %squeeze3A_46 : f32 to vector<16xf32>
        %mul3A_1271 = arith.mulf %get3A_1195, %mul3A_1270 : vector<16xf32>
        %add3A_1272 = arith.addf %add3A_1269, %mul3A_1271 : vector<16xf32>
        %mul3A_1273 = arith.constant 2.000000e-01 : f32
        %mul3A_1274 = vector.broadcast %mul3A_1273 : f32 to vector<16xf32>
        %mul3A_1275 = arith.mulf %add3A_1272, %mul3A_1274 : vector<16xf32>
        %max3A_1276 = arith.maximumf %add3A_1272, %mul3A_1275 : vector<16xf32>
        %mul3A_1277 = vector.broadcast %squeeze3A_58 : f32 to vector<16xf32>
        %mul3A_1278 = arith.mulf %max3A_1276, %mul3A_1277 : vector<16xf32>
        %add3A_1279 = arith.addf %add3A_1265, %mul3A_1278 : vector<16xf32>
        %add3A_1280 = arith.addf %gather3A_1201, %gather3A_1207 : vector<16xf32>
        %mul3A_1281 = vector.broadcast %squeeze3A_36 : f32 to vector<16xf32>
        %mul3A_1282 = arith.mulf %get3A_1191, %mul3A_1281 : vector<16xf32>
        %add3A_1283 = arith.addf %add3A_1280, %mul3A_1282 : vector<16xf32>
        %mul3A_1284 = vector.broadcast %squeeze3A_48 : f32 to vector<16xf32>
        %mul3A_1285 = arith.mulf %get3A_1195, %mul3A_1284 : vector<16xf32>
        %add3A_1286 = arith.addf %add3A_1283, %mul3A_1285 : vector<16xf32>
        %mul3A_1287 = arith.constant 2.000000e-01 : f32
        %mul3A_1288 = vector.broadcast %mul3A_1287 : f32 to vector<16xf32>
        %mul3A_1289 = arith.mulf %add3A_1286, %mul3A_1288 : vector<16xf32>
        %max3A_1290 = arith.maximumf %add3A_1286, %mul3A_1289 : vector<16xf32>
        %mul3A_1291 = vector.broadcast %squeeze3A_60 : f32 to vector<16xf32>
        %mul3A_1292 = arith.mulf %max3A_1290, %mul3A_1291 : vector<16xf32>
        %add3A_1293 = arith.addf %add3A_1279, %mul3A_1292 : vector<16xf32>
        %exp3A_1294 = math.exp %add3A_1293 : vector<16xf32>
        tpu.vector_store_idx %arg33[%add3A_1187, %broadcast_in_dim3A_5], %exp3A_1294 : memref<256x16xf32, #tpu.memory_space<vmem>>[vector<16xi32>, vector<16xi32>], vector<16xf32>,
        %mul3A_1295 = arith.mulf %exp3A_1294, %gather3A_1196 : vector<16xf32>
        tpu.vector_store_idx %arg33[%add3A_1187, %broadcast_in_dim3A_7], %mul3A_1295 : memref<256x16xf32, #tpu.memory_space<vmem>>[vector<16xi32>, vector<16xi32>], vector<16xf32>,
        %mul3A_1296 = arith.mulf %exp3A_1294, %gather3A_1197 : vector<16xf32>
        tpu.vector_store_idx %arg33[%add3A_1187, %broadcast_in_dim3A_9], %mul3A_1296 : memref<256x16xf32, #tpu.memory_space<vmem>>[vector<16xi32>, vector<16xi32>], vector<16xf32>,
        %mul3A_1297 = arith.mulf %exp3A_1294, %gather3A_1198 : vector<16xf32>
        tpu.vector_store_idx %arg33[%add3A_1187, %broadcast_in_dim3A_11], %mul3A_1297 : memref<256x16xf32, #tpu.memory_space<vmem>>[vector<16xi32>, vector<16xi32>], vector<16xf32>,
        %mul3A_1298 = arith.mulf %exp3A_1294, %gather3A_1199 : vector<16xf32>
        tpu.vector_store_idx %arg33[%add3A_1187, %broadcast_in_dim3A_13], %mul3A_1298 : memref<256x16xf32, #tpu.memory_space<vmem>>[vector<16xi32>, vector<16xi32>], vector<16xf32>,
        %mul3A_1299 = arith.mulf %exp3A_1294, %gather3A_1200 : vector<16xf32>
        tpu.vector_store_idx %arg33[%add3A_1187, %broadcast_in_dim3A_15], %mul3A_1299 : memref<256x16xf32, #tpu.memory_space<vmem>>[vector<16xi32>, vector<16xi32>], vector<16xf32>,
        %mul3A_1300 = arith.mulf %exp3A_1294, %gather3A_1201 : vector<16xf32>
        tpu.vector_store_idx %arg33[%add3A_1187, %broadcast_in_dim3A_17], %mul3A_1300 : memref<256x16xf32, #tpu.memory_space<vmem>>[vector<16xi32>, vector<16xi32>], vector<16xf32>,
        tpu.vector_store_idx %arg33[%add3A_1187, %broadcast_in_dim3A_19], %broadcast_in_dim3A_62 : memref<256x16xf32, #tpu.memory_space<vmem>>[vector<16xi32>, vector<16xi32>], vector<16xf32>,
        tpu.vector_store_idx %arg33[%add3A_1187, %broadcast_in_dim3A_21], %get3A_1191 : memref<256x16xf32, #tpu.memory_space<vmem>>[vector<16xi32>, vector<16xi32>], vector<16xf32>,
        tpu.vector_store_idx %arg33[%add3A_1187, %broadcast_in_dim3A_23], %get3A_1195 : memref<256x16xf32, #tpu.memory_space<vmem>>[vector<16xi32>, vector<16xi32>], vector<16xf32>,
      }
      %scan3A_530 = arith.constant 16 : i32
      %dma_start3A_531 = arith.constant 0 : i32
      %dma_start3A_532 = arith.constant 0 : i32
      %dma_start3A_533 = arith.constant 0 : i32
      %dma_start3A_534 = tpu.memref_slice %arg33[%dma_start3A_532, %dma_start3A_533] : memref<256x16xf32, #tpu.memory_space<vmem>> -> memref<128x16xf32, #tpu.memory_space<vmem>>
      %dma_start3A_535 = arith.constant 0 : i32
      %dma_start3A_536 = tpu.memref_slice %arg17[%dma_start3A_531, %dma_start3A_535] : memref<2x128xi32, #tpu.memory_space<vmem>> -> memref<1x128xi32, #tpu.memory_space<vmem>>
      %dma_start3A_537 = tpu.memref_squeeze %dma_start3A_536 : memref<1x128xi32, #tpu.memory_space<vmem>> -> memref<128xi32, #tpu.memory_space<vmem>>
      %dma_start3A_538 = arith.constant 0 : i32
      %dma_start3A_539 = arith.constant 0 : i32
      %dma_start3A_540 = tpu.memref_slice %arg11[%dma_start3A_538, %dma_start3A_539] : memref<100016x16xf32, #tpu.memory_space<vmem_shared>> -> memref<100016x16xf32, #tpu.memory_space<vmem_shared>>
      tpu.enqueue_indirect_dma source(%dma_start3A_534 : memref<128x16xf32, #tpu.memory_space<vmem>>) target(%dma_start3A_540 : memref<100016x16xf32, #tpu.memory_space<vmem_shared>>) offsets(%dma_start3A_537 : memref<128xi32, #tpu.memory_space<vmem>>) semaphore(%arg42 : memref<!tpu.dma_semaphore, #tpu.memory_space<semaphore_mem>>) {add = true}
      %dma_start3A_541 = arith.constant 1 : i32
      %dma_start3A_542 = arith.constant 128 : i32
      %dma_start3A_543 = arith.constant 0 : i32
      %dma_start3A_544 = tpu.memref_slice %arg33[%dma_start3A_542, %dma_start3A_543] : memref<256x16xf32, #tpu.memory_space<vmem>> -> memref<128x16xf32, #tpu.memory_space<vmem>>
      %dma_start3A_545 = arith.constant 0 : i32
      %dma_start3A_546 = tpu.memref_slice %arg17[%dma_start3A_541, %dma_start3A_545] : memref<2x128xi32, #tpu.memory_space<vmem>> -> memref<1x128xi32, #tpu.memory_space<vmem>>
      %dma_start3A_547 = tpu.memref_squeeze %dma_start3A_546 : memref<1x128xi32, #tpu.memory_space<vmem>> -> memref<128xi32, #tpu.memory_space<vmem>>
      %dma_start3A_548 = arith.constant 0 : i32
      %dma_start3A_549 = arith.constant 0 : i32
      %dma_start3A_550 = tpu.memref_slice %arg11[%dma_start3A_548, %dma_start3A_549] : memref<100016x16xf32, #tpu.memory_space<vmem_shared>> -> memref<100016x16xf32, #tpu.memory_space<vmem_shared>>
      tpu.enqueue_indirect_dma source(%dma_start3A_544 : memref<128x16xf32, #tpu.memory_space<vmem>>) target(%dma_start3A_550 : memref<100016x16xf32, #tpu.memory_space<vmem_shared>>) offsets(%dma_start3A_547 : memref<128xi32, #tpu.memory_space<vmem>>) semaphore(%arg42 : memref<!tpu.dma_semaphore, #tpu.memory_space<semaphore_mem>>) {add = true}
      %mul3A_551 = arith.constant 4 : i32
      %mul3A_552 = arith.muli %scan3A_219, %mul3A_551 : i32
      %add3A_553 = arith.constant 2 : i32
      %add3A_554 = arith.addi %mul3A_552, %add3A_553 : i32
      %dma_wait3A_555 = arith.constant 0 : i32
      %dma_wait3A_556 = arith.constant 0 : i32
      %dma_wait3A_557 = tpu.memref_slice %arg28[%dma_wait3A_555, %dma_wait3A_556] : memref<256x8xf32, #tpu.memory_space<vmem>> -> memref<128x8xf32, #tpu.memory_space<vmem>>
      %dma_wait3A_558 = arith.constant 0 : i32
      %dma_wait3A_559 = arith.constant 0 : i32
      %dma_wait3A_560 = tpu.memref_slice %arg6[%dma_wait3A_558, %dma_wait3A_559] : memref<100000x8xf32, #tpu.memory_space<hbm>> -> memref<128x8xf32, #tpu.memory_space<hbm>>
      %dma_wait3A_561 = arith.constant 0 : i32
      %dma_wait3A_562 = arith.constant 0 : i32
      %dma_wait3A_563 = tpu.memref_slice %arg28[%dma_wait3A_561, %dma_wait3A_562] : memref<256x8xf32, #tpu.memory_space<vmem>> -> memref<128x8xf32, #tpu.memory_space<vmem>>
      %dma_wait3A_564 = arith.constant 0 : i32
      %dma_wait3A_565 = arith.constant 0 : i32
      %dma_wait3A_566 = tpu.memref_slice %arg6[%dma_wait3A_564, %dma_wait3A_565] : memref<100000x8xf32, #tpu.memory_space<hbm>> -> memref<128x8xf32, #tpu.memory_space<hbm>>
      tpu.wait_dma2 semaphore(%arg39 : memref<!tpu.dma_semaphore, #tpu.memory_space<semaphore_mem>>) src(%dma_wait3A_566 : memref<128x8xf32, #tpu.memory_space<hbm>>) dst(%dma_wait3A_563 : memref<128x8xf32, #tpu.memory_space<vmem>>)
      %dma_wait3A_567 = arith.constant 0 : i32
      %dma_wait3A_568 = arith.constant 0 : i32
      %dma_wait3A_569 = tpu.memref_slice %arg30[%dma_wait3A_567, %dma_wait3A_568] : memref<256x8xf32, #tpu.memory_space<vmem>> -> memref<128x8xf32, #tpu.memory_space<vmem>>
      %dma_wait3A_570 = arith.constant 0 : i32
      %dma_wait3A_571 = arith.constant 0 : i32
      %dma_wait3A_572 = tpu.memref_slice %arg7[%dma_wait3A_570, %dma_wait3A_571] : memref<100000x8xf32, #tpu.memory_space<hbm>> -> memref<128x8xf32, #tpu.memory_space<hbm>>
      %dma_wait3A_573 = arith.constant 0 : i32
      %dma_wait3A_574 = arith.constant 0 : i32
      %dma_wait3A_575 = tpu.memref_slice %arg30[%dma_wait3A_573, %dma_wait3A_574] : memref<256x8xf32, #tpu.memory_space<vmem>> -> memref<128x8xf32, #tpu.memory_space<vmem>>
      %dma_wait3A_576 = arith.constant 0 : i32
      %dma_wait3A_577 = arith.constant 0 : i32
      %dma_wait3A_578 = tpu.memref_slice %arg7[%dma_wait3A_576, %dma_wait3A_577] : memref<100000x8xf32, #tpu.memory_space<hbm>> -> memref<128x8xf32, #tpu.memory_space<hbm>>
      tpu.wait_dma2 semaphore(%arg39 : memref<!tpu.dma_semaphore, #tpu.memory_space<semaphore_mem>>) src(%dma_wait3A_578 : memref<128x8xf32, #tpu.memory_space<hbm>>) dst(%dma_wait3A_575 : memref<128x8xf32, #tpu.memory_space<vmem>>)
      %dma_wait3A_579 = arith.constant 128 : i32
      %dma_wait3A_580 = arith.constant 0 : i32
      %dma_wait3A_581 = tpu.memref_slice %arg28[%dma_wait3A_579, %dma_wait3A_580] : memref<256x8xf32, #tpu.memory_space<vmem>> -> memref<128x8xf32, #tpu.memory_space<vmem>>
      %dma_wait3A_582 = arith.constant 0 : i32
      %dma_wait3A_583 = arith.constant 0 : i32
      %dma_wait3A_584 = tpu.memref_slice %arg6[%dma_wait3A_582, %dma_wait3A_583] : memref<100000x8xf32, #tpu.memory_space<hbm>> -> memref<128x8xf32, #tpu.memory_space<hbm>>
      %dma_wait3A_585 = arith.constant 128 : i32
      %dma_wait3A_586 = arith.constant 0 : i32
      %dma_wait3A_587 = tpu.memref_slice %arg28[%dma_wait3A_585, %dma_wait3A_586] : memref<256x8xf32, #tpu.memory_space<vmem>> -> memref<128x8xf32, #tpu.memory_space<vmem>>
      %dma_wait3A_588 = arith.constant 0 : i32
      %dma_wait3A_589 = arith.constant 0 : i32
      %dma_wait3A_590 = tpu.memref_slice %arg6[%dma_wait3A_588, %dma_wait3A_589] : memref<100000x8xf32, #tpu.memory_space<hbm>> -> memref<128x8xf32, #tpu.memory_space<hbm>>
      tpu.wait_dma2 semaphore(%arg39 : memref<!tpu.dma_semaphore, #tpu.memory_space<semaphore_mem>>) src(%dma_wait3A_590 : memref<128x8xf32, #tpu.memory_space<hbm>>) dst(%dma_wait3A_587 : memref<128x8xf32, #tpu.memory_space<vmem>>)
      %dma_wait3A_591 = arith.constant 128 : i32
      %dma_wait3A_592 = arith.constant 0 : i32
      %dma_wait3A_593 = tpu.memref_slice %arg30[%dma_wait3A_591, %dma_wait3A_592] : memref<256x8xf32, #tpu.memory_space<vmem>> -> memref<128x8xf32, #tpu.memory_space<vmem>>
      %dma_wait3A_594 = arith.constant 0 : i32
      %dma_wait3A_595 = arith.constant 0 : i32
      %dma_wait3A_596 = tpu.memref_slice %arg7[%dma_wait3A_594, %dma_wait3A_595] : memref<100000x8xf32, #tpu.memory_space<hbm>> -> memref<128x8xf32, #tpu.memory_space<hbm>>
      %dma_wait3A_597 = arith.constant 128 : i32
      %dma_wait3A_598 = arith.constant 0 : i32
      %dma_wait3A_599 = tpu.memref_slice %arg30[%dma_wait3A_597, %dma_wait3A_598] : memref<256x8xf32, #tpu.memory_space<vmem>> -> memref<128x8xf32, #tpu.memory_space<vmem>>
      %dma_wait3A_600 = arith.constant 0 : i32
      %dma_wait3A_601 = arith.constant 0 : i32
      %dma_wait3A_602 = tpu.memref_slice %arg7[%dma_wait3A_600, %dma_wait3A_601] : memref<100000x8xf32, #tpu.memory_space<hbm>> -> memref<128x8xf32, #tpu.memory_space<hbm>>
      tpu.wait_dma2 semaphore(%arg39 : memref<!tpu.dma_semaphore, #tpu.memory_space<semaphore_mem>>) src(%dma_wait3A_602 : memref<128x8xf32, #tpu.memory_space<hbm>>) dst(%dma_wait3A_599 : memref<128x8xf32, #tpu.memory_space<vmem>>)
      %dma_wait3A_603 = arith.constant 0 : i32
      %dma_wait3A_604 = arith.constant 0 : i32
      %dma_wait3A_605 = tpu.memref_slice %arg32[%dma_wait3A_603, %dma_wait3A_604] : memref<256x16xf32, #tpu.memory_space<vmem>> -> memref<128x16xf32, #tpu.memory_space<vmem>>
      %dma_wait3A_606 = arith.constant 0 : i32
      %dma_wait3A_607 = arith.constant 0 : i32
      %dma_wait3A_608 = tpu.memref_slice %arg8[%dma_wait3A_606, %dma_wait3A_607] : memref<100016x16xf32, #tpu.memory_space<hbm>> -> memref<128x16xf32, #tpu.memory_space<hbm>>
      %dma_wait3A_609 = arith.constant 0 : i32
      %dma_wait3A_610 = arith.constant 0 : i32
      %dma_wait3A_611 = tpu.memref_slice %arg32[%dma_wait3A_609, %dma_wait3A_610] : memref<256x16xf32, #tpu.memory_space<vmem>> -> memref<128x16xf32, #tpu.memory_space<vmem>>
      %dma_wait3A_612 = arith.constant 0 : i32
      %dma_wait3A_613 = arith.constant 0 : i32
      %dma_wait3A_614 = tpu.memref_slice %arg8[%dma_wait3A_612, %dma_wait3A_613] : memref<100016x16xf32, #tpu.memory_space<hbm>> -> memref<128x16xf32, #tpu.memory_space<hbm>>
      tpu.wait_dma2 semaphore(%arg41 : memref<!tpu.dma_semaphore, #tpu.memory_space<semaphore_mem>>) src(%dma_wait3A_614 : memref<128x16xf32, #tpu.memory_space<hbm>>) dst(%dma_wait3A_611 : memref<128x16xf32, #tpu.memory_space<vmem>>)
      %dma_wait3A_615 = arith.constant 128 : i32
      %dma_wait3A_616 = arith.constant 0 : i32
      %dma_wait3A_617 = tpu.memref_slice %arg32[%dma_wait3A_615, %dma_wait3A_616] : memref<256x16xf32, #tpu.memory_space<vmem>> -> memref<128x16xf32, #tpu.memory_space<vmem>>
      %dma_wait3A_618 = arith.constant 0 : i32
      %dma_wait3A_619 = arith.constant 0 : i32
      %dma_wait3A_620 = tpu.memref_slice %arg8[%dma_wait3A_618, %dma_wait3A_619] : memref<100016x16xf32, #tpu.memory_space<hbm>> -> memref<128x16xf32, #tpu.memory_space<hbm>>
      %dma_wait3A_621 = arith.constant 128 : i32
      %dma_wait3A_622 = arith.constant 0 : i32
      %dma_wait3A_623 = tpu.memref_slice %arg32[%dma_wait3A_621, %dma_wait3A_622] : memref<256x16xf32, #tpu.memory_space<vmem>> -> memref<128x16xf32, #tpu.memory_space<vmem>>
      %dma_wait3A_624 = arith.constant 0 : i32
      %dma_wait3A_625 = arith.constant 0 : i32
      %dma_wait3A_626 = tpu.memref_slice %arg8[%dma_wait3A_624, %dma_wait3A_625] : memref<100016x16xf32, #tpu.memory_space<hbm>> -> memref<128x16xf32, #tpu.memory_space<hbm>>
      tpu.wait_dma2 semaphore(%arg41 : memref<!tpu.dma_semaphore, #tpu.memory_space<semaphore_mem>>) src(%dma_wait3A_626 : memref<128x16xf32, #tpu.memory_space<hbm>>) dst(%dma_wait3A_623 : memref<128x16xf32, #tpu.memory_space<vmem>>)
      %lt3A = arith.constant 195 : i32
      %lt3A_627 = arith.cmpi slt, %scan3A_219, %lt3A : i32
      %convert_element_type3A_628 = arith.extui %lt3A_627 : i1 to i32
      %cond3A_629 = arith.constant 0 : i32
      %cond3A_630 = arith.cmpi ne, %convert_element_type3A_628, %cond3A_629 : i32
      scf.if %cond3A_630 {
        %add3A_829 = arith.constant 2 : i32
        %add3A_830 = arith.addi %add3A_554, %add3A_829 : i32
        %mul3A_831 = arith.constant 200704 : i32
        %mul3A_832 = arith.muli %add3A, %mul3A_831 : i32
        %mul3A_833 = arith.constant 256 : i32
        %mul3A_834 = arith.muli %add3A_830, %mul3A_833 : i32
        %add3A_835 = arith.addi %mul3A_832, %mul3A_834 : i32
        %mul3A_836 = arith.constant 1568 : i32
        %mul3A_837 = arith.muli %add3A, %mul3A_836 : i32
        %mul3A_838 = arith.constant 2 : i32
        %mul3A_839 = arith.muli %add3A_830, %mul3A_838 : i32
        %add3A_840 = arith.addi %mul3A_837, %mul3A_839 : i32
        %dma_start3A_841 = arith.constant 0 : i32
        %dma_start3A_842 = tpu.memref_slice %arg2[%add3A_840, %dma_start3A_841] : memref<50176x128xi32, #tpu.memory_space<hbm>> -> memref<2x128xi32, #tpu.memory_space<hbm>>
        %dma_start3A_843 = arith.constant 0 : i32
        %dma_start3A_844 = tpu.memref_slice %arg2[%add3A_840, %dma_start3A_843] : memref<50176x128xi32, #tpu.memory_space<hbm>> -> memref<2x128xi32, #tpu.memory_space<hbm>>
        tpu.enqueue_dma source(%dma_start3A_844 : memref<2x128xi32, #tpu.memory_space<hbm>>) target(%arg12 : memref<2x128xi32, #tpu.memory_space<vmem>>) target_semaphore(%arg35 : memref<!tpu.dma_semaphore, #tpu.memory_space<semaphore_mem>>)
        %dma_start3A_845 = arith.constant 0 : i32
        %dma_start3A_846 = tpu.memref_slice %arg3[%add3A_840, %dma_start3A_845] : memref<50176x128xi32, #tpu.memory_space<hbm>> -> memref<2x128xi32, #tpu.memory_space<hbm>>
        %dma_start3A_847 = arith.constant 0 : i32
        %dma_start3A_848 = tpu.memref_slice %arg3[%add3A_840, %dma_start3A_847] : memref<50176x128xi32, #tpu.memory_space<hbm>> -> memref<2x128xi32, #tpu.memory_space<hbm>>
        tpu.enqueue_dma source(%dma_start3A_848 : memref<2x128xi32, #tpu.memory_space<hbm>>) target(%arg16 : memref<2x128xi32, #tpu.memory_space<vmem>>) target_semaphore(%arg35 : memref<!tpu.dma_semaphore, #tpu.memory_space<semaphore_mem>>)
        %dma_start3A_849 = tpu.memref_slice %arg4[%add3A_835] : memref<6422528xf32, #tpu.memory_space<hbm>> -> memref<256xf32, #tpu.memory_space<hbm>>
        %dma_start3A_850 = tpu.memref_slice %arg4[%add3A_835] : memref<6422528xf32, #tpu.memory_space<hbm>> -> memref<256xf32, #tpu.memory_space<hbm>>
        tpu.enqueue_dma source(%dma_start3A_850 : memref<256xf32, #tpu.memory_space<hbm>>) target(%arg20 : memref<256xf32, #tpu.memory_space<vmem>>) target_semaphore(%arg35 : memref<!tpu.dma_semaphore, #tpu.memory_space<semaphore_mem>>)
        %dma_start3A_851 = tpu.memref_slice %arg5[%add3A_835] : memref<6422528xf32, #tpu.memory_space<hbm>> -> memref<256xf32, #tpu.memory_space<hbm>>
        %dma_start3A_852 = tpu.memref_slice %arg5[%add3A_835] : memref<6422528xf32, #tpu.memory_space<hbm>> -> memref<256xf32, #tpu.memory_space<hbm>>
        tpu.enqueue_dma source(%dma_start3A_852 : memref<256xf32, #tpu.memory_space<hbm>>) target(%arg24 : memref<256xf32, #tpu.memory_space<vmem>>) target_semaphore(%arg35 : memref<!tpu.dma_semaphore, #tpu.memory_space<semaphore_mem>>)
      } else {
      }
      %dma_wait3A_631 = arith.constant 0 : i32
      %dma_wait3A_632 = arith.constant 0 : i32
      %dma_wait3A_633 = tpu.memref_slice %arg2[%dma_wait3A_631, %dma_wait3A_632] : memref<50176x128xi32, #tpu.memory_space<hbm>> -> memref<2x128xi32, #tpu.memory_space<hbm>>
      %dma_wait3A_634 = arith.constant 0 : i32
      %dma_wait3A_635 = arith.constant 0 : i32
      %dma_wait3A_636 = tpu.memref_slice %arg2[%dma_wait3A_634, %dma_wait3A_635] : memref<50176x128xi32, #tpu.memory_space<hbm>> -> memref<2x128xi32, #tpu.memory_space<hbm>>
      tpu.wait_dma2 semaphore(%arg38 : memref<!tpu.dma_semaphore, #tpu.memory_space<semaphore_mem>>) src(%dma_wait3A_636 : memref<2x128xi32, #tpu.memory_space<hbm>>) dst(%arg15 : memref<2x128xi32, #tpu.memory_space<vmem>>)
      %dma_wait3A_637 = arith.constant 0 : i32
      %dma_wait3A_638 = arith.constant 0 : i32
      %dma_wait3A_639 = tpu.memref_slice %arg3[%dma_wait3A_637, %dma_wait3A_638] : memref<50176x128xi32, #tpu.memory_space<hbm>> -> memref<2x128xi32, #tpu.memory_space<hbm>>
      %dma_wait3A_640 = arith.constant 0 : i32
      %dma_wait3A_641 = arith.constant 0 : i32
      %dma_wait3A_642 = tpu.memref_slice %arg3[%dma_wait3A_640, %dma_wait3A_641] : memref<50176x128xi32, #tpu.memory_space<hbm>> -> memref<2x128xi32, #tpu.memory_space<hbm>>
      tpu.wait_dma2 semaphore(%arg38 : memref<!tpu.dma_semaphore, #tpu.memory_space<semaphore_mem>>) src(%dma_wait3A_642 : memref<2x128xi32, #tpu.memory_space<hbm>>) dst(%arg19 : memref<2x128xi32, #tpu.memory_space<vmem>>)
      %dma_wait3A_643 = arith.constant 0 : i32
      %dma_wait3A_644 = tpu.memref_slice %arg4[%dma_wait3A_643] : memref<6422528xf32, #tpu.memory_space<hbm>> -> memref<256xf32, #tpu.memory_space<hbm>>
      %dma_wait3A_645 = arith.constant 0 : i32
      %dma_wait3A_646 = tpu.memref_slice %arg4[%dma_wait3A_645] : memref<6422528xf32, #tpu.memory_space<hbm>> -> memref<256xf32, #tpu.memory_space<hbm>>
      tpu.wait_dma2 semaphore(%arg38 : memref<!tpu.dma_semaphore, #tpu.memory_space<semaphore_mem>>) src(%dma_wait3A_646 : memref<256xf32, #tpu.memory_space<hbm>>) dst(%arg23 : memref<256xf32, #tpu.memory_space<vmem>>)
      %dma_wait3A_647 = arith.constant 0 : i32
      %dma_wait3A_648 = tpu.memref_slice %arg5[%dma_wait3A_647] : memref<6422528xf32, #tpu.memory_space<hbm>> -> memref<256xf32, #tpu.memory_space<hbm>>
      %dma_wait3A_649 = arith.constant 0 : i32
      %dma_wait3A_650 = tpu.memref_slice %arg5[%dma_wait3A_649] : memref<6422528xf32, #tpu.memory_space<hbm>> -> memref<256xf32, #tpu.memory_space<hbm>>
      tpu.wait_dma2 semaphore(%arg38 : memref<!tpu.dma_semaphore, #tpu.memory_space<semaphore_mem>>) src(%dma_wait3A_650 : memref<256xf32, #tpu.memory_space<hbm>>) dst(%arg27 : memref<256xf32, #tpu.memory_space<vmem>>)
      %dma_start3A_651 = arith.constant 0 : i32
      %dma_start3A_652 = arith.constant 0 : i32
      %dma_start3A_653 = arith.constant 0 : i32
      %dma_start3A_654 = tpu.memref_slice %arg29[%dma_start3A_652, %dma_start3A_653] : memref<256x8xf32, #tpu.memory_space<vmem>> -> memref<128x8xf32, #tpu.memory_space<vmem>>
      %dma_start3A_655 = arith.constant 0 : i32
      %dma_start3A_656 = tpu.memref_slice %arg15[%dma_start3A_651, %dma_start3A_655] : memref<2x128xi32, #tpu.memory_space<vmem>> -> memref<1x128xi32, #tpu.memory_space<vmem>>
      %dma_start3A_657 = tpu.memref_squeeze %dma_start3A_656 : memref<1x128xi32, #tpu.memory_space<vmem>> -> memref<128xi32, #tpu.memory_space<vmem>>
      %dma_start3A_658 = arith.constant 0 : i32
      %dma_start3A_659 = arith.constant 0 : i32
      %dma_start3A_660 = tpu.memref_slice %arg6[%dma_start3A_658, %dma_start3A_659] : memref<100000x8xf32, #tpu.memory_space<hbm>> -> memref<100000x8xf32, #tpu.memory_space<hbm>>
      tpu.enqueue_indirect_dma source(%dma_start3A_660 : memref<100000x8xf32, #tpu.memory_space<hbm>>) target(%dma_start3A_654 : memref<128x8xf32, #tpu.memory_space<vmem>>) offsets(%dma_start3A_657 : memref<128xi32, #tpu.memory_space<vmem>>) semaphore(%arg40 : memref<!tpu.dma_semaphore, #tpu.memory_space<semaphore_mem>>)
      %dma_start3A_661 = arith.constant 0 : i32
      %dma_start3A_662 = arith.constant 0 : i32
      %dma_start3A_663 = arith.constant 0 : i32
      %dma_start3A_664 = tpu.memref_slice %arg31[%dma_start3A_662, %dma_start3A_663] : memref<256x8xf32, #tpu.memory_space<vmem>> -> memref<128x8xf32, #tpu.memory_space<vmem>>
      %dma_start3A_665 = arith.constant 0 : i32
      %dma_start3A_666 = tpu.memref_slice %arg19[%dma_start3A_661, %dma_start3A_665] : memref<2x128xi32, #tpu.memory_space<vmem>> -> memref<1x128xi32, #tpu.memory_space<vmem>>
      %dma_start3A_667 = tpu.memref_squeeze %dma_start3A_666 : memref<1x128xi32, #tpu.memory_space<vmem>> -> memref<128xi32, #tpu.memory_space<vmem>>
      %dma_start3A_668 = arith.constant 0 : i32
      %dma_start3A_669 = arith.constant 0 : i32
      %dma_start3A_670 = tpu.memref_slice %arg7[%dma_start3A_668, %dma_start3A_669] : memref<100000x8xf32, #tpu.memory_space<hbm>> -> memref<100000x8xf32, #tpu.memory_space<hbm>>
      tpu.enqueue_indirect_dma source(%dma_start3A_670 : memref<100000x8xf32, #tpu.memory_space<hbm>>) target(%dma_start3A_664 : memref<128x8xf32, #tpu.memory_space<vmem>>) offsets(%dma_start3A_667 : memref<128xi32, #tpu.memory_space<vmem>>) semaphore(%arg40 : memref<!tpu.dma_semaphore, #tpu.memory_space<semaphore_mem>>)
      %dma_start3A_671 = arith.constant 1 : i32
      %dma_start3A_672 = arith.constant 128 : i32
      %dma_start3A_673 = arith.constant 0 : i32
      %dma_start3A_674 = tpu.memref_slice %arg29[%dma_start3A_672, %dma_start3A_673] : memref<256x8xf32, #tpu.memory_space<vmem>> -> memref<128x8xf32, #tpu.memory_space<vmem>>
      %dma_start3A_675 = arith.constant 0 : i32
      %dma_start3A_676 = tpu.memref_slice %arg15[%dma_start3A_671, %dma_start3A_675] : memref<2x128xi32, #tpu.memory_space<vmem>> -> memref<1x128xi32, #tpu.memory_space<vmem>>
      %dma_start3A_677 = tpu.memref_squeeze %dma_start3A_676 : memref<1x128xi32, #tpu.memory_space<vmem>> -> memref<128xi32, #tpu.memory_space<vmem>>
      %dma_start3A_678 = arith.constant 0 : i32
      %dma_start3A_679 = arith.constant 0 : i32
      %dma_start3A_680 = tpu.memref_slice %arg6[%dma_start3A_678, %dma_start3A_679] : memref<100000x8xf32, #tpu.memory_space<hbm>> -> memref<100000x8xf32, #tpu.memory_space<hbm>>
      tpu.enqueue_indirect_dma source(%dma_start3A_680 : memref<100000x8xf32, #tpu.memory_space<hbm>>) target(%dma_start3A_674 : memref<128x8xf32, #tpu.memory_space<vmem>>) offsets(%dma_start3A_677 : memref<128xi32, #tpu.memory_space<vmem>>) semaphore(%arg40 : memref<!tpu.dma_semaphore, #tpu.memory_space<semaphore_mem>>)
      %dma_start3A_681 = arith.constant 1 : i32
      %dma_start3A_682 = arith.constant 128 : i32
      %dma_start3A_683 = arith.constant 0 : i32
      %dma_start3A_684 = tpu.memref_slice %arg31[%dma_start3A_682, %dma_start3A_683] : memref<256x8xf32, #tpu.memory_space<vmem>> -> memref<128x8xf32, #tpu.memory_space<vmem>>
      %dma_start3A_685 = arith.constant 0 : i32
      %dma_start3A_686 = tpu.memref_slice %arg19[%dma_start3A_681, %dma_start3A_685] : memref<2x128xi32, #tpu.memory_space<vmem>> -> memref<1x128xi32, #tpu.memory_space<vmem>>
      %dma_start3A_687 = tpu.memref_squeeze %dma_start3A_686 : memref<1x128xi32, #tpu.memory_space<vmem>> -> memref<128xi32, #tpu.memory_space<vmem>>
      %dma_start3A_688 = arith.constant 0 : i32
      %dma_start3A_689 = arith.constant 0 : i32
      %dma_start3A_690 = tpu.memref_slice %arg7[%dma_start3A_688, %dma_start3A_689] : memref<100000x8xf32, #tpu.memory_space<hbm>> -> memref<100000x8xf32, #tpu.memory_space<hbm>>
      tpu.enqueue_indirect_dma source(%dma_start3A_690 : memref<100000x8xf32, #tpu.memory_space<hbm>>) target(%dma_start3A_684 : memref<128x8xf32, #tpu.memory_space<vmem>>) offsets(%dma_start3A_687 : memref<128xi32, #tpu.memory_space<vmem>>) semaphore(%arg40 : memref<!tpu.dma_semaphore, #tpu.memory_space<semaphore_mem>>)
      %scan3A_691 = arith.constant 0 : i32
      %scan3A_692 = arith.constant 0 : i32
      %scan3A_693 = arith.constant 16 : i32
      %scan3A_694 = arith.addi %scan3A_692, %scan3A_693 : i32
      %scan3A_695 = arith.constant 4 : i32
      scf.for %scan3A_829 = %scan3A_692 to %scan3A_694 step %scan3A_695  : i32 {
        %mul3A_830 = arith.constant 16 : i32
        %mul3A_831 = arith.muli %scan3A_829, %mul3A_830 : i32
        %add3A_832 = vector.broadcast %mul3A_831 : i32 to vector<16xi32>
        %add3A_833 = arith.addi %add3A_832, %iota3A : vector<16xi32>
        %mul3A_834 = arith.constant 16 : i32
        %mul3A_835 = arith.muli %scan3A_829, %mul3A_834 : i32
        %get3A_836 = arith.index_cast %mul3A_835 : i32 to index
        %get3A_837 = tpu.vector_load %arg22[%get3A_836] {strides = array<i32>} : memref<256xf32, #tpu.memory_space<vmem>>, vector<16xf32>,
        %mul3A_838 = arith.constant 16 : i32
        %mul3A_839 = arith.muli %scan3A_829, %mul3A_838 : i32
        %get3A_840 = arith.index_cast %mul3A_839 : i32 to index
        %get3A_841 = tpu.vector_load %arg26[%get3A_840] {strides = array<i32>} : memref<256xf32, #tpu.memory_space<vmem>>, vector<16xf32>,
        %gather3A = tpu.vector_load_idx %arg28[%add3A_833, %broadcast_in_dim3A_5] : memref<256x8xf32, #tpu.memory_space<vmem>>[vector<16xi32>, vector<16xi32>], vector<16xf32>,
        %gather3A_842 = tpu.vector_load_idx %arg28[%add3A_833, %broadcast_in_dim3A_7] : memref<256x8xf32, #tpu.memory_space<vmem>>[vector<16xi32>, vector<16xi32>], vector<16xf32>,
        %gather3A_843 = tpu.vector_load_idx %arg28[%add3A_833, %broadcast_in_dim3A_9] : memref<256x8xf32, #tpu.memory_space<vmem>>[vector<16xi32>, vector<16xi32>], vector<16xf32>,
        %gather3A_844 = tpu.vector_load_idx %arg28[%add3A_833, %broadcast_in_dim3A_11] : memref<256x8xf32, #tpu.memory_space<vmem>>[vector<16xi32>, vector<16xi32>], vector<16xf32>,
        %gather3A_845 = tpu.vector_load_idx %arg28[%add3A_833, %broadcast_in_dim3A_13] : memref<256x8xf32, #tpu.memory_space<vmem>>[vector<16xi32>, vector<16xi32>], vector<16xf32>,
        %gather3A_846 = tpu.vector_load_idx %arg28[%add3A_833, %broadcast_in_dim3A_15] : memref<256x8xf32, #tpu.memory_space<vmem>>[vector<16xi32>, vector<16xi32>], vector<16xf32>,
        %gather3A_847 = tpu.vector_load_idx %arg30[%add3A_833, %broadcast_in_dim3A_5] : memref<256x8xf32, #tpu.memory_space<vmem>>[vector<16xi32>, vector<16xi32>], vector<16xf32>,
        %gather3A_848 = tpu.vector_load_idx %arg30[%add3A_833, %broadcast_in_dim3A_7] : memref<256x8xf32, #tpu.memory_space<vmem>>[vector<16xi32>, vector<16xi32>], vector<16xf32>,
        %gather3A_849 = tpu.vector_load_idx %arg30[%add3A_833, %broadcast_in_dim3A_9] : memref<256x8xf32, #tpu.memory_space<vmem>>[vector<16xi32>, vector<16xi32>], vector<16xf32>,
        %gather3A_850 = tpu.vector_load_idx %arg30[%add3A_833, %broadcast_in_dim3A_11] : memref<256x8xf32, #tpu.memory_space<vmem>>[vector<16xi32>, vector<16xi32>], vector<16xf32>,
        %gather3A_851 = tpu.vector_load_idx %arg30[%add3A_833, %broadcast_in_dim3A_13] : memref<256x8xf32, #tpu.memory_space<vmem>>[vector<16xi32>, vector<16xi32>], vector<16xf32>,
        %gather3A_852 = tpu.vector_load_idx %arg30[%add3A_833, %broadcast_in_dim3A_15] : memref<256x8xf32, #tpu.memory_space<vmem>>[vector<16xi32>, vector<16xi32>], vector<16xf32>,
        %broadcast_in_dim3A_853 = arith.constant 0.000000e+00 : f32
        %broadcast_in_dim3A_854 = vector.broadcast %broadcast_in_dim3A_853 : f32 to vector<16xf32>
        %add3A_855 = arith.addf %gather3A, %gather3A_847 : vector<16xf32>
        %mul3A_856 = vector.broadcast %squeeze3A : f32 to vector<16xf32>
        %mul3A_857 = arith.mulf %get3A_837, %mul3A_856 : vector<16xf32>
        %add3A_858 = arith.addf %add3A_855, %mul3A_857 : vector<16xf32>
        %mul3A_859 = vector.broadcast %squeeze3A_38 : f32 to vector<16xf32>
        %mul3A_860 = arith.mulf %get3A_841, %mul3A_859 : vector<16xf32>
        %add3A_861 = arith.addf %add3A_858, %mul3A_860 : vector<16xf32>
        %mul3A_862 = arith.constant 2.000000e-01 : f32
        %mul3A_863 = vector.broadcast %mul3A_862 : f32 to vector<16xf32>
        %mul3A_864 = arith.mulf %add3A_861, %mul3A_863 : vector<16xf32>
        %max3A = arith.maximumf %add3A_861, %mul3A_864 : vector<16xf32>
        %mul3A_865 = vector.broadcast %squeeze3A_50 : f32 to vector<16xf32>
        %mul3A_866 = arith.mulf %max3A, %mul3A_865 : vector<16xf32>
        %add3A_867 = arith.addf %broadcast_in_dim3A_854, %mul3A_866 : vector<16xf32>
        %add3A_868 = arith.addf %gather3A_842, %gather3A_848 : vector<16xf32>
        %mul3A_869 = vector.broadcast %squeeze3A_28 : f32 to vector<16xf32>
        %mul3A_870 = arith.mulf %get3A_837, %mul3A_869 : vector<16xf32>
        %add3A_871 = arith.addf %add3A_868, %mul3A_870 : vector<16xf32>
        %mul3A_872 = vector.broadcast %squeeze3A_40 : f32 to vector<16xf32>
        %mul3A_873 = arith.mulf %get3A_841, %mul3A_872 : vector<16xf32>
        %add3A_874 = arith.addf %add3A_871, %mul3A_873 : vector<16xf32>
        %mul3A_875 = arith.constant 2.000000e-01 : f32
        %mul3A_876 = vector.broadcast %mul3A_875 : f32 to vector<16xf32>
        %mul3A_877 = arith.mulf %add3A_874, %mul3A_876 : vector<16xf32>
        %max3A_878 = arith.maximumf %add3A_874, %mul3A_877 : vector<16xf32>
        %mul3A_879 = vector.broadcast %squeeze3A_52 : f32 to vector<16xf32>
        %mul3A_880 = arith.mulf %max3A_878, %mul3A_879 : vector<16xf32>
        %add3A_881 = arith.addf %add3A_867, %mul3A_880 : vector<16xf32>
        %add3A_882 = arith.addf %gather3A_843, %gather3A_849 : vector<16xf32>
        %mul3A_883 = vector.broadcast %squeeze3A_30 : f32 to vector<16xf32>
        %mul3A_884 = arith.mulf %get3A_837, %mul3A_883 : vector<16xf32>
        %add3A_885 = arith.addf %add3A_882, %mul3A_884 : vector<16xf32>
        %mul3A_886 = vector.broadcast %squeeze3A_42 : f32 to vector<16xf32>
        %mul3A_887 = arith.mulf %get3A_841, %mul3A_886 : vector<16xf32>
        %add3A_888 = arith.addf %add3A_885, %mul3A_887 : vector<16xf32>
        %mul3A_889 = arith.constant 2.000000e-01 : f32
        %mul3A_890 = vector.broadcast %mul3A_889 : f32 to vector<16xf32>
        %mul3A_891 = arith.mulf %add3A_888, %mul3A_890 : vector<16xf32>
        %max3A_892 = arith.maximumf %add3A_888, %mul3A_891 : vector<16xf32>
        %mul3A_893 = vector.broadcast %squeeze3A_54 : f32 to vector<16xf32>
        %mul3A_894 = arith.mulf %max3A_892, %mul3A_893 : vector<16xf32>
        %add3A_895 = arith.addf %add3A_881, %mul3A_894 : vector<16xf32>
        %add3A_896 = arith.addf %gather3A_844, %gather3A_850 : vector<16xf32>
        %mul3A_897 = vector.broadcast %squeeze3A_32 : f32 to vector<16xf32>
        %mul3A_898 = arith.mulf %get3A_837, %mul3A_897 : vector<16xf32>
        %add3A_899 = arith.addf %add3A_896, %mul3A_898 : vector<16xf32>
        %mul3A_900 = vector.broadcast %squeeze3A_44 : f32 to vector<16xf32>
        %mul3A_901 = arith.mulf %get3A_841, %mul3A_900 : vector<16xf32>
        %add3A_902 = arith.addf %add3A_899, %mul3A_901 : vector<16xf32>
        %mul3A_903 = arith.constant 2.000000e-01 : f32
        %mul3A_904 = vector.broadcast %mul3A_903 : f32 to vector<16xf32>
        %mul3A_905 = arith.mulf %add3A_902, %mul3A_904 : vector<16xf32>
        %max3A_906 = arith.maximumf %add3A_902, %mul3A_905 : vector<16xf32>
        %mul3A_907 = vector.broadcast %squeeze3A_56 : f32 to vector<16xf32>
        %mul3A_908 = arith.mulf %max3A_906, %mul3A_907 : vector<16xf32>
        %add3A_909 = arith.addf %add3A_895, %mul3A_908 : vector<16xf32>
        %add3A_910 = arith.addf %gather3A_845, %gather3A_851 : vector<16xf32>
        %mul3A_911 = vector.broadcast %squeeze3A_34 : f32 to vector<16xf32>
        %mul3A_912 = arith.mulf %get3A_837, %mul3A_911 : vector<16xf32>
        %add3A_913 = arith.addf %add3A_910, %mul3A_912 : vector<16xf32>
        %mul3A_914 = vector.broadcast %squeeze3A_46 : f32 to vector<16xf32>
        %mul3A_915 = arith.mulf %get3A_841, %mul3A_914 : vector<16xf32>
        %add3A_916 = arith.addf %add3A_913, %mul3A_915 : vector<16xf32>
        %mul3A_917 = arith.constant 2.000000e-01 : f32
        %mul3A_918 = vector.broadcast %mul3A_917 : f32 to vector<16xf32>
        %mul3A_919 = arith.mulf %add3A_916, %mul3A_918 : vector<16xf32>
        %max3A_920 = arith.maximumf %add3A_916, %mul3A_919 : vector<16xf32>
        %mul3A_921 = vector.broadcast %squeeze3A_58 : f32 to vector<16xf32>
        %mul3A_922 = arith.mulf %max3A_920, %mul3A_921 : vector<16xf32>
        %add3A_923 = arith.addf %add3A_909, %mul3A_922 : vector<16xf32>
        %add3A_924 = arith.addf %gather3A_846, %gather3A_852 : vector<16xf32>
        %mul3A_925 = vector.broadcast %squeeze3A_36 : f32 to vector<16xf32>
        %mul3A_926 = arith.mulf %get3A_837, %mul3A_925 : vector<16xf32>
        %add3A_927 = arith.addf %add3A_924, %mul3A_926 : vector<16xf32>
        %mul3A_928 = vector.broadcast %squeeze3A_48 : f32 to vector<16xf32>
        %mul3A_929 = arith.mulf %get3A_841, %mul3A_928 : vector<16xf32>
        %add3A_930 = arith.addf %add3A_927, %mul3A_929 : vector<16xf32>
        %mul3A_931 = arith.constant 2.000000e-01 : f32
        %mul3A_932 = vector.broadcast %mul3A_931 : f32 to vector<16xf32>
        %mul3A_933 = arith.mulf %add3A_930, %mul3A_932 : vector<16xf32>
        %max3A_934 = arith.maximumf %add3A_930, %mul3A_933 : vector<16xf32>
        %mul3A_935 = vector.broadcast %squeeze3A_60 : f32 to vector<16xf32>
        %mul3A_936 = arith.mulf %max3A_934, %mul3A_935 : vector<16xf32>
        %add3A_937 = arith.addf %add3A_923, %mul3A_936 : vector<16xf32>
        %exp3A = math.exp %add3A_937 : vector<16xf32>
        tpu.vector_store_idx %arg32[%add3A_833, %broadcast_in_dim3A_5], %exp3A : memref<256x16xf32, #tpu.memory_space<vmem>>[vector<16xi32>, vector<16xi32>], vector<16xf32>,
        %mul3A_938 = arith.mulf %exp3A, %gather3A : vector<16xf32>
        tpu.vector_store_idx %arg32[%add3A_833, %broadcast_in_dim3A_7], %mul3A_938 : memref<256x16xf32, #tpu.memory_space<vmem>>[vector<16xi32>, vector<16xi32>], vector<16xf32>,
        %mul3A_939 = arith.mulf %exp3A, %gather3A_842 : vector<16xf32>
        tpu.vector_store_idx %arg32[%add3A_833, %broadcast_in_dim3A_9], %mul3A_939 : memref<256x16xf32, #tpu.memory_space<vmem>>[vector<16xi32>, vector<16xi32>], vector<16xf32>,
        %mul3A_940 = arith.mulf %exp3A, %gather3A_843 : vector<16xf32>
        tpu.vector_store_idx %arg32[%add3A_833, %broadcast_in_dim3A_11], %mul3A_940 : memref<256x16xf32, #tpu.memory_space<vmem>>[vector<16xi32>, vector<16xi32>], vector<16xf32>,
        %mul3A_941 = arith.mulf %exp3A, %gather3A_844 : vector<16xf32>
        tpu.vector_store_idx %arg32[%add3A_833, %broadcast_in_dim3A_13], %mul3A_941 : memref<256x16xf32, #tpu.memory_space<vmem>>[vector<16xi32>, vector<16xi32>], vector<16xf32>,
        %mul3A_942 = arith.mulf %exp3A, %gather3A_845 : vector<16xf32>
        tpu.vector_store_idx %arg32[%add3A_833, %broadcast_in_dim3A_15], %mul3A_942 : memref<256x16xf32, #tpu.memory_space<vmem>>[vector<16xi32>, vector<16xi32>], vector<16xf32>,
        %mul3A_943 = arith.mulf %exp3A, %gather3A_846 : vector<16xf32>
        tpu.vector_store_idx %arg32[%add3A_833, %broadcast_in_dim3A_17], %mul3A_943 : memref<256x16xf32, #tpu.memory_space<vmem>>[vector<16xi32>, vector<16xi32>], vector<16xf32>,
        tpu.vector_store_idx %arg32[%add3A_833, %broadcast_in_dim3A_19], %broadcast_in_dim3A_62 : memref<256x16xf32, #tpu.memory_space<vmem>>[vector<16xi32>, vector<16xi32>], vector<16xf32>,
        tpu.vector_store_idx %arg32[%add3A_833, %broadcast_in_dim3A_21], %get3A_837 : memref<256x16xf32, #tpu.memory_space<vmem>>[vector<16xi32>, vector<16xi32>], vector<16xf32>,
        tpu.vector_store_idx %arg32[%add3A_833, %broadcast_in_dim3A_23], %get3A_841 : memref<256x16xf32, #tpu.memory_space<vmem>>[vector<16xi32>, vector<16xi32>], vector<16xf32>,
        %scan3A_944 = arith.constant 1 : i32
        %scan3A_945 = arith.addi %scan3A_829, %scan3A_944 : i32
        %mul3A_946 = arith.constant 16 : i32
        %mul3A_947 = arith.muli %scan3A_945, %mul3A_946 : i32
        %add3A_948 = vector.broadcast %mul3A_947 : i32 to vector<16xi32>
        %add3A_949 = arith.addi %add3A_948, %iota3A : vector<16xi32>
        %mul3A_950 = arith.constant 16 : i32
        %mul3A_951 = arith.muli %scan3A_945, %mul3A_950 : i32
        %get3A_952 = arith.index_cast %mul3A_951 : i32 to index
        %get3A_953 = tpu.vector_load %arg22[%get3A_952] {strides = array<i32>} : memref<256xf32, #tpu.memory_space<vmem>>, vector<16xf32>,
        %mul3A_954 = arith.constant 16 : i32
        %mul3A_955 = arith.muli %scan3A_945, %mul3A_954 : i32
        %get3A_956 = arith.index_cast %mul3A_955 : i32 to index
        %get3A_957 = tpu.vector_load %arg26[%get3A_956] {strides = array<i32>} : memref<256xf32, #tpu.memory_space<vmem>>, vector<16xf32>,
        %gather3A_958 = tpu.vector_load_idx %arg28[%add3A_949, %broadcast_in_dim3A_5] : memref<256x8xf32, #tpu.memory_space<vmem>>[vector<16xi32>, vector<16xi32>], vector<16xf32>,
        %gather3A_959 = tpu.vector_load_idx %arg28[%add3A_949, %broadcast_in_dim3A_7] : memref<256x8xf32, #tpu.memory_space<vmem>>[vector<16xi32>, vector<16xi32>], vector<16xf32>,
        %gather3A_960 = tpu.vector_load_idx %arg28[%add3A_949, %broadcast_in_dim3A_9] : memref<256x8xf32, #tpu.memory_space<vmem>>[vector<16xi32>, vector<16xi32>], vector<16xf32>,
        %gather3A_961 = tpu.vector_load_idx %arg28[%add3A_949, %broadcast_in_dim3A_11] : memref<256x8xf32, #tpu.memory_space<vmem>>[vector<16xi32>, vector<16xi32>], vector<16xf32>,
        %gather3A_962 = tpu.vector_load_idx %arg28[%add3A_949, %broadcast_in_dim3A_13] : memref<256x8xf32, #tpu.memory_space<vmem>>[vector<16xi32>, vector<16xi32>], vector<16xf32>,
        %gather3A_963 = tpu.vector_load_idx %arg28[%add3A_949, %broadcast_in_dim3A_15] : memref<256x8xf32, #tpu.memory_space<vmem>>[vector<16xi32>, vector<16xi32>], vector<16xf32>,
        %gather3A_964 = tpu.vector_load_idx %arg30[%add3A_949, %broadcast_in_dim3A_5] : memref<256x8xf32, #tpu.memory_space<vmem>>[vector<16xi32>, vector<16xi32>], vector<16xf32>,
        %gather3A_965 = tpu.vector_load_idx %arg30[%add3A_949, %broadcast_in_dim3A_7] : memref<256x8xf32, #tpu.memory_space<vmem>>[vector<16xi32>, vector<16xi32>], vector<16xf32>,
        %gather3A_966 = tpu.vector_load_idx %arg30[%add3A_949, %broadcast_in_dim3A_9] : memref<256x8xf32, #tpu.memory_space<vmem>>[vector<16xi32>, vector<16xi32>], vector<16xf32>,
        %gather3A_967 = tpu.vector_load_idx %arg30[%add3A_949, %broadcast_in_dim3A_11] : memref<256x8xf32, #tpu.memory_space<vmem>>[vector<16xi32>, vector<16xi32>], vector<16xf32>,
        %gather3A_968 = tpu.vector_load_idx %arg30[%add3A_949, %broadcast_in_dim3A_13] : memref<256x8xf32, #tpu.memory_space<vmem>>[vector<16xi32>, vector<16xi32>], vector<16xf32>,
        %gather3A_969 = tpu.vector_load_idx %arg30[%add3A_949, %broadcast_in_dim3A_15] : memref<256x8xf32, #tpu.memory_space<vmem>>[vector<16xi32>, vector<16xi32>], vector<16xf32>,
        %broadcast_in_dim3A_970 = arith.constant 0.000000e+00 : f32
        %broadcast_in_dim3A_971 = vector.broadcast %broadcast_in_dim3A_970 : f32 to vector<16xf32>
        %add3A_972 = arith.addf %gather3A_958, %gather3A_964 : vector<16xf32>
        %mul3A_973 = vector.broadcast %squeeze3A : f32 to vector<16xf32>
        %mul3A_974 = arith.mulf %get3A_953, %mul3A_973 : vector<16xf32>
        %add3A_975 = arith.addf %add3A_972, %mul3A_974 : vector<16xf32>
        %mul3A_976 = vector.broadcast %squeeze3A_38 : f32 to vector<16xf32>
        %mul3A_977 = arith.mulf %get3A_957, %mul3A_976 : vector<16xf32>
        %add3A_978 = arith.addf %add3A_975, %mul3A_977 : vector<16xf32>
        %mul3A_979 = arith.constant 2.000000e-01 : f32
        %mul3A_980 = vector.broadcast %mul3A_979 : f32 to vector<16xf32>
        %mul3A_981 = arith.mulf %add3A_978, %mul3A_980 : vector<16xf32>
        %max3A_982 = arith.maximumf %add3A_978, %mul3A_981 : vector<16xf32>
        %mul3A_983 = vector.broadcast %squeeze3A_50 : f32 to vector<16xf32>
        %mul3A_984 = arith.mulf %max3A_982, %mul3A_983 : vector<16xf32>
        %add3A_985 = arith.addf %broadcast_in_dim3A_971, %mul3A_984 : vector<16xf32>
        %add3A_986 = arith.addf %gather3A_959, %gather3A_965 : vector<16xf32>
        %mul3A_987 = vector.broadcast %squeeze3A_28 : f32 to vector<16xf32>
        %mul3A_988 = arith.mulf %get3A_953, %mul3A_987 : vector<16xf32>
        %add3A_989 = arith.addf %add3A_986, %mul3A_988 : vector<16xf32>
        %mul3A_990 = vector.broadcast %squeeze3A_40 : f32 to vector<16xf32>
        %mul3A_991 = arith.mulf %get3A_957, %mul3A_990 : vector<16xf32>
        %add3A_992 = arith.addf %add3A_989, %mul3A_991 : vector<16xf32>
        %mul3A_993 = arith.constant 2.000000e-01 : f32
        %mul3A_994 = vector.broadcast %mul3A_993 : f32 to vector<16xf32>
        %mul3A_995 = arith.mulf %add3A_992, %mul3A_994 : vector<16xf32>
        %max3A_996 = arith.maximumf %add3A_992, %mul3A_995 : vector<16xf32>
        %mul3A_997 = vector.broadcast %squeeze3A_52 : f32 to vector<16xf32>
        %mul3A_998 = arith.mulf %max3A_996, %mul3A_997 : vector<16xf32>
        %add3A_999 = arith.addf %add3A_985, %mul3A_998 : vector<16xf32>
        %add3A_1000 = arith.addf %gather3A_960, %gather3A_966 : vector<16xf32>
        %mul3A_1001 = vector.broadcast %squeeze3A_30 : f32 to vector<16xf32>
        %mul3A_1002 = arith.mulf %get3A_953, %mul3A_1001 : vector<16xf32>
        %add3A_1003 = arith.addf %add3A_1000, %mul3A_1002 : vector<16xf32>
        %mul3A_1004 = vector.broadcast %squeeze3A_42 : f32 to vector<16xf32>
        %mul3A_1005 = arith.mulf %get3A_957, %mul3A_1004 : vector<16xf32>
        %add3A_1006 = arith.addf %add3A_1003, %mul3A_1005 : vector<16xf32>
        %mul3A_1007 = arith.constant 2.000000e-01 : f32
        %mul3A_1008 = vector.broadcast %mul3A_1007 : f32 to vector<16xf32>
        %mul3A_1009 = arith.mulf %add3A_1006, %mul3A_1008 : vector<16xf32>
        %max3A_1010 = arith.maximumf %add3A_1006, %mul3A_1009 : vector<16xf32>
        %mul3A_1011 = vector.broadcast %squeeze3A_54 : f32 to vector<16xf32>
        %mul3A_1012 = arith.mulf %max3A_1010, %mul3A_1011 : vector<16xf32>
        %add3A_1013 = arith.addf %add3A_999, %mul3A_1012 : vector<16xf32>
        %add3A_1014 = arith.addf %gather3A_961, %gather3A_967 : vector<16xf32>
        %mul3A_1015 = vector.broadcast %squeeze3A_32 : f32 to vector<16xf32>
        %mul3A_1016 = arith.mulf %get3A_953, %mul3A_1015 : vector<16xf32>
        %add3A_1017 = arith.addf %add3A_1014, %mul3A_1016 : vector<16xf32>
        %mul3A_1018 = vector.broadcast %squeeze3A_44 : f32 to vector<16xf32>
        %mul3A_1019 = arith.mulf %get3A_957, %mul3A_1018 : vector<16xf32>
        %add3A_1020 = arith.addf %add3A_1017, %mul3A_1019 : vector<16xf32>
        %mul3A_1021 = arith.constant 2.000000e-01 : f32
        %mul3A_1022 = vector.broadcast %mul3A_1021 : f32 to vector<16xf32>
        %mul3A_1023 = arith.mulf %add3A_1020, %mul3A_1022 : vector<16xf32>
        %max3A_1024 = arith.maximumf %add3A_1020, %mul3A_1023 : vector<16xf32>
        %mul3A_1025 = vector.broadcast %squeeze3A_56 : f32 to vector<16xf32>
        %mul3A_1026 = arith.mulf %max3A_1024, %mul3A_1025 : vector<16xf32>
        %add3A_1027 = arith.addf %add3A_1013, %mul3A_1026 : vector<16xf32>
        %add3A_1028 = arith.addf %gather3A_962, %gather3A_968 : vector<16xf32>
        %mul3A_1029 = vector.broadcast %squeeze3A_34 : f32 to vector<16xf32>
        %mul3A_1030 = arith.mulf %get3A_953, %mul3A_1029 : vector<16xf32>
        %add3A_1031 = arith.addf %add3A_1028, %mul3A_1030 : vector<16xf32>
        %mul3A_1032 = vector.broadcast %squeeze3A_46 : f32 to vector<16xf32>
        %mul3A_1033 = arith.mulf %get3A_957, %mul3A_1032 : vector<16xf32>
        %add3A_1034 = arith.addf %add3A_1031, %mul3A_1033 : vector<16xf32>
        %mul3A_1035 = arith.constant 2.000000e-01 : f32
        %mul3A_1036 = vector.broadcast %mul3A_1035 : f32 to vector<16xf32>
        %mul3A_1037 = arith.mulf %add3A_1034, %mul3A_1036 : vector<16xf32>
        %max3A_1038 = arith.maximumf %add3A_1034, %mul3A_1037 : vector<16xf32>
        %mul3A_1039 = vector.broadcast %squeeze3A_58 : f32 to vector<16xf32>
        %mul3A_1040 = arith.mulf %max3A_1038, %mul3A_1039 : vector<16xf32>
        %add3A_1041 = arith.addf %add3A_1027, %mul3A_1040 : vector<16xf32>
        %add3A_1042 = arith.addf %gather3A_963, %gather3A_969 : vector<16xf32>
        %mul3A_1043 = vector.broadcast %squeeze3A_36 : f32 to vector<16xf32>
        %mul3A_1044 = arith.mulf %get3A_953, %mul3A_1043 : vector<16xf32>
        %add3A_1045 = arith.addf %add3A_1042, %mul3A_1044 : vector<16xf32>
        %mul3A_1046 = vector.broadcast %squeeze3A_48 : f32 to vector<16xf32>
        %mul3A_1047 = arith.mulf %get3A_957, %mul3A_1046 : vector<16xf32>
        %add3A_1048 = arith.addf %add3A_1045, %mul3A_1047 : vector<16xf32>
        %mul3A_1049 = arith.constant 2.000000e-01 : f32
        %mul3A_1050 = vector.broadcast %mul3A_1049 : f32 to vector<16xf32>
        %mul3A_1051 = arith.mulf %add3A_1048, %mul3A_1050 : vector<16xf32>
        %max3A_1052 = arith.maximumf %add3A_1048, %mul3A_1051 : vector<16xf32>
        %mul3A_1053 = vector.broadcast %squeeze3A_60 : f32 to vector<16xf32>
        %mul3A_1054 = arith.mulf %max3A_1052, %mul3A_1053 : vector<16xf32>
        %add3A_1055 = arith.addf %add3A_1041, %mul3A_1054 : vector<16xf32>
        %exp3A_1056 = math.exp %add3A_1055 : vector<16xf32>
        tpu.vector_store_idx %arg32[%add3A_949, %broadcast_in_dim3A_5], %exp3A_1056 : memref<256x16xf32, #tpu.memory_space<vmem>>[vector<16xi32>, vector<16xi32>], vector<16xf32>,
        %mul3A_1057 = arith.mulf %exp3A_1056, %gather3A_958 : vector<16xf32>
        tpu.vector_store_idx %arg32[%add3A_949, %broadcast_in_dim3A_7], %mul3A_1057 : memref<256x16xf32, #tpu.memory_space<vmem>>[vector<16xi32>, vector<16xi32>], vector<16xf32>,
        %mul3A_1058 = arith.mulf %exp3A_1056, %gather3A_959 : vector<16xf32>
        tpu.vector_store_idx %arg32[%add3A_949, %broadcast_in_dim3A_9], %mul3A_1058 : memref<256x16xf32, #tpu.memory_space<vmem>>[vector<16xi32>, vector<16xi32>], vector<16xf32>,
        %mul3A_1059 = arith.mulf %exp3A_1056, %gather3A_960 : vector<16xf32>
        tpu.vector_store_idx %arg32[%add3A_949, %broadcast_in_dim3A_11], %mul3A_1059 : memref<256x16xf32, #tpu.memory_space<vmem>>[vector<16xi32>, vector<16xi32>], vector<16xf32>,
        %mul3A_1060 = arith.mulf %exp3A_1056, %gather3A_961 : vector<16xf32>
        tpu.vector_store_idx %arg32[%add3A_949, %broadcast_in_dim3A_13], %mul3A_1060 : memref<256x16xf32, #tpu.memory_space<vmem>>[vector<16xi32>, vector<16xi32>], vector<16xf32>,
        %mul3A_1061 = arith.mulf %exp3A_1056, %gather3A_962 : vector<16xf32>
        tpu.vector_store_idx %arg32[%add3A_949, %broadcast_in_dim3A_15], %mul3A_1061 : memref<256x16xf32, #tpu.memory_space<vmem>>[vector<16xi32>, vector<16xi32>], vector<16xf32>,
        %mul3A_1062 = arith.mulf %exp3A_1056, %gather3A_963 : vector<16xf32>
        tpu.vector_store_idx %arg32[%add3A_949, %broadcast_in_dim3A_17], %mul3A_1062 : memref<256x16xf32, #tpu.memory_space<vmem>>[vector<16xi32>, vector<16xi32>], vector<16xf32>,
        tpu.vector_store_idx %arg32[%add3A_949, %broadcast_in_dim3A_19], %broadcast_in_dim3A_62 : memref<256x16xf32, #tpu.memory_space<vmem>>[vector<16xi32>, vector<16xi32>], vector<16xf32>,
        tpu.vector_store_idx %arg32[%add3A_949, %broadcast_in_dim3A_21], %get3A_953 : memref<256x16xf32, #tpu.memory_space<vmem>>[vector<16xi32>, vector<16xi32>], vector<16xf32>,
        tpu.vector_store_idx %arg32[%add3A_949, %broadcast_in_dim3A_23], %get3A_957 : memref<256x16xf32, #tpu.memory_space<vmem>>[vector<16xi32>, vector<16xi32>], vector<16xf32>,
        %scan3A_1063 = arith.constant 2 : i32
        %scan3A_1064 = arith.addi %scan3A_829, %scan3A_1063 : i32
        %mul3A_1065 = arith.constant 16 : i32
        %mul3A_1066 = arith.muli %scan3A_1064, %mul3A_1065 : i32
        %add3A_1067 = vector.broadcast %mul3A_1066 : i32 to vector<16xi32>
        %add3A_1068 = arith.addi %add3A_1067, %iota3A : vector<16xi32>
        %mul3A_1069 = arith.constant 16 : i32
        %mul3A_1070 = arith.muli %scan3A_1064, %mul3A_1069 : i32
        %get3A_1071 = arith.index_cast %mul3A_1070 : i32 to index
        %get3A_1072 = tpu.vector_load %arg22[%get3A_1071] {strides = array<i32>} : memref<256xf32, #tpu.memory_space<vmem>>, vector<16xf32>,
        %mul3A_1073 = arith.constant 16 : i32
        %mul3A_1074 = arith.muli %scan3A_1064, %mul3A_1073 : i32
        %get3A_1075 = arith.index_cast %mul3A_1074 : i32 to index
        %get3A_1076 = tpu.vector_load %arg26[%get3A_1075] {strides = array<i32>} : memref<256xf32, #tpu.memory_space<vmem>>, vector<16xf32>,
        %gather3A_1077 = tpu.vector_load_idx %arg28[%add3A_1068, %broadcast_in_dim3A_5] : memref<256x8xf32, #tpu.memory_space<vmem>>[vector<16xi32>, vector<16xi32>], vector<16xf32>,
        %gather3A_1078 = tpu.vector_load_idx %arg28[%add3A_1068, %broadcast_in_dim3A_7] : memref<256x8xf32, #tpu.memory_space<vmem>>[vector<16xi32>, vector<16xi32>], vector<16xf32>,
        %gather3A_1079 = tpu.vector_load_idx %arg28[%add3A_1068, %broadcast_in_dim3A_9] : memref<256x8xf32, #tpu.memory_space<vmem>>[vector<16xi32>, vector<16xi32>], vector<16xf32>,
        %gather3A_1080 = tpu.vector_load_idx %arg28[%add3A_1068, %broadcast_in_dim3A_11] : memref<256x8xf32, #tpu.memory_space<vmem>>[vector<16xi32>, vector<16xi32>], vector<16xf32>,
        %gather3A_1081 = tpu.vector_load_idx %arg28[%add3A_1068, %broadcast_in_dim3A_13] : memref<256x8xf32, #tpu.memory_space<vmem>>[vector<16xi32>, vector<16xi32>], vector<16xf32>,
        %gather3A_1082 = tpu.vector_load_idx %arg28[%add3A_1068, %broadcast_in_dim3A_15] : memref<256x8xf32, #tpu.memory_space<vmem>>[vector<16xi32>, vector<16xi32>], vector<16xf32>,
        %gather3A_1083 = tpu.vector_load_idx %arg30[%add3A_1068, %broadcast_in_dim3A_5] : memref<256x8xf32, #tpu.memory_space<vmem>>[vector<16xi32>, vector<16xi32>], vector<16xf32>,
        %gather3A_1084 = tpu.vector_load_idx %arg30[%add3A_1068, %broadcast_in_dim3A_7] : memref<256x8xf32, #tpu.memory_space<vmem>>[vector<16xi32>, vector<16xi32>], vector<16xf32>,
        %gather3A_1085 = tpu.vector_load_idx %arg30[%add3A_1068, %broadcast_in_dim3A_9] : memref<256x8xf32, #tpu.memory_space<vmem>>[vector<16xi32>, vector<16xi32>], vector<16xf32>,
        %gather3A_1086 = tpu.vector_load_idx %arg30[%add3A_1068, %broadcast_in_dim3A_11] : memref<256x8xf32, #tpu.memory_space<vmem>>[vector<16xi32>, vector<16xi32>], vector<16xf32>,
        %gather3A_1087 = tpu.vector_load_idx %arg30[%add3A_1068, %broadcast_in_dim3A_13] : memref<256x8xf32, #tpu.memory_space<vmem>>[vector<16xi32>, vector<16xi32>], vector<16xf32>,
        %gather3A_1088 = tpu.vector_load_idx %arg30[%add3A_1068, %broadcast_in_dim3A_15] : memref<256x8xf32, #tpu.memory_space<vmem>>[vector<16xi32>, vector<16xi32>], vector<16xf32>,
        %broadcast_in_dim3A_1089 = arith.constant 0.000000e+00 : f32
        %broadcast_in_dim3A_1090 = vector.broadcast %broadcast_in_dim3A_1089 : f32 to vector<16xf32>
        %add3A_1091 = arith.addf %gather3A_1077, %gather3A_1083 : vector<16xf32>
        %mul3A_1092 = vector.broadcast %squeeze3A : f32 to vector<16xf32>
        %mul3A_1093 = arith.mulf %get3A_1072, %mul3A_1092 : vector<16xf32>
        %add3A_1094 = arith.addf %add3A_1091, %mul3A_1093 : vector<16xf32>
        %mul3A_1095 = vector.broadcast %squeeze3A_38 : f32 to vector<16xf32>
        %mul3A_1096 = arith.mulf %get3A_1076, %mul3A_1095 : vector<16xf32>
        %add3A_1097 = arith.addf %add3A_1094, %mul3A_1096 : vector<16xf32>
        %mul3A_1098 = arith.constant 2.000000e-01 : f32
        %mul3A_1099 = vector.broadcast %mul3A_1098 : f32 to vector<16xf32>
        %mul3A_1100 = arith.mulf %add3A_1097, %mul3A_1099 : vector<16xf32>
        %max3A_1101 = arith.maximumf %add3A_1097, %mul3A_1100 : vector<16xf32>
        %mul3A_1102 = vector.broadcast %squeeze3A_50 : f32 to vector<16xf32>
        %mul3A_1103 = arith.mulf %max3A_1101, %mul3A_1102 : vector<16xf32>
        %add3A_1104 = arith.addf %broadcast_in_dim3A_1090, %mul3A_1103 : vector<16xf32>
        %add3A_1105 = arith.addf %gather3A_1078, %gather3A_1084 : vector<16xf32>
        %mul3A_1106 = vector.broadcast %squeeze3A_28 : f32 to vector<16xf32>
        %mul3A_1107 = arith.mulf %get3A_1072, %mul3A_1106 : vector<16xf32>
        %add3A_1108 = arith.addf %add3A_1105, %mul3A_1107 : vector<16xf32>
        %mul3A_1109 = vector.broadcast %squeeze3A_40 : f32 to vector<16xf32>
        %mul3A_1110 = arith.mulf %get3A_1076, %mul3A_1109 : vector<16xf32>
        %add3A_1111 = arith.addf %add3A_1108, %mul3A_1110 : vector<16xf32>
        %mul3A_1112 = arith.constant 2.000000e-01 : f32
        %mul3A_1113 = vector.broadcast %mul3A_1112 : f32 to vector<16xf32>
        %mul3A_1114 = arith.mulf %add3A_1111, %mul3A_1113 : vector<16xf32>
        %max3A_1115 = arith.maximumf %add3A_1111, %mul3A_1114 : vector<16xf32>
        %mul3A_1116 = vector.broadcast %squeeze3A_52 : f32 to vector<16xf32>
        %mul3A_1117 = arith.mulf %max3A_1115, %mul3A_1116 : vector<16xf32>
        %add3A_1118 = arith.addf %add3A_1104, %mul3A_1117 : vector<16xf32>
        %add3A_1119 = arith.addf %gather3A_1079, %gather3A_1085 : vector<16xf32>
        %mul3A_1120 = vector.broadcast %squeeze3A_30 : f32 to vector<16xf32>
        %mul3A_1121 = arith.mulf %get3A_1072, %mul3A_1120 : vector<16xf32>
        %add3A_1122 = arith.addf %add3A_1119, %mul3A_1121 : vector<16xf32>
        %mul3A_1123 = vector.broadcast %squeeze3A_42 : f32 to vector<16xf32>
        %mul3A_1124 = arith.mulf %get3A_1076, %mul3A_1123 : vector<16xf32>
        %add3A_1125 = arith.addf %add3A_1122, %mul3A_1124 : vector<16xf32>
        %mul3A_1126 = arith.constant 2.000000e-01 : f32
        %mul3A_1127 = vector.broadcast %mul3A_1126 : f32 to vector<16xf32>
        %mul3A_1128 = arith.mulf %add3A_1125, %mul3A_1127 : vector<16xf32>
        %max3A_1129 = arith.maximumf %add3A_1125, %mul3A_1128 : vector<16xf32>
        %mul3A_1130 = vector.broadcast %squeeze3A_54 : f32 to vector<16xf32>
        %mul3A_1131 = arith.mulf %max3A_1129, %mul3A_1130 : vector<16xf32>
        %add3A_1132 = arith.addf %add3A_1118, %mul3A_1131 : vector<16xf32>
        %add3A_1133 = arith.addf %gather3A_1080, %gather3A_1086 : vector<16xf32>
        %mul3A_1134 = vector.broadcast %squeeze3A_32 : f32 to vector<16xf32>
        %mul3A_1135 = arith.mulf %get3A_1072, %mul3A_1134 : vector<16xf32>
        %add3A_1136 = arith.addf %add3A_1133, %mul3A_1135 : vector<16xf32>
        %mul3A_1137 = vector.broadcast %squeeze3A_44 : f32 to vector<16xf32>
        %mul3A_1138 = arith.mulf %get3A_1076, %mul3A_1137 : vector<16xf32>
        %add3A_1139 = arith.addf %add3A_1136, %mul3A_1138 : vector<16xf32>
        %mul3A_1140 = arith.constant 2.000000e-01 : f32
        %mul3A_1141 = vector.broadcast %mul3A_1140 : f32 to vector<16xf32>
        %mul3A_1142 = arith.mulf %add3A_1139, %mul3A_1141 : vector<16xf32>
        %max3A_1143 = arith.maximumf %add3A_1139, %mul3A_1142 : vector<16xf32>
        %mul3A_1144 = vector.broadcast %squeeze3A_56 : f32 to vector<16xf32>
        %mul3A_1145 = arith.mulf %max3A_1143, %mul3A_1144 : vector<16xf32>
        %add3A_1146 = arith.addf %add3A_1132, %mul3A_1145 : vector<16xf32>
        %add3A_1147 = arith.addf %gather3A_1081, %gather3A_1087 : vector<16xf32>
        %mul3A_1148 = vector.broadcast %squeeze3A_34 : f32 to vector<16xf32>
        %mul3A_1149 = arith.mulf %get3A_1072, %mul3A_1148 : vector<16xf32>
        %add3A_1150 = arith.addf %add3A_1147, %mul3A_1149 : vector<16xf32>
        %mul3A_1151 = vector.broadcast %squeeze3A_46 : f32 to vector<16xf32>
        %mul3A_1152 = arith.mulf %get3A_1076, %mul3A_1151 : vector<16xf32>
        %add3A_1153 = arith.addf %add3A_1150, %mul3A_1152 : vector<16xf32>
        %mul3A_1154 = arith.constant 2.000000e-01 : f32
        %mul3A_1155 = vector.broadcast %mul3A_1154 : f32 to vector<16xf32>
        %mul3A_1156 = arith.mulf %add3A_1153, %mul3A_1155 : vector<16xf32>
        %max3A_1157 = arith.maximumf %add3A_1153, %mul3A_1156 : vector<16xf32>
        %mul3A_1158 = vector.broadcast %squeeze3A_58 : f32 to vector<16xf32>
        %mul3A_1159 = arith.mulf %max3A_1157, %mul3A_1158 : vector<16xf32>
        %add3A_1160 = arith.addf %add3A_1146, %mul3A_1159 : vector<16xf32>
        %add3A_1161 = arith.addf %gather3A_1082, %gather3A_1088 : vector<16xf32>
        %mul3A_1162 = vector.broadcast %squeeze3A_36 : f32 to vector<16xf32>
        %mul3A_1163 = arith.mulf %get3A_1072, %mul3A_1162 : vector<16xf32>
        %add3A_1164 = arith.addf %add3A_1161, %mul3A_1163 : vector<16xf32>
        %mul3A_1165 = vector.broadcast %squeeze3A_48 : f32 to vector<16xf32>
        %mul3A_1166 = arith.mulf %get3A_1076, %mul3A_1165 : vector<16xf32>
        %add3A_1167 = arith.addf %add3A_1164, %mul3A_1166 : vector<16xf32>
        %mul3A_1168 = arith.constant 2.000000e-01 : f32
        %mul3A_1169 = vector.broadcast %mul3A_1168 : f32 to vector<16xf32>
        %mul3A_1170 = arith.mulf %add3A_1167, %mul3A_1169 : vector<16xf32>
        %max3A_1171 = arith.maximumf %add3A_1167, %mul3A_1170 : vector<16xf32>
        %mul3A_1172 = vector.broadcast %squeeze3A_60 : f32 to vector<16xf32>
        %mul3A_1173 = arith.mulf %max3A_1171, %mul3A_1172 : vector<16xf32>
        %add3A_1174 = arith.addf %add3A_1160, %mul3A_1173 : vector<16xf32>
        %exp3A_1175 = math.exp %add3A_1174 : vector<16xf32>
        tpu.vector_store_idx %arg32[%add3A_1068, %broadcast_in_dim3A_5], %exp3A_1175 : memref<256x16xf32, #tpu.memory_space<vmem>>[vector<16xi32>, vector<16xi32>], vector<16xf32>,
        %mul3A_1176 = arith.mulf %exp3A_1175, %gather3A_1077 : vector<16xf32>
        tpu.vector_store_idx %arg32[%add3A_1068, %broadcast_in_dim3A_7], %mul3A_1176 : memref<256x16xf32, #tpu.memory_space<vmem>>[vector<16xi32>, vector<16xi32>], vector<16xf32>,
        %mul3A_1177 = arith.mulf %exp3A_1175, %gather3A_1078 : vector<16xf32>
        tpu.vector_store_idx %arg32[%add3A_1068, %broadcast_in_dim3A_9], %mul3A_1177 : memref<256x16xf32, #tpu.memory_space<vmem>>[vector<16xi32>, vector<16xi32>], vector<16xf32>,
        %mul3A_1178 = arith.mulf %exp3A_1175, %gather3A_1079 : vector<16xf32>
        tpu.vector_store_idx %arg32[%add3A_1068, %broadcast_in_dim3A_11], %mul3A_1178 : memref<256x16xf32, #tpu.memory_space<vmem>>[vector<16xi32>, vector<16xi32>], vector<16xf32>,
        %mul3A_1179 = arith.mulf %exp3A_1175, %gather3A_1080 : vector<16xf32>
        tpu.vector_store_idx %arg32[%add3A_1068, %broadcast_in_dim3A_13], %mul3A_1179 : memref<256x16xf32, #tpu.memory_space<vmem>>[vector<16xi32>, vector<16xi32>], vector<16xf32>,
        %mul3A_1180 = arith.mulf %exp3A_1175, %gather3A_1081 : vector<16xf32>
        tpu.vector_store_idx %arg32[%add3A_1068, %broadcast_in_dim3A_15], %mul3A_1180 : memref<256x16xf32, #tpu.memory_space<vmem>>[vector<16xi32>, vector<16xi32>], vector<16xf32>,
        %mul3A_1181 = arith.mulf %exp3A_1175, %gather3A_1082 : vector<16xf32>
        tpu.vector_store_idx %arg32[%add3A_1068, %broadcast_in_dim3A_17], %mul3A_1181 : memref<256x16xf32, #tpu.memory_space<vmem>>[vector<16xi32>, vector<16xi32>], vector<16xf32>,
        tpu.vector_store_idx %arg32[%add3A_1068, %broadcast_in_dim3A_19], %broadcast_in_dim3A_62 : memref<256x16xf32, #tpu.memory_space<vmem>>[vector<16xi32>, vector<16xi32>], vector<16xf32>,
        tpu.vector_store_idx %arg32[%add3A_1068, %broadcast_in_dim3A_21], %get3A_1072 : memref<256x16xf32, #tpu.memory_space<vmem>>[vector<16xi32>, vector<16xi32>], vector<16xf32>,
        tpu.vector_store_idx %arg32[%add3A_1068, %broadcast_in_dim3A_23], %get3A_1076 : memref<256x16xf32, #tpu.memory_space<vmem>>[vector<16xi32>, vector<16xi32>], vector<16xf32>,
        %scan3A_1182 = arith.constant 3 : i32
        %scan3A_1183 = arith.addi %scan3A_829, %scan3A_1182 : i32
        %mul3A_1184 = arith.constant 16 : i32
        %mul3A_1185 = arith.muli %scan3A_1183, %mul3A_1184 : i32
        %add3A_1186 = vector.broadcast %mul3A_1185 : i32 to vector<16xi32>
        %add3A_1187 = arith.addi %add3A_1186, %iota3A : vector<16xi32>
        %mul3A_1188 = arith.constant 16 : i32
        %mul3A_1189 = arith.muli %scan3A_1183, %mul3A_1188 : i32
        %get3A_1190 = arith.index_cast %mul3A_1189 : i32 to index
        %get3A_1191 = tpu.vector_load %arg22[%get3A_1190] {strides = array<i32>} : memref<256xf32, #tpu.memory_space<vmem>>, vector<16xf32>,
        %mul3A_1192 = arith.constant 16 : i32
        %mul3A_1193 = arith.muli %scan3A_1183, %mul3A_1192 : i32
        %get3A_1194 = arith.index_cast %mul3A_1193 : i32 to index
        %get3A_1195 = tpu.vector_load %arg26[%get3A_1194] {strides = array<i32>} : memref<256xf32, #tpu.memory_space<vmem>>, vector<16xf32>,
        %gather3A_1196 = tpu.vector_load_idx %arg28[%add3A_1187, %broadcast_in_dim3A_5] : memref<256x8xf32, #tpu.memory_space<vmem>>[vector<16xi32>, vector<16xi32>], vector<16xf32>,
        %gather3A_1197 = tpu.vector_load_idx %arg28[%add3A_1187, %broadcast_in_dim3A_7] : memref<256x8xf32, #tpu.memory_space<vmem>>[vector<16xi32>, vector<16xi32>], vector<16xf32>,
        %gather3A_1198 = tpu.vector_load_idx %arg28[%add3A_1187, %broadcast_in_dim3A_9] : memref<256x8xf32, #tpu.memory_space<vmem>>[vector<16xi32>, vector<16xi32>], vector<16xf32>,
        %gather3A_1199 = tpu.vector_load_idx %arg28[%add3A_1187, %broadcast_in_dim3A_11] : memref<256x8xf32, #tpu.memory_space<vmem>>[vector<16xi32>, vector<16xi32>], vector<16xf32>,
        %gather3A_1200 = tpu.vector_load_idx %arg28[%add3A_1187, %broadcast_in_dim3A_13] : memref<256x8xf32, #tpu.memory_space<vmem>>[vector<16xi32>, vector<16xi32>], vector<16xf32>,
        %gather3A_1201 = tpu.vector_load_idx %arg28[%add3A_1187, %broadcast_in_dim3A_15] : memref<256x8xf32, #tpu.memory_space<vmem>>[vector<16xi32>, vector<16xi32>], vector<16xf32>,
        %gather3A_1202 = tpu.vector_load_idx %arg30[%add3A_1187, %broadcast_in_dim3A_5] : memref<256x8xf32, #tpu.memory_space<vmem>>[vector<16xi32>, vector<16xi32>], vector<16xf32>,
        %gather3A_1203 = tpu.vector_load_idx %arg30[%add3A_1187, %broadcast_in_dim3A_7] : memref<256x8xf32, #tpu.memory_space<vmem>>[vector<16xi32>, vector<16xi32>], vector<16xf32>,
        %gather3A_1204 = tpu.vector_load_idx %arg30[%add3A_1187, %broadcast_in_dim3A_9] : memref<256x8xf32, #tpu.memory_space<vmem>>[vector<16xi32>, vector<16xi32>], vector<16xf32>,
        %gather3A_1205 = tpu.vector_load_idx %arg30[%add3A_1187, %broadcast_in_dim3A_11] : memref<256x8xf32, #tpu.memory_space<vmem>>[vector<16xi32>, vector<16xi32>], vector<16xf32>,
        %gather3A_1206 = tpu.vector_load_idx %arg30[%add3A_1187, %broadcast_in_dim3A_13] : memref<256x8xf32, #tpu.memory_space<vmem>>[vector<16xi32>, vector<16xi32>], vector<16xf32>,
        %gather3A_1207 = tpu.vector_load_idx %arg30[%add3A_1187, %broadcast_in_dim3A_15] : memref<256x8xf32, #tpu.memory_space<vmem>>[vector<16xi32>, vector<16xi32>], vector<16xf32>,
        %broadcast_in_dim3A_1208 = arith.constant 0.000000e+00 : f32
        %broadcast_in_dim3A_1209 = vector.broadcast %broadcast_in_dim3A_1208 : f32 to vector<16xf32>
        %add3A_1210 = arith.addf %gather3A_1196, %gather3A_1202 : vector<16xf32>
        %mul3A_1211 = vector.broadcast %squeeze3A : f32 to vector<16xf32>
        %mul3A_1212 = arith.mulf %get3A_1191, %mul3A_1211 : vector<16xf32>
        %add3A_1213 = arith.addf %add3A_1210, %mul3A_1212 : vector<16xf32>
        %mul3A_1214 = vector.broadcast %squeeze3A_38 : f32 to vector<16xf32>
        %mul3A_1215 = arith.mulf %get3A_1195, %mul3A_1214 : vector<16xf32>
        %add3A_1216 = arith.addf %add3A_1213, %mul3A_1215 : vector<16xf32>
        %mul3A_1217 = arith.constant 2.000000e-01 : f32
        %mul3A_1218 = vector.broadcast %mul3A_1217 : f32 to vector<16xf32>
        %mul3A_1219 = arith.mulf %add3A_1216, %mul3A_1218 : vector<16xf32>
        %max3A_1220 = arith.maximumf %add3A_1216, %mul3A_1219 : vector<16xf32>
        %mul3A_1221 = vector.broadcast %squeeze3A_50 : f32 to vector<16xf32>
        %mul3A_1222 = arith.mulf %max3A_1220, %mul3A_1221 : vector<16xf32>
        %add3A_1223 = arith.addf %broadcast_in_dim3A_1209, %mul3A_1222 : vector<16xf32>
        %add3A_1224 = arith.addf %gather3A_1197, %gather3A_1203 : vector<16xf32>
        %mul3A_1225 = vector.broadcast %squeeze3A_28 : f32 to vector<16xf32>
        %mul3A_1226 = arith.mulf %get3A_1191, %mul3A_1225 : vector<16xf32>
        %add3A_1227 = arith.addf %add3A_1224, %mul3A_1226 : vector<16xf32>
        %mul3A_1228 = vector.broadcast %squeeze3A_40 : f32 to vector<16xf32>
        %mul3A_1229 = arith.mulf %get3A_1195, %mul3A_1228 : vector<16xf32>
        %add3A_1230 = arith.addf %add3A_1227, %mul3A_1229 : vector<16xf32>
        %mul3A_1231 = arith.constant 2.000000e-01 : f32
        %mul3A_1232 = vector.broadcast %mul3A_1231 : f32 to vector<16xf32>
        %mul3A_1233 = arith.mulf %add3A_1230, %mul3A_1232 : vector<16xf32>
        %max3A_1234 = arith.maximumf %add3A_1230, %mul3A_1233 : vector<16xf32>
        %mul3A_1235 = vector.broadcast %squeeze3A_52 : f32 to vector<16xf32>
        %mul3A_1236 = arith.mulf %max3A_1234, %mul3A_1235 : vector<16xf32>
        %add3A_1237 = arith.addf %add3A_1223, %mul3A_1236 : vector<16xf32>
        %add3A_1238 = arith.addf %gather3A_1198, %gather3A_1204 : vector<16xf32>
        %mul3A_1239 = vector.broadcast %squeeze3A_30 : f32 to vector<16xf32>
        %mul3A_1240 = arith.mulf %get3A_1191, %mul3A_1239 : vector<16xf32>
        %add3A_1241 = arith.addf %add3A_1238, %mul3A_1240 : vector<16xf32>
        %mul3A_1242 = vector.broadcast %squeeze3A_42 : f32 to vector<16xf32>
        %mul3A_1243 = arith.mulf %get3A_1195, %mul3A_1242 : vector<16xf32>
        %add3A_1244 = arith.addf %add3A_1241, %mul3A_1243 : vector<16xf32>
        %mul3A_1245 = arith.constant 2.000000e-01 : f32
        %mul3A_1246 = vector.broadcast %mul3A_1245 : f32 to vector<16xf32>
        %mul3A_1247 = arith.mulf %add3A_1244, %mul3A_1246 : vector<16xf32>
        %max3A_1248 = arith.maximumf %add3A_1244, %mul3A_1247 : vector<16xf32>
        %mul3A_1249 = vector.broadcast %squeeze3A_54 : f32 to vector<16xf32>
        %mul3A_1250 = arith.mulf %max3A_1248, %mul3A_1249 : vector<16xf32>
        %add3A_1251 = arith.addf %add3A_1237, %mul3A_1250 : vector<16xf32>
        %add3A_1252 = arith.addf %gather3A_1199, %gather3A_1205 : vector<16xf32>
        %mul3A_1253 = vector.broadcast %squeeze3A_32 : f32 to vector<16xf32>
        %mul3A_1254 = arith.mulf %get3A_1191, %mul3A_1253 : vector<16xf32>
        %add3A_1255 = arith.addf %add3A_1252, %mul3A_1254 : vector<16xf32>
        %mul3A_1256 = vector.broadcast %squeeze3A_44 : f32 to vector<16xf32>
        %mul3A_1257 = arith.mulf %get3A_1195, %mul3A_1256 : vector<16xf32>
        %add3A_1258 = arith.addf %add3A_1255, %mul3A_1257 : vector<16xf32>
        %mul3A_1259 = arith.constant 2.000000e-01 : f32
        %mul3A_1260 = vector.broadcast %mul3A_1259 : f32 to vector<16xf32>
        %mul3A_1261 = arith.mulf %add3A_1258, %mul3A_1260 : vector<16xf32>
        %max3A_1262 = arith.maximumf %add3A_1258, %mul3A_1261 : vector<16xf32>
        %mul3A_1263 = vector.broadcast %squeeze3A_56 : f32 to vector<16xf32>
        %mul3A_1264 = arith.mulf %max3A_1262, %mul3A_1263 : vector<16xf32>
        %add3A_1265 = arith.addf %add3A_1251, %mul3A_1264 : vector<16xf32>
        %add3A_1266 = arith.addf %gather3A_1200, %gather3A_1206 : vector<16xf32>
        %mul3A_1267 = vector.broadcast %squeeze3A_34 : f32 to vector<16xf32>
        %mul3A_1268 = arith.mulf %get3A_1191, %mul3A_1267 : vector<16xf32>
        %add3A_1269 = arith.addf %add3A_1266, %mul3A_1268 : vector<16xf32>
        %mul3A_1270 = vector.broadcast %squeeze3A_46 : f32 to vector<16xf32>
        %mul3A_1271 = arith.mulf %get3A_1195, %mul3A_1270 : vector<16xf32>
        %add3A_1272 = arith.addf %add3A_1269, %mul3A_1271 : vector<16xf32>
        %mul3A_1273 = arith.constant 2.000000e-01 : f32
        %mul3A_1274 = vector.broadcast %mul3A_1273 : f32 to vector<16xf32>
        %mul3A_1275 = arith.mulf %add3A_1272, %mul3A_1274 : vector<16xf32>
        %max3A_1276 = arith.maximumf %add3A_1272, %mul3A_1275 : vector<16xf32>
        %mul3A_1277 = vector.broadcast %squeeze3A_58 : f32 to vector<16xf32>
        %mul3A_1278 = arith.mulf %max3A_1276, %mul3A_1277 : vector<16xf32>
        %add3A_1279 = arith.addf %add3A_1265, %mul3A_1278 : vector<16xf32>
        %add3A_1280 = arith.addf %gather3A_1201, %gather3A_1207 : vector<16xf32>
        %mul3A_1281 = vector.broadcast %squeeze3A_36 : f32 to vector<16xf32>
        %mul3A_1282 = arith.mulf %get3A_1191, %mul3A_1281 : vector<16xf32>
        %add3A_1283 = arith.addf %add3A_1280, %mul3A_1282 : vector<16xf32>
        %mul3A_1284 = vector.broadcast %squeeze3A_48 : f32 to vector<16xf32>
        %mul3A_1285 = arith.mulf %get3A_1195, %mul3A_1284 : vector<16xf32>
        %add3A_1286 = arith.addf %add3A_1283, %mul3A_1285 : vector<16xf32>
        %mul3A_1287 = arith.constant 2.000000e-01 : f32
        %mul3A_1288 = vector.broadcast %mul3A_1287 : f32 to vector<16xf32>
        %mul3A_1289 = arith.mulf %add3A_1286, %mul3A_1288 : vector<16xf32>
        %max3A_1290 = arith.maximumf %add3A_1286, %mul3A_1289 : vector<16xf32>
        %mul3A_1291 = vector.broadcast %squeeze3A_60 : f32 to vector<16xf32>
        %mul3A_1292 = arith.mulf %max3A_1290, %mul3A_1291 : vector<16xf32>
        %add3A_1293 = arith.addf %add3A_1279, %mul3A_1292 : vector<16xf32>
        %exp3A_1294 = math.exp %add3A_1293 : vector<16xf32>
        tpu.vector_store_idx %arg32[%add3A_1187, %broadcast_in_dim3A_5], %exp3A_1294 : memref<256x16xf32, #tpu.memory_space<vmem>>[vector<16xi32>, vector<16xi32>], vector<16xf32>,
        %mul3A_1295 = arith.mulf %exp3A_1294, %gather3A_1196 : vector<16xf32>
        tpu.vector_store_idx %arg32[%add3A_1187, %broadcast_in_dim3A_7], %mul3A_1295 : memref<256x16xf32, #tpu.memory_space<vmem>>[vector<16xi32>, vector<16xi32>], vector<16xf32>,
        %mul3A_1296 = arith.mulf %exp3A_1294, %gather3A_1197 : vector<16xf32>
        tpu.vector_store_idx %arg32[%add3A_1187, %broadcast_in_dim3A_9], %mul3A_1296 : memref<256x16xf32, #tpu.memory_space<vmem>>[vector<16xi32>, vector<16xi32>], vector<16xf32>,
        %mul3A_1297 = arith.mulf %exp3A_1294, %gather3A_1198 : vector<16xf32>
        tpu.vector_store_idx %arg32[%add3A_1187, %broadcast_in_dim3A_11], %mul3A_1297 : memref<256x16xf32, #tpu.memory_space<vmem>>[vector<16xi32>, vector<16xi32>], vector<16xf32>,
        %mul3A_1298 = arith.mulf %exp3A_1294, %gather3A_1199 : vector<16xf32>
        tpu.vector_store_idx %arg32[%add3A_1187, %broadcast_in_dim3A_13], %mul3A_1298 : memref<256x16xf32, #tpu.memory_space<vmem>>[vector<16xi32>, vector<16xi32>], vector<16xf32>,
        %mul3A_1299 = arith.mulf %exp3A_1294, %gather3A_1200 : vector<16xf32>
        tpu.vector_store_idx %arg32[%add3A_1187, %broadcast_in_dim3A_15], %mul3A_1299 : memref<256x16xf32, #tpu.memory_space<vmem>>[vector<16xi32>, vector<16xi32>], vector<16xf32>,
        %mul3A_1300 = arith.mulf %exp3A_1294, %gather3A_1201 : vector<16xf32>
        tpu.vector_store_idx %arg32[%add3A_1187, %broadcast_in_dim3A_17], %mul3A_1300 : memref<256x16xf32, #tpu.memory_space<vmem>>[vector<16xi32>, vector<16xi32>], vector<16xf32>,
        tpu.vector_store_idx %arg32[%add3A_1187, %broadcast_in_dim3A_19], %broadcast_in_dim3A_62 : memref<256x16xf32, #tpu.memory_space<vmem>>[vector<16xi32>, vector<16xi32>], vector<16xf32>,
        tpu.vector_store_idx %arg32[%add3A_1187, %broadcast_in_dim3A_21], %get3A_1191 : memref<256x16xf32, #tpu.memory_space<vmem>>[vector<16xi32>, vector<16xi32>], vector<16xf32>,
        tpu.vector_store_idx %arg32[%add3A_1187, %broadcast_in_dim3A_23], %get3A_1195 : memref<256x16xf32, #tpu.memory_space<vmem>>[vector<16xi32>, vector<16xi32>], vector<16xf32>,
      }
      %scan3A_696 = arith.constant 16 : i32
      %dma_start3A_697 = arith.constant 0 : i32
      %dma_start3A_698 = arith.constant 0 : i32
      %dma_start3A_699 = arith.constant 0 : i32
      %dma_start3A_700 = tpu.memref_slice %arg32[%dma_start3A_698, %dma_start3A_699] : memref<256x16xf32, #tpu.memory_space<vmem>> -> memref<128x16xf32, #tpu.memory_space<vmem>>
      %dma_start3A_701 = arith.constant 0 : i32
      %dma_start3A_702 = tpu.memref_slice %arg18[%dma_start3A_697, %dma_start3A_701] : memref<2x128xi32, #tpu.memory_space<vmem>> -> memref<1x128xi32, #tpu.memory_space<vmem>>
      %dma_start3A_703 = tpu.memref_squeeze %dma_start3A_702 : memref<1x128xi32, #tpu.memory_space<vmem>> -> memref<128xi32, #tpu.memory_space<vmem>>
      %dma_start3A_704 = arith.constant 0 : i32
      %dma_start3A_705 = arith.constant 0 : i32
      %dma_start3A_706 = tpu.memref_slice %arg11[%dma_start3A_704, %dma_start3A_705] : memref<100016x16xf32, #tpu.memory_space<vmem_shared>> -> memref<100016x16xf32, #tpu.memory_space<vmem_shared>>
      tpu.enqueue_indirect_dma source(%dma_start3A_700 : memref<128x16xf32, #tpu.memory_space<vmem>>) target(%dma_start3A_706 : memref<100016x16xf32, #tpu.memory_space<vmem_shared>>) offsets(%dma_start3A_703 : memref<128xi32, #tpu.memory_space<vmem>>) semaphore(%arg43 : memref<!tpu.dma_semaphore, #tpu.memory_space<semaphore_mem>>) {add = true}
      %dma_start3A_707 = arith.constant 1 : i32
      %dma_start3A_708 = arith.constant 128 : i32
      %dma_start3A_709 = arith.constant 0 : i32
      %dma_start3A_710 = tpu.memref_slice %arg32[%dma_start3A_708, %dma_start3A_709] : memref<256x16xf32, #tpu.memory_space<vmem>> -> memref<128x16xf32, #tpu.memory_space<vmem>>
      %dma_start3A_711 = arith.constant 0 : i32
      %dma_start3A_712 = tpu.memref_slice %arg18[%dma_start3A_707, %dma_start3A_711] : memref<2x128xi32, #tpu.memory_space<vmem>> -> memref<1x128xi32, #tpu.memory_space<vmem>>
      %dma_start3A_713 = tpu.memref_squeeze %dma_start3A_712 : memref<1x128xi32, #tpu.memory_space<vmem>> -> memref<128xi32, #tpu.memory_space<vmem>>
      %dma_start3A_714 = arith.constant 0 : i32
      %dma_start3A_715 = arith.constant 0 : i32
      %dma_start3A_716 = tpu.memref_slice %arg11[%dma_start3A_714, %dma_start3A_715] : memref<100016x16xf32, #tpu.memory_space<vmem_shared>> -> memref<100016x16xf32, #tpu.memory_space<vmem_shared>>
      tpu.enqueue_indirect_dma source(%dma_start3A_710 : memref<128x16xf32, #tpu.memory_space<vmem>>) target(%dma_start3A_716 : memref<100016x16xf32, #tpu.memory_space<vmem_shared>>) offsets(%dma_start3A_713 : memref<128xi32, #tpu.memory_space<vmem>>) semaphore(%arg43 : memref<!tpu.dma_semaphore, #tpu.memory_space<semaphore_mem>>) {add = true}
      %mul3A_717 = arith.constant 4 : i32
      %mul3A_718 = arith.muli %scan3A_219, %mul3A_717 : i32
      %add3A_719 = arith.constant 3 : i32
      %add3A_720 = arith.addi %mul3A_718, %add3A_719 : i32
      %dma_wait3A_721 = arith.constant 0 : i32
      %dma_wait3A_722 = arith.constant 0 : i32
      %dma_wait3A_723 = tpu.memref_slice %arg29[%dma_wait3A_721, %dma_wait3A_722] : memref<256x8xf32, #tpu.memory_space<vmem>> -> memref<128x8xf32, #tpu.memory_space<vmem>>
      %dma_wait3A_724 = arith.constant 0 : i32
      %dma_wait3A_725 = arith.constant 0 : i32
      %dma_wait3A_726 = tpu.memref_slice %arg6[%dma_wait3A_724, %dma_wait3A_725] : memref<100000x8xf32, #tpu.memory_space<hbm>> -> memref<128x8xf32, #tpu.memory_space<hbm>>
      %dma_wait3A_727 = arith.constant 0 : i32
      %dma_wait3A_728 = arith.constant 0 : i32
      %dma_wait3A_729 = tpu.memref_slice %arg29[%dma_wait3A_727, %dma_wait3A_728] : memref<256x8xf32, #tpu.memory_space<vmem>> -> memref<128x8xf32, #tpu.memory_space<vmem>>
      %dma_wait3A_730 = arith.constant 0 : i32
      %dma_wait3A_731 = arith.constant 0 : i32
      %dma_wait3A_732 = tpu.memref_slice %arg6[%dma_wait3A_730, %dma_wait3A_731] : memref<100000x8xf32, #tpu.memory_space<hbm>> -> memref<128x8xf32, #tpu.memory_space<hbm>>
      tpu.wait_dma2 semaphore(%arg40 : memref<!tpu.dma_semaphore, #tpu.memory_space<semaphore_mem>>) src(%dma_wait3A_732 : memref<128x8xf32, #tpu.memory_space<hbm>>) dst(%dma_wait3A_729 : memref<128x8xf32, #tpu.memory_space<vmem>>)
      %dma_wait3A_733 = arith.constant 0 : i32
      %dma_wait3A_734 = arith.constant 0 : i32
      %dma_wait3A_735 = tpu.memref_slice %arg31[%dma_wait3A_733, %dma_wait3A_734] : memref<256x8xf32, #tpu.memory_space<vmem>> -> memref<128x8xf32, #tpu.memory_space<vmem>>
      %dma_wait3A_736 = arith.constant 0 : i32
      %dma_wait3A_737 = arith.constant 0 : i32
      %dma_wait3A_738 = tpu.memref_slice %arg7[%dma_wait3A_736, %dma_wait3A_737] : memref<100000x8xf32, #tpu.memory_space<hbm>> -> memref<128x8xf32, #tpu.memory_space<hbm>>
      %dma_wait3A_739 = arith.constant 0 : i32
      %dma_wait3A_740 = arith.constant 0 : i32
      %dma_wait3A_741 = tpu.memref_slice %arg31[%dma_wait3A_739, %dma_wait3A_740] : memref<256x8xf32, #tpu.memory_space<vmem>> -> memref<128x8xf32, #tpu.memory_space<vmem>>
      %dma_wait3A_742 = arith.constant 0 : i32
      %dma_wait3A_743 = arith.constant 0 : i32
      %dma_wait3A_744 = tpu.memref_slice %arg7[%dma_wait3A_742, %dma_wait3A_743] : memref<100000x8xf32, #tpu.memory_space<hbm>> -> memref<128x8xf32, #tpu.memory_space<hbm>>
      tpu.wait_dma2 semaphore(%arg40 : memref<!tpu.dma_semaphore, #tpu.memory_space<semaphore_mem>>) src(%dma_wait3A_744 : memref<128x8xf32, #tpu.memory_space<hbm>>) dst(%dma_wait3A_741 : memref<128x8xf32, #tpu.memory_space<vmem>>)
      %dma_wait3A_745 = arith.constant 128 : i32
      %dma_wait3A_746 = arith.constant 0 : i32
      %dma_wait3A_747 = tpu.memref_slice %arg29[%dma_wait3A_745, %dma_wait3A_746] : memref<256x8xf32, #tpu.memory_space<vmem>> -> memref<128x8xf32, #tpu.memory_space<vmem>>
      %dma_wait3A_748 = arith.constant 0 : i32
      %dma_wait3A_749 = arith.constant 0 : i32
      %dma_wait3A_750 = tpu.memref_slice %arg6[%dma_wait3A_748, %dma_wait3A_749] : memref<100000x8xf32, #tpu.memory_space<hbm>> -> memref<128x8xf32, #tpu.memory_space<hbm>>
      %dma_wait3A_751 = arith.constant 128 : i32
      %dma_wait3A_752 = arith.constant 0 : i32
      %dma_wait3A_753 = tpu.memref_slice %arg29[%dma_wait3A_751, %dma_wait3A_752] : memref<256x8xf32, #tpu.memory_space<vmem>> -> memref<128x8xf32, #tpu.memory_space<vmem>>
      %dma_wait3A_754 = arith.constant 0 : i32
      %dma_wait3A_755 = arith.constant 0 : i32
      %dma_wait3A_756 = tpu.memref_slice %arg6[%dma_wait3A_754, %dma_wait3A_755] : memref<100000x8xf32, #tpu.memory_space<hbm>> -> memref<128x8xf32, #tpu.memory_space<hbm>>
      tpu.wait_dma2 semaphore(%arg40 : memref<!tpu.dma_semaphore, #tpu.memory_space<semaphore_mem>>) src(%dma_wait3A_756 : memref<128x8xf32, #tpu.memory_space<hbm>>) dst(%dma_wait3A_753 : memref<128x8xf32, #tpu.memory_space<vmem>>)
      %dma_wait3A_757 = arith.constant 128 : i32
      %dma_wait3A_758 = arith.constant 0 : i32
      %dma_wait3A_759 = tpu.memref_slice %arg31[%dma_wait3A_757, %dma_wait3A_758] : memref<256x8xf32, #tpu.memory_space<vmem>> -> memref<128x8xf32, #tpu.memory_space<vmem>>
      %dma_wait3A_760 = arith.constant 0 : i32
      %dma_wait3A_761 = arith.constant 0 : i32
      %dma_wait3A_762 = tpu.memref_slice %arg7[%dma_wait3A_760, %dma_wait3A_761] : memref<100000x8xf32, #tpu.memory_space<hbm>> -> memref<128x8xf32, #tpu.memory_space<hbm>>
      %dma_wait3A_763 = arith.constant 128 : i32
      %dma_wait3A_764 = arith.constant 0 : i32
      %dma_wait3A_765 = tpu.memref_slice %arg31[%dma_wait3A_763, %dma_wait3A_764] : memref<256x8xf32, #tpu.memory_space<vmem>> -> memref<128x8xf32, #tpu.memory_space<vmem>>
      %dma_wait3A_766 = arith.constant 0 : i32
      %dma_wait3A_767 = arith.constant 0 : i32
      %dma_wait3A_768 = tpu.memref_slice %arg7[%dma_wait3A_766, %dma_wait3A_767] : memref<100000x8xf32, #tpu.memory_space<hbm>> -> memref<128x8xf32, #tpu.memory_space<hbm>>
      tpu.wait_dma2 semaphore(%arg40 : memref<!tpu.dma_semaphore, #tpu.memory_space<semaphore_mem>>) src(%dma_wait3A_768 : memref<128x8xf32, #tpu.memory_space<hbm>>) dst(%dma_wait3A_765 : memref<128x8xf32, #tpu.memory_space<vmem>>)
      %dma_wait3A_769 = arith.constant 0 : i32
      %dma_wait3A_770 = arith.constant 0 : i32
      %dma_wait3A_771 = tpu.memref_slice %arg32[%dma_wait3A_769, %dma_wait3A_770] : memref<256x16xf32, #tpu.memory_space<vmem>> -> memref<128x16xf32, #tpu.memory_space<vmem>>
      %dma_wait3A_772 = arith.constant 0 : i32
      %dma_wait3A_773 = arith.constant 0 : i32
      %dma_wait3A_774 = tpu.memref_slice %arg8[%dma_wait3A_772, %dma_wait3A_773] : memref<100016x16xf32, #tpu.memory_space<hbm>> -> memref<128x16xf32, #tpu.memory_space<hbm>>
      %dma_wait3A_775 = arith.constant 0 : i32
      %dma_wait3A_776 = arith.constant 0 : i32
      %dma_wait3A_777 = tpu.memref_slice %arg32[%dma_wait3A_775, %dma_wait3A_776] : memref<256x16xf32, #tpu.memory_space<vmem>> -> memref<128x16xf32, #tpu.memory_space<vmem>>
      %dma_wait3A_778 = arith.constant 0 : i32
      %dma_wait3A_779 = arith.constant 0 : i32
      %dma_wait3A_780 = tpu.memref_slice %arg8[%dma_wait3A_778, %dma_wait3A_779] : memref<100016x16xf32, #tpu.memory_space<hbm>> -> memref<128x16xf32, #tpu.memory_space<hbm>>
      tpu.wait_dma2 semaphore(%arg42 : memref<!tpu.dma_semaphore, #tpu.memory_space<semaphore_mem>>) src(%dma_wait3A_780 : memref<128x16xf32, #tpu.memory_space<hbm>>) dst(%dma_wait3A_777 : memref<128x16xf32, #tpu.memory_space<vmem>>)
      %dma_wait3A_781 = arith.constant 128 : i32
      %dma_wait3A_782 = arith.constant 0 : i32
      %dma_wait3A_783 = tpu.memref_slice %arg32[%dma_wait3A_781, %dma_wait3A_782] : memref<256x16xf32, #tpu.memory_space<vmem>> -> memref<128x16xf32, #tpu.memory_space<vmem>>
      %dma_wait3A_784 = arith.constant 0 : i32
      %dma_wait3A_785 = arith.constant 0 : i32
      %dma_wait3A_786 = tpu.memref_slice %arg8[%dma_wait3A_784, %dma_wait3A_785] : memref<100016x16xf32, #tpu.memory_space<hbm>> -> memref<128x16xf32, #tpu.memory_space<hbm>>
      %dma_wait3A_787 = arith.constant 128 : i32
      %dma_wait3A_788 = arith.constant 0 : i32
      %dma_wait3A_789 = tpu.memref_slice %arg32[%dma_wait3A_787, %dma_wait3A_788] : memref<256x16xf32, #tpu.memory_space<vmem>> -> memref<128x16xf32, #tpu.memory_space<vmem>>
      %dma_wait3A_790 = arith.constant 0 : i32
      %dma_wait3A_791 = arith.constant 0 : i32
      %dma_wait3A_792 = tpu.memref_slice %arg8[%dma_wait3A_790, %dma_wait3A_791] : memref<100016x16xf32, #tpu.memory_space<hbm>> -> memref<128x16xf32, #tpu.memory_space<hbm>>
      tpu.wait_dma2 semaphore(%arg42 : memref<!tpu.dma_semaphore, #tpu.memory_space<semaphore_mem>>) src(%dma_wait3A_792 : memref<128x16xf32, #tpu.memory_space<hbm>>) dst(%dma_wait3A_789 : memref<128x16xf32, #tpu.memory_space<vmem>>)
      %lt3A_793 = arith.constant 195 : i32
      %lt3A_794 = arith.cmpi slt, %scan3A_219, %lt3A_793 : i32
      %convert_element_type3A_795 = arith.extui %lt3A_794 : i1 to i32
      %cond3A_796 = arith.constant 0 : i32
      %cond3A_797 = arith.cmpi ne, %convert_element_type3A_795, %cond3A_796 : i32
      scf.if %cond3A_797 {
        %add3A_829 = arith.constant 2 : i32
        %add3A_830 = arith.addi %add3A_720, %add3A_829 : i32
        %mul3A_831 = arith.constant 200704 : i32
        %mul3A_832 = arith.muli %add3A, %mul3A_831 : i32
        %mul3A_833 = arith.constant 256 : i32
        %mul3A_834 = arith.muli %add3A_830, %mul3A_833 : i32
        %add3A_835 = arith.addi %mul3A_832, %mul3A_834 : i32
        %mul3A_836 = arith.constant 1568 : i32
        %mul3A_837 = arith.muli %add3A, %mul3A_836 : i32
        %mul3A_838 = arith.constant 2 : i32
        %mul3A_839 = arith.muli %add3A_830, %mul3A_838 : i32
        %add3A_840 = arith.addi %mul3A_837, %mul3A_839 : i32
        %dma_start3A_841 = arith.constant 0 : i32
        %dma_start3A_842 = tpu.memref_slice %arg2[%add3A_840, %dma_start3A_841] : memref<50176x128xi32, #tpu.memory_space<hbm>> -> memref<2x128xi32, #tpu.memory_space<hbm>>
        %dma_start3A_843 = arith.constant 0 : i32
        %dma_start3A_844 = tpu.memref_slice %arg2[%add3A_840, %dma_start3A_843] : memref<50176x128xi32, #tpu.memory_space<hbm>> -> memref<2x128xi32, #tpu.memory_space<hbm>>
        tpu.enqueue_dma source(%dma_start3A_844 : memref<2x128xi32, #tpu.memory_space<hbm>>) target(%arg13 : memref<2x128xi32, #tpu.memory_space<vmem>>) target_semaphore(%arg36 : memref<!tpu.dma_semaphore, #tpu.memory_space<semaphore_mem>>)
        %dma_start3A_845 = arith.constant 0 : i32
        %dma_start3A_846 = tpu.memref_slice %arg3[%add3A_840, %dma_start3A_845] : memref<50176x128xi32, #tpu.memory_space<hbm>> -> memref<2x128xi32, #tpu.memory_space<hbm>>
        %dma_start3A_847 = arith.constant 0 : i32
        %dma_start3A_848 = tpu.memref_slice %arg3[%add3A_840, %dma_start3A_847] : memref<50176x128xi32, #tpu.memory_space<hbm>> -> memref<2x128xi32, #tpu.memory_space<hbm>>
        tpu.enqueue_dma source(%dma_start3A_848 : memref<2x128xi32, #tpu.memory_space<hbm>>) target(%arg17 : memref<2x128xi32, #tpu.memory_space<vmem>>) target_semaphore(%arg36 : memref<!tpu.dma_semaphore, #tpu.memory_space<semaphore_mem>>)
        %dma_start3A_849 = tpu.memref_slice %arg4[%add3A_835] : memref<6422528xf32, #tpu.memory_space<hbm>> -> memref<256xf32, #tpu.memory_space<hbm>>
        %dma_start3A_850 = tpu.memref_slice %arg4[%add3A_835] : memref<6422528xf32, #tpu.memory_space<hbm>> -> memref<256xf32, #tpu.memory_space<hbm>>
        tpu.enqueue_dma source(%dma_start3A_850 : memref<256xf32, #tpu.memory_space<hbm>>) target(%arg21 : memref<256xf32, #tpu.memory_space<vmem>>) target_semaphore(%arg36 : memref<!tpu.dma_semaphore, #tpu.memory_space<semaphore_mem>>)
        %dma_start3A_851 = tpu.memref_slice %arg5[%add3A_835] : memref<6422528xf32, #tpu.memory_space<hbm>> -> memref<256xf32, #tpu.memory_space<hbm>>
        %dma_start3A_852 = tpu.memref_slice %arg5[%add3A_835] : memref<6422528xf32, #tpu.memory_space<hbm>> -> memref<256xf32, #tpu.memory_space<hbm>>
        tpu.enqueue_dma source(%dma_start3A_852 : memref<256xf32, #tpu.memory_space<hbm>>) target(%arg25 : memref<256xf32, #tpu.memory_space<vmem>>) target_semaphore(%arg36 : memref<!tpu.dma_semaphore, #tpu.memory_space<semaphore_mem>>)
      } else {
      }
      %lt3A_798 = arith.constant 195 : i32
      %lt3A_799 = arith.cmpi slt, %scan3A_219, %lt3A_798 : i32
      %convert_element_type3A_800 = arith.extui %lt3A_799 : i1 to i32
      %cond3A_801 = arith.constant 0 : i32
      %cond3A_802 = arith.cmpi ne, %convert_element_type3A_800, %cond3A_801 : i32
      scf.if %cond3A_802 {
        %dma_wait3A_829 = arith.constant 0 : i32
        %dma_wait3A_830 = arith.constant 0 : i32
        %dma_wait3A_831 = tpu.memref_slice %arg2[%dma_wait3A_829, %dma_wait3A_830] : memref<50176x128xi32, #tpu.memory_space<hbm>> -> memref<2x128xi32, #tpu.memory_space<hbm>>
        %dma_wait3A_832 = arith.constant 0 : i32
        %dma_wait3A_833 = arith.constant 0 : i32
        %dma_wait3A_834 = tpu.memref_slice %arg2[%dma_wait3A_832, %dma_wait3A_833] : memref<50176x128xi32, #tpu.memory_space<hbm>> -> memref<2x128xi32, #tpu.memory_space<hbm>>
        tpu.wait_dma2 semaphore(%arg35 : memref<!tpu.dma_semaphore, #tpu.memory_space<semaphore_mem>>) src(%dma_wait3A_834 : memref<2x128xi32, #tpu.memory_space<hbm>>) dst(%arg12 : memref<2x128xi32, #tpu.memory_space<vmem>>)
        %dma_wait3A_835 = arith.constant 0 : i32
        %dma_wait3A_836 = arith.constant 0 : i32
        %dma_wait3A_837 = tpu.memref_slice %arg3[%dma_wait3A_835, %dma_wait3A_836] : memref<50176x128xi32, #tpu.memory_space<hbm>> -> memref<2x128xi32, #tpu.memory_space<hbm>>
        %dma_wait3A_838 = arith.constant 0 : i32
        %dma_wait3A_839 = arith.constant 0 : i32
        %dma_wait3A_840 = tpu.memref_slice %arg3[%dma_wait3A_838, %dma_wait3A_839] : memref<50176x128xi32, #tpu.memory_space<hbm>> -> memref<2x128xi32, #tpu.memory_space<hbm>>
        tpu.wait_dma2 semaphore(%arg35 : memref<!tpu.dma_semaphore, #tpu.memory_space<semaphore_mem>>) src(%dma_wait3A_840 : memref<2x128xi32, #tpu.memory_space<hbm>>) dst(%arg16 : memref<2x128xi32, #tpu.memory_space<vmem>>)
        %dma_wait3A_841 = arith.constant 0 : i32
        %dma_wait3A_842 = tpu.memref_slice %arg4[%dma_wait3A_841] : memref<6422528xf32, #tpu.memory_space<hbm>> -> memref<256xf32, #tpu.memory_space<hbm>>
        %dma_wait3A_843 = arith.constant 0 : i32
        %dma_wait3A_844 = tpu.memref_slice %arg4[%dma_wait3A_843] : memref<6422528xf32, #tpu.memory_space<hbm>> -> memref<256xf32, #tpu.memory_space<hbm>>
        tpu.wait_dma2 semaphore(%arg35 : memref<!tpu.dma_semaphore, #tpu.memory_space<semaphore_mem>>) src(%dma_wait3A_844 : memref<256xf32, #tpu.memory_space<hbm>>) dst(%arg20 : memref<256xf32, #tpu.memory_space<vmem>>)
        %dma_wait3A_845 = arith.constant 0 : i32
        %dma_wait3A_846 = tpu.memref_slice %arg5[%dma_wait3A_845] : memref<6422528xf32, #tpu.memory_space<hbm>> -> memref<256xf32, #tpu.memory_space<hbm>>
        %dma_wait3A_847 = arith.constant 0 : i32
        %dma_wait3A_848 = tpu.memref_slice %arg5[%dma_wait3A_847] : memref<6422528xf32, #tpu.memory_space<hbm>> -> memref<256xf32, #tpu.memory_space<hbm>>
        tpu.wait_dma2 semaphore(%arg35 : memref<!tpu.dma_semaphore, #tpu.memory_space<semaphore_mem>>) src(%dma_wait3A_848 : memref<256xf32, #tpu.memory_space<hbm>>) dst(%arg24 : memref<256xf32, #tpu.memory_space<vmem>>)
        %dma_start3A_849 = arith.constant 0 : i32
        %dma_start3A_850 = arith.constant 0 : i32
        %dma_start3A_851 = arith.constant 0 : i32
        %dma_start3A_852 = tpu.memref_slice %arg28[%dma_start3A_850, %dma_start3A_851] : memref<256x8xf32, #tpu.memory_space<vmem>> -> memref<128x8xf32, #tpu.memory_space<vmem>>
        %dma_start3A_853 = arith.constant 0 : i32
        %dma_start3A_854 = tpu.memref_slice %arg12[%dma_start3A_849, %dma_start3A_853] : memref<2x128xi32, #tpu.memory_space<vmem>> -> memref<1x128xi32, #tpu.memory_space<vmem>>
        %dma_start3A_855 = tpu.memref_squeeze %dma_start3A_854 : memref<1x128xi32, #tpu.memory_space<vmem>> -> memref<128xi32, #tpu.memory_space<vmem>>
        %dma_start3A_856 = arith.constant 0 : i32
        %dma_start3A_857 = arith.constant 0 : i32
        %dma_start3A_858 = tpu.memref_slice %arg6[%dma_start3A_856, %dma_start3A_857] : memref<100000x8xf32, #tpu.memory_space<hbm>> -> memref<100000x8xf32, #tpu.memory_space<hbm>>
        tpu.enqueue_indirect_dma source(%dma_start3A_858 : memref<100000x8xf32, #tpu.memory_space<hbm>>) target(%dma_start3A_852 : memref<128x8xf32, #tpu.memory_space<vmem>>) offsets(%dma_start3A_855 : memref<128xi32, #tpu.memory_space<vmem>>) semaphore(%arg39 : memref<!tpu.dma_semaphore, #tpu.memory_space<semaphore_mem>>)
        %dma_start3A_859 = arith.constant 0 : i32
        %dma_start3A_860 = arith.constant 0 : i32
        %dma_start3A_861 = arith.constant 0 : i32
        %dma_start3A_862 = tpu.memref_slice %arg30[%dma_start3A_860, %dma_start3A_861] : memref<256x8xf32, #tpu.memory_space<vmem>> -> memref<128x8xf32, #tpu.memory_space<vmem>>
        %dma_start3A_863 = arith.constant 0 : i32
        %dma_start3A_864 = tpu.memref_slice %arg16[%dma_start3A_859, %dma_start3A_863] : memref<2x128xi32, #tpu.memory_space<vmem>> -> memref<1x128xi32, #tpu.memory_space<vmem>>
        %dma_start3A_865 = tpu.memref_squeeze %dma_start3A_864 : memref<1x128xi32, #tpu.memory_space<vmem>> -> memref<128xi32, #tpu.memory_space<vmem>>
        %dma_start3A_866 = arith.constant 0 : i32
        %dma_start3A_867 = arith.constant 0 : i32
        %dma_start3A_868 = tpu.memref_slice %arg7[%dma_start3A_866, %dma_start3A_867] : memref<100000x8xf32, #tpu.memory_space<hbm>> -> memref<100000x8xf32, #tpu.memory_space<hbm>>
        tpu.enqueue_indirect_dma source(%dma_start3A_868 : memref<100000x8xf32, #tpu.memory_space<hbm>>) target(%dma_start3A_862 : memref<128x8xf32, #tpu.memory_space<vmem>>) offsets(%dma_start3A_865 : memref<128xi32, #tpu.memory_space<vmem>>) semaphore(%arg39 : memref<!tpu.dma_semaphore, #tpu.memory_space<semaphore_mem>>)
        %dma_start3A_869 = arith.constant 1 : i32
        %dma_start3A_870 = arith.constant 128 : i32
        %dma_start3A_871 = arith.constant 0 : i32
        %dma_start3A_872 = tpu.memref_slice %arg28[%dma_start3A_870, %dma_start3A_871] : memref<256x8xf32, #tpu.memory_space<vmem>> -> memref<128x8xf32, #tpu.memory_space<vmem>>
        %dma_start3A_873 = arith.constant 0 : i32
        %dma_start3A_874 = tpu.memref_slice %arg12[%dma_start3A_869, %dma_start3A_873] : memref<2x128xi32, #tpu.memory_space<vmem>> -> memref<1x128xi32, #tpu.memory_space<vmem>>
        %dma_start3A_875 = tpu.memref_squeeze %dma_start3A_874 : memref<1x128xi32, #tpu.memory_space<vmem>> -> memref<128xi32, #tpu.memory_space<vmem>>
        %dma_start3A_876 = arith.constant 0 : i32
        %dma_start3A_877 = arith.constant 0 : i32
        %dma_start3A_878 = tpu.memref_slice %arg6[%dma_start3A_876, %dma_start3A_877] : memref<100000x8xf32, #tpu.memory_space<hbm>> -> memref<100000x8xf32, #tpu.memory_space<hbm>>
        tpu.enqueue_indirect_dma source(%dma_start3A_878 : memref<100000x8xf32, #tpu.memory_space<hbm>>) target(%dma_start3A_872 : memref<128x8xf32, #tpu.memory_space<vmem>>) offsets(%dma_start3A_875 : memref<128xi32, #tpu.memory_space<vmem>>) semaphore(%arg39 : memref<!tpu.dma_semaphore, #tpu.memory_space<semaphore_mem>>)
        %dma_start3A_879 = arith.constant 1 : i32
        %dma_start3A_880 = arith.constant 128 : i32
        %dma_start3A_881 = arith.constant 0 : i32
        %dma_start3A_882 = tpu.memref_slice %arg30[%dma_start3A_880, %dma_start3A_881] : memref<256x8xf32, #tpu.memory_space<vmem>> -> memref<128x8xf32, #tpu.memory_space<vmem>>
        %dma_start3A_883 = arith.constant 0 : i32
        %dma_start3A_884 = tpu.memref_slice %arg16[%dma_start3A_879, %dma_start3A_883] : memref<2x128xi32, #tpu.memory_space<vmem>> -> memref<1x128xi32, #tpu.memory_space<vmem>>
        %dma_start3A_885 = tpu.memref_squeeze %dma_start3A_884 : memref<1x128xi32, #tpu.memory_space<vmem>> -> memref<128xi32, #tpu.memory_space<vmem>>
        %dma_start3A_886 = arith.constant 0 : i32
        %dma_start3A_887 = arith.constant 0 : i32
        %dma_start3A_888 = tpu.memref_slice %arg7[%dma_start3A_886, %dma_start3A_887] : memref<100000x8xf32, #tpu.memory_space<hbm>> -> memref<100000x8xf32, #tpu.memory_space<hbm>>
        tpu.enqueue_indirect_dma source(%dma_start3A_888 : memref<100000x8xf32, #tpu.memory_space<hbm>>) target(%dma_start3A_882 : memref<128x8xf32, #tpu.memory_space<vmem>>) offsets(%dma_start3A_885 : memref<128xi32, #tpu.memory_space<vmem>>) semaphore(%arg39 : memref<!tpu.dma_semaphore, #tpu.memory_space<semaphore_mem>>)
      } else {
      }
      %scan3A_803 = arith.constant 0 : i32
      %scan3A_804 = arith.constant 0 : i32
      %scan3A_805 = arith.constant 16 : i32
      %scan3A_806 = arith.addi %scan3A_804, %scan3A_805 : i32
      %scan3A_807 = arith.constant 4 : i32
      scf.for %scan3A_829 = %scan3A_804 to %scan3A_806 step %scan3A_807  : i32 {
        %mul3A_830 = arith.constant 16 : i32
        %mul3A_831 = arith.muli %scan3A_829, %mul3A_830 : i32
        %add3A_832 = vector.broadcast %mul3A_831 : i32 to vector<16xi32>
        %add3A_833 = arith.addi %add3A_832, %iota3A : vector<16xi32>
        %mul3A_834 = arith.constant 16 : i32
        %mul3A_835 = arith.muli %scan3A_829, %mul3A_834 : i32
        %get3A_836 = arith.index_cast %mul3A_835 : i32 to index
        %get3A_837 = tpu.vector_load %arg23[%get3A_836] {strides = array<i32>} : memref<256xf32, #tpu.memory_space<vmem>>, vector<16xf32>,
        %mul3A_838 = arith.constant 16 : i32
        %mul3A_839 = arith.muli %scan3A_829, %mul3A_838 : i32
        %get3A_840 = arith.index_cast %mul3A_839 : i32 to index
        %get3A_841 = tpu.vector_load %arg27[%get3A_840] {strides = array<i32>} : memref<256xf32, #tpu.memory_space<vmem>>, vector<16xf32>,
        %gather3A = tpu.vector_load_idx %arg29[%add3A_833, %broadcast_in_dim3A_5] : memref<256x8xf32, #tpu.memory_space<vmem>>[vector<16xi32>, vector<16xi32>], vector<16xf32>,
        %gather3A_842 = tpu.vector_load_idx %arg29[%add3A_833, %broadcast_in_dim3A_7] : memref<256x8xf32, #tpu.memory_space<vmem>>[vector<16xi32>, vector<16xi32>], vector<16xf32>,
        %gather3A_843 = tpu.vector_load_idx %arg29[%add3A_833, %broadcast_in_dim3A_9] : memref<256x8xf32, #tpu.memory_space<vmem>>[vector<16xi32>, vector<16xi32>], vector<16xf32>,
        %gather3A_844 = tpu.vector_load_idx %arg29[%add3A_833, %broadcast_in_dim3A_11] : memref<256x8xf32, #tpu.memory_space<vmem>>[vector<16xi32>, vector<16xi32>], vector<16xf32>,
        %gather3A_845 = tpu.vector_load_idx %arg29[%add3A_833, %broadcast_in_dim3A_13] : memref<256x8xf32, #tpu.memory_space<vmem>>[vector<16xi32>, vector<16xi32>], vector<16xf32>,
        %gather3A_846 = tpu.vector_load_idx %arg29[%add3A_833, %broadcast_in_dim3A_15] : memref<256x8xf32, #tpu.memory_space<vmem>>[vector<16xi32>, vector<16xi32>], vector<16xf32>,
        %gather3A_847 = tpu.vector_load_idx %arg31[%add3A_833, %broadcast_in_dim3A_5] : memref<256x8xf32, #tpu.memory_space<vmem>>[vector<16xi32>, vector<16xi32>], vector<16xf32>,
        %gather3A_848 = tpu.vector_load_idx %arg31[%add3A_833, %broadcast_in_dim3A_7] : memref<256x8xf32, #tpu.memory_space<vmem>>[vector<16xi32>, vector<16xi32>], vector<16xf32>,
        %gather3A_849 = tpu.vector_load_idx %arg31[%add3A_833, %broadcast_in_dim3A_9] : memref<256x8xf32, #tpu.memory_space<vmem>>[vector<16xi32>, vector<16xi32>], vector<16xf32>,
        %gather3A_850 = tpu.vector_load_idx %arg31[%add3A_833, %broadcast_in_dim3A_11] : memref<256x8xf32, #tpu.memory_space<vmem>>[vector<16xi32>, vector<16xi32>], vector<16xf32>,
        %gather3A_851 = tpu.vector_load_idx %arg31[%add3A_833, %broadcast_in_dim3A_13] : memref<256x8xf32, #tpu.memory_space<vmem>>[vector<16xi32>, vector<16xi32>], vector<16xf32>,
        %gather3A_852 = tpu.vector_load_idx %arg31[%add3A_833, %broadcast_in_dim3A_15] : memref<256x8xf32, #tpu.memory_space<vmem>>[vector<16xi32>, vector<16xi32>], vector<16xf32>,
        %broadcast_in_dim3A_853 = arith.constant 0.000000e+00 : f32
        %broadcast_in_dim3A_854 = vector.broadcast %broadcast_in_dim3A_853 : f32 to vector<16xf32>
        %add3A_855 = arith.addf %gather3A, %gather3A_847 : vector<16xf32>
        %mul3A_856 = vector.broadcast %squeeze3A : f32 to vector<16xf32>
        %mul3A_857 = arith.mulf %get3A_837, %mul3A_856 : vector<16xf32>
        %add3A_858 = arith.addf %add3A_855, %mul3A_857 : vector<16xf32>
        %mul3A_859 = vector.broadcast %squeeze3A_38 : f32 to vector<16xf32>
        %mul3A_860 = arith.mulf %get3A_841, %mul3A_859 : vector<16xf32>
        %add3A_861 = arith.addf %add3A_858, %mul3A_860 : vector<16xf32>
        %mul3A_862 = arith.constant 2.000000e-01 : f32
        %mul3A_863 = vector.broadcast %mul3A_862 : f32 to vector<16xf32>
        %mul3A_864 = arith.mulf %add3A_861, %mul3A_863 : vector<16xf32>
        %max3A = arith.maximumf %add3A_861, %mul3A_864 : vector<16xf32>
        %mul3A_865 = vector.broadcast %squeeze3A_50 : f32 to vector<16xf32>
        %mul3A_866 = arith.mulf %max3A, %mul3A_865 : vector<16xf32>
        %add3A_867 = arith.addf %broadcast_in_dim3A_854, %mul3A_866 : vector<16xf32>
        %add3A_868 = arith.addf %gather3A_842, %gather3A_848 : vector<16xf32>
        %mul3A_869 = vector.broadcast %squeeze3A_28 : f32 to vector<16xf32>
        %mul3A_870 = arith.mulf %get3A_837, %mul3A_869 : vector<16xf32>
        %add3A_871 = arith.addf %add3A_868, %mul3A_870 : vector<16xf32>
        %mul3A_872 = vector.broadcast %squeeze3A_40 : f32 to vector<16xf32>
        %mul3A_873 = arith.mulf %get3A_841, %mul3A_872 : vector<16xf32>
        %add3A_874 = arith.addf %add3A_871, %mul3A_873 : vector<16xf32>
        %mul3A_875 = arith.constant 2.000000e-01 : f32
        %mul3A_876 = vector.broadcast %mul3A_875 : f32 to vector<16xf32>
        %mul3A_877 = arith.mulf %add3A_874, %mul3A_876 : vector<16xf32>
        %max3A_878 = arith.maximumf %add3A_874, %mul3A_877 : vector<16xf32>
        %mul3A_879 = vector.broadcast %squeeze3A_52 : f32 to vector<16xf32>
        %mul3A_880 = arith.mulf %max3A_878, %mul3A_879 : vector<16xf32>
        %add3A_881 = arith.addf %add3A_867, %mul3A_880 : vector<16xf32>
        %add3A_882 = arith.addf %gather3A_843, %gather3A_849 : vector<16xf32>
        %mul3A_883 = vector.broadcast %squeeze3A_30 : f32 to vector<16xf32>
        %mul3A_884 = arith.mulf %get3A_837, %mul3A_883 : vector<16xf32>
        %add3A_885 = arith.addf %add3A_882, %mul3A_884 : vector<16xf32>
        %mul3A_886 = vector.broadcast %squeeze3A_42 : f32 to vector<16xf32>
        %mul3A_887 = arith.mulf %get3A_841, %mul3A_886 : vector<16xf32>
        %add3A_888 = arith.addf %add3A_885, %mul3A_887 : vector<16xf32>
        %mul3A_889 = arith.constant 2.000000e-01 : f32
        %mul3A_890 = vector.broadcast %mul3A_889 : f32 to vector<16xf32>
        %mul3A_891 = arith.mulf %add3A_888, %mul3A_890 : vector<16xf32>
        %max3A_892 = arith.maximumf %add3A_888, %mul3A_891 : vector<16xf32>
        %mul3A_893 = vector.broadcast %squeeze3A_54 : f32 to vector<16xf32>
        %mul3A_894 = arith.mulf %max3A_892, %mul3A_893 : vector<16xf32>
        %add3A_895 = arith.addf %add3A_881, %mul3A_894 : vector<16xf32>
        %add3A_896 = arith.addf %gather3A_844, %gather3A_850 : vector<16xf32>
        %mul3A_897 = vector.broadcast %squeeze3A_32 : f32 to vector<16xf32>
        %mul3A_898 = arith.mulf %get3A_837, %mul3A_897 : vector<16xf32>
        %add3A_899 = arith.addf %add3A_896, %mul3A_898 : vector<16xf32>
        %mul3A_900 = vector.broadcast %squeeze3A_44 : f32 to vector<16xf32>
        %mul3A_901 = arith.mulf %get3A_841, %mul3A_900 : vector<16xf32>
        %add3A_902 = arith.addf %add3A_899, %mul3A_901 : vector<16xf32>
        %mul3A_903 = arith.constant 2.000000e-01 : f32
        %mul3A_904 = vector.broadcast %mul3A_903 : f32 to vector<16xf32>
        %mul3A_905 = arith.mulf %add3A_902, %mul3A_904 : vector<16xf32>
        %max3A_906 = arith.maximumf %add3A_902, %mul3A_905 : vector<16xf32>
        %mul3A_907 = vector.broadcast %squeeze3A_56 : f32 to vector<16xf32>
        %mul3A_908 = arith.mulf %max3A_906, %mul3A_907 : vector<16xf32>
        %add3A_909 = arith.addf %add3A_895, %mul3A_908 : vector<16xf32>
        %add3A_910 = arith.addf %gather3A_845, %gather3A_851 : vector<16xf32>
        %mul3A_911 = vector.broadcast %squeeze3A_34 : f32 to vector<16xf32>
        %mul3A_912 = arith.mulf %get3A_837, %mul3A_911 : vector<16xf32>
        %add3A_913 = arith.addf %add3A_910, %mul3A_912 : vector<16xf32>
        %mul3A_914 = vector.broadcast %squeeze3A_46 : f32 to vector<16xf32>
        %mul3A_915 = arith.mulf %get3A_841, %mul3A_914 : vector<16xf32>
        %add3A_916 = arith.addf %add3A_913, %mul3A_915 : vector<16xf32>
        %mul3A_917 = arith.constant 2.000000e-01 : f32
        %mul3A_918 = vector.broadcast %mul3A_917 : f32 to vector<16xf32>
        %mul3A_919 = arith.mulf %add3A_916, %mul3A_918 : vector<16xf32>
        %max3A_920 = arith.maximumf %add3A_916, %mul3A_919 : vector<16xf32>
        %mul3A_921 = vector.broadcast %squeeze3A_58 : f32 to vector<16xf32>
        %mul3A_922 = arith.mulf %max3A_920, %mul3A_921 : vector<16xf32>
        %add3A_923 = arith.addf %add3A_909, %mul3A_922 : vector<16xf32>
        %add3A_924 = arith.addf %gather3A_846, %gather3A_852 : vector<16xf32>
        %mul3A_925 = vector.broadcast %squeeze3A_36 : f32 to vector<16xf32>
        %mul3A_926 = arith.mulf %get3A_837, %mul3A_925 : vector<16xf32>
        %add3A_927 = arith.addf %add3A_924, %mul3A_926 : vector<16xf32>
        %mul3A_928 = vector.broadcast %squeeze3A_48 : f32 to vector<16xf32>
        %mul3A_929 = arith.mulf %get3A_841, %mul3A_928 : vector<16xf32>
        %add3A_930 = arith.addf %add3A_927, %mul3A_929 : vector<16xf32>
        %mul3A_931 = arith.constant 2.000000e-01 : f32
        %mul3A_932 = vector.broadcast %mul3A_931 : f32 to vector<16xf32>
        %mul3A_933 = arith.mulf %add3A_930, %mul3A_932 : vector<16xf32>
        %max3A_934 = arith.maximumf %add3A_930, %mul3A_933 : vector<16xf32>
        %mul3A_935 = vector.broadcast %squeeze3A_60 : f32 to vector<16xf32>
        %mul3A_936 = arith.mulf %max3A_934, %mul3A_935 : vector<16xf32>
        %add3A_937 = arith.addf %add3A_923, %mul3A_936 : vector<16xf32>
        %exp3A = math.exp %add3A_937 : vector<16xf32>
        tpu.vector_store_idx %arg33[%add3A_833, %broadcast_in_dim3A_5], %exp3A : memref<256x16xf32, #tpu.memory_space<vmem>>[vector<16xi32>, vector<16xi32>], vector<16xf32>,
        %mul3A_938 = arith.mulf %exp3A, %gather3A : vector<16xf32>
        tpu.vector_store_idx %arg33[%add3A_833, %broadcast_in_dim3A_7], %mul3A_938 : memref<256x16xf32, #tpu.memory_space<vmem>>[vector<16xi32>, vector<16xi32>], vector<16xf32>,
        %mul3A_939 = arith.mulf %exp3A, %gather3A_842 : vector<16xf32>
        tpu.vector_store_idx %arg33[%add3A_833, %broadcast_in_dim3A_9], %mul3A_939 : memref<256x16xf32, #tpu.memory_space<vmem>>[vector<16xi32>, vector<16xi32>], vector<16xf32>,
        %mul3A_940 = arith.mulf %exp3A, %gather3A_843 : vector<16xf32>
        tpu.vector_store_idx %arg33[%add3A_833, %broadcast_in_dim3A_11], %mul3A_940 : memref<256x16xf32, #tpu.memory_space<vmem>>[vector<16xi32>, vector<16xi32>], vector<16xf32>,
        %mul3A_941 = arith.mulf %exp3A, %gather3A_844 : vector<16xf32>
        tpu.vector_store_idx %arg33[%add3A_833, %broadcast_in_dim3A_13], %mul3A_941 : memref<256x16xf32, #tpu.memory_space<vmem>>[vector<16xi32>, vector<16xi32>], vector<16xf32>,
        %mul3A_942 = arith.mulf %exp3A, %gather3A_845 : vector<16xf32>
        tpu.vector_store_idx %arg33[%add3A_833, %broadcast_in_dim3A_15], %mul3A_942 : memref<256x16xf32, #tpu.memory_space<vmem>>[vector<16xi32>, vector<16xi32>], vector<16xf32>,
        %mul3A_943 = arith.mulf %exp3A, %gather3A_846 : vector<16xf32>
        tpu.vector_store_idx %arg33[%add3A_833, %broadcast_in_dim3A_17], %mul3A_943 : memref<256x16xf32, #tpu.memory_space<vmem>>[vector<16xi32>, vector<16xi32>], vector<16xf32>,
        tpu.vector_store_idx %arg33[%add3A_833, %broadcast_in_dim3A_19], %broadcast_in_dim3A_62 : memref<256x16xf32, #tpu.memory_space<vmem>>[vector<16xi32>, vector<16xi32>], vector<16xf32>,
        tpu.vector_store_idx %arg33[%add3A_833, %broadcast_in_dim3A_21], %get3A_837 : memref<256x16xf32, #tpu.memory_space<vmem>>[vector<16xi32>, vector<16xi32>], vector<16xf32>,
        tpu.vector_store_idx %arg33[%add3A_833, %broadcast_in_dim3A_23], %get3A_841 : memref<256x16xf32, #tpu.memory_space<vmem>>[vector<16xi32>, vector<16xi32>], vector<16xf32>,
        %scan3A_944 = arith.constant 1 : i32
        %scan3A_945 = arith.addi %scan3A_829, %scan3A_944 : i32
        %mul3A_946 = arith.constant 16 : i32
        %mul3A_947 = arith.muli %scan3A_945, %mul3A_946 : i32
        %add3A_948 = vector.broadcast %mul3A_947 : i32 to vector<16xi32>
        %add3A_949 = arith.addi %add3A_948, %iota3A : vector<16xi32>
        %mul3A_950 = arith.constant 16 : i32
        %mul3A_951 = arith.muli %scan3A_945, %mul3A_950 : i32
        %get3A_952 = arith.index_cast %mul3A_951 : i32 to index
        %get3A_953 = tpu.vector_load %arg23[%get3A_952] {strides = array<i32>} : memref<256xf32, #tpu.memory_space<vmem>>, vector<16xf32>,
        %mul3A_954 = arith.constant 16 : i32
        %mul3A_955 = arith.muli %scan3A_945, %mul3A_954 : i32
        %get3A_956 = arith.index_cast %mul3A_955 : i32 to index
        %get3A_957 = tpu.vector_load %arg27[%get3A_956] {strides = array<i32>} : memref<256xf32, #tpu.memory_space<vmem>>, vector<16xf32>,
        %gather3A_958 = tpu.vector_load_idx %arg29[%add3A_949, %broadcast_in_dim3A_5] : memref<256x8xf32, #tpu.memory_space<vmem>>[vector<16xi32>, vector<16xi32>], vector<16xf32>,
        %gather3A_959 = tpu.vector_load_idx %arg29[%add3A_949, %broadcast_in_dim3A_7] : memref<256x8xf32, #tpu.memory_space<vmem>>[vector<16xi32>, vector<16xi32>], vector<16xf32>,
        %gather3A_960 = tpu.vector_load_idx %arg29[%add3A_949, %broadcast_in_dim3A_9] : memref<256x8xf32, #tpu.memory_space<vmem>>[vector<16xi32>, vector<16xi32>], vector<16xf32>,
        %gather3A_961 = tpu.vector_load_idx %arg29[%add3A_949, %broadcast_in_dim3A_11] : memref<256x8xf32, #tpu.memory_space<vmem>>[vector<16xi32>, vector<16xi32>], vector<16xf32>,
        %gather3A_962 = tpu.vector_load_idx %arg29[%add3A_949, %broadcast_in_dim3A_13] : memref<256x8xf32, #tpu.memory_space<vmem>>[vector<16xi32>, vector<16xi32>], vector<16xf32>,
        %gather3A_963 = tpu.vector_load_idx %arg29[%add3A_949, %broadcast_in_dim3A_15] : memref<256x8xf32, #tpu.memory_space<vmem>>[vector<16xi32>, vector<16xi32>], vector<16xf32>,
        %gather3A_964 = tpu.vector_load_idx %arg31[%add3A_949, %broadcast_in_dim3A_5] : memref<256x8xf32, #tpu.memory_space<vmem>>[vector<16xi32>, vector<16xi32>], vector<16xf32>,
        %gather3A_965 = tpu.vector_load_idx %arg31[%add3A_949, %broadcast_in_dim3A_7] : memref<256x8xf32, #tpu.memory_space<vmem>>[vector<16xi32>, vector<16xi32>], vector<16xf32>,
        %gather3A_966 = tpu.vector_load_idx %arg31[%add3A_949, %broadcast_in_dim3A_9] : memref<256x8xf32, #tpu.memory_space<vmem>>[vector<16xi32>, vector<16xi32>], vector<16xf32>,
        %gather3A_967 = tpu.vector_load_idx %arg31[%add3A_949, %broadcast_in_dim3A_11] : memref<256x8xf32, #tpu.memory_space<vmem>>[vector<16xi32>, vector<16xi32>], vector<16xf32>,
        %gather3A_968 = tpu.vector_load_idx %arg31[%add3A_949, %broadcast_in_dim3A_13] : memref<256x8xf32, #tpu.memory_space<vmem>>[vector<16xi32>, vector<16xi32>], vector<16xf32>,
        %gather3A_969 = tpu.vector_load_idx %arg31[%add3A_949, %broadcast_in_dim3A_15] : memref<256x8xf32, #tpu.memory_space<vmem>>[vector<16xi32>, vector<16xi32>], vector<16xf32>,
        %broadcast_in_dim3A_970 = arith.constant 0.000000e+00 : f32
        %broadcast_in_dim3A_971 = vector.broadcast %broadcast_in_dim3A_970 : f32 to vector<16xf32>
        %add3A_972 = arith.addf %gather3A_958, %gather3A_964 : vector<16xf32>
        %mul3A_973 = vector.broadcast %squeeze3A : f32 to vector<16xf32>
        %mul3A_974 = arith.mulf %get3A_953, %mul3A_973 : vector<16xf32>
        %add3A_975 = arith.addf %add3A_972, %mul3A_974 : vector<16xf32>
        %mul3A_976 = vector.broadcast %squeeze3A_38 : f32 to vector<16xf32>
        %mul3A_977 = arith.mulf %get3A_957, %mul3A_976 : vector<16xf32>
        %add3A_978 = arith.addf %add3A_975, %mul3A_977 : vector<16xf32>
        %mul3A_979 = arith.constant 2.000000e-01 : f32
        %mul3A_980 = vector.broadcast %mul3A_979 : f32 to vector<16xf32>
        %mul3A_981 = arith.mulf %add3A_978, %mul3A_980 : vector<16xf32>
        %max3A_982 = arith.maximumf %add3A_978, %mul3A_981 : vector<16xf32>
        %mul3A_983 = vector.broadcast %squeeze3A_50 : f32 to vector<16xf32>
        %mul3A_984 = arith.mulf %max3A_982, %mul3A_983 : vector<16xf32>
        %add3A_985 = arith.addf %broadcast_in_dim3A_971, %mul3A_984 : vector<16xf32>
        %add3A_986 = arith.addf %gather3A_959, %gather3A_965 : vector<16xf32>
        %mul3A_987 = vector.broadcast %squeeze3A_28 : f32 to vector<16xf32>
        %mul3A_988 = arith.mulf %get3A_953, %mul3A_987 : vector<16xf32>
        %add3A_989 = arith.addf %add3A_986, %mul3A_988 : vector<16xf32>
        %mul3A_990 = vector.broadcast %squeeze3A_40 : f32 to vector<16xf32>
        %mul3A_991 = arith.mulf %get3A_957, %mul3A_990 : vector<16xf32>
        %add3A_992 = arith.addf %add3A_989, %mul3A_991 : vector<16xf32>
        %mul3A_993 = arith.constant 2.000000e-01 : f32
        %mul3A_994 = vector.broadcast %mul3A_993 : f32 to vector<16xf32>
        %mul3A_995 = arith.mulf %add3A_992, %mul3A_994 : vector<16xf32>
        %max3A_996 = arith.maximumf %add3A_992, %mul3A_995 : vector<16xf32>
        %mul3A_997 = vector.broadcast %squeeze3A_52 : f32 to vector<16xf32>
        %mul3A_998 = arith.mulf %max3A_996, %mul3A_997 : vector<16xf32>
        %add3A_999 = arith.addf %add3A_985, %mul3A_998 : vector<16xf32>
        %add3A_1000 = arith.addf %gather3A_960, %gather3A_966 : vector<16xf32>
        %mul3A_1001 = vector.broadcast %squeeze3A_30 : f32 to vector<16xf32>
        %mul3A_1002 = arith.mulf %get3A_953, %mul3A_1001 : vector<16xf32>
        %add3A_1003 = arith.addf %add3A_1000, %mul3A_1002 : vector<16xf32>
        %mul3A_1004 = vector.broadcast %squeeze3A_42 : f32 to vector<16xf32>
        %mul3A_1005 = arith.mulf %get3A_957, %mul3A_1004 : vector<16xf32>
        %add3A_1006 = arith.addf %add3A_1003, %mul3A_1005 : vector<16xf32>
        %mul3A_1007 = arith.constant 2.000000e-01 : f32
        %mul3A_1008 = vector.broadcast %mul3A_1007 : f32 to vector<16xf32>
        %mul3A_1009 = arith.mulf %add3A_1006, %mul3A_1008 : vector<16xf32>
        %max3A_1010 = arith.maximumf %add3A_1006, %mul3A_1009 : vector<16xf32>
        %mul3A_1011 = vector.broadcast %squeeze3A_54 : f32 to vector<16xf32>
        %mul3A_1012 = arith.mulf %max3A_1010, %mul3A_1011 : vector<16xf32>
        %add3A_1013 = arith.addf %add3A_999, %mul3A_1012 : vector<16xf32>
        %add3A_1014 = arith.addf %gather3A_961, %gather3A_967 : vector<16xf32>
        %mul3A_1015 = vector.broadcast %squeeze3A_32 : f32 to vector<16xf32>
        %mul3A_1016 = arith.mulf %get3A_953, %mul3A_1015 : vector<16xf32>
        %add3A_1017 = arith.addf %add3A_1014, %mul3A_1016 : vector<16xf32>
        %mul3A_1018 = vector.broadcast %squeeze3A_44 : f32 to vector<16xf32>
        %mul3A_1019 = arith.mulf %get3A_957, %mul3A_1018 : vector<16xf32>
        %add3A_1020 = arith.addf %add3A_1017, %mul3A_1019 : vector<16xf32>
        %mul3A_1021 = arith.constant 2.000000e-01 : f32
        %mul3A_1022 = vector.broadcast %mul3A_1021 : f32 to vector<16xf32>
        %mul3A_1023 = arith.mulf %add3A_1020, %mul3A_1022 : vector<16xf32>
        %max3A_1024 = arith.maximumf %add3A_1020, %mul3A_1023 : vector<16xf32>
        %mul3A_1025 = vector.broadcast %squeeze3A_56 : f32 to vector<16xf32>
        %mul3A_1026 = arith.mulf %max3A_1024, %mul3A_1025 : vector<16xf32>
        %add3A_1027 = arith.addf %add3A_1013, %mul3A_1026 : vector<16xf32>
        %add3A_1028 = arith.addf %gather3A_962, %gather3A_968 : vector<16xf32>
        %mul3A_1029 = vector.broadcast %squeeze3A_34 : f32 to vector<16xf32>
        %mul3A_1030 = arith.mulf %get3A_953, %mul3A_1029 : vector<16xf32>
        %add3A_1031 = arith.addf %add3A_1028, %mul3A_1030 : vector<16xf32>
        %mul3A_1032 = vector.broadcast %squeeze3A_46 : f32 to vector<16xf32>
        %mul3A_1033 = arith.mulf %get3A_957, %mul3A_1032 : vector<16xf32>
        %add3A_1034 = arith.addf %add3A_1031, %mul3A_1033 : vector<16xf32>
        %mul3A_1035 = arith.constant 2.000000e-01 : f32
        %mul3A_1036 = vector.broadcast %mul3A_1035 : f32 to vector<16xf32>
        %mul3A_1037 = arith.mulf %add3A_1034, %mul3A_1036 : vector<16xf32>
        %max3A_1038 = arith.maximumf %add3A_1034, %mul3A_1037 : vector<16xf32>
        %mul3A_1039 = vector.broadcast %squeeze3A_58 : f32 to vector<16xf32>
        %mul3A_1040 = arith.mulf %max3A_1038, %mul3A_1039 : vector<16xf32>
        %add3A_1041 = arith.addf %add3A_1027, %mul3A_1040 : vector<16xf32>
        %add3A_1042 = arith.addf %gather3A_963, %gather3A_969 : vector<16xf32>
        %mul3A_1043 = vector.broadcast %squeeze3A_36 : f32 to vector<16xf32>
        %mul3A_1044 = arith.mulf %get3A_953, %mul3A_1043 : vector<16xf32>
        %add3A_1045 = arith.addf %add3A_1042, %mul3A_1044 : vector<16xf32>
        %mul3A_1046 = vector.broadcast %squeeze3A_48 : f32 to vector<16xf32>
        %mul3A_1047 = arith.mulf %get3A_957, %mul3A_1046 : vector<16xf32>
        %add3A_1048 = arith.addf %add3A_1045, %mul3A_1047 : vector<16xf32>
        %mul3A_1049 = arith.constant 2.000000e-01 : f32
        %mul3A_1050 = vector.broadcast %mul3A_1049 : f32 to vector<16xf32>
        %mul3A_1051 = arith.mulf %add3A_1048, %mul3A_1050 : vector<16xf32>
        %max3A_1052 = arith.maximumf %add3A_1048, %mul3A_1051 : vector<16xf32>
        %mul3A_1053 = vector.broadcast %squeeze3A_60 : f32 to vector<16xf32>
        %mul3A_1054 = arith.mulf %max3A_1052, %mul3A_1053 : vector<16xf32>
        %add3A_1055 = arith.addf %add3A_1041, %mul3A_1054 : vector<16xf32>
        %exp3A_1056 = math.exp %add3A_1055 : vector<16xf32>
        tpu.vector_store_idx %arg33[%add3A_949, %broadcast_in_dim3A_5], %exp3A_1056 : memref<256x16xf32, #tpu.memory_space<vmem>>[vector<16xi32>, vector<16xi32>], vector<16xf32>,
        %mul3A_1057 = arith.mulf %exp3A_1056, %gather3A_958 : vector<16xf32>
        tpu.vector_store_idx %arg33[%add3A_949, %broadcast_in_dim3A_7], %mul3A_1057 : memref<256x16xf32, #tpu.memory_space<vmem>>[vector<16xi32>, vector<16xi32>], vector<16xf32>,
        %mul3A_1058 = arith.mulf %exp3A_1056, %gather3A_959 : vector<16xf32>
        tpu.vector_store_idx %arg33[%add3A_949, %broadcast_in_dim3A_9], %mul3A_1058 : memref<256x16xf32, #tpu.memory_space<vmem>>[vector<16xi32>, vector<16xi32>], vector<16xf32>,
        %mul3A_1059 = arith.mulf %exp3A_1056, %gather3A_960 : vector<16xf32>
        tpu.vector_store_idx %arg33[%add3A_949, %broadcast_in_dim3A_11], %mul3A_1059 : memref<256x16xf32, #tpu.memory_space<vmem>>[vector<16xi32>, vector<16xi32>], vector<16xf32>,
        %mul3A_1060 = arith.mulf %exp3A_1056, %gather3A_961 : vector<16xf32>
        tpu.vector_store_idx %arg33[%add3A_949, %broadcast_in_dim3A_13], %mul3A_1060 : memref<256x16xf32, #tpu.memory_space<vmem>>[vector<16xi32>, vector<16xi32>], vector<16xf32>,
        %mul3A_1061 = arith.mulf %exp3A_1056, %gather3A_962 : vector<16xf32>
        tpu.vector_store_idx %arg33[%add3A_949, %broadcast_in_dim3A_15], %mul3A_1061 : memref<256x16xf32, #tpu.memory_space<vmem>>[vector<16xi32>, vector<16xi32>], vector<16xf32>,
        %mul3A_1062 = arith.mulf %exp3A_1056, %gather3A_963 : vector<16xf32>
        tpu.vector_store_idx %arg33[%add3A_949, %broadcast_in_dim3A_17], %mul3A_1062 : memref<256x16xf32, #tpu.memory_space<vmem>>[vector<16xi32>, vector<16xi32>], vector<16xf32>,
        tpu.vector_store_idx %arg33[%add3A_949, %broadcast_in_dim3A_19], %broadcast_in_dim3A_62 : memref<256x16xf32, #tpu.memory_space<vmem>>[vector<16xi32>, vector<16xi32>], vector<16xf32>,
        tpu.vector_store_idx %arg33[%add3A_949, %broadcast_in_dim3A_21], %get3A_953 : memref<256x16xf32, #tpu.memory_space<vmem>>[vector<16xi32>, vector<16xi32>], vector<16xf32>,
        tpu.vector_store_idx %arg33[%add3A_949, %broadcast_in_dim3A_23], %get3A_957 : memref<256x16xf32, #tpu.memory_space<vmem>>[vector<16xi32>, vector<16xi32>], vector<16xf32>,
        %scan3A_1063 = arith.constant 2 : i32
        %scan3A_1064 = arith.addi %scan3A_829, %scan3A_1063 : i32
        %mul3A_1065 = arith.constant 16 : i32
        %mul3A_1066 = arith.muli %scan3A_1064, %mul3A_1065 : i32
        %add3A_1067 = vector.broadcast %mul3A_1066 : i32 to vector<16xi32>
        %add3A_1068 = arith.addi %add3A_1067, %iota3A : vector<16xi32>
        %mul3A_1069 = arith.constant 16 : i32
        %mul3A_1070 = arith.muli %scan3A_1064, %mul3A_1069 : i32
        %get3A_1071 = arith.index_cast %mul3A_1070 : i32 to index
        %get3A_1072 = tpu.vector_load %arg23[%get3A_1071] {strides = array<i32>} : memref<256xf32, #tpu.memory_space<vmem>>, vector<16xf32>,
        %mul3A_1073 = arith.constant 16 : i32
        %mul3A_1074 = arith.muli %scan3A_1064, %mul3A_1073 : i32
        %get3A_1075 = arith.index_cast %mul3A_1074 : i32 to index
        %get3A_1076 = tpu.vector_load %arg27[%get3A_1075] {strides = array<i32>} : memref<256xf32, #tpu.memory_space<vmem>>, vector<16xf32>,
        %gather3A_1077 = tpu.vector_load_idx %arg29[%add3A_1068, %broadcast_in_dim3A_5] : memref<256x8xf32, #tpu.memory_space<vmem>>[vector<16xi32>, vector<16xi32>], vector<16xf32>,
        %gather3A_1078 = tpu.vector_load_idx %arg29[%add3A_1068, %broadcast_in_dim3A_7] : memref<256x8xf32, #tpu.memory_space<vmem>>[vector<16xi32>, vector<16xi32>], vector<16xf32>,
        %gather3A_1079 = tpu.vector_load_idx %arg29[%add3A_1068, %broadcast_in_dim3A_9] : memref<256x8xf32, #tpu.memory_space<vmem>>[vector<16xi32>, vector<16xi32>], vector<16xf32>,
        %gather3A_1080 = tpu.vector_load_idx %arg29[%add3A_1068, %broadcast_in_dim3A_11] : memref<256x8xf32, #tpu.memory_space<vmem>>[vector<16xi32>, vector<16xi32>], vector<16xf32>,
        %gather3A_1081 = tpu.vector_load_idx %arg29[%add3A_1068, %broadcast_in_dim3A_13] : memref<256x8xf32, #tpu.memory_space<vmem>>[vector<16xi32>, vector<16xi32>], vector<16xf32>,
        %gather3A_1082 = tpu.vector_load_idx %arg29[%add3A_1068, %broadcast_in_dim3A_15] : memref<256x8xf32, #tpu.memory_space<vmem>>[vector<16xi32>, vector<16xi32>], vector<16xf32>,
        %gather3A_1083 = tpu.vector_load_idx %arg31[%add3A_1068, %broadcast_in_dim3A_5] : memref<256x8xf32, #tpu.memory_space<vmem>>[vector<16xi32>, vector<16xi32>], vector<16xf32>,
        %gather3A_1084 = tpu.vector_load_idx %arg31[%add3A_1068, %broadcast_in_dim3A_7] : memref<256x8xf32, #tpu.memory_space<vmem>>[vector<16xi32>, vector<16xi32>], vector<16xf32>,
        %gather3A_1085 = tpu.vector_load_idx %arg31[%add3A_1068, %broadcast_in_dim3A_9] : memref<256x8xf32, #tpu.memory_space<vmem>>[vector<16xi32>, vector<16xi32>], vector<16xf32>,
        %gather3A_1086 = tpu.vector_load_idx %arg31[%add3A_1068, %broadcast_in_dim3A_11] : memref<256x8xf32, #tpu.memory_space<vmem>>[vector<16xi32>, vector<16xi32>], vector<16xf32>,
        %gather3A_1087 = tpu.vector_load_idx %arg31[%add3A_1068, %broadcast_in_dim3A_13] : memref<256x8xf32, #tpu.memory_space<vmem>>[vector<16xi32>, vector<16xi32>], vector<16xf32>,
        %gather3A_1088 = tpu.vector_load_idx %arg31[%add3A_1068, %broadcast_in_dim3A_15] : memref<256x8xf32, #tpu.memory_space<vmem>>[vector<16xi32>, vector<16xi32>], vector<16xf32>,
        %broadcast_in_dim3A_1089 = arith.constant 0.000000e+00 : f32
        %broadcast_in_dim3A_1090 = vector.broadcast %broadcast_in_dim3A_1089 : f32 to vector<16xf32>
        %add3A_1091 = arith.addf %gather3A_1077, %gather3A_1083 : vector<16xf32>
        %mul3A_1092 = vector.broadcast %squeeze3A : f32 to vector<16xf32>
        %mul3A_1093 = arith.mulf %get3A_1072, %mul3A_1092 : vector<16xf32>
        %add3A_1094 = arith.addf %add3A_1091, %mul3A_1093 : vector<16xf32>
        %mul3A_1095 = vector.broadcast %squeeze3A_38 : f32 to vector<16xf32>
        %mul3A_1096 = arith.mulf %get3A_1076, %mul3A_1095 : vector<16xf32>
        %add3A_1097 = arith.addf %add3A_1094, %mul3A_1096 : vector<16xf32>
        %mul3A_1098 = arith.constant 2.000000e-01 : f32
        %mul3A_1099 = vector.broadcast %mul3A_1098 : f32 to vector<16xf32>
        %mul3A_1100 = arith.mulf %add3A_1097, %mul3A_1099 : vector<16xf32>
        %max3A_1101 = arith.maximumf %add3A_1097, %mul3A_1100 : vector<16xf32>
        %mul3A_1102 = vector.broadcast %squeeze3A_50 : f32 to vector<16xf32>
        %mul3A_1103 = arith.mulf %max3A_1101, %mul3A_1102 : vector<16xf32>
        %add3A_1104 = arith.addf %broadcast_in_dim3A_1090, %mul3A_1103 : vector<16xf32>
        %add3A_1105 = arith.addf %gather3A_1078, %gather3A_1084 : vector<16xf32>
        %mul3A_1106 = vector.broadcast %squeeze3A_28 : f32 to vector<16xf32>
        %mul3A_1107 = arith.mulf %get3A_1072, %mul3A_1106 : vector<16xf32>
        %add3A_1108 = arith.addf %add3A_1105, %mul3A_1107 : vector<16xf32>
        %mul3A_1109 = vector.broadcast %squeeze3A_40 : f32 to vector<16xf32>
        %mul3A_1110 = arith.mulf %get3A_1076, %mul3A_1109 : vector<16xf32>
        %add3A_1111 = arith.addf %add3A_1108, %mul3A_1110 : vector<16xf32>
        %mul3A_1112 = arith.constant 2.000000e-01 : f32
        %mul3A_1113 = vector.broadcast %mul3A_1112 : f32 to vector<16xf32>
        %mul3A_1114 = arith.mulf %add3A_1111, %mul3A_1113 : vector<16xf32>
        %max3A_1115 = arith.maximumf %add3A_1111, %mul3A_1114 : vector<16xf32>
        %mul3A_1116 = vector.broadcast %squeeze3A_52 : f32 to vector<16xf32>
        %mul3A_1117 = arith.mulf %max3A_1115, %mul3A_1116 : vector<16xf32>
        %add3A_1118 = arith.addf %add3A_1104, %mul3A_1117 : vector<16xf32>
        %add3A_1119 = arith.addf %gather3A_1079, %gather3A_1085 : vector<16xf32>
        %mul3A_1120 = vector.broadcast %squeeze3A_30 : f32 to vector<16xf32>
        %mul3A_1121 = arith.mulf %get3A_1072, %mul3A_1120 : vector<16xf32>
        %add3A_1122 = arith.addf %add3A_1119, %mul3A_1121 : vector<16xf32>
        %mul3A_1123 = vector.broadcast %squeeze3A_42 : f32 to vector<16xf32>
        %mul3A_1124 = arith.mulf %get3A_1076, %mul3A_1123 : vector<16xf32>
        %add3A_1125 = arith.addf %add3A_1122, %mul3A_1124 : vector<16xf32>
        %mul3A_1126 = arith.constant 2.000000e-01 : f32
        %mul3A_1127 = vector.broadcast %mul3A_1126 : f32 to vector<16xf32>
        %mul3A_1128 = arith.mulf %add3A_1125, %mul3A_1127 : vector<16xf32>
        %max3A_1129 = arith.maximumf %add3A_1125, %mul3A_1128 : vector<16xf32>
        %mul3A_1130 = vector.broadcast %squeeze3A_54 : f32 to vector<16xf32>
        %mul3A_1131 = arith.mulf %max3A_1129, %mul3A_1130 : vector<16xf32>
        %add3A_1132 = arith.addf %add3A_1118, %mul3A_1131 : vector<16xf32>
        %add3A_1133 = arith.addf %gather3A_1080, %gather3A_1086 : vector<16xf32>
        %mul3A_1134 = vector.broadcast %squeeze3A_32 : f32 to vector<16xf32>
        %mul3A_1135 = arith.mulf %get3A_1072, %mul3A_1134 : vector<16xf32>
        %add3A_1136 = arith.addf %add3A_1133, %mul3A_1135 : vector<16xf32>
        %mul3A_1137 = vector.broadcast %squeeze3A_44 : f32 to vector<16xf32>
        %mul3A_1138 = arith.mulf %get3A_1076, %mul3A_1137 : vector<16xf32>
        %add3A_1139 = arith.addf %add3A_1136, %mul3A_1138 : vector<16xf32>
        %mul3A_1140 = arith.constant 2.000000e-01 : f32
        %mul3A_1141 = vector.broadcast %mul3A_1140 : f32 to vector<16xf32>
        %mul3A_1142 = arith.mulf %add3A_1139, %mul3A_1141 : vector<16xf32>
        %max3A_1143 = arith.maximumf %add3A_1139, %mul3A_1142 : vector<16xf32>
        %mul3A_1144 = vector.broadcast %squeeze3A_56 : f32 to vector<16xf32>
        %mul3A_1145 = arith.mulf %max3A_1143, %mul3A_1144 : vector<16xf32>
        %add3A_1146 = arith.addf %add3A_1132, %mul3A_1145 : vector<16xf32>
        %add3A_1147 = arith.addf %gather3A_1081, %gather3A_1087 : vector<16xf32>
        %mul3A_1148 = vector.broadcast %squeeze3A_34 : f32 to vector<16xf32>
        %mul3A_1149 = arith.mulf %get3A_1072, %mul3A_1148 : vector<16xf32>
        %add3A_1150 = arith.addf %add3A_1147, %mul3A_1149 : vector<16xf32>
        %mul3A_1151 = vector.broadcast %squeeze3A_46 : f32 to vector<16xf32>
        %mul3A_1152 = arith.mulf %get3A_1076, %mul3A_1151 : vector<16xf32>
        %add3A_1153 = arith.addf %add3A_1150, %mul3A_1152 : vector<16xf32>
        %mul3A_1154 = arith.constant 2.000000e-01 : f32
        %mul3A_1155 = vector.broadcast %mul3A_1154 : f32 to vector<16xf32>
        %mul3A_1156 = arith.mulf %add3A_1153, %mul3A_1155 : vector<16xf32>
        %max3A_1157 = arith.maximumf %add3A_1153, %mul3A_1156 : vector<16xf32>
        %mul3A_1158 = vector.broadcast %squeeze3A_58 : f32 to vector<16xf32>
        %mul3A_1159 = arith.mulf %max3A_1157, %mul3A_1158 : vector<16xf32>
        %add3A_1160 = arith.addf %add3A_1146, %mul3A_1159 : vector<16xf32>
        %add3A_1161 = arith.addf %gather3A_1082, %gather3A_1088 : vector<16xf32>
        %mul3A_1162 = vector.broadcast %squeeze3A_36 : f32 to vector<16xf32>
        %mul3A_1163 = arith.mulf %get3A_1072, %mul3A_1162 : vector<16xf32>
        %add3A_1164 = arith.addf %add3A_1161, %mul3A_1163 : vector<16xf32>
        %mul3A_1165 = vector.broadcast %squeeze3A_48 : f32 to vector<16xf32>
        %mul3A_1166 = arith.mulf %get3A_1076, %mul3A_1165 : vector<16xf32>
        %add3A_1167 = arith.addf %add3A_1164, %mul3A_1166 : vector<16xf32>
        %mul3A_1168 = arith.constant 2.000000e-01 : f32
        %mul3A_1169 = vector.broadcast %mul3A_1168 : f32 to vector<16xf32>
        %mul3A_1170 = arith.mulf %add3A_1167, %mul3A_1169 : vector<16xf32>
        %max3A_1171 = arith.maximumf %add3A_1167, %mul3A_1170 : vector<16xf32>
        %mul3A_1172 = vector.broadcast %squeeze3A_60 : f32 to vector<16xf32>
        %mul3A_1173 = arith.mulf %max3A_1171, %mul3A_1172 : vector<16xf32>
        %add3A_1174 = arith.addf %add3A_1160, %mul3A_1173 : vector<16xf32>
        %exp3A_1175 = math.exp %add3A_1174 : vector<16xf32>
        tpu.vector_store_idx %arg33[%add3A_1068, %broadcast_in_dim3A_5], %exp3A_1175 : memref<256x16xf32, #tpu.memory_space<vmem>>[vector<16xi32>, vector<16xi32>], vector<16xf32>,
        %mul3A_1176 = arith.mulf %exp3A_1175, %gather3A_1077 : vector<16xf32>
        tpu.vector_store_idx %arg33[%add3A_1068, %broadcast_in_dim3A_7], %mul3A_1176 : memref<256x16xf32, #tpu.memory_space<vmem>>[vector<16xi32>, vector<16xi32>], vector<16xf32>,
        %mul3A_1177 = arith.mulf %exp3A_1175, %gather3A_1078 : vector<16xf32>
        tpu.vector_store_idx %arg33[%add3A_1068, %broadcast_in_dim3A_9], %mul3A_1177 : memref<256x16xf32, #tpu.memory_space<vmem>>[vector<16xi32>, vector<16xi32>], vector<16xf32>,
        %mul3A_1178 = arith.mulf %exp3A_1175, %gather3A_1079 : vector<16xf32>
        tpu.vector_store_idx %arg33[%add3A_1068, %broadcast_in_dim3A_11], %mul3A_1178 : memref<256x16xf32, #tpu.memory_space<vmem>>[vector<16xi32>, vector<16xi32>], vector<16xf32>,
        %mul3A_1179 = arith.mulf %exp3A_1175, %gather3A_1080 : vector<16xf32>
        tpu.vector_store_idx %arg33[%add3A_1068, %broadcast_in_dim3A_13], %mul3A_1179 : memref<256x16xf32, #tpu.memory_space<vmem>>[vector<16xi32>, vector<16xi32>], vector<16xf32>,
        %mul3A_1180 = arith.mulf %exp3A_1175, %gather3A_1081 : vector<16xf32>
        tpu.vector_store_idx %arg33[%add3A_1068, %broadcast_in_dim3A_15], %mul3A_1180 : memref<256x16xf32, #tpu.memory_space<vmem>>[vector<16xi32>, vector<16xi32>], vector<16xf32>,
        %mul3A_1181 = arith.mulf %exp3A_1175, %gather3A_1082 : vector<16xf32>
        tpu.vector_store_idx %arg33[%add3A_1068, %broadcast_in_dim3A_17], %mul3A_1181 : memref<256x16xf32, #tpu.memory_space<vmem>>[vector<16xi32>, vector<16xi32>], vector<16xf32>,
        tpu.vector_store_idx %arg33[%add3A_1068, %broadcast_in_dim3A_19], %broadcast_in_dim3A_62 : memref<256x16xf32, #tpu.memory_space<vmem>>[vector<16xi32>, vector<16xi32>], vector<16xf32>,
        tpu.vector_store_idx %arg33[%add3A_1068, %broadcast_in_dim3A_21], %get3A_1072 : memref<256x16xf32, #tpu.memory_space<vmem>>[vector<16xi32>, vector<16xi32>], vector<16xf32>,
        tpu.vector_store_idx %arg33[%add3A_1068, %broadcast_in_dim3A_23], %get3A_1076 : memref<256x16xf32, #tpu.memory_space<vmem>>[vector<16xi32>, vector<16xi32>], vector<16xf32>,
        %scan3A_1182 = arith.constant 3 : i32
        %scan3A_1183 = arith.addi %scan3A_829, %scan3A_1182 : i32
        %mul3A_1184 = arith.constant 16 : i32
        %mul3A_1185 = arith.muli %scan3A_1183, %mul3A_1184 : i32
        %add3A_1186 = vector.broadcast %mul3A_1185 : i32 to vector<16xi32>
        %add3A_1187 = arith.addi %add3A_1186, %iota3A : vector<16xi32>
        %mul3A_1188 = arith.constant 16 : i32
        %mul3A_1189 = arith.muli %scan3A_1183, %mul3A_1188 : i32
        %get3A_1190 = arith.index_cast %mul3A_1189 : i32 to index
        %get3A_1191 = tpu.vector_load %arg23[%get3A_1190] {strides = array<i32>} : memref<256xf32, #tpu.memory_space<vmem>>, vector<16xf32>,
        %mul3A_1192 = arith.constant 16 : i32
        %mul3A_1193 = arith.muli %scan3A_1183, %mul3A_1192 : i32
        %get3A_1194 = arith.index_cast %mul3A_1193 : i32 to index
        %get3A_1195 = tpu.vector_load %arg27[%get3A_1194] {strides = array<i32>} : memref<256xf32, #tpu.memory_space<vmem>>, vector<16xf32>,
        %gather3A_1196 = tpu.vector_load_idx %arg29[%add3A_1187, %broadcast_in_dim3A_5] : memref<256x8xf32, #tpu.memory_space<vmem>>[vector<16xi32>, vector<16xi32>], vector<16xf32>,
        %gather3A_1197 = tpu.vector_load_idx %arg29[%add3A_1187, %broadcast_in_dim3A_7] : memref<256x8xf32, #tpu.memory_space<vmem>>[vector<16xi32>, vector<16xi32>], vector<16xf32>,
        %gather3A_1198 = tpu.vector_load_idx %arg29[%add3A_1187, %broadcast_in_dim3A_9] : memref<256x8xf32, #tpu.memory_space<vmem>>[vector<16xi32>, vector<16xi32>], vector<16xf32>,
        %gather3A_1199 = tpu.vector_load_idx %arg29[%add3A_1187, %broadcast_in_dim3A_11] : memref<256x8xf32, #tpu.memory_space<vmem>>[vector<16xi32>, vector<16xi32>], vector<16xf32>,
        %gather3A_1200 = tpu.vector_load_idx %arg29[%add3A_1187, %broadcast_in_dim3A_13] : memref<256x8xf32, #tpu.memory_space<vmem>>[vector<16xi32>, vector<16xi32>], vector<16xf32>,
        %gather3A_1201 = tpu.vector_load_idx %arg29[%add3A_1187, %broadcast_in_dim3A_15] : memref<256x8xf32, #tpu.memory_space<vmem>>[vector<16xi32>, vector<16xi32>], vector<16xf32>,
        %gather3A_1202 = tpu.vector_load_idx %arg31[%add3A_1187, %broadcast_in_dim3A_5] : memref<256x8xf32, #tpu.memory_space<vmem>>[vector<16xi32>, vector<16xi32>], vector<16xf32>,
        %gather3A_1203 = tpu.vector_load_idx %arg31[%add3A_1187, %broadcast_in_dim3A_7] : memref<256x8xf32, #tpu.memory_space<vmem>>[vector<16xi32>, vector<16xi32>], vector<16xf32>,
        %gather3A_1204 = tpu.vector_load_idx %arg31[%add3A_1187, %broadcast_in_dim3A_9] : memref<256x8xf32, #tpu.memory_space<vmem>>[vector<16xi32>, vector<16xi32>], vector<16xf32>,
        %gather3A_1205 = tpu.vector_load_idx %arg31[%add3A_1187, %broadcast_in_dim3A_11] : memref<256x8xf32, #tpu.memory_space<vmem>>[vector<16xi32>, vector<16xi32>], vector<16xf32>,
        %gather3A_1206 = tpu.vector_load_idx %arg31[%add3A_1187, %broadcast_in_dim3A_13] : memref<256x8xf32, #tpu.memory_space<vmem>>[vector<16xi32>, vector<16xi32>], vector<16xf32>,
        %gather3A_1207 = tpu.vector_load_idx %arg31[%add3A_1187, %broadcast_in_dim3A_15] : memref<256x8xf32, #tpu.memory_space<vmem>>[vector<16xi32>, vector<16xi32>], vector<16xf32>,
        %broadcast_in_dim3A_1208 = arith.constant 0.000000e+00 : f32
        %broadcast_in_dim3A_1209 = vector.broadcast %broadcast_in_dim3A_1208 : f32 to vector<16xf32>
        %add3A_1210 = arith.addf %gather3A_1196, %gather3A_1202 : vector<16xf32>
        %mul3A_1211 = vector.broadcast %squeeze3A : f32 to vector<16xf32>
        %mul3A_1212 = arith.mulf %get3A_1191, %mul3A_1211 : vector<16xf32>
        %add3A_1213 = arith.addf %add3A_1210, %mul3A_1212 : vector<16xf32>
        %mul3A_1214 = vector.broadcast %squeeze3A_38 : f32 to vector<16xf32>
        %mul3A_1215 = arith.mulf %get3A_1195, %mul3A_1214 : vector<16xf32>
        %add3A_1216 = arith.addf %add3A_1213, %mul3A_1215 : vector<16xf32>
        %mul3A_1217 = arith.constant 2.000000e-01 : f32
        %mul3A_1218 = vector.broadcast %mul3A_1217 : f32 to vector<16xf32>
        %mul3A_1219 = arith.mulf %add3A_1216, %mul3A_1218 : vector<16xf32>
        %max3A_1220 = arith.maximumf %add3A_1216, %mul3A_1219 : vector<16xf32>
        %mul3A_1221 = vector.broadcast %squeeze3A_50 : f32 to vector<16xf32>
        %mul3A_1222 = arith.mulf %max3A_1220, %mul3A_1221 : vector<16xf32>
        %add3A_1223 = arith.addf %broadcast_in_dim3A_1209, %mul3A_1222 : vector<16xf32>
        %add3A_1224 = arith.addf %gather3A_1197, %gather3A_1203 : vector<16xf32>
        %mul3A_1225 = vector.broadcast %squeeze3A_28 : f32 to vector<16xf32>
        %mul3A_1226 = arith.mulf %get3A_1191, %mul3A_1225 : vector<16xf32>
        %add3A_1227 = arith.addf %add3A_1224, %mul3A_1226 : vector<16xf32>
        %mul3A_1228 = vector.broadcast %squeeze3A_40 : f32 to vector<16xf32>
        %mul3A_1229 = arith.mulf %get3A_1195, %mul3A_1228 : vector<16xf32>
        %add3A_1230 = arith.addf %add3A_1227, %mul3A_1229 : vector<16xf32>
        %mul3A_1231 = arith.constant 2.000000e-01 : f32
        %mul3A_1232 = vector.broadcast %mul3A_1231 : f32 to vector<16xf32>
        %mul3A_1233 = arith.mulf %add3A_1230, %mul3A_1232 : vector<16xf32>
        %max3A_1234 = arith.maximumf %add3A_1230, %mul3A_1233 : vector<16xf32>
        %mul3A_1235 = vector.broadcast %squeeze3A_52 : f32 to vector<16xf32>
        %mul3A_1236 = arith.mulf %max3A_1234, %mul3A_1235 : vector<16xf32>
        %add3A_1237 = arith.addf %add3A_1223, %mul3A_1236 : vector<16xf32>
        %add3A_1238 = arith.addf %gather3A_1198, %gather3A_1204 : vector<16xf32>
        %mul3A_1239 = vector.broadcast %squeeze3A_30 : f32 to vector<16xf32>
        %mul3A_1240 = arith.mulf %get3A_1191, %mul3A_1239 : vector<16xf32>
        %add3A_1241 = arith.addf %add3A_1238, %mul3A_1240 : vector<16xf32>
        %mul3A_1242 = vector.broadcast %squeeze3A_42 : f32 to vector<16xf32>
        %mul3A_1243 = arith.mulf %get3A_1195, %mul3A_1242 : vector<16xf32>
        %add3A_1244 = arith.addf %add3A_1241, %mul3A_1243 : vector<16xf32>
        %mul3A_1245 = arith.constant 2.000000e-01 : f32
        %mul3A_1246 = vector.broadcast %mul3A_1245 : f32 to vector<16xf32>
        %mul3A_1247 = arith.mulf %add3A_1244, %mul3A_1246 : vector<16xf32>
        %max3A_1248 = arith.maximumf %add3A_1244, %mul3A_1247 : vector<16xf32>
        %mul3A_1249 = vector.broadcast %squeeze3A_54 : f32 to vector<16xf32>
        %mul3A_1250 = arith.mulf %max3A_1248, %mul3A_1249 : vector<16xf32>
        %add3A_1251 = arith.addf %add3A_1237, %mul3A_1250 : vector<16xf32>
        %add3A_1252 = arith.addf %gather3A_1199, %gather3A_1205 : vector<16xf32>
        %mul3A_1253 = vector.broadcast %squeeze3A_32 : f32 to vector<16xf32>
        %mul3A_1254 = arith.mulf %get3A_1191, %mul3A_1253 : vector<16xf32>
        %add3A_1255 = arith.addf %add3A_1252, %mul3A_1254 : vector<16xf32>
        %mul3A_1256 = vector.broadcast %squeeze3A_44 : f32 to vector<16xf32>
        %mul3A_1257 = arith.mulf %get3A_1195, %mul3A_1256 : vector<16xf32>
        %add3A_1258 = arith.addf %add3A_1255, %mul3A_1257 : vector<16xf32>
        %mul3A_1259 = arith.constant 2.000000e-01 : f32
        %mul3A_1260 = vector.broadcast %mul3A_1259 : f32 to vector<16xf32>
        %mul3A_1261 = arith.mulf %add3A_1258, %mul3A_1260 : vector<16xf32>
        %max3A_1262 = arith.maximumf %add3A_1258, %mul3A_1261 : vector<16xf32>
        %mul3A_1263 = vector.broadcast %squeeze3A_56 : f32 to vector<16xf32>
        %mul3A_1264 = arith.mulf %max3A_1262, %mul3A_1263 : vector<16xf32>
        %add3A_1265 = arith.addf %add3A_1251, %mul3A_1264 : vector<16xf32>
        %add3A_1266 = arith.addf %gather3A_1200, %gather3A_1206 : vector<16xf32>
        %mul3A_1267 = vector.broadcast %squeeze3A_34 : f32 to vector<16xf32>
        %mul3A_1268 = arith.mulf %get3A_1191, %mul3A_1267 : vector<16xf32>
        %add3A_1269 = arith.addf %add3A_1266, %mul3A_1268 : vector<16xf32>
        %mul3A_1270 = vector.broadcast %squeeze3A_46 : f32 to vector<16xf32>
        %mul3A_1271 = arith.mulf %get3A_1195, %mul3A_1270 : vector<16xf32>
        %add3A_1272 = arith.addf %add3A_1269, %mul3A_1271 : vector<16xf32>
        %mul3A_1273 = arith.constant 2.000000e-01 : f32
        %mul3A_1274 = vector.broadcast %mul3A_1273 : f32 to vector<16xf32>
        %mul3A_1275 = arith.mulf %add3A_1272, %mul3A_1274 : vector<16xf32>
        %max3A_1276 = arith.maximumf %add3A_1272, %mul3A_1275 : vector<16xf32>
        %mul3A_1277 = vector.broadcast %squeeze3A_58 : f32 to vector<16xf32>
        %mul3A_1278 = arith.mulf %max3A_1276, %mul3A_1277 : vector<16xf32>
        %add3A_1279 = arith.addf %add3A_1265, %mul3A_1278 : vector<16xf32>
        %add3A_1280 = arith.addf %gather3A_1201, %gather3A_1207 : vector<16xf32>
        %mul3A_1281 = vector.broadcast %squeeze3A_36 : f32 to vector<16xf32>
        %mul3A_1282 = arith.mulf %get3A_1191, %mul3A_1281 : vector<16xf32>
        %add3A_1283 = arith.addf %add3A_1280, %mul3A_1282 : vector<16xf32>
        %mul3A_1284 = vector.broadcast %squeeze3A_48 : f32 to vector<16xf32>
        %mul3A_1285 = arith.mulf %get3A_1195, %mul3A_1284 : vector<16xf32>
        %add3A_1286 = arith.addf %add3A_1283, %mul3A_1285 : vector<16xf32>
        %mul3A_1287 = arith.constant 2.000000e-01 : f32
        %mul3A_1288 = vector.broadcast %mul3A_1287 : f32 to vector<16xf32>
        %mul3A_1289 = arith.mulf %add3A_1286, %mul3A_1288 : vector<16xf32>
        %max3A_1290 = arith.maximumf %add3A_1286, %mul3A_1289 : vector<16xf32>
        %mul3A_1291 = vector.broadcast %squeeze3A_60 : f32 to vector<16xf32>
        %mul3A_1292 = arith.mulf %max3A_1290, %mul3A_1291 : vector<16xf32>
        %add3A_1293 = arith.addf %add3A_1279, %mul3A_1292 : vector<16xf32>
        %exp3A_1294 = math.exp %add3A_1293 : vector<16xf32>
        tpu.vector_store_idx %arg33[%add3A_1187, %broadcast_in_dim3A_5], %exp3A_1294 : memref<256x16xf32, #tpu.memory_space<vmem>>[vector<16xi32>, vector<16xi32>], vector<16xf32>,
        %mul3A_1295 = arith.mulf %exp3A_1294, %gather3A_1196 : vector<16xf32>
        tpu.vector_store_idx %arg33[%add3A_1187, %broadcast_in_dim3A_7], %mul3A_1295 : memref<256x16xf32, #tpu.memory_space<vmem>>[vector<16xi32>, vector<16xi32>], vector<16xf32>,
        %mul3A_1296 = arith.mulf %exp3A_1294, %gather3A_1197 : vector<16xf32>
        tpu.vector_store_idx %arg33[%add3A_1187, %broadcast_in_dim3A_9], %mul3A_1296 : memref<256x16xf32, #tpu.memory_space<vmem>>[vector<16xi32>, vector<16xi32>], vector<16xf32>,
        %mul3A_1297 = arith.mulf %exp3A_1294, %gather3A_1198 : vector<16xf32>
        tpu.vector_store_idx %arg33[%add3A_1187, %broadcast_in_dim3A_11], %mul3A_1297 : memref<256x16xf32, #tpu.memory_space<vmem>>[vector<16xi32>, vector<16xi32>], vector<16xf32>,
        %mul3A_1298 = arith.mulf %exp3A_1294, %gather3A_1199 : vector<16xf32>
        tpu.vector_store_idx %arg33[%add3A_1187, %broadcast_in_dim3A_13], %mul3A_1298 : memref<256x16xf32, #tpu.memory_space<vmem>>[vector<16xi32>, vector<16xi32>], vector<16xf32>,
        %mul3A_1299 = arith.mulf %exp3A_1294, %gather3A_1200 : vector<16xf32>
        tpu.vector_store_idx %arg33[%add3A_1187, %broadcast_in_dim3A_15], %mul3A_1299 : memref<256x16xf32, #tpu.memory_space<vmem>>[vector<16xi32>, vector<16xi32>], vector<16xf32>,
        %mul3A_1300 = arith.mulf %exp3A_1294, %gather3A_1201 : vector<16xf32>
        tpu.vector_store_idx %arg33[%add3A_1187, %broadcast_in_dim3A_17], %mul3A_1300 : memref<256x16xf32, #tpu.memory_space<vmem>>[vector<16xi32>, vector<16xi32>], vector<16xf32>,
        tpu.vector_store_idx %arg33[%add3A_1187, %broadcast_in_dim3A_19], %broadcast_in_dim3A_62 : memref<256x16xf32, #tpu.memory_space<vmem>>[vector<16xi32>, vector<16xi32>], vector<16xf32>,
        tpu.vector_store_idx %arg33[%add3A_1187, %broadcast_in_dim3A_21], %get3A_1191 : memref<256x16xf32, #tpu.memory_space<vmem>>[vector<16xi32>, vector<16xi32>], vector<16xf32>,
        tpu.vector_store_idx %arg33[%add3A_1187, %broadcast_in_dim3A_23], %get3A_1195 : memref<256x16xf32, #tpu.memory_space<vmem>>[vector<16xi32>, vector<16xi32>], vector<16xf32>,
      }
      %scan3A_808 = arith.constant 16 : i32
      %dma_start3A_809 = arith.constant 0 : i32
      %dma_start3A_810 = arith.constant 0 : i32
      %dma_start3A_811 = arith.constant 0 : i32
      %dma_start3A_812 = tpu.memref_slice %arg33[%dma_start3A_810, %dma_start3A_811] : memref<256x16xf32, #tpu.memory_space<vmem>> -> memref<128x16xf32, #tpu.memory_space<vmem>>
      %dma_start3A_813 = arith.constant 0 : i32
      %dma_start3A_814 = tpu.memref_slice %arg19[%dma_start3A_809, %dma_start3A_813] : memref<2x128xi32, #tpu.memory_space<vmem>> -> memref<1x128xi32, #tpu.memory_space<vmem>>
      %dma_start3A_815 = tpu.memref_squeeze %dma_start3A_814 : memref<1x128xi32, #tpu.memory_space<vmem>> -> memref<128xi32, #tpu.memory_space<vmem>>
      %dma_start3A_816 = arith.constant 0 : i32
      %dma_start3A_817 = arith.constant 0 : i32
      %dma_start3A_818 = tpu.memref_slice %arg11[%dma_start3A_816, %dma_start3A_817] : memref<100016x16xf32, #tpu.memory_space<vmem_shared>> -> memref<100016x16xf32, #tpu.memory_space<vmem_shared>>
      tpu.enqueue_indirect_dma source(%dma_start3A_812 : memref<128x16xf32, #tpu.memory_space<vmem>>) target(%dma_start3A_818 : memref<100016x16xf32, #tpu.memory_space<vmem_shared>>) offsets(%dma_start3A_815 : memref<128xi32, #tpu.memory_space<vmem>>) semaphore(%arg44 : memref<!tpu.dma_semaphore, #tpu.memory_space<semaphore_mem>>) {add = true}
      %dma_start3A_819 = arith.constant 1 : i32
      %dma_start3A_820 = arith.constant 128 : i32
      %dma_start3A_821 = arith.constant 0 : i32
      %dma_start3A_822 = tpu.memref_slice %arg33[%dma_start3A_820, %dma_start3A_821] : memref<256x16xf32, #tpu.memory_space<vmem>> -> memref<128x16xf32, #tpu.memory_space<vmem>>
      %dma_start3A_823 = arith.constant 0 : i32
      %dma_start3A_824 = tpu.memref_slice %arg19[%dma_start3A_819, %dma_start3A_823] : memref<2x128xi32, #tpu.memory_space<vmem>> -> memref<1x128xi32, #tpu.memory_space<vmem>>
      %dma_start3A_825 = tpu.memref_squeeze %dma_start3A_824 : memref<1x128xi32, #tpu.memory_space<vmem>> -> memref<128xi32, #tpu.memory_space<vmem>>
      %dma_start3A_826 = arith.constant 0 : i32
      %dma_start3A_827 = arith.constant 0 : i32
      %dma_start3A_828 = tpu.memref_slice %arg11[%dma_start3A_826, %dma_start3A_827] : memref<100016x16xf32, #tpu.memory_space<vmem_shared>> -> memref<100016x16xf32, #tpu.memory_space<vmem_shared>>
      tpu.enqueue_indirect_dma source(%dma_start3A_822 : memref<128x16xf32, #tpu.memory_space<vmem>>) target(%dma_start3A_828 : memref<100016x16xf32, #tpu.memory_space<vmem_shared>>) offsets(%dma_start3A_825 : memref<128xi32, #tpu.memory_space<vmem>>) semaphore(%arg44 : memref<!tpu.dma_semaphore, #tpu.memory_space<semaphore_mem>>) {add = true}
    }
    %scan3A_165 = arith.constant 196 : i32
    %dma_wait3A_166 = arith.constant 0 : i32
    %dma_wait3A_167 = arith.constant 0 : i32
    %dma_wait3A_168 = tpu.memref_slice %arg32[%dma_wait3A_166, %dma_wait3A_167] : memref<256x16xf32, #tpu.memory_space<vmem>> -> memref<128x16xf32, #tpu.memory_space<vmem>>
    %dma_wait3A_169 = arith.constant 0 : i32
    %dma_wait3A_170 = arith.constant 0 : i32
    %dma_wait3A_171 = tpu.memref_slice %arg8[%dma_wait3A_169, %dma_wait3A_170] : memref<100016x16xf32, #tpu.memory_space<hbm>> -> memref<128x16xf32, #tpu.memory_space<hbm>>
    %dma_wait3A_172 = arith.constant 0 : i32
    %dma_wait3A_173 = arith.constant 0 : i32
    %dma_wait3A_174 = tpu.memref_slice %arg32[%dma_wait3A_172, %dma_wait3A_173] : memref<256x16xf32, #tpu.memory_space<vmem>> -> memref<128x16xf32, #tpu.memory_space<vmem>>
    %dma_wait3A_175 = arith.constant 0 : i32
    %dma_wait3A_176 = arith.constant 0 : i32
    %dma_wait3A_177 = tpu.memref_slice %arg8[%dma_wait3A_175, %dma_wait3A_176] : memref<100016x16xf32, #tpu.memory_space<hbm>> -> memref<128x16xf32, #tpu.memory_space<hbm>>
    tpu.wait_dma2 semaphore(%arg43 : memref<!tpu.dma_semaphore, #tpu.memory_space<semaphore_mem>>) src(%dma_wait3A_177 : memref<128x16xf32, #tpu.memory_space<hbm>>) dst(%dma_wait3A_174 : memref<128x16xf32, #tpu.memory_space<vmem>>)
    %dma_wait3A_178 = arith.constant 128 : i32
    %dma_wait3A_179 = arith.constant 0 : i32
    %dma_wait3A_180 = tpu.memref_slice %arg32[%dma_wait3A_178, %dma_wait3A_179] : memref<256x16xf32, #tpu.memory_space<vmem>> -> memref<128x16xf32, #tpu.memory_space<vmem>>
    %dma_wait3A_181 = arith.constant 0 : i32
    %dma_wait3A_182 = arith.constant 0 : i32
    %dma_wait3A_183 = tpu.memref_slice %arg8[%dma_wait3A_181, %dma_wait3A_182] : memref<100016x16xf32, #tpu.memory_space<hbm>> -> memref<128x16xf32, #tpu.memory_space<hbm>>
    %dma_wait3A_184 = arith.constant 128 : i32
    %dma_wait3A_185 = arith.constant 0 : i32
    %dma_wait3A_186 = tpu.memref_slice %arg32[%dma_wait3A_184, %dma_wait3A_185] : memref<256x16xf32, #tpu.memory_space<vmem>> -> memref<128x16xf32, #tpu.memory_space<vmem>>
    %dma_wait3A_187 = arith.constant 0 : i32
    %dma_wait3A_188 = arith.constant 0 : i32
    %dma_wait3A_189 = tpu.memref_slice %arg8[%dma_wait3A_187, %dma_wait3A_188] : memref<100016x16xf32, #tpu.memory_space<hbm>> -> memref<128x16xf32, #tpu.memory_space<hbm>>
    tpu.wait_dma2 semaphore(%arg43 : memref<!tpu.dma_semaphore, #tpu.memory_space<semaphore_mem>>) src(%dma_wait3A_189 : memref<128x16xf32, #tpu.memory_space<hbm>>) dst(%dma_wait3A_186 : memref<128x16xf32, #tpu.memory_space<vmem>>)
    %dma_wait3A_190 = arith.constant 0 : i32
    %dma_wait3A_191 = arith.constant 0 : i32
    %dma_wait3A_192 = tpu.memref_slice %arg32[%dma_wait3A_190, %dma_wait3A_191] : memref<256x16xf32, #tpu.memory_space<vmem>> -> memref<128x16xf32, #tpu.memory_space<vmem>>
    %dma_wait3A_193 = arith.constant 0 : i32
    %dma_wait3A_194 = arith.constant 0 : i32
    %dma_wait3A_195 = tpu.memref_slice %arg8[%dma_wait3A_193, %dma_wait3A_194] : memref<100016x16xf32, #tpu.memory_space<hbm>> -> memref<128x16xf32, #tpu.memory_space<hbm>>
    %dma_wait3A_196 = arith.constant 0 : i32
    %dma_wait3A_197 = arith.constant 0 : i32
    %dma_wait3A_198 = tpu.memref_slice %arg32[%dma_wait3A_196, %dma_wait3A_197] : memref<256x16xf32, #tpu.memory_space<vmem>> -> memref<128x16xf32, #tpu.memory_space<vmem>>
    %dma_wait3A_199 = arith.constant 0 : i32
    %dma_wait3A_200 = arith.constant 0 : i32
    %dma_wait3A_201 = tpu.memref_slice %arg8[%dma_wait3A_199, %dma_wait3A_200] : memref<100016x16xf32, #tpu.memory_space<hbm>> -> memref<128x16xf32, #tpu.memory_space<hbm>>
    tpu.wait_dma2 semaphore(%arg44 : memref<!tpu.dma_semaphore, #tpu.memory_space<semaphore_mem>>) src(%dma_wait3A_201 : memref<128x16xf32, #tpu.memory_space<hbm>>) dst(%dma_wait3A_198 : memref<128x16xf32, #tpu.memory_space<vmem>>)
    %dma_wait3A_202 = arith.constant 128 : i32
    %dma_wait3A_203 = arith.constant 0 : i32
    %dma_wait3A_204 = tpu.memref_slice %arg32[%dma_wait3A_202, %dma_wait3A_203] : memref<256x16xf32, #tpu.memory_space<vmem>> -> memref<128x16xf32, #tpu.memory_space<vmem>>
    %dma_wait3A_205 = arith.constant 0 : i32
    %dma_wait3A_206 = arith.constant 0 : i32
    %dma_wait3A_207 = tpu.memref_slice %arg8[%dma_wait3A_205, %dma_wait3A_206] : memref<100016x16xf32, #tpu.memory_space<hbm>> -> memref<128x16xf32, #tpu.memory_space<hbm>>
    %dma_wait3A_208 = arith.constant 128 : i32
    %dma_wait3A_209 = arith.constant 0 : i32
    %dma_wait3A_210 = tpu.memref_slice %arg32[%dma_wait3A_208, %dma_wait3A_209] : memref<256x16xf32, #tpu.memory_space<vmem>> -> memref<128x16xf32, #tpu.memory_space<vmem>>
    %dma_wait3A_211 = arith.constant 0 : i32
    %dma_wait3A_212 = arith.constant 0 : i32
    %dma_wait3A_213 = tpu.memref_slice %arg8[%dma_wait3A_211, %dma_wait3A_212] : memref<100016x16xf32, #tpu.memory_space<hbm>> -> memref<128x16xf32, #tpu.memory_space<hbm>>
    tpu.wait_dma2 semaphore(%arg44 : memref<!tpu.dma_semaphore, #tpu.memory_space<semaphore_mem>>) src(%dma_wait3A_213 : memref<128x16xf32, #tpu.memory_space<hbm>>) dst(%dma_wait3A_210 : memref<128x16xf32, #tpu.memory_space<vmem>>)
    %barrier3A_214 = arith.constant 0 : index
    tpu.barrier barrier_id(%barrier3A_214)
    %mul3A_215 = arith.constant 6250 : i32
    %mul3A_216 = arith.muli %arg1, %mul3A_215 : i32
    %mul3A_217 = arith.constant 6250 : i32
    %mul3A_218 = arith.muli %arg1, %mul3A_217 : i32
    "tpu.region"() ({
      %run_scoped3A = tpu.sem_alloc : memref<!tpu.dma_semaphore, #tpu.memory_space<semaphore_mem>>
      %dma_start3A_219 = arith.constant 0 : i32
      %dma_start3A_220 = tpu.memref_slice %arg10[%arg0, %mul3A_218, %dma_start3A_219] : memref<2x100000x16xf32, #tpu.memory_space<hbm>> -> memref<1x6250x16xf32, #tpu.memory_space<hbm>>
      %dma_start3A_221 = tpu.memref_squeeze %dma_start3A_220 : memref<1x6250x16xf32, #tpu.memory_space<hbm>> -> memref<6250x16xf32, #tpu.memory_space<hbm>>
      %dma_start3A_222 = arith.constant 0 : i32
      %dma_start3A_223 = tpu.memref_slice %arg11[%mul3A_216, %dma_start3A_222] : memref<100016x16xf32, #tpu.memory_space<vmem_shared>> -> memref<6250x16xf32, #tpu.memory_space<vmem_shared>>
      tpu.enqueue_dma source(%dma_start3A_223 : memref<6250x16xf32, #tpu.memory_space<vmem_shared>>) target(%dma_start3A_221 : memref<6250x16xf32, #tpu.memory_space<hbm>>) target_semaphore(%run_scoped3A : memref<!tpu.dma_semaphore, #tpu.memory_space<semaphore_mem>>)
      %dma_wait3A_224 = arith.constant 0 : i32
      %dma_wait3A_225 = tpu.memref_slice %arg10[%arg0, %mul3A_218, %dma_wait3A_224] : memref<2x100000x16xf32, #tpu.memory_space<hbm>> -> memref<1x6250x16xf32, #tpu.memory_space<hbm>>
      %dma_wait3A_226 = tpu.memref_squeeze %dma_wait3A_225 : memref<1x6250x16xf32, #tpu.memory_space<hbm>> -> memref<6250x16xf32, #tpu.memory_space<hbm>>
      %dma_wait3A_227 = arith.constant 0 : i32
      %dma_wait3A_228 = tpu.memref_slice %arg11[%mul3A_216, %dma_wait3A_227] : memref<100016x16xf32, #tpu.memory_space<vmem_shared>> -> memref<6250x16xf32, #tpu.memory_space<vmem_shared>>
      tpu.wait_dma2 semaphore(%run_scoped3A : memref<!tpu.dma_semaphore, #tpu.memory_space<semaphore_mem>>) src(%dma_wait3A_228 : memref<6250x16xf32, #tpu.memory_space<vmem_shared>>) dst(%dma_wait3A_226 : memref<6250x16xf32, #tpu.memory_space<hbm>>)
      tpu.yield
    }) : () -> ()
    return
  }
}

module attributes {stable_mosaic.version = 14 : i64} {
  func.func @_prep_body(%arg0: i32, %arg1: memref<5000x6xf32, #tpu.memory_space<vmem>>, %arg2: memref<6x8xf32, #tpu.memory_space<vmem>>, %arg3: memref<1x8xf32, #tpu.memory_space<vmem>>, %arg4: memref<6x8xf32, #tpu.memory_space<vmem>>, %arg5: memref<1x8xf32, #tpu.memory_space<vmem>>, %arg6: memref<5000x8xf32, #tpu.memory_space<vmem>>, %arg7: memref<5000x8xf32, #tpu.memory_space<vmem>>) attributes {dimension_semantics = [#tpu.dimension_semantics<arbitrary>], iteration_bounds = array<i64: 20>, scalar_prefetch = 0 : i64, scratch_operands = 0 : i64, tpu.core_type = #tpu.core_type<tc>, window_params = [{transform_indices = @transform_0, window_bounds = array<i64: 5000, 6>}, {pipeline_mode = #tpu.pipeline_mode<synchronous>, transform_indices = @transform_1, window_bounds = array<i64: 6, 8>}, {pipeline_mode = #tpu.pipeline_mode<synchronous>, transform_indices = @transform_2, window_bounds = array<i64: 1, 8>}, {pipeline_mode = #tpu.pipeline_mode<synchronous>, transform_indices = @transform_3, window_bounds = array<i64: 6, 8>}, {pipeline_mode = #tpu.pipeline_mode<synchronous>, transform_indices = @transform_4, window_bounds = array<i64: 1, 8>}, {transform_indices = @transform_5, window_bounds = array<i64: 5000, 8>}, {transform_indices = @transform_6, window_bounds = array<i64: 5000, 8>}]} {
    %get3A = arith.constant 0 : index
    %get3A_0 = arith.constant 0 : index
    %get3A_1 = vector.load %arg1[%get3A, %get3A_0] : memref<5000x6xf32, #tpu.memory_space<vmem>>, vector<5000x6xf32>
    %get3A_2 = arith.constant 0 : index
    %get3A_3 = arith.constant 0 : index
    %get3A_4 = vector.load %arg2[%get3A_2, %get3A_3] : memref<6x8xf32, #tpu.memory_space<vmem>>, vector<6x8xf32>
    %dot_general3A = arith.constant dense<0.000000e+00> : vector<5000x8xf32>
    %dot_general3A_5 = tpu.matmul %get3A_1, %get3A_4, %dot_general3A {dimension_numbers = #tpu.dot_dimension_numbers<[1], [0], [0], [1], [0, 0, 1, 1], [], []>, transpose_lhs_hint = false} : vector<5000x6xf32>, vector<6x8xf32>, vector<5000x8xf32> -> vector<5000x8xf32>
    %get3A_6 = arith.constant 0 : index
    %get3A_7 = arith.constant 0 : index
    %get3A_8 = vector.load %arg3[%get3A_6, %get3A_7] : memref<1x8xf32, #tpu.memory_space<vmem>>, vector<1x8xf32>
    %add3A = vector.broadcast %get3A_8 : vector<1x8xf32> to vector<5000x8xf32>
    %add3A_9 = arith.addf %dot_general3A_5, %add3A : vector<5000x8xf32>
    %swap3A = arith.constant 0 : index
    %swap3A_10 = arith.constant 0 : index
    %swap3A_11 = vector.load %arg6[%swap3A, %swap3A_10] : memref<5000x8xf32, #tpu.memory_space<vmem>>, vector<5000x8xf32>
    tpu.vector_store %arg6[%swap3A, %swap3A_10], %add3A_9 {strides = array<i32>} : memref<5000x8xf32, #tpu.memory_space<vmem>>, vector<5000x8xf32>,
    %get3A_12 = arith.constant 0 : index
    %get3A_13 = arith.constant 0 : index
    %get3A_14 = vector.load %arg4[%get3A_12, %get3A_13] : memref<6x8xf32, #tpu.memory_space<vmem>>, vector<6x8xf32>
    %dot_general3A_15 = arith.constant dense<0.000000e+00> : vector<5000x8xf32>
    %dot_general3A_16 = tpu.matmul %get3A_1, %get3A_14, %dot_general3A_15 {dimension_numbers = #tpu.dot_dimension_numbers<[1], [0], [0], [1], [0, 0, 1, 1], [], []>, transpose_lhs_hint = false} : vector<5000x6xf32>, vector<6x8xf32>, vector<5000x8xf32> -> vector<5000x8xf32>
    %get3A_17 = arith.constant 0 : index
    %get3A_18 = arith.constant 0 : index
    %get3A_19 = vector.load %arg5[%get3A_17, %get3A_18] : memref<1x8xf32, #tpu.memory_space<vmem>>, vector<1x8xf32>
    %add3A_20 = vector.broadcast %get3A_19 : vector<1x8xf32> to vector<5000x8xf32>
    %add3A_21 = arith.addf %dot_general3A_16, %add3A_20 : vector<5000x8xf32>
    %swap3A_22 = arith.constant 0 : index
    %swap3A_23 = arith.constant 0 : index
    %swap3A_24 = vector.load %arg7[%swap3A_22, %swap3A_23] : memref<5000x8xf32, #tpu.memory_space<vmem>>, vector<5000x8xf32>
    tpu.vector_store %arg7[%swap3A_22, %swap3A_23], %add3A_21 {strides = array<i32>} : memref<5000x8xf32, #tpu.memory_space<vmem>>, vector<5000x8xf32>,
    return
  }
  func.func @transform_0(%arg0: i32) -> (i32, i32) {
    %c0_i32 = arith.constant 0 : i32
    %c0_i32_0 = arith.constant 0 : i32
    return %arg0, %c0_i32 : i32, i32
  }
  func.func @transform_1(%arg0: i32) -> (i32, i32) {
    %c0_i32 = arith.constant 0 : i32
    %c0_i32_0 = arith.constant 0 : i32
    %c0_i32_1 = arith.constant 0 : i32
    return %c0_i32, %c0_i32_0 : i32, i32
  }
  func.func @transform_2(%arg0: i32) -> (i32, i32) {
    %c0_i32 = arith.constant 0 : i32
    %c0_i32_0 = arith.constant 0 : i32
    %c0_i32_1 = arith.constant 0 : i32
    return %c0_i32, %c0_i32_0 : i32, i32
  }
  func.func @transform_3(%arg0: i32) -> (i32, i32) {
    %c0_i32 = arith.constant 0 : i32
    %c0_i32_0 = arith.constant 0 : i32
    %c0_i32_1 = arith.constant 0 : i32
    return %c0_i32, %c0_i32_0 : i32, i32
  }
  func.func @transform_4(%arg0: i32) -> (i32, i32) {
    %c0_i32 = arith.constant 0 : i32
    %c0_i32_0 = arith.constant 0 : i32
    %c0_i32_1 = arith.constant 0 : i32
    return %c0_i32, %c0_i32_0 : i32, i32
  }
  func.func @transform_5(%arg0: i32) -> (i32, i32) {
    %c0_i32 = arith.constant 0 : i32
    %c0_i32_0 = arith.constant 0 : i32
    return %arg0, %c0_i32 : i32, i32
  }
  func.func @transform_6(%arg0: i32) -> (i32, i32) {
    %c0_i32 = arith.constant 0 : i32
    %c0_i32_0 = arith.constant 0 : i32
    return %arg0, %c0_i32 : i32, i32
  }
}

module attributes {stable_mosaic.version = 14 : i64} {
  func.func @_finish_body(%arg0: i32, %arg1: memref<2x5000x16xf32, #tpu.memory_space<vmem>>, %arg2: memref<5000x8xf32, #tpu.memory_space<vmem>>, %arg3: memref<5000x8xf32, #tpu.memory_space<vmem>>, %arg4: memref<2x6xf32, #tpu.memory_space<vmem>>, %arg5: memref<1x6xf32, #tpu.memory_space<vmem>>, %arg6: memref<1x6xf32, #tpu.memory_space<vmem>>, %arg7: memref<6x6xf32, #tpu.memory_space<vmem>>, %arg8: memref<1x6xf32, #tpu.memory_space<vmem>>, %arg9: memref<6x3xf32, #tpu.memory_space<vmem>>, %arg10: memref<1x3xf32, #tpu.memory_space<vmem>>, %arg11: memref<5000x3xf32, #tpu.memory_space<vmem>>) attributes {dimension_semantics = [#tpu.dimension_semantics<arbitrary>], iteration_bounds = array<i64: 20>, scalar_prefetch = 0 : i64, scratch_operands = 0 : i64, tpu.core_type = #tpu.core_type<tc>, window_params = [{transform_indices = @transform_0, window_bounds = array<i64: 2, 5000, 16>}, {transform_indices = @transform_1, window_bounds = array<i64: 5000, 8>}, {transform_indices = @transform_2, window_bounds = array<i64: 5000, 8>}, {pipeline_mode = #tpu.pipeline_mode<synchronous>, transform_indices = @transform_3, window_bounds = array<i64: 2, 6>}, {pipeline_mode = #tpu.pipeline_mode<synchronous>, transform_indices = @transform_4, window_bounds = array<i64: 1, 6>}, {pipeline_mode = #tpu.pipeline_mode<synchronous>, transform_indices = @transform_5, window_bounds = array<i64: 1, 6>}, {pipeline_mode = #tpu.pipeline_mode<synchronous>, transform_indices = @transform_6, window_bounds = array<i64: 6, 6>}, {pipeline_mode = #tpu.pipeline_mode<synchronous>, transform_indices = @transform_7, window_bounds = array<i64: 1, 6>}, {pipeline_mode = #tpu.pipeline_mode<synchronous>, transform_indices = @transform_8, window_bounds = array<i64: 6, 3>}, {pipeline_mode = #tpu.pipeline_mode<synchronous>, transform_indices = @transform_9, window_bounds = array<i64: 1, 3>}, {transform_indices = @transform_10, window_bounds = array<i64: 5000, 3>}]} {
    %get3A = arith.constant 0 : index
    %get3A_0 = arith.constant 0 : index
    %get3A_1 = arith.constant 0 : index
    %get3A_2 = vector.load %arg1[%get3A, %get3A_0, %get3A_1] : memref<2x5000x16xf32, #tpu.memory_space<vmem>>, vector<1x5000x16xf32>
    %get3A_3 = vector.shape_cast %get3A_2 : vector<1x5000x16xf32> to vector<5000x16xf32>
    %get3A_4 = arith.constant 1 : index
    %get3A_5 = arith.constant 0 : index
    %get3A_6 = arith.constant 0 : index
    %get3A_7 = vector.load %arg1[%get3A_4, %get3A_5, %get3A_6] : memref<2x5000x16xf32, #tpu.memory_space<vmem>>, vector<1x5000x16xf32>
    %get3A_8 = vector.shape_cast %get3A_7 : vector<1x5000x16xf32> to vector<5000x16xf32>
    %add3A = arith.addf %get3A_3, %get3A_8 : vector<5000x16xf32>
    %slice3A = vector.extract_strided_slice %add3A {offsets = [0, 0], sizes = [5000, 1], strides = [1, 1]} : vector<5000x16xf32> to vector<5000x1xf32>
    %squeeze3A = vector.shape_cast %slice3A : vector<5000x1xf32> to vector<5000xf32>
    %slice3A_9 = vector.extract_strided_slice %add3A {offsets = [0, 1], sizes = [5000, 6], strides = [1, 1]} : vector<5000x16xf32> to vector<5000x6xf32>
    %slice3A_10 = vector.extract_strided_slice %add3A {offsets = [0, 7], sizes = [5000, 1], strides = [1, 1]} : vector<5000x16xf32> to vector<5000x1xf32>
    %squeeze3A_11 = vector.shape_cast %slice3A_10 : vector<5000x1xf32> to vector<5000xf32>
    %slice3A_12 = vector.extract_strided_slice %add3A {offsets = [0, 8], sizes = [5000, 2], strides = [1, 1]} : vector<5000x16xf32> to vector<5000x2xf32>
    %max3A = arith.constant 1.000000e+00 : f32
    %max3A_13 = vector.broadcast %max3A : f32 to vector<5000xf32>
    %max3A_14 = arith.maximumf %squeeze3A_11, %max3A_13 : vector<5000xf32>
    %broadcast_in_dim3A = vector.shape_cast %max3A_14 : vector<5000xf32> to vector<5000x1xf32>
    %div3A = vector.broadcast %broadcast_in_dim3A : vector<5000x1xf32> to vector<5000x2xf32>
    %div3A_15 = arith.divf %slice3A_12, %div3A : vector<5000x2xf32>
    %get3A_16 = arith.constant 0 : index
    %get3A_17 = arith.constant 0 : index
    %get3A_18 = vector.load %arg2[%get3A_16, %get3A_17] : memref<5000x8xf32, #tpu.memory_space<vmem>>, vector<5000x6xf32>
    %get3A_19 = arith.constant 0 : index
    %get3A_20 = arith.constant 0 : index
    %get3A_21 = vector.load %arg3[%get3A_19, %get3A_20] : memref<5000x8xf32, #tpu.memory_space<vmem>>, vector<5000x6xf32>
    %add3A_22 = arith.addf %get3A_18, %get3A_21 : vector<5000x6xf32>
    %get3A_23 = arith.constant 0 : index
    %get3A_24 = arith.constant 0 : index
    %get3A_25 = vector.load %arg4[%get3A_23, %get3A_24] : memref<2x6xf32, #tpu.memory_space<vmem>>, vector<2x6xf32>
    %dot_general3A = arith.constant dense<0.000000e+00> : vector<5000x6xf32>
    %dot_general3A_26 = tpu.matmul %div3A_15, %get3A_25, %dot_general3A {dimension_numbers = #tpu.dot_dimension_numbers<[1], [0], [0], [1], [0, 0, 1, 1], [], []>, transpose_lhs_hint = false} : vector<5000x2xf32>, vector<2x6xf32>, vector<5000x6xf32> -> vector<5000x6xf32>
    %add3A_27 = arith.addf %add3A_22, %dot_general3A_26 : vector<5000x6xf32>
    %mul3A = arith.constant 2.000000e-01 : f32
    %mul3A_28 = vector.broadcast %mul3A : f32 to vector<5000x6xf32>
    %mul3A_29 = arith.mulf %mul3A_28, %add3A_27 : vector<5000x6xf32>
    %max3A_30 = arith.maximumf %add3A_27, %mul3A_29 : vector<5000x6xf32>
    %get3A_31 = arith.constant 0 : index
    %get3A_32 = arith.constant 0 : index
    %get3A_33 = vector.load %arg5[%get3A_31, %get3A_32] : memref<1x6xf32, #tpu.memory_space<vmem>>, vector<1x6xf32>
    %mul3A_34 = vector.broadcast %get3A_33 : vector<1x6xf32> to vector<5000x6xf32>
    %mul3A_35 = arith.mulf %max3A_30, %mul3A_34 : vector<5000x6xf32>
    %reduce_sum3A = arith.constant dense<0.000000e+00> : vector<5000xf32>
    %reduce_sum3A_36 = vector.multi_reduction <add>, %mul3A_35, %reduce_sum3A [1] : vector<5000x6xf32> to vector<5000xf32>
    %exp3A = math.exp %reduce_sum3A_36 : vector<5000xf32>
    %add3A_37 = arith.addf %squeeze3A, %exp3A : vector<5000xf32>
    %broadcast_in_dim3A_38 = vector.shape_cast %exp3A : vector<5000xf32> to vector<5000x1xf32>
    %mul3A_39 = vector.broadcast %broadcast_in_dim3A_38 : vector<5000x1xf32> to vector<5000x6xf32>
    %mul3A_40 = arith.mulf %mul3A_39, %get3A_18 : vector<5000x6xf32>
    %add3A_41 = arith.addf %slice3A_9, %mul3A_40 : vector<5000x6xf32>
    %broadcast_in_dim3A_42 = vector.shape_cast %add3A_37 : vector<5000xf32> to vector<5000x1xf32>
    %add3A_43 = arith.constant 1.000000e-16 : f32
    %add3A_44 = vector.broadcast %add3A_43 : f32 to vector<5000x1xf32>
    %add3A_45 = arith.addf %broadcast_in_dim3A_42, %add3A_44 : vector<5000x1xf32>
    %div3A_46 = vector.broadcast %add3A_45 : vector<5000x1xf32> to vector<5000x6xf32>
    %div3A_47 = arith.divf %add3A_41, %div3A_46 : vector<5000x6xf32>
    %get3A_48 = arith.constant 0 : index
    %get3A_49 = arith.constant 0 : index
    %get3A_50 = vector.load %arg6[%get3A_48, %get3A_49] : memref<1x6xf32, #tpu.memory_space<vmem>>, vector<1x6xf32>
    %add3A_51 = vector.broadcast %get3A_50 : vector<1x6xf32> to vector<5000x6xf32>
    %add3A_52 = arith.addf %div3A_47, %add3A_51 : vector<5000x6xf32>
    %max3A_53 = arith.constant 0.000000e+00 : f32
    %max3A_54 = vector.broadcast %max3A_53 : f32 to vector<5000x6xf32>
    %max3A_55 = arith.maximumf %add3A_52, %max3A_54 : vector<5000x6xf32>
    %get3A_56 = arith.constant 0 : index
    %get3A_57 = arith.constant 0 : index
    %get3A_58 = vector.load %arg7[%get3A_56, %get3A_57] : memref<6x6xf32, #tpu.memory_space<vmem>>, vector<6x6xf32>
    %dot_general3A_59 = arith.constant dense<0.000000e+00> : vector<5000x6xf32>
    %dot_general3A_60 = tpu.matmul %max3A_55, %get3A_58, %dot_general3A_59 {dimension_numbers = #tpu.dot_dimension_numbers<[1], [0], [0], [1], [0, 0, 1, 1], [], []>, transpose_lhs_hint = false} : vector<5000x6xf32>, vector<6x6xf32>, vector<5000x6xf32> -> vector<5000x6xf32>
    %get3A_61 = arith.constant 0 : index
    %get3A_62 = arith.constant 0 : index
    %get3A_63 = vector.load %arg8[%get3A_61, %get3A_62] : memref<1x6xf32, #tpu.memory_space<vmem>>, vector<1x6xf32>
    %add3A_64 = vector.broadcast %get3A_63 : vector<1x6xf32> to vector<5000x6xf32>
    %add3A_65 = arith.addf %dot_general3A_60, %add3A_64 : vector<5000x6xf32>
    %max3A_66 = arith.constant 0.000000e+00 : f32
    %max3A_67 = vector.broadcast %max3A_66 : f32 to vector<5000x6xf32>
    %max3A_68 = arith.maximumf %add3A_65, %max3A_67 : vector<5000x6xf32>
    %get3A_69 = arith.constant 0 : index
    %get3A_70 = arith.constant 0 : index
    %get3A_71 = vector.load %arg9[%get3A_69, %get3A_70] : memref<6x3xf32, #tpu.memory_space<vmem>>, vector<6x3xf32>
    %dot_general3A_72 = arith.constant dense<0.000000e+00> : vector<5000x3xf32>
    %dot_general3A_73 = tpu.matmul %max3A_68, %get3A_71, %dot_general3A_72 {dimension_numbers = #tpu.dot_dimension_numbers<[1], [0], [0], [1], [0, 0, 1, 1], [], []>, transpose_lhs_hint = false} : vector<5000x6xf32>, vector<6x3xf32>, vector<5000x3xf32> -> vector<5000x3xf32>
    %get3A_74 = arith.constant 0 : index
    %get3A_75 = arith.constant 0 : index
    %get3A_76 = vector.load %arg10[%get3A_74, %get3A_75] : memref<1x3xf32, #tpu.memory_space<vmem>>, vector<1x3xf32>
    %add3A_77 = vector.broadcast %get3A_76 : vector<1x3xf32> to vector<5000x3xf32>
    %add3A_78 = arith.addf %dot_general3A_73, %add3A_77 : vector<5000x3xf32>
    %max3A_79 = arith.constant 0.000000e+00 : f32
    %max3A_80 = vector.broadcast %max3A_79 : f32 to vector<5000x3xf32>
    %max3A_81 = arith.maximumf %add3A_78, %max3A_80 : vector<5000x3xf32>
    %mul3A_82 = arith.constant 2.000000e+00 : f32
    %mul3A_83 = vector.broadcast %mul3A_82 : f32 to vector<5000x3xf32>
    %mul3A_84 = arith.mulf %max3A_81, %mul3A_83 : vector<5000x3xf32>
    %sub3A = arith.constant 1.000000e+00 : f32
    %sub3A_85 = vector.broadcast %sub3A : f32 to vector<5000x3xf32>
    %sub3A_86 = arith.subf %mul3A_84, %sub3A_85 : vector<5000x3xf32>
    %swap3A = arith.constant 0 : index
    %swap3A_87 = arith.constant 0 : index
    %swap3A_88 = vector.load %arg11[%swap3A, %swap3A_87] : memref<5000x3xf32, #tpu.memory_space<vmem>>, vector<5000x3xf32>
    tpu.vector_store %arg11[%swap3A, %swap3A_87], %sub3A_86 {strides = array<i32>} : memref<5000x3xf32, #tpu.memory_space<vmem>>, vector<5000x3xf32>,
    return
  }
  func.func @transform_0(%arg0: i32) -> (i32, i32, i32) {
    %c0_i32 = arith.constant 0 : i32
    %c0_i32_0 = arith.constant 0 : i32
    %c0_i32_1 = arith.constant 0 : i32
    return %c0_i32, %arg0, %c0_i32_0 : i32, i32, i32
  }
  func.func @transform_1(%arg0: i32) -> (i32, i32) {
    %c0_i32 = arith.constant 0 : i32
    %c0_i32_0 = arith.constant 0 : i32
    return %arg0, %c0_i32 : i32, i32
  }
  func.func @transform_2(%arg0: i32) -> (i32, i32) {
    %c0_i32 = arith.constant 0 : i32
    %c0_i32_0 = arith.constant 0 : i32
    return %arg0, %c0_i32 : i32, i32
  }
  func.func @transform_3(%arg0: i32) -> (i32, i32) {
    %c0_i32 = arith.constant 0 : i32
    %c0_i32_0 = arith.constant 0 : i32
    %c0_i32_1 = arith.constant 0 : i32
    return %c0_i32, %c0_i32_0 : i32, i32
  }
  func.func @transform_4(%arg0: i32) -> (i32, i32) {
    %c0_i32 = arith.constant 0 : i32
    %c0_i32_0 = arith.constant 0 : i32
    %c0_i32_1 = arith.constant 0 : i32
    return %c0_i32, %c0_i32_0 : i32, i32
  }
  func.func @transform_5(%arg0: i32) -> (i32, i32) {
    %c0_i32 = arith.constant 0 : i32
    %c0_i32_0 = arith.constant 0 : i32
    %c0_i32_1 = arith.constant 0 : i32
    return %c0_i32, %c0_i32_0 : i32, i32
  }
  func.func @transform_6(%arg0: i32) -> (i32, i32) {
    %c0_i32 = arith.constant 0 : i32
    %c0_i32_0 = arith.constant 0 : i32
    %c0_i32_1 = arith.constant 0 : i32
    return %c0_i32, %c0_i32_0 : i32, i32
  }
  func.func @transform_7(%arg0: i32) -> (i32, i32) {
    %c0_i32 = arith.constant 0 : i32
    %c0_i32_0 = arith.constant 0 : i32
    %c0_i32_1 = arith.constant 0 : i32
    return %c0_i32, %c0_i32_0 : i32, i32
  }
  func.func @transform_8(%arg0: i32) -> (i32, i32) {
    %c0_i32 = arith.constant 0 : i32
    %c0_i32_0 = arith.constant 0 : i32
    %c0_i32_1 = arith.constant 0 : i32
    return %c0_i32, %c0_i32_0 : i32, i32
  }
  func.func @transform_9(%arg0: i32) -> (i32, i32) {
    %c0_i32 = arith.constant 0 : i32
    %c0_i32_0 = arith.constant 0 : i32
    %c0_i32_1 = arith.constant 0 : i32
    return %c0_i32, %c0_i32_0 : i32, i32
  }
  func.func @transform_10(%arg0: i32) -> (i32, i32) {
    %c0_i32 = arith.constant 0 : i32
    %c0_i32_0 = arith.constant 0 : i32
    return %arg0, %c0_i32 : i32, i32
  }
}

</mosaic_0001>

<sc_bundles>
// kernel: kernel.5.cloned.1.call-start
scs
__scs_entry_jumppad:
0x0: {  	(pc) =	sbr.rel $0x88, $3  }
0x1: {  	(tag) =	ssettag $0x0;
	lr =	simm.s32 $0x1  }
0x2: {  	[smem:$0x3F93] =	sst lr;
	_ =	strace $0xD0000000  }
0x3: {  	_ = 	snop  }
0x4: {  	_ = 	snop  }
0x5: {  	_ = 	snop  }
0x6: {  	_ = 	snop  }
0x7: {  	_ = 	snop  }
__scs_overlays_trampoline_lowered:
0x8: {  	[smem:$0x3FA2] =	sst s0  }
0x9: {  	[smem:$0x3FA3] =	sst s1  }
0xa: {  	[smem:$0x3FA4] =	sst s2  }
0xb: {  	[smem:$0x3FA5] =	sst s3  }
0xc: {  	[smem:$0x3FA6] =	sst s4  }
0xd: {  	[smem:$0x3FA7] =	sst s5  }
0xe: {  	[smem:$0x3FA8] =	sst s6  }
0xf: {  	[smem:$0x3FA9] =	sst s7  }
0x10: {  	[smem:$0x3FAA] =	sst s8  }
0x11: {  	[smem:$0x3FAB] =	sst s9;
	s0 =	simm.s32 @!p0 $0x0  }
0x12: {  	s1 =	sld [smem:$0x3F91];
	s0 =	simm.s32 @p0 $0x1  }
0x13: {  	[smem:$0x3FAC] =	sst s0;
	s0 =	simm.s32 @!p1 $0x0  }
0x14: {  	s2 =	sld [smem:$0x3F90];
	s0 =	simm.s32 @p1 $0x1  }
0x15: {  	[smem:$0x3FAD] =	sst s0;
	s0 =	simm.s32 @!p2 $0x0  }
0x16: {  	s3 =	sld [smem:$0x3FDB];
	s0 =	simm.s32 @p2 $0x1  }
0x17: {  	s4 =	simm.s32 $0x1BF5;
	[smem:$0x3FAF] =	sst s0  }
0x18: {  	s0 =	sld [smem:$0x3F92];
	_ =	swait.ge [sflag:s4], $0x0  }
0x19: {  	s7 =	sld [smem:$0x3F93]  }
0x1a: {  	s8 =	sadd.s32 $0xFFFFE003, lr  }
0x1b: {  	s9 =	sadd.s32 $0xFFFFFEF7, lr;
	s5 =	simm.s32 $0xFFFFFFFF;
	p2 =	slt.u32 s8, $0xFFFFF086  }
0x1c: {  	p1 =	slt.u32 s9, $0xF7A;
	s5 =	simm.s32 @!p2 $0x0  }
0x1d: {  	s5 =	simm.s32 @p1 $0x1;
	p0 =	seq.s32 s7, s2  }
0x1e: {  	s7 =	smul.u32 @!p0 $0xF7A, s2;
	p2 =	seq.s32 @!p0 s5, $0x0  }
0x1f: {  	s9 =	smul.u32 $0xF7A, s1;
	s8 =	simm.s32 @!p0 $0x1BF5;
	p2 =	por !p2, p0  }
0x20: {  	[sflag:s8] =	ssyncset.s32 @!p0 $0xFFFFF086;
	s6 =	sadd.s32 @!p0 s3, s7;
	s7 =	simm.s32 @!p0 $0x108  }
0x21: {  	s3 =	sadd.s32 s3, s9;
	s6 =	sadd.s32 @!p0 $0x88, s6;
	s7 =	simm.s32 @p2 $0x1082  }
0x22: {  	[simem:s7], [sflag:s8] =	dma.local @!p0 [hbm:s6], $0xF7A  }
0x23: {  	s9 =	sor.u32 $0xD0000000, s2;
	s6 =	simm.s32 $0x108;
	_ =	swait.ge @!p0 [sflag:s8], $0x0  }
0x24: {  	s3 =	sadd.s32 $0x88, s3;
	s6 =	simm.s32 @!p1 $0x1082;
	[sflag:s4] =	ssyncset.s32 $0xFFFFF086  }
0x25: {  	[simem:s6], [sflag:s4] =	dma.local [hbm:s3], $0xF7A  }
0x26: {  	[smem:$0x3F93] =	sst s1;
	(tag) =	ssettag s2;
	_ =	strace s9  }
0x27: {  	s1 =	sld [smem:$0x3FA3]  }
0x28: {  	s2 =	sld [smem:$0x3FA4]  }
0x29: {  	s4 =	sld [smem:$0x3FA6]  }
0x2a: {  	p0 =	seq.s32 s5, $0x0;
	s5 =	sld [smem:$0x3FA7]  }
0x2b: {  	s6 =	sld [smem:$0x3FA8]  }
0x2c: {  	s7 =	sld [smem:$0x3FA9]  }
0x2d: {  	s3 =	simm.s32 $0x108;
	s8 =	sld [smem:$0x3FAA]  }
0x2e: {  	s3 =	simm.s32 @!p0 $0x1082;
	s9 =	sld [smem:$0x3FAB]  }
0x2f: {  	lr =	sadd.s32 s0, s3;
	s0 =	sld [smem:$0x3FA2]  }
0x30: {  	s3 =	sld [smem:$0x3FA5]  }
0x31: {  	[smem:$0x3FAE] =	sst s10  }
0x32: {  	s10 =	sld [smem:$0x3FAC];
	_ =	sdelay $0x3  }
0x33: {  	p0 =	seq.s32 s10, $0x1;
	s10 =	sld [smem:$0x3FAE];
	_ =	sdelay $0x3  }
0x34: {  	[smem:$0x3FAE] =	sst s10  }
0x35: {  	s10 =	sld [smem:$0x3FAD];
	_ =	sdelay $0x3  }
0x36: {  	p1 =	seq.s32 s10, $0x1;
	s10 =	sld [smem:$0x3FAE];
	_ =	sdelay $0x3  }
0x37: {  	[smem:$0x3FAE] =	sst s10  }
0x38: {  	s10 =	sld [smem:$0x3FAF]  }
0x39: {  	_ = 	snop;
	(pc) =	sbr.ind lr, $3  }
0x3a: {  	_ = 	snop  }
0x3b: {  	_ = 	snop  }
0x3c: {  	p2 =	seq.s32 s10, $0x1;
	s10 =	sld [smem:$0x3FAE]  }
0x3d: {  	_ =	shalt  }
0x3e: {  	_ =	shalt  }
0x3f: {  	_ =	shalt  }
0x40: {  	_ =	shalt  }
0x41: {  	_ =	shalt  }
0x42: {  	_ =	shalt  }
0x43: {  	_ =	shalt  }
0x44: {  	_ =	shalt  }
0x45: {  	_ =	shalt  }
0x46: {  	_ =	shalt  }
0x47: {  	_ =	shalt  }
0x48: {  	_ =	shalt  }
0x49: {  	_ =	shalt  }
0x4a: {  	_ =	shalt  }
0x4b: {  	_ =	shalt  }
0x4c: {  	_ =	shalt  }
0x4d: {  	_ =	shalt  }
0x4e: {  	_ =	shalt  }
0x4f: {  	_ =	shalt  }
0x50: {  	_ =	shalt  }
0x51: {  	_ =	shalt  }
0x52: {  	_ =	shalt  }
0x53: {  	_ =	shalt  }
0x54: {  	_ =	shalt  }
0x55: {  	_ =	shalt  }
0x56: {  	_ =	shalt  }
0x57: {  	_ =	shalt  }
0x58: {  	_ =	shalt  }
0x59: {  	_ =	shalt  }
0x5a: {  	_ =	shalt  }
0x5b: {  	_ =	shalt  }
0x5c: {  	_ =	shalt  }
0x5d: {  	_ =	shalt  }
0x5e: {  	_ =	shalt  }
0x5f: {  	_ =	shalt  }
0x60: {  	_ =	shalt  }
0x61: {  	_ =	shalt  }
0x62: {  	_ =	shalt  }
0x63: {  	_ =	shalt  }
0x64: {  	_ =	shalt  }
0x65: {  	_ =	shalt  }
0x66: {  	_ =	shalt  }
0x67: {  	_ =	shalt  }
0x68: {  	_ =	shalt  }
0x69: {  	_ =	shalt  }
0x6a: {  	_ =	shalt  }
0x6b: {  	_ =	shalt  }
0x6c: {  	_ =	shalt  }
0x6d: {  	_ =	shalt  }
0x6e: {  	_ =	shalt  }
0x6f: {  	_ =	shalt  }
0x70: {  	_ =	shalt  }
0x71: {  	_ =	shalt  }
0x72: {  	_ =	shalt  }
0x73: {  	_ =	shalt  }
0x74: {  	_ =	shalt  }
0x75: {  	_ =	shalt  }
0x76: {  	_ =	shalt  }
0x77: {  	_ =	shalt  }
0x78: {  	_ =	shalt  }
0x79: {  	_ =	shalt  }
0x7a: {  	_ =	shalt  }
0x7b: {  	_ =	shalt  }
0x7c: {  	_ =	shalt  }
0x7d: {  	_ =	shalt  }
0x7e: {  	_ =	shalt  }
0x7f: {  	_ =	shalt  }
0x80: {  	_ =	shalt  }
0x81: {  	_ =	shalt  }
0x82: {  	_ =	shalt  }
0x83: {  	_ =	shalt  }
0x84: {  	_ =	shalt  }
0x85: {  	_ =	shalt  }
0x86: {  	_ =	shalt  }
0x87: {  	_ =	shalt  }
.Lfunc_end0:
.L_simem_size_0:
called_computation_lowered:
.L_overlay_start_0:
0x88: {  	s2 =	sld [smem:$0x3FD9]  }
0x89: {  	s3 =	sld [smem:$0x3FFE];
	_ =	sdelay $0x1  }
0x8a: {  	s1 =	srdreg.scid  }
0x8b: {  	s0 =	sand.u32 $0x1, s1  }
0x8c: {  	s17 =	sshll.u32 s0, $0xA;
	s2 =	sadd.s32 s3, s2  }
0x8d: {  	s2 =	sadd.s32 s2, s17  }
0x8e: {  	[smem:$0x3FBA] =	sst s2  }
0x8f: {  	_ = 	snop  }
0x90: {  	s2 =	sld [smem:$0x3FD0];
	(tm) =	ssettm $0x1  }
0x91: {  	s18 =	sld [smem:$0x3FFB];
	_ =	sdelay $0x3  }
0x92: {  	_ =	strace s18  }
0x93: {  	s3 =	sld [smem:$0x3FFC];
	_ =	sdelay $0x3  }
0x94: {  	_ =	strace s3  }
0x95: {  	s3 =	sld [smem:$0x3FFD];
	_ =	sdelay $0x3  }
0x96: {  	_ =	strace s3  }
0x97: {  	_ =	strace $0x8FFFFFFF  }
0x98: {  	s19 =	sld [smem:$0x3FDB];
	_ =	sdelay $0x1  }
0x99: {  	s4 =	simm.s32 $_scs_section_size  }
0x9a: {  	s5 =	simm.s32 $_size__tile_overlayer_lowered;
	s6 =	simm.s32 $_tile_overlayer_lowered  }
0x9b: {  	s22 =	simm.s32 $0x1BFF;
	s21 =	sshll.u32 s6, $0x1;
	s3 =	sadd.s32 s4, s19  }
0x9c: {  	s7 =	simm.s32 $0x0;
	s20 =	sshll.u32 s5, $0x1;
	s5 =	sadd.s32 s21, s3  }
0x9d: {  	[timem:s7], [sflag:s22] =	dma.local [hbm:s5], s20  }
0x9e: {  	_ =	swait.ge [sflag:s22], s20  }
0x9f: {  	s4 =	ssub.s32 $0x0, s20;
	[sflag:s22] =	ssyncset.done $0x0  }
0xa0: {  	[sflag:s22] =	ssyncadd.s32 s4;
	_ =	sdelay $0x1  }
0xa1: {  	s23 =	simm.s32 $0x1B8B  }
0xa2: {  	_ =	swait.ge [sflag:s23], $0x1  }
0xa3: {  	[sflag:s23] =	ssyncset.done $0x0  }
0xa4: {  	s25 =	simm.s32 $0x1B8E;
	s24 =	sld [smem:$0x3FFE];
	[sflag:s23] =	ssyncadd.s32 $0xFFFFFFFF  }
0xa5: {  	s26 =	simm.s32 $execute0_lowered;
	[smem:$0x3FD2] =	sst s25  }
0xa6: {  	s5 =	sshll.u32 s26, $0x1;
	_ =	strace $0x80000046;
	[dreg:$0x1] =	wrdreg $0xFFFFFFFF  }
0xa7: {  	s28 =	simm.s32 $_size_execute0_lowered;
	s3 =	sadd.s32 s3, s5;
	[dreg:$0x0] =	wrdreg $0x0  }
0xa8: {  	s5 =	sshll.u32 s28, $0x1;
	[dreg:$0x2] =	wrdreg s3  }
0xa9: {  	[dreg:$0x3] =	wrdreg s5  }
0xaa: {  	[dreg:$0x4] =	wrdreg $0xC0  }
0xab: {  	_ =	task [dreg:s7], $0x5FFFF  }
0xac: {  	[dreg:$0x1] =	wrdreg $0xFFFFFFFF  }
0xad: {  	[dreg:$0x0] =	wrdreg $0x60  }
0xae: {  	[dreg:$0x2] =	wrdreg s24  }
0xaf: {  	[dreg:$0x3] =	wrdreg s2  }
0xb0: {  	[dreg:$0x4] =	wrdreg $0x0  }
0xb1: {  	[dreg:$0x5] =	wrdreg $0x9  }
0xb2: {  	_ =	task.clear_ibuf [dreg:s7], $0x6FFFF;
	_ =	strace $0x90000046  }
0xb3: {  	s29 =	simm.s32 $0x9;
	_ =	strace $0x80000048  }
0xb4: {  	_ =	swait.ge [sflag:s29], $0x1  }
0xb5: {  	[sflag:s29] =	ssyncadd.s32 $0xFFFFFFFF  }
0xb6: {  	_ =	strace $0x90000048  }
0xb7: {  	_ =	sfence  }
0xb8: {  	s30 =	sld [smem:$0x0];
	_ =	sdelay $0x2  }
0xb9: {  	s31 =	sshll.u32 s1, $0xD;
	s1 =	sshrl.u32 s1, $0x2  }
0xba: {  	s3 =	sand.u32 $0x4000, s31;
	s1 =	sadd.s32 s1, s30  }
0xbb: {  	s0 =	sor.u32 s3, s0;
	s1 =	sshll.u32 s1, $0x11  }
0xbc: {  	s0 =	sor.u32 s1, s0  }
0xbd: {  	s0 =	sadd.s32 $0x8F2B, s0  }
0xbe: {  	[sflag:s0] =	ssyncadd.remote.s32 $0x1  }
0xbf: {  	_ =	sfence.sel $0xFFFF  }
0xc0: {  	[dreg:$0x0] =	wrdreg $0xFFFFFFFF;
	(pc) =	sbr.abs _section_cstart, $3  }
0xc1: {  	[dreg:$0x1] =	wrdreg $0xFFFFFFFF  }
0xc2: {  	_ =	task.clear_ibuf [dreg:s7], $0x2FFFF;
	_ =	strace $0x9FFFFFFF  }
0xc3: {  	(tm) =	ssettm $0x7FFFFFFF  }
tec
execute0_lowered:
.L_overlay_start_1:
0x0: {  	(tag) =	ssettag $0x1  }
0x1: {  	s0 =	rddreg [dreg:$0x0]  }
0x2: {  	s2 =	rddreg [dreg:$0x2];
	s3 =	simm.s32 $0x0;
	s1 =	srdreg.scid  }
0x3: {  	s13 =	stileid.u32;
	s28 =	simm.s32 $0x8;
	[smem:$0x7FF] =	sst s3  }
0x4: {  	s5 =	sadd.s32 $0x495E00, s0;
	s6 =	sadd.s32 $0x33000, s0;
	s4 =	smul.u32 $0x186A0, s13  }
0x5: {  	s1 =	sand.u32 $0x1, s1;
	s7 =	sadd.s32 $0x61CA00, s0;
	s8 =	sadd.s32 $0x6E0A00, s0  }
0x6: {  	s9 =	sadd.s32 $0x2000, s0;
	s10 =	sadd.s32 $0x1A800, s0;
	s14 =	sadd.s32 $0xF7000, s0  }
0x7: {  	s11 =	sshll.u32 s13, $0x1;
	s26 =	smul.u32 $0x186B0, s13;
	s13 =	simm.s32 $0x1AEB0  }
0x8: {  	s25 =	smul.u32 $0x186A00, s1;
	s12 =	ssub.s32 $0x2, s1;
	s1 =	sor.u32 s1, s11  }
0x9: {  	_ =	strace $0x80000047;
	[dreg:$0x4] =	wrdreg s14;
	s30 =	smul.u32 $0x31000, s1  }
0xa: {  	s29 =	sshrl.u32 s12, $0x1;
	s1 =	smul.u32 $0x6200, s1;
	s3 =	sadd.s32 s4, s25  }
0xb: {  	s31 =	sshrl.u32 s26, $0x3;
	s11 =	sadd.s32 s26, s2;
	s3 =	sshrl.u32 s3, $0x3  }
0xc: {  	s15 =	sshrl.u32 s30, $0x3;
	s16 =	sadd.s32 s5, s1;
	s17 =	sadd.s32 s6, s1  }
0xd: {  	s1 =	sor.u32 $0x20, s1;
	s23 =	sor.u32 $0x200, s30;
	[dreg:$0x6] =	wrdreg s16  }
0xe: {  	s24 =	sor.u32 $0x300, s30;
	s25 =	sor.u32 $0x400, s30;
	[dreg:$0x7] =	wrdreg s17  }
0xf: {  	s26 =	sor.u32 $0x500, s30;
	s0 =	sadd.s32 s3, s0;
	[dreg:$0xe] =	wrdreg s23  }
0x10: {  	s3 =	ssub.s32 s12, s29;
	s12 =	sadd.s32 s14, s31;
	[dreg:$0xf] =	wrdreg s24  }
0x11: {  	s18 =	sadd.s32 s7, s15;
	s19 =	sadd.s32 s8, s15;
	[dreg:$0x10] =	wrdreg s25  }
0x12: {  	s20 =	sadd.s32 s5, s1;
	s1 =	sadd.s32 s6, s1;
	[dreg:$0x11] =	wrdreg s26  }
0x13: {  	s29 =	sadd.s32 s4, s2;
	s31 =	sshrl.u32 s11, $0x3;
	s14 =	simm.s32 $0x80  }
0x14: {  	s16 =	simm.s32 $0x1A6B0;
	s26 =	simm.s32 $0x18CB0;
	[dreg:$0x5] =	wrdreg s12  }
0x15: {  	s11 =	simm.s32 $0x2;
	s17 =	simm.s32 $0x6;
	[dreg:$0x8] =	wrdreg s18  }
0x16: {  	s4 =	simm.s32 $0x3;
	s23 =	simm.s32 $0x7;
	[dreg:$0x9] =	wrdreg s19  }
0x17: {  	s24 =	simm.s32 $0x4;
	s25 =	simm.s32 $0x18E30;
	[dreg:$0xa] =	wrdreg s20  }
0x18: {  	s12 =	sor.u32 $0x20, s15;
	[dreg:$0xb] =	wrdreg s1;
	s0 =	sadd.s32 $0x559E00, s0  }
0x19: {  	s30 =	smax.u32 s3, $0x1;
	[dreg:$0x14] =	wrdreg s31;
	s1 =	simm.s32 $0x1C6B0  }
0x1a: {  	s15 =	simm.s32 $0x196B0;
	s20 =	simm.s32 $0x5;
	[dreg:$0x12] =	wrdreg s0  }
0x1b: {  	s3 =	simm.s32 $0x19EB0;
	s21 =	sadd.s32 s7, s12;
	[dreg:$0x13] =	wrdreg s30  }
0x1c: {  	s19 =	simm.s32 $0x18DB0;
	s22 =	sadd.s32 s8, s12;
	[dreg:$0xc] =	wrdreg s21  }
0x1d: {  	s18 =	simm.s32 $0x0;
	s0 =	sshrl.u32 s29, $0x3;
	[dreg:$0xd] =	wrdreg s22  }
0x1e: {  	v0 =	vlaneseq.u32;
	v1 =	vimm.f32 $1.000000000e+00;
	[dreg:$0x15] =	wrdreg s0;
	s22 =	simm.s32 $0xB;
	s0 =	simm.s32 $0x1B6B0  }
.LBB2_1:
0x1f: {  	[dreg:$0x16] =	wrdreg s18  }
0x20: {  	s12 =	rddreg [dreg:$0x1];
	s21 =	simm.s32 $0x0;
	s31 =	simm.s32 $0x1D6B0  }
0x21: {  	[tilespmem:s31], [sflag:$0xB] =	stream.linear.gather [hbm4b:s12+s21], $0x18, $0x38;
	[tilespmem:$0x1D6C8] =	vst v63  }
0x22: {  	_ =	swait.ge [sflag:s22], $0x18  }
0x23: {  	[sflag:s22] =	ssyncset.done $0x0  }
0x24: {  	s30 =	rddreg [dreg:$0x4];
	[sflag:s22] =	ssyncadd.s32 $0xFFFFFFE8  }
0x25: {  	[tilespmem:s0], [sflag:$0xB] =	stream.linear.gather [hbm4b:s30+s21], $0x1000, $0x38;
	[tilespmem:$0x1D6C8] =	vst v63  }
0x26: {  	s31 =	stileid.u32;
	_ =	swait.ge [sflag:s22], $0x1000  }
0x27: {  	s12 =	sshll.u32 s31, $0x6;
	[sflag:s22] =	ssyncset.done $0x0  }
0x28: {  	s29 =	sor.u32 $0x1C0B, s12;
	[sflag:s22] =	ssyncadd.s32 $0xFFFFF000  }
0x29: {  	[tilespmem:s1], [sflag:$0xB] =	stream.linear.gather [hbm4b:s30+s21], $0x1000, $0x38;
	[tilespmem:$0x1D6C8] =	vst v63  }
0x2a: {  	_ =	swait.ge [sflag:s22], $0x1000;
	[dreg:$0x17] =	wrdreg s29  }
0x2b: {  	[sflag:s22] =	ssyncset.done $0x0;
	s30 =	rddreg [dreg:$0x5]  }
0x2c: {  	s31 =	rddreg [dreg:$0x14];
	[sflag:s22] =	ssyncadd.s32 $0xFFFFF000  }
0x2d: {  	[spmem:s31], [sflag:s29] =	dma.local [hbm:s30], $0x30D6  }
0x2e: {  	_ =	swait.ge [sflag:s22], $0x30D6  }
0x2f: {  	[sflag:s22] =	ssyncset.done $0x0  }
0x30: {  	[sflag:s22] =	ssyncadd.s32 $0xFFFFCF2A  }
0x31: {  	[bflag:$0x0] =	sbarrier.arrive $0xFFFF  }
0x32: {  	s18 =	simm.s32 $0x186B0;
	v18 =	vld [tilespmem:$0x1D6B0];
	s22 =	rddreg [dreg:$0x6]  }
0x33: {  	v19 =	vld [tilespmem:$0x1D6B8];
	[tilespmem:s18], [sflag:$0x1] =	stream.linear.gather [hbm4b:s22+s21], $0x100, $0x38  }
0x34: {  	s30 =	rddreg [dreg:$0x7];
	s22 =	simm.s32 $0x18AB0  }
0x35: {  	[tilespmem:s22], [sflag:$0x1] =	stream.linear.gather [hbm4b:s30+s21], $0x100, $0x38;
	[tilespmem:$0x1D6C8] =	vst v63  }
0x36: {  	s29 =	simm.s32 $0x18EB0;
	s31 =	rddreg [dreg:$0x8]  }
0x37: {  	[tilespmem:s29], [sflag:$0x1] =	stream.linear.gather [hbm4b:s31+s21], $0x100, $0x38;
	[tilespmem:$0x1D6C8] =	vst v63  }
0x38: {  	s30 =	rddreg [dreg:$0x9];
	s29 =	simm.s32 $0x192B0  }
0x39: {  	[tilespmem:s29], [sflag:$0x1] =	stream.linear.gather [hbm4b:s30+s21], $0x100, $0x38;
	[tilespmem:$0x1D6C8] =	vst v63  }
0x3a: {  	s31 =	rddreg [dreg:$0xa];
	s29 =	simm.s32 $0x187B0  }
0x3b: {  	[tilespmem:s29], [sflag:$0x2] =	stream.linear.gather [hbm4b:s31+s21], $0x100, $0x38;
	[tilespmem:$0x1D6C8] =	vst v63  }
0x3c: {  	s30 =	rddreg [dreg:$0xb];
	s29 =	simm.s32 $0x18BB0  }
0x3d: {  	[tilespmem:s29], [sflag:$0x2] =	stream.linear.gather [hbm4b:s30+s21], $0x100, $0x38;
	[tilespmem:$0x1D6C8] =	vst v63  }
0x3e: {  	s31 =	rddreg [dreg:$0xc];
	s29 =	simm.s32 $0x18FB0  }
0x3f: {  	[tilespmem:s29], [sflag:$0x2] =	stream.linear.gather [hbm4b:s31+s21], $0x100, $0x38;
	[tilespmem:$0x1D6C8] =	vst v63  }
0x40: {  	s30 =	rddreg [dreg:$0xd];
	s29 =	simm.s32 $0x193B0;
	s31 =	simm.s32 $0x1  }
0x41: {  	[tilespmem:s29], [sflag:$0x2] =	stream.linear.gather [hbm4b:s30+s21], $0x100, $0x38;
	[tilespmem:$0x1D6C8] =	vst v63  }
0x42: {  	_ =	swait.ge [sflag:s31], $0x100  }
0x43: {  	[sflag:s31] =	ssyncset.done $0x0  }
0x44: {  	[sflag:s31] =	ssyncadd.s32 $0xFFFFFF00  }
0x45: {  	_ =	swait.ge [sflag:s31], $0x100  }
0x46: {  	[sflag:s31] =	ssyncset.done $0x0  }
0x47: {  	[sflag:s31] =	ssyncadd.s32 $0xFFFFFF00  }
0x48: {  	_ =	swait.ge [sflag:s31], $0x100  }
0x49: {  	[sflag:s31] =	ssyncset.done $0x0  }
0x4a: {  	[sflag:s31] =	ssyncadd.s32 $0xFFFFFF00  }
0x4b: {  	_ =	swait.ge [sflag:s31], $0x100  }
0x4c: {  	v2 =	vbroadcast v18, $0x0;
	v3 =	vbroadcast v18, $0x6;
	[sflag:s31] =	ssyncset.done $0x0  }
0x4d: {  	v4 =	vbroadcast v19, $0x4;
	v5 =	vbroadcast v18, $0x1;
	[sflag:s31] =	ssyncadd.s32 $0xFFFFFF00  }
0x4e: {  	v6 =	vbroadcast v18, $0x7;
	v7 =	vbroadcast v19, $0x5;
	[tilespmem:s15], [sflag:$0x5] =	stream.indirect.gather [hbm4b:s9+s14], $0x8, s18, s14, $0xb8;
	[tilespmem:$0x1D6C8] =	vst v63  }
0x4f: {  	v8 =	vbroadcast v18, $0x2;
	v9 =	vbroadcast v18, $0x8  }
0x50: {  	v10 =	vbroadcast v19, $0x6;
	v11 =	vbroadcast v18, $0x3;
	[tilespmem:s16], [sflag:$0x5] =	stream.indirect.gather [hbm4b:s10+s14], $0x8, s22, s14, $0xb8;
	[tilespmem:$0x1D6C8] =	vst v63  }
0x51: {  	v12 =	vbroadcast v18, $0x9;
	v13 =	vbroadcast v19, $0x7;
	s21 =	simm.s32 $0x18730;
	s22 =	simm.s32 $0x19AB0  }
0x52: {  	v14 =	vbroadcast v18, $0x4;
	v15 =	vbroadcast v18, $0xA;
	[tilespmem:s22], [sflag:$0x5] =	stream.indirect.gather [hbm4b:s9+s14], $0x8, s21, s14, $0xb8;
	[tilespmem:$0x1D6C8] =	vst v63  }
0x53: {  	v16 =	vbroadcast v19, $0x8;
	v17 =	vbroadcast v18, $0x5;
	s30 =	simm.s32 $0x18B30;
	s29 =	simm.s32 $0x0;
	s31 =	simm.s32 $0x1AAB0  }
0x54: {  	v18 =	vbroadcast v18, $0xB;
	v19 =	vbroadcast v19, $0x9;
	[tilespmem:s31], [sflag:$0x5] =	stream.indirect.gather [hbm4b:s10+s14], $0x8, s30, s14, $0xb8;
	[tilespmem:$0x1D6C8] =	vst v63  }
.LBB2_2:
0x55: {  	_ =	swait.ge [sflag:s20], $0x400  }
0x56: {  	[sflag:s20] =	ssyncset.done $0x0  }
0x57: {  	[sflag:s20] =	ssyncadd.s32 $0xFFFFFC00  }
0x58: {  	_ =	swait.ge [sflag:s20], $0x400  }
0x59: {  	[sflag:s20] =	ssyncset.done $0x0  }
0x5a: {  	[sflag:s20] =	ssyncadd.s32 $0xFFFFFC00  }
0x5b: {  	_ =	swait.ge [sflag:s20], $0x400  }
0x5c: {  	[sflag:s20] =	ssyncset.done $0x0  }
0x5d: {  	[sflag:s20] =	ssyncadd.s32 $0xFFFFFC00  }
0x5e: {  	_ =	swait.ge [sflag:s20], $0x400  }
0x5f: {  	p0 =	seq.s32 s29, $0x0;
	[sflag:s20] =	ssyncset.done $0x0  }
0x60: {  	s18 =	simm.s32 @!p0 $0x9;
	[sflag:s20] =	ssyncadd.s32 $0xFFFFFC00  }
0x61: {  	_ =	swait.ge @!p0 [sflag:s18], $0x800  }
0x62: {  	[sflag:s18] =	ssyncset.done @!p0 $0x0  }
0x63: {  	[sflag:s18] =	ssyncadd.s32 @!p0 $0xFFFFF800  }
0x64: {  	_ =	swait.ge @!p0 [sflag:s18], $0x800  }
0x65: {  	s31 =	sshll.u32 s29, $0xA;
	s12 =	rddreg [dreg:$0xe]  }
0x66: {  	s21 =	sadd.s32 s31, s12  }
0x67: {  	s30 =	simm.s32 $0x0;
	[sflag:s18] =	ssyncset.done @!p0 $0x0;
	s21 =	sshrl.u32 s21, $0x3  }
0x68: {  	s22 =	simm.s32 $0x188B0;
	[sflag:s18] =	ssyncadd.s32 @!p0 $0xFFFFF800;
	s12 =	sadd.s32 s5, s21  }
0x69: {  	[tilespmem:s22], [sflag:$0x3] =	stream.linear.gather [hbm4b:s12+s30], $0x100, $0x38;
	[tilespmem:$0x1D6C8] =	vst v63  }
0x6a: {  	s22 =	sadd.s32 s6, s21  }
0x6b: {  	[tilespmem:s26], [sflag:$0x3] =	stream.linear.gather [hbm4b:s22+s30], $0x100, $0x38;
	[tilespmem:$0x1D6C8] =	vst v63  }
0x6c: {  	s12 =	sadd.s32 s7, s21;
	s22 =	simm.s32 $0x190B0  }
0x6d: {  	[tilespmem:s22], [sflag:$0x3] =	stream.linear.gather [hbm4b:s12+s30], $0x100, $0x38;
	[tilespmem:$0x1D6C8] =	vst v63  }
0x6e: {  	s12 =	sadd.s32 s8, s21;
	s21 =	simm.s32 $0x194B0  }
0x6f: {  	[tilespmem:s21], [sflag:$0x3] =	stream.linear.gather [hbm4b:s12+s30], $0x100, $0x38;
	[tilespmem:$0x1D6C8] =	vst v63  }
0x70: {  	_ =	swait.ge [sflag:s11], $0x100  }
0x71: {  	[sflag:s11] =	ssyncset.done $0x0  }
0x72: {  	[sflag:s11] =	ssyncadd.s32 $0xFFFFFF00  }
0x73: {  	_ =	swait.ge [sflag:s11], $0x100  }
0x74: {  	[sflag:s11] =	ssyncset.done $0x0  }
0x75: {  	[sflag:s11] =	ssyncadd.s32 $0xFFFFFF00  }
0x76: {  	_ =	swait.ge [sflag:s11], $0x100  }
0x77: {  	[sflag:s11] =	ssyncset.done $0x0  }
0x78: {  	[sflag:s11] =	ssyncadd.s32 $0xFFFFFF00  }
0x79: {  	_ =	swait.ge [sflag:s11], $0x100  }
0x7a: {  	[sflag:s11] =	ssyncset.done $0x0  }
0x7b: {  	s22 =	simm.s32 $0x187B0;
	[sflag:s11] =	ssyncadd.s32 $0xFFFFFF00  }
0x7c: {  	[tilespmem:s3], [sflag:$0x6] =	stream.indirect.gather [hbm4b:s9+s14], $0x8, s22, s14, $0xb8;
	[tilespmem:$0x1D6C8] =	vst v63  }
0x7d: {  	s18 =	simm.s32 $0x18BB0  }
0x7e: {  	[tilespmem:s13], [sflag:$0x6] =	stream.indirect.gather [hbm4b:s10+s14], $0x8, s18, s14, $0xb8;
	[tilespmem:$0x1D6C8] =	vst v63  }
0x7f: {  	s21 =	simm.s32 $0x18830;
	s22 =	simm.s32 $0x1A2B0  }
0x80: {  	[tilespmem:s22], [sflag:$0x6] =	stream.indirect.gather [hbm4b:s9+s14], $0x8, s21, s14, $0xb8;
	[tilespmem:$0x1D6C8] =	vst v63  }
0x81: {  	s21 =	simm.s32 $0x18C30;
	s22 =	simm.s32 $0x1B2B0  }
0x82: {  	[tilespmem:s22], [sflag:$0x6] =	stream.indirect.gather [hbm4b:s10+s14], $0x8, s21, s14, $0xb8;
	[tilespmem:$0x1D6C8] =	vst v63  }
0x83: {  	s18 =	simm.s32 $0xFFFFFFFC;
	s21 =	simm.s32 $0x18ED0;
	s22 =	simm.s32 $0x192D0  }
.LBB2_3:
0x84: {  	v20 =	vor.u32 s30, v0  }
0x85: {  	v21 =	vshll.u32 v20, $0x3;
	_ =	sdelay $0x1  }
0x86: {  	v23 =	vor.u32 $0x1, v21  }
0x87: {  	v22 =	vld [tilespmem:s21+$0xFFFFFFE0]  }
0x88: {  	v27 =	vld [tilespmem:s22+$0xFFFFFFE0];
	v26 =	vor.u32 $0x2, v21  }
0x89: {  	v24 =	vld.idx.msk [tilespmem:v21+s15+$0x0], $0xffff  }
0x8a: {  	v29 =	vor.u32 $0x3, v21;
	v25 =	vld.idx.msk [tilespmem:v21+s16+$0x0], $0xffff  }
0x8b: {  	v28 =	vld.idx.msk [tilespmem:v23+s15+$0x0], $0xffff  }
0x8c: {  	v32 =	vor.u32 $0x4, v21;
	v23 =	vld.idx.msk [tilespmem:v23+s16+$0x0], $0xffff  }
0x8d: {  	v31 =	vld.idx.msk [tilespmem:v26+s15+$0x0], $0xffff  }
0x8e: {  	v26 =	vld.idx.msk [tilespmem:v26+s16+$0x0], $0xffff  }
0x8f: {  	v30 =	vmul.f32 v22, v2;
	v21 =	vor.u32 $0x5, v21;
	v33 =	vld.idx.msk [tilespmem:v29+s15+$0x0], $0xffff  }
0x90: {  	v46 =	vmul.f32 v27, v3;
	v47 =	vmul.f32 v22, v5;
	v29 =	vld.idx.msk [tilespmem:v29+s16+$0x0], $0xffff;
	v25 =	vadd.f32 v25, v24  }
0x91: {  	v35 =	vmul.f32 v27, v6;
	v36 =	vmul.f32 v22, v8;
	v48 =	vld.idx.msk [tilespmem:v32+s15+$0x0], $0xffff  }
0x92: {  	v50 =	vmul.f32 v27, v9;
	v32 =	vld.idx.msk [tilespmem:v32+s16+$0x0], $0xffff;
	v23 =	vadd.f32 v23, v28;
	v25 =	vadd.f32 v25, v30  }
0x93: {  	v51 =	vmul.f32 v22, v11;
	v52 =	vmul.f32 v27, v12;
	v26 =	vadd.f32 v26, v31  }
0x94: {  	v53 =	vmul.f32 v22, v14;
	v49 =	vld.idx.msk [tilespmem:v21+s15+$0x0], $0xffff;
	v23 =	vadd.f32 v23, v47;
	v25 =	vadd.f32 v25, v46  }
0x95: {  	v55 =	vmul.f32 v27, v15;
	v56 =	vmul.f32 v22, v17;
	v21 =	vld.idx.msk [tilespmem:v21+s16+$0x0], $0xffff;
	v29 =	vadd.f32 v29, v33  }
0x96: {  	v26 =	vadd.f32 v26, v36;
	v23 =	vadd.f32 v23, v35;
	v34 =	vmul.f32 $2.000000030e-01, v25  }
0x97: {  	v58 =	vmul.f32 v27, v18;
	v32 =	vadd.f32 v32, v48;
	v29 =	vadd.f32 v29, v51  }
0x98: {  	v26 =	vadd.f32 v26, v50;
	v37 =	vmul.f32 $2.000000030e-01, v23;
	v25 =	vmax.f32 v25, v34  }
0x99: {  	v32 =	vadd.f32 v32, v53;
	v29 =	vadd.f32 v29, v52;
	v25 =	vmul.f32 v25, v4  }
0x9a: {  	v21 =	vadd.f32 v21, v49;
	v54 =	vmul.f32 $2.000000030e-01, v26;
	v23 =	vmax.f32 v23, v37  }
0x9b: {  	v32 =	vadd.f32 v32, v55;
	v23 =	vmul.f32 v23, v7;
	v25 =	vadd.f32 $0.0e+00, v25  }
0x9c: {  	v57 =	vmul.f32 $2.000000030e-01, v29;
	v21 =	vadd.f32 v21, v56;
	v26 =	vmax.f32 v26, v54  }
0x9d: {  	v59 =	vmul.f32 v26, v10;
	v23 =	vadd.f32 v23, v25  }
0x9e: {  	v61 =	vmul.f32 $2.000000030e-01, v32;
	v60 =	vmax.f32 v29, v57;
	v21 =	vadd.f32 v21, v58  }
0x9f: {  	v62 =	vmul.f32 v60, v13;
	v23 =	vadd.f32 v59, v23  }
0xa0: {  	v63 =	vmax.f32 v32, v61;
	v32 =	vmul.f32 $2.000000030e-01, v21  }
0xa1: {  	v35 =	vmul.f32 v63, v16;
	v23 =	vadd.f32 v62, v23  }
0xa2: {  	v21 =	vmax.f32 v21, v32  }
0xa3: {  	v21 =	vmul.f32 v21, v19;
	v23 =	vadd.f32 v35, v23;
	_ =	sdelay $0x1  }
0xa4: {  	v21 =	vadd.f32 v21, v23;
	_ =	sdelay $0x1  }
0xa5: {  	v21 =	vmul.f32 $1.442695020e+00, v21;
	_ =	sdelay $0x1  }
0xa6: {  	(erf) = vpow2.f32 v21;
	_ =	sdelay $0x5  }
0xa7: {  	v20 =	vshll.u32 v20, $0x4  }
0xa8: {  	v36 =	vor.u32 $0x1, v20  }
0xa9: {  	v37 =	vor.u32 $0x2, v20  }
0xaa: {  	v39 =	vor.u32 $0x3, v20;
	v38 =	vpop (erf)  }
0xab: {  	v40 =	vor.u32 $0x4, v20;
	v24 =	vmul.f32 v38, v24  }
0xac: {  	v41 =	vor.u32 $0x5, v20;
	[tilespmem:v20+s0+$0x0] =	vst.idx.msk $0xffff, v38;
	v28 =	vmul.f32 v38, v28  }
0xad: {  	v43 =	vor.u32 $0x6, v20;
	v42 =	vmul.f32 v38, v31;
	[tilespmem:v36+s0+$0x0] =	vst.idx.msk $0xffff, v24  }
0xae: {  	v45 =	vor.u32 $0x7, v20;
	v44 =	vmul.f32 v38, v33;
	[tilespmem:v37+s0+$0x0] =	vst.idx.msk $0xffff, v28  }
0xaf: {  	v47 =	vor.u32 $0x8, v20;
	v46 =	vmul.f32 v38, v48;
	[tilespmem:v39+s0+$0x0] =	vst.idx.msk $0xffff, v42  }
0xb0: {  	s12 =	sadd.s32 $0x10, s30;
	v48 =	vmul.f32 v38, v49;
	v20 =	vor.u32 $0x9, v20;
	[tilespmem:v40+s0+$0x0] =	vst.idx.msk $0xffff, v44  }
0xb1: {  	v21 =	vor.u32 s12, v0;
	[tilespmem:v41+s0+$0x0] =	vst.idx.msk $0xffff, v46  }
0xb2: {  	v49 =	vshll.u32 v21, $0x3;
	[tilespmem:v43+s0+$0x0] =	vst.idx.msk $0xffff, v48  }
0xb3: {  	[tilespmem:v45+s0+$0x0] =	vst.idx.msk $0xffff, v1  }
0xb4: {  	[tilespmem:v47+s0+$0x0] =	vst.idx.msk $0xffff, v22  }
0xb5: {  	v50 =	vor.u32 $0x1, v49;
	[tilespmem:v20+s0+$0x0] =	vst.idx.msk $0xffff, v27  }
0xb6: {  	v20 =	vld [tilespmem:s21+$0xFFFFFFF0]  }
0xb7: {  	v52 =	vor.u32 $0x2, v49;
	v24 =	vld.idx.msk [tilespmem:v49+s15+$0x0], $0xffff  }
0xb8: {  	v51 =	vld.idx.msk [tilespmem:v49+s16+$0x0], $0xffff  }
0xb9: {  	v53 =	vor.u32 $0x3, v49;
	v27 =	vld [tilespmem:s22+$0xFFFFFFF0]  }
0xba: {  	v28 =	vld.idx.msk [tilespmem:v50+s15+$0x0], $0xffff  }
0xbb: {  	v55 =	vor.u32 $0x4, v49;
	v22 =	vld.idx.msk [tilespmem:v50+s16+$0x0], $0xffff  }
0xbc: {  	v31 =	vld.idx.msk [tilespmem:v52+s15+$0x0], $0xffff  }
0xbd: {  	v23 =	vor.u32 $0x5, v49;
	v26 =	vld.idx.msk [tilespmem:v52+s16+$0x0], $0xffff  }
0xbe: {  	v33 =	vld.idx.msk [tilespmem:v53+s15+$0x0], $0xffff  }
0xbf: {  	v29 =	vld.idx.msk [tilespmem:v53+s16+$0x0], $0xffff  }
0xc0: {  	v30 =	vld.idx.msk [tilespmem:v55+s15+$0x0], $0xffff  }
0xc1: {  	v32 =	vld.idx.msk [tilespmem:v55+s16+$0x0], $0xffff;
	v25 =	vadd.f32 v51, v24;
	v54 =	vmul.f32 v20, v2;
	v56 =	vmul.f32 v27, v3  }
0xc2: {  	v34 =	vld.idx.msk [tilespmem:v23+s15+$0x0], $0xffff;
	v22 =	vadd.f32 v22, v28;
	v57 =	vmul.f32 v20, v5;
	v59 =	vmul.f32 v27, v6  }
0xc3: {  	v23 =	vld.idx.msk [tilespmem:v23+s16+$0x0], $0xffff;
	v26 =	vadd.f32 v26, v31;
	v60 =	vmul.f32 v20, v8;
	v25 =	vadd.f32 v25, v54  }
0xc4: {  	v61 =	vmul.f32 v27, v9;
	v29 =	vadd.f32 v29, v33;
	v62 =	vmul.f32 v20, v11  }
0xc5: {  	v40 =	vmul.f32 v27, v12;
	v22 =	vadd.f32 v22, v57;
	v25 =	vadd.f32 v25, v56  }
0xc6: {  	v32 =	vadd.f32 v32, v30;
	v41 =	vmul.f32 v20, v14;
	v43 =	vmul.f32 v27, v15  }
0xc7: {  	v26 =	vadd.f32 v26, v60;
	v22 =	vadd.f32 v22, v59;
	v58 =	vmul.f32 $2.000000030e-01, v25  }
0xc8: {  	v23 =	vadd.f32 v23, v34;
	v44 =	vmul.f32 v20, v17;
	v29 =	vadd.f32 v29, v62  }
0xc9: {  	v26 =	vadd.f32 v26, v61;
	v63 =	vmul.f32 $2.000000030e-01, v22;
	v25 =	vmax.f32 v25, v58  }
0xca: {  	v46 =	vmul.f32 v27, v18;
	v32 =	vadd.f32 v32, v41;
	v25 =	vmul.f32 v25, v4  }
0xcb: {  	v29 =	vadd.f32 v29, v40;
	v42 =	vmul.f32 $2.000000030e-01, v26;
	v22 =	vmax.f32 v22, v63  }
0xcc: {  	v23 =	vadd.f32 v23, v44;
	v22 =	vmul.f32 v22, v7;
	v25 =	vadd.f32 $0.0e+00, v25  }
0xcd: {  	v32 =	vadd.f32 v32, v43;
	v45 =	vmul.f32 $2.000000030e-01, v29;
	v26 =	vmax.f32 v26, v42  }
0xce: {  	v47 =	vmul.f32 v26, v10;
	v22 =	vadd.f32 v22, v25  }
0xcf: {  	v23 =	vadd.f32 v23, v46;
	v49 =	vmul.f32 $2.000000030e-01, v32;
	v48 =	vmax.f32 v29, v45  }
0xd0: {  	v50 =	vmul.f32 v48, v13;
	v22 =	vadd.f32 v47, v22  }
0xd1: {  	v52 =	vmul.f32 $2.000000030e-01, v23;
	v51 =	vmax.f32 v32, v49  }
0xd2: {  	v53 =	vmul.f32 v51, v16;
	v22 =	vadd.f32 v50, v22  }
0xd3: {  	v23 =	vmax.f32 v23, v52  }
0xd4: {  	v23 =	vmul.f32 v23, v19;
	v22 =	vadd.f32 v53, v22;
	_ =	sdelay $0x1  }
0xd5: {  	v22 =	vadd.f32 v23, v22;
	_ =	sdelay $0x1  }
0xd6: {  	v22 =	vmul.f32 $1.442695020e+00, v22;
	_ =	sdelay $0x1  }
0xd7: {  	(erf) = vpow2.f32 v22;
	_ =	sdelay $0x5  }
0xd8: {  	v21 =	vshll.u32 v21, $0x4  }
0xd9: {  	v54 =	vor.u32 $0x1, v21  }
0xda: {  	v55 =	vor.u32 $0x2, v21  }
0xdb: {  	v57 =	vor.u32 $0x3, v21;
	v56 =	vpop (erf)  }
0xdc: {  	v58 =	vor.u32 $0x4, v21;
	v24 =	vmul.f32 v56, v24  }
0xdd: {  	v59 =	vor.u32 $0x5, v21;
	[tilespmem:v21+s0+$0x0] =	vst.idx.msk $0xffff, v56;
	v28 =	vmul.f32 v56, v28  }
0xde: {  	v61 =	vor.u32 $0x6, v21;
	v60 =	vmul.f32 v56, v31;
	[tilespmem:v54+s0+$0x0] =	vst.idx.msk $0xffff, v24  }
0xdf: {  	v63 =	vor.u32 $0x7, v21;
	v62 =	vmul.f32 v56, v33;
	[tilespmem:v55+s0+$0x0] =	vst.idx.msk $0xffff, v28  }
0xe0: {  	v35 =	vor.u32 $0x8, v21;
	v33 =	vmul.f32 v56, v30;
	[tilespmem:v57+s0+$0x0] =	vst.idx.msk $0xffff, v60  }
0xe1: {  	s12 =	sadd.s32 $0x20, s30;
	v36 =	vmul.f32 v56, v34;
	v21 =	vor.u32 $0x9, v21;
	[tilespmem:v58+s0+$0x0] =	vst.idx.msk $0xffff, v62  }
0xe2: {  	v22 =	vor.u32 s12, v0;
	[tilespmem:v59+s0+$0x0] =	vst.idx.msk $0xffff, v33  }
0xe3: {  	v37 =	vshll.u32 v22, $0x3;
	[tilespmem:v61+s0+$0x0] =	vst.idx.msk $0xffff, v36  }
0xe4: {  	[tilespmem:v63+s0+$0x0] =	vst.idx.msk $0xffff, v1  }
0xe5: {  	[tilespmem:v35+s0+$0x0] =	vst.idx.msk $0xffff, v20  }
0xe6: {  	v38 =	vor.u32 $0x1, v37;
	[tilespmem:v21+s0+$0x0] =	vst.idx.msk $0xffff, v27  }
0xe7: {  	v20 =	vld [tilespmem:s21+$0x0]  }
0xe8: {  	v40 =	vor.u32 $0x2, v37;
	v24 =	vld.idx.msk [tilespmem:v37+s15+$0x0], $0xffff  }
0xe9: {  	v39 =	vld.idx.msk [tilespmem:v37+s16+$0x0], $0xffff  }
0xea: {  	v41 =	vor.u32 $0x3, v37;
	v27 =	vld [tilespmem:s22+$0x0]  }
0xeb: {  	v28 =	vld.idx.msk [tilespmem:v38+s15+$0x0], $0xffff  }
0xec: {  	v43 =	vor.u32 $0x4, v37;
	v21 =	vld.idx.msk [tilespmem:v38+s16+$0x0], $0xffff  }
0xed: {  	v31 =	vld.idx.msk [tilespmem:v40+s15+$0x0], $0xffff  }
0xee: {  	v23 =	vor.u32 $0x5, v37;
	v26 =	vld.idx.msk [tilespmem:v40+s16+$0x0], $0xffff  }
0xef: {  	v33 =	vld.idx.msk [tilespmem:v41+s15+$0x0], $0xffff  }
0xf0: {  	v29 =	vld.idx.msk [tilespmem:v41+s16+$0x0], $0xffff  }
0xf1: {  	v30 =	vld.idx.msk [tilespmem:v43+s15+$0x0], $0xffff  }
0xf2: {  	v32 =	vld.idx.msk [tilespmem:v43+s16+$0x0], $0xffff;
	v25 =	vadd.f32 v39, v24;
	v42 =	vmul.f32 v20, v2;
	v44 =	vmul.f32 v27, v3  }
0xf3: {  	v49 =	vld.idx.msk [tilespmem:v23+s15+$0x0], $0xffff;
	v21 =	vadd.f32 v21, v28;
	v45 =	vmul.f32 v20, v5;
	v47 =	vmul.f32 v27, v6  }
0xf4: {  	v23 =	vld.idx.msk [tilespmem:v23+s16+$0x0], $0xffff;
	v26 =	vadd.f32 v26, v31;
	v48 =	vmul.f32 v20, v8;
	v25 =	vadd.f32 v25, v42  }
0xf5: {  	v50 =	vmul.f32 v27, v9;
	v29 =	vadd.f32 v29, v33;
	v51 =	vmul.f32 v20, v11  }
0xf6: {  	v53 =	vmul.f32 v27, v12;
	v21 =	vadd.f32 v21, v45;
	v25 =	vadd.f32 v25, v44  }
0xf7: {  	v32 =	vadd.f32 v32, v30;
	v54 =	vmul.f32 v20, v14;
	v56 =	vmul.f32 v27, v15  }
0xf8: {  	v26 =	vadd.f32 v26, v48;
	v21 =	vadd.f32 v21, v47;
	v46 =	vmul.f32 $2.000000030e-01, v25  }
0xf9: {  	v23 =	vadd.f32 v23, v49;
	v57 =	vmul.f32 v20, v17;
	v29 =	vadd.f32 v29, v51  }
0xfa: {  	v26 =	vadd.f32 v26, v50;
	v52 =	vmul.f32 $2.000000030e-01, v21;
	v25 =	vmax.f32 v25, v46  }
0xfb: {  	v59 =	vmul.f32 v27, v18;
	v32 =	vadd.f32 v32, v54;
	v25 =	vmul.f32 v25, v4  }
0xfc: {  	v29 =	vadd.f32 v29, v53;
	v55 =	vmul.f32 $2.000000030e-01, v26;
	v21 =	vmax.f32 v21, v52  }
0xfd: {  	v23 =	vadd.f32 v23, v57;
	v21 =	vmul.f32 v21, v7;
	v25 =	vadd.f32 $0.0e+00, v25  }
0xfe: {  	v32 =	vadd.f32 v32, v56;
	v58 =	vmul.f32 $2.000000030e-01, v29;
	v26 =	vmax.f32 v26, v55  }
0xff: {  	v60 =	vmul.f32 v26, v10;
	v21 =	vadd.f32 v21, v25  }
0x100: {  	v23 =	vadd.f32 v23, v59;
	v62 =	vmul.f32 $2.000000030e-01, v32;
	v61 =	vmax.f32 v29, v58  }
0x101: {  	v63 =	vmul.f32 v61, v13;
	v21 =	vadd.f32 v60, v21  }
0x102: {  	v35 =	vmul.f32 $2.000000030e-01, v23;
	v32 =	vmax.f32 v32, v62  }
0x103: {  	v36 =	vmul.f32 v32, v16;
	v21 =	vadd.f32 v63, v21  }
0x104: {  	v23 =	vmax.f32 v23, v35  }
0x105: {  	v23 =	vmul.f32 v23, v19;
	v21 =	vadd.f32 v36, v21;
	_ =	sdelay $0x1  }
0x106: {  	v21 =	vadd.f32 v23, v21;
	_ =	sdelay $0x1  }
0x107: {  	v21 =	vmul.f32 $1.442695020e+00, v21;
	_ =	sdelay $0x1  }
0x108: {  	(erf) = vpow2.f32 v21;
	_ =	sdelay $0x5  }
0x109: {  	v37 =	vshll.u32 v22, $0x4  }
0x10a: {  	v22 =	vor.u32 $0x1, v37  }
0x10b: {  	v38 =	vor.u32 $0x2, v37  }
0x10c: {  	v40 =	vor.u32 $0x3, v37;
	v39 =	vpop (erf)  }
0x10d: {  	v41 =	vor.u32 $0x4, v37;
	v24 =	vmul.f32 v39, v24  }
0x10e: {  	v42 =	vor.u32 $0x5, v37;
	[tilespmem:v37+s0+$0x0] =	vst.idx.msk $0xffff, v39;
	v28 =	vmul.f32 v39, v28  }
0x10f: {  	v44 =	vor.u32 $0x6, v37;
	v43 =	vmul.f32 v39, v31;
	[tilespmem:v22+s0+$0x0] =	vst.idx.msk $0xffff, v24  }
0x110: {  	v46 =	vor.u32 $0x7, v37;
	v45 =	vmul.f32 v39, v33;
	[tilespmem:v38+s0+$0x0] =	vst.idx.msk $0xffff, v28  }
0x111: {  	v48 =	vor.u32 $0x8, v37;
	v47 =	vmul.f32 v39, v30;
	[tilespmem:v40+s0+$0x0] =	vst.idx.msk $0xffff, v43  }
0x112: {  	v21 =	vor.u32 $0x9, v37;
	v49 =	vmul.f32 v39, v49;
	[tilespmem:v41+s0+$0x0] =	vst.idx.msk $0xffff, v45  }
0x113: {  	s12 =	sadd.s32 $0x30, s30;
	[tilespmem:v42+s0+$0x0] =	vst.idx.msk $0xffff, v47  }
0x114: {  	v22 =	vor.u32 s12, v0;
	[tilespmem:v44+s0+$0x0] =	vst.idx.msk $0xffff, v49  }
0x115: {  	v50 =	vshll.u32 v22, $0x3;
	[tilespmem:v46+s0+$0x0] =	vst.idx.msk $0xffff, v1  }
0x116: {  	[tilespmem:v48+s0+$0x0] =	vst.idx.msk $0xffff, v20  }
0x117: {  	v51 =	vor.u32 $0x2, v50;
	[tilespmem:v21+s0+$0x0] =	vst.idx.msk $0xffff, v27  }
0x118: {  	v21 =	vld [tilespmem:s21+$0x10]  }
0x119: {  	v52 =	vor.u32 $0x3, v50;
	v25 =	vld [tilespmem:s22+$0x10]  }
0x11a: {  	v20 =	vor.u32 $0x1, v50;
	v26 =	vld.idx.msk [tilespmem:v50+s15+$0x0], $0xffff  }
0x11b: {  	v27 =	vld.idx.msk [tilespmem:v50+s16+$0x0], $0xffff  }
0x11c: {  	v29 =	vld.idx.msk [tilespmem:v51+s15+$0x0], $0xffff  }
0x11d: {  	v53 =	vor.u32 $0x4, v50;
	v24 =	vld.idx.msk [tilespmem:v51+s16+$0x0], $0xffff  }
0x11e: {  	v32 =	vld.idx.msk [tilespmem:v52+s15+$0x0], $0xffff  }
0x11f: {  	v23 =	vor.u32 $0x5, v50;
	v28 =	vld.idx.msk [tilespmem:v20+s15+$0x0], $0xffff  }
0x120: {  	v20 =	vld.idx.msk [tilespmem:v20+s16+$0x0], $0xffff  }
0x121: {  	v30 =	vld.idx.msk [tilespmem:v52+s16+$0x0], $0xffff  }
0x122: {  	v35 =	vld.idx.msk [tilespmem:v53+s15+$0x0], $0xffff  }
0x123: {  	v31 =	vld.idx.msk [tilespmem:v53+s16+$0x0], $0xffff;
	v27 =	vadd.f32 v27, v26;
	v54 =	vmul.f32 v21, v2;
	v55 =	vmul.f32 v25, v3  }
0x124: {  	v33 =	vld.idx.msk [tilespmem:v23+s15+$0x0], $0xffff;
	v56 =	vmul.f32 v21, v5;
	v24 =	vadd.f32 v24, v29;
	v57 =	vmul.f32 v21, v8  }
0x125: {  	v23 =	vld.idx.msk [tilespmem:v23+s16+$0x0], $0xffff;
	v58 =	vmul.f32 v25, v6;
	v27 =	vadd.f32 v27, v54;
	v20 =	vadd.f32 v20, v28  }
0x126: {  	v59 =	vmul.f32 v25, v9;
	v30 =	vadd.f32 v30, v32;
	v63 =	vmul.f32 v21, v11  }
0x127: {  	v40 =	vmul.f32 v21, v14;
	v27 =	vadd.f32 v27, v55;
	v20 =	vadd.f32 v20, v56  }
0x128: {  	v31 =	vadd.f32 v31, v35;
	v41 =	vmul.f32 v25, v12;
	v42 =	vmul.f32 v25, v15  }
0x129: {  	v24 =	vadd.f32 v24, v57;
	v60 =	vmul.f32 $2.000000030e-01, v27;
	v20 =	vadd.f32 v20, v58  }
0x12a: {  	v23 =	vadd.f32 v23, v33;
	v43 =	vmul.f32 v21, v17;
	v30 =	vadd.f32 v30, v63  }
0x12b: {  	v24 =	vadd.f32 v24, v59;
	v27 =	vmax.f32 v27, v60;
	v61 =	vmul.f32 $2.000000030e-01, v20  }
0x12c: {  	v45 =	vmul.f32 v25, v18;
	v31 =	vadd.f32 v31, v40;
	v27 =	vmul.f32 v27, v4  }
0x12d: {  	v30 =	vadd.f32 v30, v41;
	v62 =	vmul.f32 $2.000000030e-01, v24;
	v20 =	vmax.f32 v20, v61  }
0x12e: {  	v23 =	vadd.f32 v23, v43;
	v27 =	vadd.f32 $0.0e+00, v27;
	v20 =	vmul.f32 v20, v7  }
0x12f: {  	v31 =	vadd.f32 v31, v42;
	v44 =	vmul.f32 $2.000000030e-01, v30;
	v24 =	vmax.f32 v24, v62  }
0x130: {  	v24 =	vmul.f32 v24, v10;
	v20 =	vadd.f32 v20, v27  }
0x131: {  	v23 =	vadd.f32 v23, v45;
	v47 =	vmul.f32 $2.000000030e-01, v31;
	v46 =	vmax.f32 v30, v44  }
0x132: {  	v48 =	vmul.f32 v46, v13;
	v20 =	vadd.f32 v24, v20  }
0x133: {  	v50 =	vmul.f32 $2.000000030e-01, v23;
	v49 =	vmax.f32 v31, v47  }
0x134: {  	v51 =	vmul.f32 v49, v16;
	v20 =	vadd.f32 v48, v20  }
0x135: {  	v23 =	vmax.f32 v23, v50  }
0x136: {  	v23 =	vmul.f32 v23, v19;
	v20 =	vadd.f32 v51, v20;
	_ =	sdelay $0x1  }
0x137: {  	v20 =	vadd.f32 v23, v20;
	_ =	sdelay $0x1  }
0x138: {  	v20 =	vmul.f32 $1.442695020e+00, v20;
	_ =	sdelay $0x1  }
0x139: {  	(erf) = vpow2.f32 v20;
	_ =	sdelay $0x5  }
0x13a: {  	v20 =	vshll.u32 v22, $0x4  }
0x13b: {  	v22 =	vor.u32 $0x1, v20  }
0x13c: {  	v52 =	vor.u32 $0x2, v20  }
0x13d: {  	v54 =	vor.u32 $0x3, v20;
	v53 =	vpop (erf)  }
0x13e: {  	v55 =	vor.u32 $0x4, v20;
	v26 =	vmul.f32 v53, v26  }
0x13f: {  	v56 =	vor.u32 $0x5, v20;
	[tilespmem:v20+s0+$0x0] =	vst.idx.msk $0xffff, v53;
	v28 =	vmul.f32 v53, v28  }
0x140: {  	v58 =	vor.u32 $0x6, v20;
	v57 =	vmul.f32 v53, v29;
	[tilespmem:v22+s0+$0x0] =	vst.idx.msk $0xffff, v26  }
0x141: {  	v60 =	vor.u32 $0x7, v20;
	v59 =	vmul.f32 v53, v32;
	[tilespmem:v52+s0+$0x0] =	vst.idx.msk $0xffff, v28  }
0x142: {  	s18 =	sadd.s32 $0x4, s18;
	v62 =	vor.u32 $0x8, v20;
	v61 =	vmul.f32 v53, v35;
	[tilespmem:v54+s0+$0x0] =	vst.idx.msk $0xffff, v57  }
0x143: {  	p1 =	slt.u32 s18, $0xC;
	v63 =	vmul.f32 v53, v33;
	v20 =	vor.u32 $0x9, v20;
	[tilespmem:v55+s0+$0x0] =	vst.idx.msk $0xffff, v59  }
.Ltmp0:
0x144: {  	[tilespmem:v56+s0+$0x0] =	vst.idx.msk $0xffff, v61;
	(pc) =	sbr.rel @p1 .LBB2_3-.Ltmp0, $4  }
0x145: {  	[tilespmem:v58+s0+$0x0] =	vst.idx.msk $0xffff, v63  }
0x146: {  	[tilespmem:v60+s0+$0x0] =	vst.idx.msk $0xffff, v1  }
0x147: {  	[tilespmem:v62+s0+$0x0] =	vst.idx.msk $0xffff, v21  }
0x148: {  	s30 =	sadd.s32 $0x40, s30;
	s21 =	sadd.s32 $0x40, s21;
	s22 =	sadd.s32 $0x40, s22;
	[tilespmem:v20+s0+$0x0] =	vst.idx.msk $0xffff, v25  }
0x149: {  	s12 =	simm.s32 $0x18AB0  }
0x14a: {  	[spmem:s2] =	stream.indirect.scatter.add.f32 [tilespmem:s0], [sflag:$0x7], $0x10, s12, s14, $0xb8;
	[tilespmem:$0x1D6C8] =	vst v63  }
0x14b: {  	s22 =	simm.s32 $0x18B30;
	s18 =	simm.s32 $0x1BEB0  }
0x14c: {  	[spmem:s2] =	stream.indirect.scatter.add.f32 [tilespmem:s18], [sflag:$0x7], $0x10, s22, s14, $0xb8;
	[tilespmem:$0x1D6C8] =	vst v63  }
0x14d: {  	_ =	swait.ge [sflag:s17], $0x400  }
0x14e: {  	[sflag:s17] =	ssyncset.done $0x0  }
0x14f: {  	[sflag:s17] =	ssyncadd.s32 $0xFFFFFC00  }
0x150: {  	_ =	swait.ge [sflag:s17], $0x400  }
0x151: {  	[sflag:s17] =	ssyncset.done $0x0  }
0x152: {  	[sflag:s17] =	ssyncadd.s32 $0xFFFFFC00  }
0x153: {  	_ =	swait.ge [sflag:s17], $0x400  }
0x154: {  	[sflag:s17] =	ssyncset.done $0x0  }
0x155: {  	[sflag:s17] =	ssyncadd.s32 $0xFFFFFC00  }
0x156: {  	_ =	swait.ge [sflag:s17], $0x400  }
0x157: {  	[sflag:s17] =	ssyncset.done $0x0  }
0x158: {  	s12 =	simm.s32 @!p0 $0xA;
	[sflag:s17] =	ssyncadd.s32 $0xFFFFFC00  }
0x159: {  	_ =	swait.ge @!p0 [sflag:s12], $0x800  }
0x15a: {  	[sflag:s12] =	ssyncset.done @!p0 $0x0  }
0x15b: {  	[sflag:s12] =	ssyncadd.s32 @!p0 $0xFFFFF800  }
0x15c: {  	_ =	swait.ge @!p0 [sflag:s12], $0x800  }
0x15d: {  	s21 =	rddreg [dreg:$0xf]  }
0x15e: {  	s18 =	sadd.s32 s31, s21  }
0x15f: {  	s30 =	simm.s32 $0x0;
	[sflag:s12] =	ssyncset.done @!p0 $0x0;
	s18 =	sshrl.u32 s18, $0x3  }
0x160: {  	[sflag:s12] =	ssyncadd.s32 @!p0 $0xFFFFF800;
	s21 =	simm.s32 $0x189B0;
	s22 =	sadd.s32 s5, s18  }
0x161: {  	[tilespmem:s21], [sflag:$0x4] =	stream.linear.gather [hbm4b:s22+s30], $0x100, $0x38;
	[tilespmem:$0x1D6C8] =	vst v63  }
0x162: {  	s22 =	sadd.s32 s6, s18  }
0x163: {  	[tilespmem:s19], [sflag:$0x4] =	stream.linear.gather [hbm4b:s22+s30], $0x100, $0x38;
	[tilespmem:$0x1D6C8] =	vst v63  }
0x164: {  	s21 =	sadd.s32 s7, s18;
	s22 =	simm.s32 $0x191B0  }
0x165: {  	[tilespmem:s22], [sflag:$0x4] =	stream.linear.gather [hbm4b:s21+s30], $0x100, $0x38;
	[tilespmem:$0x1D6C8] =	vst v63  }
0x166: {  	s21 =	sadd.s32 s8, s18;
	s22 =	simm.s32 $0x195B0  }
0x167: {  	[tilespmem:s22], [sflag:$0x4] =	stream.linear.gather [hbm4b:s21+s30], $0x100, $0x38;
	[tilespmem:$0x1D6C8] =	vst v63  }
0x168: {  	_ =	swait.ge [sflag:s4], $0x100  }
0x169: {  	[sflag:s4] =	ssyncset.done $0x0  }
0x16a: {  	[sflag:s4] =	ssyncadd.s32 $0xFFFFFF00  }
0x16b: {  	_ =	swait.ge [sflag:s4], $0x100  }
0x16c: {  	[sflag:s4] =	ssyncset.done $0x0  }
0x16d: {  	[sflag:s4] =	ssyncadd.s32 $0xFFFFFF00  }
0x16e: {  	_ =	swait.ge [sflag:s4], $0x100  }
0x16f: {  	[sflag:s4] =	ssyncset.done $0x0  }
0x170: {  	[sflag:s4] =	ssyncadd.s32 $0xFFFFFF00  }
0x171: {  	_ =	swait.ge [sflag:s4], $0x100  }
0x172: {  	[sflag:s4] =	ssyncset.done $0x0  }
0x173: {  	s18 =	simm.s32 $0x188B0;
	[sflag:s4] =	ssyncadd.s32 $0xFFFFFF00  }
0x174: {  	[tilespmem:s15], [sflag:$0x5] =	stream.indirect.gather [hbm4b:s9+s14], $0x8, s18, s14, $0xb8;
	[tilespmem:$0x1D6C8] =	vst v63  }
0x175: {  	_ = 	snop  }
0x176: {  	[tilespmem:s16], [sflag:$0x5] =	stream.indirect.gather [hbm4b:s10+s14], $0x8, s26, s14, $0xb8;
	[tilespmem:$0x1D6C8] =	vst v63  }
0x177: {  	s21 =	simm.s32 $0x19AB0;
	s22 =	simm.s32 $0x18930  }
0x178: {  	[tilespmem:s21], [sflag:$0x5] =	stream.indirect.gather [hbm4b:s9+s14], $0x8, s22, s14, $0xb8;
	[tilespmem:$0x1D6C8] =	vst v63  }
0x179: {  	s21 =	simm.s32 $0x1AAB0;
	s22 =	simm.s32 $0x18D30  }
0x17a: {  	[tilespmem:s21], [sflag:$0x5] =	stream.indirect.gather [hbm4b:s10+s14], $0x8, s22, s14, $0xb8;
	[tilespmem:$0x1D6C8] =	vst v63  }
0x17b: {  	s18 =	simm.s32 $0xFFFFFFFC;
	s21 =	simm.s32 $0x18FD0;
	s22 =	simm.s32 $0x193D0  }
.LBB2_5:
0x17c: {  	v20 =	vor.u32 s30, v0  }
0x17d: {  	v21 =	vshll.u32 v20, $0x3;
	_ =	sdelay $0x1  }
0x17e: {  	v23 =	vor.u32 $0x1, v21  }
0x17f: {  	v22 =	vld [tilespmem:s21+$0xFFFFFFE0]  }
0x180: {  	v27 =	vld [tilespmem:s22+$0xFFFFFFE0];
	v26 =	vor.u32 $0x2, v21  }
0x181: {  	v24 =	vld.idx.msk [tilespmem:v21+s3+$0x0], $0xffff  }
0x182: {  	v29 =	vor.u32 $0x3, v21;
	v25 =	vld.idx.msk [tilespmem:v21+s13+$0x0], $0xffff  }
0x183: {  	v28 =	vld.idx.msk [tilespmem:v23+s3+$0x0], $0xffff  }
0x184: {  	v32 =	vor.u32 $0x4, v21;
	v23 =	vld.idx.msk [tilespmem:v23+s13+$0x0], $0xffff  }
0x185: {  	v31 =	vld.idx.msk [tilespmem:v26+s3+$0x0], $0xffff  }
0x186: {  	v26 =	vld.idx.msk [tilespmem:v26+s13+$0x0], $0xffff  }
0x187: {  	v30 =	vmul.f32 v22, v2;
	v21 =	vor.u32 $0x5, v21;
	v33 =	vld.idx.msk [tilespmem:v29+s3+$0x0], $0xffff  }
0x188: {  	v46 =	vmul.f32 v27, v3;
	v47 =	vmul.f32 v22, v5;
	v29 =	vld.idx.msk [tilespmem:v29+s13+$0x0], $0xffff;
	v25 =	vadd.f32 v25, v24  }
0x189: {  	v35 =	vmul.f32 v27, v6;
	v36 =	vmul.f32 v22, v8;
	v48 =	vld.idx.msk [tilespmem:v32+s3+$0x0], $0xffff  }
0x18a: {  	v50 =	vmul.f32 v27, v9;
	v32 =	vld.idx.msk [tilespmem:v32+s13+$0x0], $0xffff;
	v23 =	vadd.f32 v23, v28;
	v25 =	vadd.f32 v25, v30  }
0x18b: {  	v51 =	vmul.f32 v22, v11;
	v52 =	vmul.f32 v27, v12;
	v26 =	vadd.f32 v26, v31  }
0x18c: {  	v53 =	vmul.f32 v22, v14;
	v49 =	vld.idx.msk [tilespmem:v21+s3+$0x0], $0xffff;
	v23 =	vadd.f32 v23, v47;
	v25 =	vadd.f32 v25, v46  }
0x18d: {  	v55 =	vmul.f32 v27, v15;
	v56 =	vmul.f32 v22, v17;
	v21 =	vld.idx.msk [tilespmem:v21+s13+$0x0], $0xffff;
	v29 =	vadd.f32 v29, v33  }
0x18e: {  	v26 =	vadd.f32 v26, v36;
	v23 =	vadd.f32 v23, v35;
	v34 =	vmul.f32 $2.000000030e-01, v25  }
0x18f: {  	v58 =	vmul.f32 v27, v18;
	v32 =	vadd.f32 v32, v48;
	v29 =	vadd.f32 v29, v51  }
0x190: {  	v26 =	vadd.f32 v26, v50;
	v37 =	vmul.f32 $2.000000030e-01, v23;
	v25 =	vmax.f32 v25, v34  }
0x191: {  	v32 =	vadd.f32 v32, v53;
	v29 =	vadd.f32 v29, v52;
	v25 =	vmul.f32 v25, v4  }
0x192: {  	v21 =	vadd.f32 v21, v49;
	v54 =	vmul.f32 $2.000000030e-01, v26;
	v23 =	vmax.f32 v23, v37  }
0x193: {  	v32 =	vadd.f32 v32, v55;
	v23 =	vmul.f32 v23, v7;
	v25 =	vadd.f32 $0.0e+00, v25  }
0x194: {  	v57 =	vmul.f32 $2.000000030e-01, v29;
	v21 =	vadd.f32 v21, v56;
	v26 =	vmax.f32 v26, v54  }
0x195: {  	v59 =	vmul.f32 v26, v10;
	v23 =	vadd.f32 v23, v25  }
0x196: {  	v61 =	vmul.f32 $2.000000030e-01, v32;
	v60 =	vmax.f32 v29, v57;
	v21 =	vadd.f32 v21, v58  }
0x197: {  	v62 =	vmul.f32 v60, v13;
	v23 =	vadd.f32 v59, v23  }
0x198: {  	v63 =	vmax.f32 v32, v61;
	v32 =	vmul.f32 $2.000000030e-01, v21  }
0x199: {  	v35 =	vmul.f32 v63, v16;
	v23 =	vadd.f32 v62, v23  }
0x19a: {  	v21 =	vmax.f32 v21, v32  }
0x19b: {  	v21 =	vmul.f32 v21, v19;
	v23 =	vadd.f32 v35, v23;
	_ =	sdelay $0x1  }
0x19c: {  	v21 =	vadd.f32 v21, v23;
	_ =	sdelay $0x1  }
0x19d: {  	v21 =	vmul.f32 $1.442695020e+00, v21;
	_ =	sdelay $0x1  }
0x19e: {  	(erf) = vpow2.f32 v21;
	_ =	sdelay $0x5  }
0x19f: {  	v20 =	vshll.u32 v20, $0x4  }
0x1a0: {  	v36 =	vor.u32 $0x1, v20  }
0x1a1: {  	v37 =	vor.u32 $0x2, v20  }
0x1a2: {  	v39 =	vor.u32 $0x3, v20;
	v38 =	vpop (erf)  }
0x1a3: {  	v40 =	vor.u32 $0x4, v20;
	v24 =	vmul.f32 v38, v24  }
0x1a4: {  	v41 =	vor.u32 $0x5, v20;
	[tilespmem:v20+s1+$0x0] =	vst.idx.msk $0xffff, v38;
	v28 =	vmul.f32 v38, v28  }
0x1a5: {  	v43 =	vor.u32 $0x6, v20;
	v42 =	vmul.f32 v38, v31;
	[tilespmem:v36+s1+$0x0] =	vst.idx.msk $0xffff, v24  }
0x1a6: {  	v45 =	vor.u32 $0x7, v20;
	v44 =	vmul.f32 v38, v33;
	[tilespmem:v37+s1+$0x0] =	vst.idx.msk $0xffff, v28  }
0x1a7: {  	v47 =	vor.u32 $0x8, v20;
	v46 =	vmul.f32 v38, v48;
	[tilespmem:v39+s1+$0x0] =	vst.idx.msk $0xffff, v42  }
0x1a8: {  	s12 =	sadd.s32 $0x10, s30;
	v48 =	vmul.f32 v38, v49;
	v20 =	vor.u32 $0x9, v20;
	[tilespmem:v40+s1+$0x0] =	vst.idx.msk $0xffff, v44  }
0x1a9: {  	v21 =	vor.u32 s12, v0;
	[tilespmem:v41+s1+$0x0] =	vst.idx.msk $0xffff, v46  }
0x1aa: {  	v49 =	vshll.u32 v21, $0x3;
	[tilespmem:v43+s1+$0x0] =	vst.idx.msk $0xffff, v48  }
0x1ab: {  	[tilespmem:v45+s1+$0x0] =	vst.idx.msk $0xffff, v1  }
0x1ac: {  	[tilespmem:v47+s1+$0x0] =	vst.idx.msk $0xffff, v22  }
0x1ad: {  	v50 =	vor.u32 $0x1, v49;
	[tilespmem:v20+s1+$0x0] =	vst.idx.msk $0xffff, v27  }
0x1ae: {  	v20 =	vld [tilespmem:s21+$0xFFFFFFF0]  }
0x1af: {  	v52 =	vor.u32 $0x2, v49;
	v24 =	vld.idx.msk [tilespmem:v49+s3+$0x0], $0xffff  }
0x1b0: {  	v51 =	vld.idx.msk [tilespmem:v49+s13+$0x0], $0xffff  }
0x1b1: {  	v53 =	vor.u32 $0x3, v49;
	v27 =	vld [tilespmem:s22+$0xFFFFFFF0]  }
0x1b2: {  	v28 =	vld.idx.msk [tilespmem:v50+s3+$0x0], $0xffff  }
0x1b3: {  	v55 =	vor.u32 $0x4, v49;
	v22 =	vld.idx.msk [tilespmem:v50+s13+$0x0], $0xffff  }
0x1b4: {  	v31 =	vld.idx.msk [tilespmem:v52+s3+$0x0], $0xffff  }
0x1b5: {  	v23 =	vor.u32 $0x5, v49;
	v26 =	vld.idx.msk [tilespmem:v52+s13+$0x0], $0xffff  }
0x1b6: {  	v33 =	vld.idx.msk [tilespmem:v53+s3+$0x0], $0xffff  }
0x1b7: {  	v29 =	vld.idx.msk [tilespmem:v53+s13+$0x0], $0xffff  }
0x1b8: {  	v30 =	vld.idx.msk [tilespmem:v55+s3+$0x0], $0xffff  }
0x1b9: {  	v32 =	vld.idx.msk [tilespmem:v55+s13+$0x0], $0xffff;
	v25 =	vadd.f32 v51, v24;
	v54 =	vmul.f32 v20, v2;
	v56 =	vmul.f32 v27, v3  }
0x1ba: {  	v34 =	vld.idx.msk [tilespmem:v23+s3+$0x0], $0xffff;
	v22 =	vadd.f32 v22, v28;
	v57 =	vmul.f32 v20, v5;
	v59 =	vmul.f32 v27, v6  }
0x1bb: {  	v23 =	vld.idx.msk [tilespmem:v23+s13+$0x0], $0xffff;
	v26 =	vadd.f32 v26, v31;
	v60 =	vmul.f32 v20, v8;
	v25 =	vadd.f32 v25, v54  }
0x1bc: {  	v61 =	vmul.f32 v27, v9;
	v29 =	vadd.f32 v29, v33;
	v62 =	vmul.f32 v20, v11  }
0x1bd: {  	v40 =	vmul.f32 v27, v12;
	v22 =	vadd.f32 v22, v57;
	v25 =	vadd.f32 v25, v56  }
0x1be: {  	v32 =	vadd.f32 v32, v30;
	v41 =	vmul.f32 v20, v14;
	v43 =	vmul.f32 v27, v15  }
0x1bf: {  	v26 =	vadd.f32 v26, v60;
	v22 =	vadd.f32 v22, v59;
	v58 =	vmul.f32 $2.000000030e-01, v25  }
0x1c0: {  	v23 =	vadd.f32 v23, v34;
	v44 =	vmul.f32 v20, v17;
	v29 =	vadd.f32 v29, v62  }
0x1c1: {  	v26 =	vadd.f32 v26, v61;
	v63 =	vmul.f32 $2.000000030e-01, v22;
	v25 =	vmax.f32 v25, v58  }
0x1c2: {  	v46 =	vmul.f32 v27, v18;
	v32 =	vadd.f32 v32, v41;
	v25 =	vmul.f32 v25, v4  }
0x1c3: {  	v29 =	vadd.f32 v29, v40;
	v42 =	vmul.f32 $2.000000030e-01, v26;
	v22 =	vmax.f32 v22, v63  }
0x1c4: {  	v23 =	vadd.f32 v23, v44;
	v22 =	vmul.f32 v22, v7;
	v25 =	vadd.f32 $0.0e+00, v25  }
0x1c5: {  	v32 =	vadd.f32 v32, v43;
	v45 =	vmul.f32 $2.000000030e-01, v29;
	v26 =	vmax.f32 v26, v42  }
0x1c6: {  	v47 =	vmul.f32 v26, v10;
	v22 =	vadd.f32 v22, v25  }
0x1c7: {  	v23 =	vadd.f32 v23, v46;
	v49 =	vmul.f32 $2.000000030e-01, v32;
	v48 =	vmax.f32 v29, v45  }
0x1c8: {  	v50 =	vmul.f32 v48, v13;
	v22 =	vadd.f32 v47, v22  }
0x1c9: {  	v52 =	vmul.f32 $2.000000030e-01, v23;
	v51 =	vmax.f32 v32, v49  }
0x1ca: {  	v53 =	vmul.f32 v51, v16;
	v22 =	vadd.f32 v50, v22  }
0x1cb: {  	v23 =	vmax.f32 v23, v52  }
0x1cc: {  	v23 =	vmul.f32 v23, v19;
	v22 =	vadd.f32 v53, v22;
	_ =	sdelay $0x1  }
0x1cd: {  	v22 =	vadd.f32 v23, v22;
	_ =	sdelay $0x1  }
0x1ce: {  	v22 =	vmul.f32 $1.442695020e+00, v22;
	_ =	sdelay $0x1  }
0x1cf: {  	(erf) = vpow2.f32 v22;
	_ =	sdelay $0x5  }
0x1d0: {  	v21 =	vshll.u32 v21, $0x4  }
0x1d1: {  	v54 =	vor.u32 $0x1, v21  }
0x1d2: {  	v55 =	vor.u32 $0x2, v21  }
0x1d3: {  	v57 =	vor.u32 $0x3, v21;
	v56 =	vpop (erf)  }
0x1d4: {  	v58 =	vor.u32 $0x4, v21;
	v24 =	vmul.f32 v56, v24  }
0x1d5: {  	v59 =	vor.u32 $0x5, v21;
	[tilespmem:v21+s1+$0x0] =	vst.idx.msk $0xffff, v56;
	v28 =	vmul.f32 v56, v28  }
0x1d6: {  	v61 =	vor.u32 $0x6, v21;
	v60 =	vmul.f32 v56, v31;
	[tilespmem:v54+s1+$0x0] =	vst.idx.msk $0xffff, v24  }
0x1d7: {  	v63 =	vor.u32 $0x7, v21;
	v62 =	vmul.f32 v56, v33;
	[tilespmem:v55+s1+$0x0] =	vst.idx.msk $0xffff, v28  }
0x1d8: {  	v35 =	vor.u32 $0x8, v21;
	v33 =	vmul.f32 v56, v30;
	[tilespmem:v57+s1+$0x0] =	vst.idx.msk $0xffff, v60  }
0x1d9: {  	s12 =	sadd.s32 $0x20, s30;
	v36 =	vmul.f32 v56, v34;
	v21 =	vor.u32 $0x9, v21;
	[tilespmem:v58+s1+$0x0] =	vst.idx.msk $0xffff, v62  }
0x1da: {  	v22 =	vor.u32 s12, v0;
	[tilespmem:v59+s1+$0x0] =	vst.idx.msk $0xffff, v33  }
0x1db: {  	v37 =	vshll.u32 v22, $0x3;
	[tilespmem:v61+s1+$0x0] =	vst.idx.msk $0xffff, v36  }
0x1dc: {  	[tilespmem:v63+s1+$0x0] =	vst.idx.msk $0xffff, v1  }
0x1dd: {  	[tilespmem:v35+s1+$0x0] =	vst.idx.msk $0xffff, v20  }
0x1de: {  	v38 =	vor.u32 $0x1, v37;
	[tilespmem:v21+s1+$0x0] =	vst.idx.msk $0xffff, v27  }
0x1df: {  	v20 =	vld [tilespmem:s21+$0x0]  }
0x1e0: {  	v40 =	vor.u32 $0x2, v37;
	v24 =	vld.idx.msk [tilespmem:v37+s3+$0x0], $0xffff  }
0x1e1: {  	v39 =	vld.idx.msk [tilespmem:v37+s13+$0x0], $0xffff  }
0x1e2: {  	v41 =	vor.u32 $0x3, v37;
	v27 =	vld [tilespmem:s22+$0x0]  }
0x1e3: {  	v28 =	vld.idx.msk [tilespmem:v38+s3+$0x0], $0xffff  }
0x1e4: {  	v43 =	vor.u32 $0x4, v37;
	v21 =	vld.idx.msk [tilespmem:v38+s13+$0x0], $0xffff  }
0x1e5: {  	v31 =	vld.idx.msk [tilespmem:v40+s3+$0x0], $0xffff  }
0x1e6: {  	v23 =	vor.u32 $0x5, v37;
	v26 =	vld.idx.msk [tilespmem:v40+s13+$0x0], $0xffff  }
0x1e7: {  	v33 =	vld.idx.msk [tilespmem:v41+s3+$0x0], $0xffff  }
0x1e8: {  	v29 =	vld.idx.msk [tilespmem:v41+s13+$0x0], $0xffff  }
0x1e9: {  	v30 =	vld.idx.msk [tilespmem:v43+s3+$0x0], $0xffff  }
0x1ea: {  	v32 =	vld.idx.msk [tilespmem:v43+s13+$0x0], $0xffff;
	v25 =	vadd.f32 v39, v24;
	v42 =	vmul.f32 v20, v2;
	v44 =	vmul.f32 v27, v3  }
0x1eb: {  	v49 =	vld.idx.msk [tilespmem:v23+s3+$0x0], $0xffff;
	v21 =	vadd.f32 v21, v28;
	v45 =	vmul.f32 v20, v5;
	v47 =	vmul.f32 v27, v6  }
0x1ec: {  	v23 =	vld.idx.msk [tilespmem:v23+s13+$0x0], $0xffff;
	v26 =	vadd.f32 v26, v31;
	v48 =	vmul.f32 v20, v8;
	v25 =	vadd.f32 v25, v42  }
0x1ed: {  	v50 =	vmul.f32 v27, v9;
	v29 =	vadd.f32 v29, v33;
	v51 =	vmul.f32 v20, v11  }
0x1ee: {  	v53 =	vmul.f32 v27, v12;
	v21 =	vadd.f32 v21, v45;
	v25 =	vadd.f32 v25, v44  }
0x1ef: {  	v32 =	vadd.f32 v32, v30;
	v54 =	vmul.f32 v20, v14;
	v56 =	vmul.f32 v27, v15  }
0x1f0: {  	v26 =	vadd.f32 v26, v48;
	v21 =	vadd.f32 v21, v47;
	v46 =	vmul.f32 $2.000000030e-01, v25  }
0x1f1: {  	v23 =	vadd.f32 v23, v49;
	v57 =	vmul.f32 v20, v17;
	v29 =	vadd.f32 v29, v51  }
0x1f2: {  	v26 =	vadd.f32 v26, v50;
	v52 =	vmul.f32 $2.000000030e-01, v21;
	v25 =	vmax.f32 v25, v46  }
0x1f3: {  	v59 =	vmul.f32 v27, v18;
	v32 =	vadd.f32 v32, v54;
	v25 =	vmul.f32 v25, v4  }
0x1f4: {  	v29 =	vadd.f32 v29, v53;
	v55 =	vmul.f32 $2.000000030e-01, v26;
	v21 =	vmax.f32 v21, v52  }
0x1f5: {  	v23 =	vadd.f32 v23, v57;
	v21 =	vmul.f32 v21, v7;
	v25 =	vadd.f32 $0.0e+00, v25  }
0x1f6: {  	v32 =	vadd.f32 v32, v56;
	v58 =	vmul.f32 $2.000000030e-01, v29;
	v26 =	vmax.f32 v26, v55  }
0x1f7: {  	v60 =	vmul.f32 v26, v10;
	v21 =	vadd.f32 v21, v25  }
0x1f8: {  	v23 =	vadd.f32 v23, v59;
	v62 =	vmul.f32 $2.000000030e-01, v32;
	v61 =	vmax.f32 v29, v58  }
0x1f9: {  	v63 =	vmul.f32 v61, v13;
	v21 =	vadd.f32 v60, v21  }
0x1fa: {  	v35 =	vmul.f32 $2.000000030e-01, v23;
	v32 =	vmax.f32 v32, v62  }
0x1fb: {  	v36 =	vmul.f32 v32, v16;
	v21 =	vadd.f32 v63, v21  }
0x1fc: {  	v23 =	vmax.f32 v23, v35  }
0x1fd: {  	v23 =	vmul.f32 v23, v19;
	v21 =	vadd.f32 v36, v21;
	_ =	sdelay $0x1  }
0x1fe: {  	v21 =	vadd.f32 v23, v21;
	_ =	sdelay $0x1  }
0x1ff: {  	v21 =	vmul.f32 $1.442695020e+00, v21;
	_ =	sdelay $0x1  }
0x200: {  	(erf) = vpow2.f32 v21;
	_ =	sdelay $0x5  }
0x201: {  	v37 =	vshll.u32 v22, $0x4  }
0x202: {  	v22 =	vor.u32 $0x1, v37  }
0x203: {  	v38 =	vor.u32 $0x2, v37  }
0x204: {  	v40 =	vor.u32 $0x3, v37;
	v39 =	vpop (erf)  }
0x205: {  	v41 =	vor.u32 $0x4, v37;
	v24 =	vmul.f32 v39, v24  }
0x206: {  	v42 =	vor.u32 $0x5, v37;
	[tilespmem:v37+s1+$0x0] =	vst.idx.msk $0xffff, v39;
	v28 =	vmul.f32 v39, v28  }
0x207: {  	v44 =	vor.u32 $0x6, v37;
	v43 =	vmul.f32 v39, v31;
	[tilespmem:v22+s1+$0x0] =	vst.idx.msk $0xffff, v24  }
0x208: {  	v46 =	vor.u32 $0x7, v37;
	v45 =	vmul.f32 v39, v33;
	[tilespmem:v38+s1+$0x0] =	vst.idx.msk $0xffff, v28  }
0x209: {  	v48 =	vor.u32 $0x8, v37;
	v47 =	vmul.f32 v39, v30;
	[tilespmem:v40+s1+$0x0] =	vst.idx.msk $0xffff, v43  }
0x20a: {  	v21 =	vor.u32 $0x9, v37;
	v49 =	vmul.f32 v39, v49;
	[tilespmem:v41+s1+$0x0] =	vst.idx.msk $0xffff, v45  }
0x20b: {  	s12 =	sadd.s32 $0x30, s30;
	[tilespmem:v42+s1+$0x0] =	vst.idx.msk $0xffff, v47  }
0x20c: {  	v22 =	vor.u32 s12, v0;
	[tilespmem:v44+s1+$0x0] =	vst.idx.msk $0xffff, v49  }
0x20d: {  	v50 =	vshll.u32 v22, $0x3;
	[tilespmem:v46+s1+$0x0] =	vst.idx.msk $0xffff, v1  }
0x20e: {  	[tilespmem:v48+s1+$0x0] =	vst.idx.msk $0xffff, v20  }
0x20f: {  	v51 =	vor.u32 $0x2, v50;
	[tilespmem:v21+s1+$0x0] =	vst.idx.msk $0xffff, v27  }
0x210: {  	v21 =	vld [tilespmem:s21+$0x10]  }
0x211: {  	v52 =	vor.u32 $0x3, v50;
	v25 =	vld [tilespmem:s22+$0x10]  }
0x212: {  	v20 =	vor.u32 $0x1, v50;
	v26 =	vld.idx.msk [tilespmem:v50+s3+$0x0], $0xffff  }
0x213: {  	v27 =	vld.idx.msk [tilespmem:v50+s13+$0x0], $0xffff  }
0x214: {  	v29 =	vld.idx.msk [tilespmem:v51+s3+$0x0], $0xffff  }
0x215: {  	v53 =	vor.u32 $0x4, v50;
	v24 =	vld.idx.msk [tilespmem:v51+s13+$0x0], $0xffff  }
0x216: {  	v32 =	vld.idx.msk [tilespmem:v52+s3+$0x0], $0xffff  }
0x217: {  	v23 =	vor.u32 $0x5, v50;
	v28 =	vld.idx.msk [tilespmem:v20+s3+$0x0], $0xffff  }
0x218: {  	v20 =	vld.idx.msk [tilespmem:v20+s13+$0x0], $0xffff  }
0x219: {  	v30 =	vld.idx.msk [tilespmem:v52+s13+$0x0], $0xffff  }
0x21a: {  	v35 =	vld.idx.msk [tilespmem:v53+s3+$0x0], $0xffff  }
0x21b: {  	v31 =	vld.idx.msk [tilespmem:v53+s13+$0x0], $0xffff;
	v27 =	vadd.f32 v27, v26;
	v54 =	vmul.f32 v21, v2;
	v55 =	vmul.f32 v25, v3  }
0x21c: {  	v33 =	vld.idx.msk [tilespmem:v23+s3+$0x0], $0xffff;
	v56 =	vmul.f32 v21, v5;
	v24 =	vadd.f32 v24, v29;
	v57 =	vmul.f32 v21, v8  }
0x21d: {  	v23 =	vld.idx.msk [tilespmem:v23+s13+$0x0], $0xffff;
	v58 =	vmul.f32 v25, v6;
	v27 =	vadd.f32 v27, v54;
	v20 =	vadd.f32 v20, v28  }
0x21e: {  	v59 =	vmul.f32 v25, v9;
	v30 =	vadd.f32 v30, v32;
	v63 =	vmul.f32 v21, v11  }
0x21f: {  	v40 =	vmul.f32 v21, v14;
	v27 =	vadd.f32 v27, v55;
	v20 =	vadd.f32 v20, v56  }
0x220: {  	v31 =	vadd.f32 v31, v35;
	v41 =	vmul.f32 v25, v12;
	v42 =	vmul.f32 v25, v15  }
0x221: {  	v24 =	vadd.f32 v24, v57;
	v60 =	vmul.f32 $2.000000030e-01, v27;
	v20 =	vadd.f32 v20, v58  }
0x222: {  	v23 =	vadd.f32 v23, v33;
	v43 =	vmul.f32 v21, v17;
	v30 =	vadd.f32 v30, v63  }
0x223: {  	v24 =	vadd.f32 v24, v59;
	v27 =	vmax.f32 v27, v60;
	v61 =	vmul.f32 $2.000000030e-01, v20  }
0x224: {  	v45 =	vmul.f32 v25, v18;
	v31 =	vadd.f32 v31, v40;
	v27 =	vmul.f32 v27, v4  }
0x225: {  	v30 =	vadd.f32 v30, v41;
	v62 =	vmul.f32 $2.000000030e-01, v24;
	v20 =	vmax.f32 v20, v61  }
0x226: {  	v23 =	vadd.f32 v23, v43;
	v27 =	vadd.f32 $0.0e+00, v27;
	v20 =	vmul.f32 v20, v7  }
0x227: {  	v31 =	vadd.f32 v31, v42;
	v44 =	vmul.f32 $2.000000030e-01, v30;
	v24 =	vmax.f32 v24, v62  }
0x228: {  	v24 =	vmul.f32 v24, v10;
	v20 =	vadd.f32 v20, v27  }
0x229: {  	v23 =	vadd.f32 v23, v45;
	v47 =	vmul.f32 $2.000000030e-01, v31;
	v46 =	vmax.f32 v30, v44  }
0x22a: {  	v48 =	vmul.f32 v46, v13;
	v20 =	vadd.f32 v24, v20  }
0x22b: {  	v50 =	vmul.f32 $2.000000030e-01, v23;
	v49 =	vmax.f32 v31, v47  }
0x22c: {  	v51 =	vmul.f32 v49, v16;
	v20 =	vadd.f32 v48, v20  }
0x22d: {  	v23 =	vmax.f32 v23, v50  }
0x22e: {  	v23 =	vmul.f32 v23, v19;
	v20 =	vadd.f32 v51, v20;
	_ =	sdelay $0x1  }
0x22f: {  	v20 =	vadd.f32 v23, v20;
	_ =	sdelay $0x1  }
0x230: {  	v20 =	vmul.f32 $1.442695020e+00, v20;
	_ =	sdelay $0x1  }
0x231: {  	(erf) = vpow2.f32 v20;
	_ =	sdelay $0x5  }
0x232: {  	v20 =	vshll.u32 v22, $0x4  }
0x233: {  	v22 =	vor.u32 $0x1, v20  }
0x234: {  	v52 =	vor.u32 $0x2, v20  }
0x235: {  	v54 =	vor.u32 $0x3, v20;
	v53 =	vpop (erf)  }
0x236: {  	v55 =	vor.u32 $0x4, v20;
	v26 =	vmul.f32 v53, v26  }
0x237: {  	v56 =	vor.u32 $0x5, v20;
	[tilespmem:v20+s1+$0x0] =	vst.idx.msk $0xffff, v53;
	v28 =	vmul.f32 v53, v28  }
0x238: {  	v58 =	vor.u32 $0x6, v20;
	v57 =	vmul.f32 v53, v29;
	[tilespmem:v22+s1+$0x0] =	vst.idx.msk $0xffff, v26  }
0x239: {  	v60 =	vor.u32 $0x7, v20;
	v59 =	vmul.f32 v53, v32;
	[tilespmem:v52+s1+$0x0] =	vst.idx.msk $0xffff, v28  }
0x23a: {  	s18 =	sadd.s32 $0x4, s18;
	v62 =	vor.u32 $0x8, v20;
	v61 =	vmul.f32 v53, v35;
	[tilespmem:v54+s1+$0x0] =	vst.idx.msk $0xffff, v57  }
0x23b: {  	p0 =	slt.u32 s18, $0xC;
	v63 =	vmul.f32 v53, v33;
	v20 =	vor.u32 $0x9, v20;
	[tilespmem:v55+s1+$0x0] =	vst.idx.msk $0xffff, v59  }
.Ltmp1:
0x23c: {  	[tilespmem:v56+s1+$0x0] =	vst.idx.msk $0xffff, v61;
	(pc) =	sbr.rel @p0 .LBB2_5-.Ltmp1, $4  }
0x23d: {  	[tilespmem:v58+s1+$0x0] =	vst.idx.msk $0xffff, v63  }
0x23e: {  	[tilespmem:v60+s1+$0x0] =	vst.idx.msk $0xffff, v1  }
0x23f: {  	[tilespmem:v62+s1+$0x0] =	vst.idx.msk $0xffff, v21  }
0x240: {  	s30 =	sadd.s32 $0x40, s30;
	s21 =	sadd.s32 $0x40, s21;
	s22 =	sadd.s32 $0x40, s22;
	[tilespmem:v20+s1+$0x0] =	vst.idx.msk $0xffff, v25  }
0x241: {  	s12 =	simm.s32 $0x18BB0  }
0x242: {  	[spmem:s2] =	stream.indirect.scatter.add.f32 [tilespmem:s1], [sflag:$0x8], $0x10, s12, s14, $0xb8;
	[tilespmem:$0x1D6C8] =	vst v63  }
0x243: {  	s21 =	simm.s32 $0x18C30;
	s18 =	simm.s32 $0x1CEB0  }
0x244: {  	[spmem:s2] =	stream.indirect.scatter.add.f32 [tilespmem:s18], [sflag:$0x8], $0x10, s21, s14, $0xb8;
	[tilespmem:$0x1D6C8] =	vst v63  }
0x245: {  	_ =	swait.ge [sflag:s20], $0x400  }
0x246: {  	[sflag:s20] =	ssyncset.done $0x0  }
0x247: {  	[sflag:s20] =	ssyncadd.s32 $0xFFFFFC00  }
0x248: {  	_ =	swait.ge [sflag:s20], $0x400  }
0x249: {  	[sflag:s20] =	ssyncset.done $0x0  }
0x24a: {  	[sflag:s20] =	ssyncadd.s32 $0xFFFFFC00  }
0x24b: {  	_ =	swait.ge [sflag:s20], $0x400  }
0x24c: {  	[sflag:s20] =	ssyncset.done $0x0  }
0x24d: {  	[sflag:s20] =	ssyncadd.s32 $0xFFFFFC00  }
0x24e: {  	_ =	swait.ge [sflag:s20], $0x400  }
0x24f: {  	[sflag:s20] =	ssyncset.done $0x0  }
0x250: {  	[sflag:s20] =	ssyncadd.s32 $0xFFFFFC00  }
0x251: {  	_ =	swait.ge [sflag:s23], $0x800  }
0x252: {  	[sflag:s23] =	ssyncset.done $0x0  }
0x253: {  	[sflag:s23] =	ssyncadd.s32 $0xFFFFF800  }
0x254: {  	_ =	swait.ge [sflag:s23], $0x800  }
0x255: {  	p0 =	seq.s32 s29, $0xC3;
	s12 =	rddreg [dreg:$0x10]  }
0x256: {  	s12 =	sadd.s32 @!p0 s31, s12  }
0x257: {  	s22 =	simm.s32 @!p0 $0x186B0;
	[sflag:s23] =	ssyncset.done $0x0;
	s12 =	sshrl.u32 @!p0 s12, $0x3  }
0x258: {  	s21 =	simm.s32 @!p0 $0x0;
	[sflag:s23] =	ssyncadd.s32 $0xFFFFF800;
	s18 =	sadd.s32 @!p0 s5, s12  }
0x259: {  	[tilespmem:s22], [sflag:$0x1] =	stream.linear.gather @!p0 [hbm4b:s18+s21], $0x100, $0x38;
	[tilespmem:$0x1D6C8] =	vst v63  }
0x25a: {  	s18 =	sadd.s32 @!p0 s6, s12;
	s22 =	simm.s32 @!p0 $0x18AB0  }
0x25b: {  	[tilespmem:s22], [sflag:$0x1] =	stream.linear.gather @!p0 [hbm4b:s18+s21], $0x100, $0x38;
	[tilespmem:$0x1D6C8] =	vst v63  }
0x25c: {  	s18 =	sadd.s32 @!p0 s7, s12;
	s22 =	simm.s32 @!p0 $0x18EB0  }
0x25d: {  	[tilespmem:s22], [sflag:$0x1] =	stream.linear.gather @!p0 [hbm4b:s18+s21], $0x100, $0x38;
	[tilespmem:$0x1D6C8] =	vst v63  }
0x25e: {  	s12 =	sadd.s32 @!p0 s8, s12;
	s18 =	simm.s32 @!p0 $0x192B0  }
0x25f: {  	[tilespmem:s18], [sflag:$0x1] =	stream.linear.gather @!p0 [hbm4b:s12+s21], $0x100, $0x38;
	[tilespmem:$0x1D6C8] =	vst v63  }
0x260: {  	_ =	swait.ge [sflag:s24], $0x100  }
0x261: {  	[sflag:s24] =	ssyncset.done $0x0  }
0x262: {  	[sflag:s24] =	ssyncadd.s32 $0xFFFFFF00  }
0x263: {  	_ =	swait.ge [sflag:s24], $0x100  }
0x264: {  	[sflag:s24] =	ssyncset.done $0x0  }
0x265: {  	[sflag:s24] =	ssyncadd.s32 $0xFFFFFF00  }
0x266: {  	_ =	swait.ge [sflag:s24], $0x100  }
0x267: {  	[sflag:s24] =	ssyncset.done $0x0  }
0x268: {  	[sflag:s24] =	ssyncadd.s32 $0xFFFFFF00  }
0x269: {  	_ =	swait.ge [sflag:s24], $0x100  }
0x26a: {  	[sflag:s24] =	ssyncset.done $0x0  }
0x26b: {  	s22 =	simm.s32 $0x189B0;
	[sflag:s24] =	ssyncadd.s32 $0xFFFFFF00  }
0x26c: {  	[tilespmem:s3], [sflag:$0x6] =	stream.indirect.gather [hbm4b:s9+s14], $0x8, s22, s14, $0xb8;
	[tilespmem:$0x1D6C8] =	vst v63  }
0x26d: {  	_ = 	snop  }
0x26e: {  	[tilespmem:s13], [sflag:$0x6] =	stream.indirect.gather [hbm4b:s10+s14], $0x8, s19, s14, $0xb8;
	[tilespmem:$0x1D6C8] =	vst v63  }
0x26f: {  	s18 =	simm.s32 $0x1A2B0;
	s21 =	simm.s32 $0x18A30  }
0x270: {  	[tilespmem:s18], [sflag:$0x6] =	stream.indirect.gather [hbm4b:s9+s14], $0x8, s21, s14, $0xb8;
	[tilespmem:$0x1D6C8] =	vst v63  }
0x271: {  	s30 =	simm.s32 $0xFFFFFFFC;
	s22 =	simm.s32 $0x1B2B0  }
0x272: {  	[tilespmem:s22], [sflag:$0x6] =	stream.indirect.gather [hbm4b:s10+s14], $0x8, s25, s14, $0xb8;
	[tilespmem:$0x1D6C8] =	vst v63  }
0x273: {  	s18 =	simm.s32 $0x0;
	s21 =	simm.s32 $0x190D0;
	s22 =	simm.s32 $0x194D0  }
.LBB2_7:
0x274: {  	v20 =	vor.u32 s18, v0  }
0x275: {  	v21 =	vshll.u32 v20, $0x3;
	_ =	sdelay $0x1  }
0x276: {  	v23 =	vor.u32 $0x1, v21  }
0x277: {  	v22 =	vld [tilespmem:s21+$0xFFFFFFE0]  }
0x278: {  	v27 =	vld [tilespmem:s22+$0xFFFFFFE0];
	v26 =	vor.u32 $0x2, v21  }
0x279: {  	v24 =	vld.idx.msk [tilespmem:v21+s15+$0x0], $0xffff  }
0x27a: {  	v29 =	vor.u32 $0x3, v21;
	v25 =	vld.idx.msk [tilespmem:v21+s16+$0x0], $0xffff  }
0x27b: {  	v28 =	vld.idx.msk [tilespmem:v23+s15+$0x0], $0xffff  }
0x27c: {  	v32 =	vor.u32 $0x4, v21;
	v23 =	vld.idx.msk [tilespmem:v23+s16+$0x0], $0xffff  }
0x27d: {  	v31 =	vld.idx.msk [tilespmem:v26+s15+$0x0], $0xffff  }
0x27e: {  	v26 =	vld.idx.msk [tilespmem:v26+s16+$0x0], $0xffff  }
0x27f: {  	v30 =	vmul.f32 v22, v2;
	v21 =	vor.u32 $0x5, v21;
	v33 =	vld.idx.msk [tilespmem:v29+s15+$0x0], $0xffff  }
0x280: {  	v46 =	vmul.f32 v27, v3;
	v47 =	vmul.f32 v22, v5;
	v29 =	vld.idx.msk [tilespmem:v29+s16+$0x0], $0xffff;
	v25 =	vadd.f32 v25, v24  }
0x281: {  	v35 =	vmul.f32 v27, v6;
	v36 =	vmul.f32 v22, v8;
	v48 =	vld.idx.msk [tilespmem:v32+s15+$0x0], $0xffff  }
0x282: {  	v50 =	vmul.f32 v27, v9;
	v32 =	vld.idx.msk [tilespmem:v32+s16+$0x0], $0xffff;
	v23 =	vadd.f32 v23, v28;
	v25 =	vadd.f32 v25, v30  }
0x283: {  	v51 =	vmul.f32 v22, v11;
	v52 =	vmul.f32 v27, v12;
	v26 =	vadd.f32 v26, v31  }
0x284: {  	v53 =	vmul.f32 v22, v14;
	v49 =	vld.idx.msk [tilespmem:v21+s15+$0x0], $0xffff;
	v23 =	vadd.f32 v23, v47;
	v25 =	vadd.f32 v25, v46  }
0x285: {  	v55 =	vmul.f32 v27, v15;
	v56 =	vmul.f32 v22, v17;
	v21 =	vld.idx.msk [tilespmem:v21+s16+$0x0], $0xffff;
	v29 =	vadd.f32 v29, v33  }
0x286: {  	v26 =	vadd.f32 v26, v36;
	v23 =	vadd.f32 v23, v35;
	v34 =	vmul.f32 $2.000000030e-01, v25  }
0x287: {  	v58 =	vmul.f32 v27, v18;
	v32 =	vadd.f32 v32, v48;
	v29 =	vadd.f32 v29, v51  }
0x288: {  	v26 =	vadd.f32 v26, v50;
	v37 =	vmul.f32 $2.000000030e-01, v23;
	v25 =	vmax.f32 v25, v34  }
0x289: {  	v32 =	vadd.f32 v32, v53;
	v29 =	vadd.f32 v29, v52;
	v25 =	vmul.f32 v25, v4  }
0x28a: {  	v21 =	vadd.f32 v21, v49;
	v54 =	vmul.f32 $2.000000030e-01, v26;
	v23 =	vmax.f32 v23, v37  }
0x28b: {  	v32 =	vadd.f32 v32, v55;
	v23 =	vmul.f32 v23, v7;
	v25 =	vadd.f32 $0.0e+00, v25  }
0x28c: {  	v57 =	vmul.f32 $2.000000030e-01, v29;
	v21 =	vadd.f32 v21, v56;
	v26 =	vmax.f32 v26, v54  }
0x28d: {  	v59 =	vmul.f32 v26, v10;
	v23 =	vadd.f32 v23, v25  }
0x28e: {  	v61 =	vmul.f32 $2.000000030e-01, v32;
	v60 =	vmax.f32 v29, v57;
	v21 =	vadd.f32 v21, v58  }
0x28f: {  	v62 =	vmul.f32 v60, v13;
	v23 =	vadd.f32 v59, v23  }
0x290: {  	v63 =	vmax.f32 v32, v61;
	v32 =	vmul.f32 $2.000000030e-01, v21  }
0x291: {  	v35 =	vmul.f32 v63, v16;
	v23 =	vadd.f32 v62, v23  }
0x292: {  	v21 =	vmax.f32 v21, v32  }
0x293: {  	v21 =	vmul.f32 v21, v19;
	v23 =	vadd.f32 v35, v23;
	_ =	sdelay $0x1  }
0x294: {  	v21 =	vadd.f32 v21, v23;
	_ =	sdelay $0x1  }
0x295: {  	v21 =	vmul.f32 $1.442695020e+00, v21;
	_ =	sdelay $0x1  }
0x296: {  	(erf) = vpow2.f32 v21;
	_ =	sdelay $0x5  }
0x297: {  	v20 =	vshll.u32 v20, $0x4  }
0x298: {  	v36 =	vor.u32 $0x1, v20  }
0x299: {  	v37 =	vor.u32 $0x2, v20  }
0x29a: {  	v39 =	vor.u32 $0x3, v20;
	v38 =	vpop (erf)  }
0x29b: {  	v40 =	vor.u32 $0x4, v20;
	v24 =	vmul.f32 v38, v24  }
0x29c: {  	v41 =	vor.u32 $0x5, v20;
	[tilespmem:v20+s0+$0x0] =	vst.idx.msk $0xffff, v38;
	v28 =	vmul.f32 v38, v28  }
0x29d: {  	v43 =	vor.u32 $0x6, v20;
	v42 =	vmul.f32 v38, v31;
	[tilespmem:v36+s0+$0x0] =	vst.idx.msk $0xffff, v24  }
0x29e: {  	v45 =	vor.u32 $0x7, v20;
	v44 =	vmul.f32 v38, v33;
	[tilespmem:v37+s0+$0x0] =	vst.idx.msk $0xffff, v28  }
0x29f: {  	v47 =	vor.u32 $0x8, v20;
	v46 =	vmul.f32 v38, v48;
	[tilespmem:v39+s0+$0x0] =	vst.idx.msk $0xffff, v42  }
0x2a0: {  	s12 =	sadd.s32 $0x10, s18;
	v48 =	vmul.f32 v38, v49;
	v20 =	vor.u32 $0x9, v20;
	[tilespmem:v40+s0+$0x0] =	vst.idx.msk $0xffff, v44  }
0x2a1: {  	v21 =	vor.u32 s12, v0;
	[tilespmem:v41+s0+$0x0] =	vst.idx.msk $0xffff, v46  }
0x2a2: {  	v49 =	vshll.u32 v21, $0x3;
	[tilespmem:v43+s0+$0x0] =	vst.idx.msk $0xffff, v48  }
0x2a3: {  	[tilespmem:v45+s0+$0x0] =	vst.idx.msk $0xffff, v1  }
0x2a4: {  	[tilespmem:v47+s0+$0x0] =	vst.idx.msk $0xffff, v22  }
0x2a5: {  	v50 =	vor.u32 $0x1, v49;
	[tilespmem:v20+s0+$0x0] =	vst.idx.msk $0xffff, v27  }
0x2a6: {  	v20 =	vld [tilespmem:s21+$0xFFFFFFF0]  }
0x2a7: {  	v52 =	vor.u32 $0x2, v49;
	v24 =	vld.idx.msk [tilespmem:v49+s15+$0x0], $0xffff  }
0x2a8: {  	v51 =	vld.idx.msk [tilespmem:v49+s16+$0x0], $0xffff  }
0x2a9: {  	v53 =	vor.u32 $0x3, v49;
	v27 =	vld [tilespmem:s22+$0xFFFFFFF0]  }
0x2aa: {  	v28 =	vld.idx.msk [tilespmem:v50+s15+$0x0], $0xffff  }
0x2ab: {  	v55 =	vor.u32 $0x4, v49;
	v22 =	vld.idx.msk [tilespmem:v50+s16+$0x0], $0xffff  }
0x2ac: {  	v31 =	vld.idx.msk [tilespmem:v52+s15+$0x0], $0xffff  }
0x2ad: {  	v23 =	vor.u32 $0x5, v49;
	v26 =	vld.idx.msk [tilespmem:v52+s16+$0x0], $0xffff  }
0x2ae: {  	v33 =	vld.idx.msk [tilespmem:v53+s15+$0x0], $0xffff  }
0x2af: {  	v29 =	vld.idx.msk [tilespmem:v53+s16+$0x0], $0xffff  }
0x2b0: {  	v30 =	vld.idx.msk [tilespmem:v55+s15+$0x0], $0xffff  }
0x2b1: {  	v32 =	vld.idx.msk [tilespmem:v55+s16+$0x0], $0xffff;
	v25 =	vadd.f32 v51, v24;
	v54 =	vmul.f32 v20, v2;
	v56 =	vmul.f32 v27, v3  }
0x2b2: {  	v34 =	vld.idx.msk [tilespmem:v23+s15+$0x0], $0xffff;
	v22 =	vadd.f32 v22, v28;
	v57 =	vmul.f32 v20, v5;
	v59 =	vmul.f32 v27, v6  }
0x2b3: {  	v23 =	vld.idx.msk [tilespmem:v23+s16+$0x0], $0xffff;
	v26 =	vadd.f32 v26, v31;
	v60 =	vmul.f32 v20, v8;
	v25 =	vadd.f32 v25, v54  }
0x2b4: {  	v61 =	vmul.f32 v27, v9;
	v29 =	vadd.f32 v29, v33;
	v62 =	vmul.f32 v20, v11  }
0x2b5: {  	v40 =	vmul.f32 v27, v12;
	v22 =	vadd.f32 v22, v57;
	v25 =	vadd.f32 v25, v56  }
0x2b6: {  	v32 =	vadd.f32 v32, v30;
	v41 =	vmul.f32 v20, v14;
	v43 =	vmul.f32 v27, v15  }
0x2b7: {  	v26 =	vadd.f32 v26, v60;
	v22 =	vadd.f32 v22, v59;
	v58 =	vmul.f32 $2.000000030e-01, v25  }
0x2b8: {  	v23 =	vadd.f32 v23, v34;
	v44 =	vmul.f32 v20, v17;
	v29 =	vadd.f32 v29, v62  }
0x2b9: {  	v26 =	vadd.f32 v26, v61;
	v63 =	vmul.f32 $2.000000030e-01, v22;
	v25 =	vmax.f32 v25, v58  }
0x2ba: {  	v46 =	vmul.f32 v27, v18;
	v32 =	vadd.f32 v32, v41;
	v25 =	vmul.f32 v25, v4  }
0x2bb: {  	v29 =	vadd.f32 v29, v40;
	v42 =	vmul.f32 $2.000000030e-01, v26;
	v22 =	vmax.f32 v22, v63  }
0x2bc: {  	v23 =	vadd.f32 v23, v44;
	v22 =	vmul.f32 v22, v7;
	v25 =	vadd.f32 $0.0e+00, v25  }
0x2bd: {  	v32 =	vadd.f32 v32, v43;
	v45 =	vmul.f32 $2.000000030e-01, v29;
	v26 =	vmax.f32 v26, v42  }
0x2be: {  	v47 =	vmul.f32 v26, v10;
	v22 =	vadd.f32 v22, v25  }
0x2bf: {  	v23 =	vadd.f32 v23, v46;
	v49 =	vmul.f32 $2.000000030e-01, v32;
	v48 =	vmax.f32 v29, v45  }
0x2c0: {  	v50 =	vmul.f32 v48, v13;
	v22 =	vadd.f32 v47, v22  }
0x2c1: {  	v52 =	vmul.f32 $2.000000030e-01, v23;
	v51 =	vmax.f32 v32, v49  }
0x2c2: {  	v53 =	vmul.f32 v51, v16;
	v22 =	vadd.f32 v50, v22  }
0x2c3: {  	v23 =	vmax.f32 v23, v52  }
0x2c4: {  	v23 =	vmul.f32 v23, v19;
	v22 =	vadd.f32 v53, v22;
	_ =	sdelay $0x1  }
0x2c5: {  	v22 =	vadd.f32 v23, v22;
	_ =	sdelay $0x1  }
0x2c6: {  	v22 =	vmul.f32 $1.442695020e+00, v22;
	_ =	sdelay $0x1  }
0x2c7: {  	(erf) = vpow2.f32 v22;
	_ =	sdelay $0x5  }
0x2c8: {  	v21 =	vshll.u32 v21, $0x4  }
0x2c9: {  	v54 =	vor.u32 $0x1, v21  }
0x2ca: {  	v55 =	vor.u32 $0x2, v21  }
0x2cb: {  	v57 =	vor.u32 $0x3, v21;
	v56 =	vpop (erf)  }
0x2cc: {  	v58 =	vor.u32 $0x4, v21;
	v24 =	vmul.f32 v56, v24  }
0x2cd: {  	v59 =	vor.u32 $0x5, v21;
	[tilespmem:v21+s0+$0x0] =	vst.idx.msk $0xffff, v56;
	v28 =	vmul.f32 v56, v28  }
0x2ce: {  	v61 =	vor.u32 $0x6, v21;
	v60 =	vmul.f32 v56, v31;
	[tilespmem:v54+s0+$0x0] =	vst.idx.msk $0xffff, v24  }
0x2cf: {  	v63 =	vor.u32 $0x7, v21;
	v62 =	vmul.f32 v56, v33;
	[tilespmem:v55+s0+$0x0] =	vst.idx.msk $0xffff, v28  }
0x2d0: {  	v35 =	vor.u32 $0x8, v21;
	v33 =	vmul.f32 v56, v30;
	[tilespmem:v57+s0+$0x0] =	vst.idx.msk $0xffff, v60  }
0x2d1: {  	s12 =	sadd.s32 $0x20, s18;
	v36 =	vmul.f32 v56, v34;
	v21 =	vor.u32 $0x9, v21;
	[tilespmem:v58+s0+$0x0] =	vst.idx.msk $0xffff, v62  }
0x2d2: {  	v22 =	vor.u32 s12, v0;
	[tilespmem:v59+s0+$0x0] =	vst.idx.msk $0xffff, v33  }
0x2d3: {  	v37 =	vshll.u32 v22, $0x3;
	[tilespmem:v61+s0+$0x0] =	vst.idx.msk $0xffff, v36  }
0x2d4: {  	[tilespmem:v63+s0+$0x0] =	vst.idx.msk $0xffff, v1  }
0x2d5: {  	[tilespmem:v35+s0+$0x0] =	vst.idx.msk $0xffff, v20  }
0x2d6: {  	v38 =	vor.u32 $0x1, v37;
	[tilespmem:v21+s0+$0x0] =	vst.idx.msk $0xffff, v27  }
0x2d7: {  	v20 =	vld [tilespmem:s21+$0x0]  }
0x2d8: {  	v40 =	vor.u32 $0x2, v37;
	v24 =	vld.idx.msk [tilespmem:v37+s15+$0x0], $0xffff  }
0x2d9: {  	v39 =	vld.idx.msk [tilespmem:v37+s16+$0x0], $0xffff  }
0x2da: {  	v41 =	vor.u32 $0x3, v37;
	v27 =	vld [tilespmem:s22+$0x0]  }
0x2db: {  	v28 =	vld.idx.msk [tilespmem:v38+s15+$0x0], $0xffff  }
0x2dc: {  	v43 =	vor.u32 $0x4, v37;
	v21 =	vld.idx.msk [tilespmem:v38+s16+$0x0], $0xffff  }
0x2dd: {  	v31 =	vld.idx.msk [tilespmem:v40+s15+$0x0], $0xffff  }
0x2de: {  	v23 =	vor.u32 $0x5, v37;
	v26 =	vld.idx.msk [tilespmem:v40+s16+$0x0], $0xffff  }
0x2df: {  	v33 =	vld.idx.msk [tilespmem:v41+s15+$0x0], $0xffff  }
0x2e0: {  	v29 =	vld.idx.msk [tilespmem:v41+s16+$0x0], $0xffff  }
0x2e1: {  	v30 =	vld.idx.msk [tilespmem:v43+s15+$0x0], $0xffff  }
0x2e2: {  	v32 =	vld.idx.msk [tilespmem:v43+s16+$0x0], $0xffff;
	v25 =	vadd.f32 v39, v24;
	v42 =	vmul.f32 v20, v2;
	v44 =	vmul.f32 v27, v3  }
0x2e3: {  	v49 =	vld.idx.msk [tilespmem:v23+s15+$0x0], $0xffff;
	v21 =	vadd.f32 v21, v28;
	v45 =	vmul.f32 v20, v5;
	v47 =	vmul.f32 v27, v6  }
0x2e4: {  	v23 =	vld.idx.msk [tilespmem:v23+s16+$0x0], $0xffff;
	v26 =	vadd.f32 v26, v31;
	v48 =	vmul.f32 v20, v8;
	v25 =	vadd.f32 v25, v42  }
0x2e5: {  	v50 =	vmul.f32 v27, v9;
	v29 =	vadd.f32 v29, v33;
	v51 =	vmul.f32 v20, v11  }
0x2e6: {  	v53 =	vmul.f32 v27, v12;
	v21 =	vadd.f32 v21, v45;
	v25 =	vadd.f32 v25, v44  }
0x2e7: {  	v32 =	vadd.f32 v32, v30;
	v54 =	vmul.f32 v20, v14;
	v56 =	vmul.f32 v27, v15  }
0x2e8: {  	v26 =	vadd.f32 v26, v48;
	v21 =	vadd.f32 v21, v47;
	v46 =	vmul.f32 $2.000000030e-01, v25  }
0x2e9: {  	v23 =	vadd.f32 v23, v49;
	v57 =	vmul.f32 v20, v17;
	v29 =	vadd.f32 v29, v51  }
0x2ea: {  	v26 =	vadd.f32 v26, v50;
	v52 =	vmul.f32 $2.000000030e-01, v21;
	v25 =	vmax.f32 v25, v46  }
0x2eb: {  	v59 =	vmul.f32 v27, v18;
	v32 =	vadd.f32 v32, v54;
	v25 =	vmul.f32 v25, v4  }
0x2ec: {  	v29 =	vadd.f32 v29, v53;
	v55 =	vmul.f32 $2.000000030e-01, v26;
	v21 =	vmax.f32 v21, v52  }
0x2ed: {  	v23 =	vadd.f32 v23, v57;
	v21 =	vmul.f32 v21, v7;
	v25 =	vadd.f32 $0.0e+00, v25  }
0x2ee: {  	v32 =	vadd.f32 v32, v56;
	v58 =	vmul.f32 $2.000000030e-01, v29;
	v26 =	vmax.f32 v26, v55  }
0x2ef: {  	v60 =	vmul.f32 v26, v10;
	v21 =	vadd.f32 v21, v25  }
0x2f0: {  	v23 =	vadd.f32 v23, v59;
	v62 =	vmul.f32 $2.000000030e-01, v32;
	v61 =	vmax.f32 v29, v58  }
0x2f1: {  	v63 =	vmul.f32 v61, v13;
	v21 =	vadd.f32 v60, v21  }
0x2f2: {  	v35 =	vmul.f32 $2.000000030e-01, v23;
	v32 =	vmax.f32 v32, v62  }
0x2f3: {  	v36 =	vmul.f32 v32, v16;
	v21 =	vadd.f32 v63, v21  }
0x2f4: {  	v23 =	vmax.f32 v23, v35  }
0x2f5: {  	v23 =	vmul.f32 v23, v19;
	v21 =	vadd.f32 v36, v21;
	_ =	sdelay $0x1  }
0x2f6: {  	v21 =	vadd.f32 v23, v21;
	_ =	sdelay $0x1  }
0x2f7: {  	v21 =	vmul.f32 $1.442695020e+00, v21;
	_ =	sdelay $0x1  }
0x2f8: {  	(erf) = vpow2.f32 v21;
	_ =	sdelay $0x5  }
0x2f9: {  	v37 =	vshll.u32 v22, $0x4  }
0x2fa: {  	v22 =	vor.u32 $0x1, v37  }
0x2fb: {  	v38 =	vor.u32 $0x2, v37  }
0x2fc: {  	v40 =	vor.u32 $0x3, v37;
	v39 =	vpop (erf)  }
0x2fd: {  	v41 =	vor.u32 $0x4, v37;
	v24 =	vmul.f32 v39, v24  }
0x2fe: {  	v42 =	vor.u32 $0x5, v37;
	[tilespmem:v37+s0+$0x0] =	vst.idx.msk $0xffff, v39;
	v28 =	vmul.f32 v39, v28  }
0x2ff: {  	v44 =	vor.u32 $0x6, v37;
	v43 =	vmul.f32 v39, v31;
	[tilespmem:v22+s0+$0x0] =	vst.idx.msk $0xffff, v24  }
0x300: {  	v46 =	vor.u32 $0x7, v37;
	v45 =	vmul.f32 v39, v33;
	[tilespmem:v38+s0+$0x0] =	vst.idx.msk $0xffff, v28  }
0x301: {  	v48 =	vor.u32 $0x8, v37;
	v47 =	vmul.f32 v39, v30;
	[tilespmem:v40+s0+$0x0] =	vst.idx.msk $0xffff, v43  }
0x302: {  	v21 =	vor.u32 $0x9, v37;
	v49 =	vmul.f32 v39, v49;
	[tilespmem:v41+s0+$0x0] =	vst.idx.msk $0xffff, v45  }
0x303: {  	s12 =	sadd.s32 $0x30, s18;
	[tilespmem:v42+s0+$0x0] =	vst.idx.msk $0xffff, v47  }
0x304: {  	v22 =	vor.u32 s12, v0;
	[tilespmem:v44+s0+$0x0] =	vst.idx.msk $0xffff, v49  }
0x305: {  	v50 =	vshll.u32 v22, $0x3;
	[tilespmem:v46+s0+$0x0] =	vst.idx.msk $0xffff, v1  }
0x306: {  	[tilespmem:v48+s0+$0x0] =	vst.idx.msk $0xffff, v20  }
0x307: {  	v51 =	vor.u32 $0x2, v50;
	[tilespmem:v21+s0+$0x0] =	vst.idx.msk $0xffff, v27  }
0x308: {  	v21 =	vld [tilespmem:s21+$0x10]  }
0x309: {  	v52 =	vor.u32 $0x3, v50;
	v25 =	vld [tilespmem:s22+$0x10]  }
0x30a: {  	v20 =	vor.u32 $0x1, v50;
	v26 =	vld.idx.msk [tilespmem:v50+s15+$0x0], $0xffff  }
0x30b: {  	v27 =	vld.idx.msk [tilespmem:v50+s16+$0x0], $0xffff  }
0x30c: {  	v29 =	vld.idx.msk [tilespmem:v51+s15+$0x0], $0xffff  }
0x30d: {  	v53 =	vor.u32 $0x4, v50;
	v24 =	vld.idx.msk [tilespmem:v51+s16+$0x0], $0xffff  }
0x30e: {  	v32 =	vld.idx.msk [tilespmem:v52+s15+$0x0], $0xffff  }
0x30f: {  	v23 =	vor.u32 $0x5, v50;
	v28 =	vld.idx.msk [tilespmem:v20+s15+$0x0], $0xffff  }
0x310: {  	v20 =	vld.idx.msk [tilespmem:v20+s16+$0x0], $0xffff  }
0x311: {  	v30 =	vld.idx.msk [tilespmem:v52+s16+$0x0], $0xffff  }
0x312: {  	v35 =	vld.idx.msk [tilespmem:v53+s15+$0x0], $0xffff  }
0x313: {  	v31 =	vld.idx.msk [tilespmem:v53+s16+$0x0], $0xffff;
	v27 =	vadd.f32 v27, v26;
	v54 =	vmul.f32 v21, v2;
	v55 =	vmul.f32 v25, v3  }
0x314: {  	v33 =	vld.idx.msk [tilespmem:v23+s15+$0x0], $0xffff;
	v56 =	vmul.f32 v21, v5;
	v24 =	vadd.f32 v24, v29;
	v57 =	vmul.f32 v21, v8  }
0x315: {  	v23 =	vld.idx.msk [tilespmem:v23+s16+$0x0], $0xffff;
	v58 =	vmul.f32 v25, v6;
	v27 =	vadd.f32 v27, v54;
	v20 =	vadd.f32 v20, v28  }
0x316: {  	v59 =	vmul.f32 v25, v9;
	v30 =	vadd.f32 v30, v32;
	v63 =	vmul.f32 v21, v11  }
0x317: {  	v40 =	vmul.f32 v21, v14;
	v27 =	vadd.f32 v27, v55;
	v20 =	vadd.f32 v20, v56  }
0x318: {  	v31 =	vadd.f32 v31, v35;
	v41 =	vmul.f32 v25, v12;
	v42 =	vmul.f32 v25, v15  }
0x319: {  	v24 =	vadd.f32 v24, v57;
	v60 =	vmul.f32 $2.000000030e-01, v27;
	v20 =	vadd.f32 v20, v58  }
0x31a: {  	v23 =	vadd.f32 v23, v33;
	v43 =	vmul.f32 v21, v17;
	v30 =	vadd.f32 v30, v63  }
0x31b: {  	v24 =	vadd.f32 v24, v59;
	v27 =	vmax.f32 v27, v60;
	v61 =	vmul.f32 $2.000000030e-01, v20  }
0x31c: {  	v45 =	vmul.f32 v25, v18;
	v31 =	vadd.f32 v31, v40;
	v27 =	vmul.f32 v27, v4  }
0x31d: {  	v30 =	vadd.f32 v30, v41;
	v62 =	vmul.f32 $2.000000030e-01, v24;
	v20 =	vmax.f32 v20, v61  }
0x31e: {  	v23 =	vadd.f32 v23, v43;
	v27 =	vadd.f32 $0.0e+00, v27;
	v20 =	vmul.f32 v20, v7  }
0x31f: {  	v31 =	vadd.f32 v31, v42;
	v44 =	vmul.f32 $2.000000030e-01, v30;
	v24 =	vmax.f32 v24, v62  }
0x320: {  	v24 =	vmul.f32 v24, v10;
	v20 =	vadd.f32 v20, v27  }
0x321: {  	v23 =	vadd.f32 v23, v45;
	v47 =	vmul.f32 $2.000000030e-01, v31;
	v46 =	vmax.f32 v30, v44  }
0x322: {  	v48 =	vmul.f32 v46, v13;
	v20 =	vadd.f32 v24, v20  }
0x323: {  	v50 =	vmul.f32 $2.000000030e-01, v23;
	v49 =	vmax.f32 v31, v47  }
0x324: {  	v51 =	vmul.f32 v49, v16;
	v20 =	vadd.f32 v48, v20  }
0x325: {  	v23 =	vmax.f32 v23, v50  }
0x326: {  	v23 =	vmul.f32 v23, v19;
	v20 =	vadd.f32 v51, v20;
	_ =	sdelay $0x1  }
0x327: {  	v20 =	vadd.f32 v23, v20;
	_ =	sdelay $0x1  }
0x328: {  	v20 =	vmul.f32 $1.442695020e+00, v20;
	_ =	sdelay $0x1  }
0x329: {  	(erf) = vpow2.f32 v20;
	_ =	sdelay $0x5  }
0x32a: {  	v20 =	vshll.u32 v22, $0x4  }
0x32b: {  	v22 =	vor.u32 $0x1, v20  }
0x32c: {  	v52 =	vor.u32 $0x2, v20  }
0x32d: {  	v54 =	vor.u32 $0x3, v20;
	v53 =	vpop (erf)  }
0x32e: {  	v55 =	vor.u32 $0x4, v20;
	v26 =	vmul.f32 v53, v26  }
0x32f: {  	v56 =	vor.u32 $0x5, v20;
	[tilespmem:v20+s0+$0x0] =	vst.idx.msk $0xffff, v53;
	v28 =	vmul.f32 v53, v28  }
0x330: {  	v58 =	vor.u32 $0x6, v20;
	v57 =	vmul.f32 v53, v29;
	[tilespmem:v22+s0+$0x0] =	vst.idx.msk $0xffff, v26  }
0x331: {  	v60 =	vor.u32 $0x7, v20;
	v59 =	vmul.f32 v53, v32;
	[tilespmem:v52+s0+$0x0] =	vst.idx.msk $0xffff, v28  }
0x332: {  	s30 =	sadd.s32 $0x4, s30;
	v62 =	vor.u32 $0x8, v20;
	v61 =	vmul.f32 v53, v35;
	[tilespmem:v54+s0+$0x0] =	vst.idx.msk $0xffff, v57  }
0x333: {  	p1 =	slt.u32 s30, $0xC;
	v63 =	vmul.f32 v53, v33;
	v20 =	vor.u32 $0x9, v20;
	[tilespmem:v55+s0+$0x0] =	vst.idx.msk $0xffff, v59  }
.Ltmp2:
0x334: {  	[tilespmem:v56+s0+$0x0] =	vst.idx.msk $0xffff, v61;
	(pc) =	sbr.rel @p1 .LBB2_7-.Ltmp2, $4  }
0x335: {  	[tilespmem:v58+s0+$0x0] =	vst.idx.msk $0xffff, v63  }
0x336: {  	[tilespmem:v60+s0+$0x0] =	vst.idx.msk $0xffff, v1  }
0x337: {  	[tilespmem:v62+s0+$0x0] =	vst.idx.msk $0xffff, v21  }
0x338: {  	s18 =	sadd.s32 $0x40, s18;
	s21 =	sadd.s32 $0x40, s21;
	s22 =	sadd.s32 $0x40, s22;
	[tilespmem:v20+s0+$0x0] =	vst.idx.msk $0xffff, v25  }
0x339: {  	[spmem:s2] =	stream.indirect.scatter.add.f32 [tilespmem:s0], [sflag:$0x9], $0x10, s26, s14, $0xb8;
	[tilespmem:$0x1D6C8] =	vst v63  }
0x33a: {  	s12 =	simm.s32 $0x1BEB0;
	s18 =	simm.s32 $0x18D30  }
0x33b: {  	[spmem:s2] =	stream.indirect.scatter.add.f32 [tilespmem:s12], [sflag:$0x9], $0x10, s18, s14, $0xb8;
	[tilespmem:$0x1D6C8] =	vst v63  }
0x33c: {  	_ =	swait.ge [sflag:s17], $0x400  }
0x33d: {  	[sflag:s17] =	ssyncset.done $0x0  }
0x33e: {  	[sflag:s17] =	ssyncadd.s32 $0xFFFFFC00  }
0x33f: {  	_ =	swait.ge [sflag:s17], $0x400  }
0x340: {  	[sflag:s17] =	ssyncset.done $0x0  }
0x341: {  	[sflag:s17] =	ssyncadd.s32 $0xFFFFFC00  }
0x342: {  	_ =	swait.ge [sflag:s17], $0x400  }
0x343: {  	[sflag:s17] =	ssyncset.done $0x0  }
0x344: {  	[sflag:s17] =	ssyncadd.s32 $0xFFFFFC00  }
0x345: {  	_ =	swait.ge [sflag:s17], $0x400  }
0x346: {  	[sflag:s17] =	ssyncset.done $0x0  }
0x347: {  	[sflag:s17] =	ssyncadd.s32 $0xFFFFFC00  }
0x348: {  	_ =	swait.ge [sflag:s28], $0x800  }
0x349: {  	[sflag:s28] =	ssyncset.done $0x0  }
0x34a: {  	[sflag:s28] =	ssyncadd.s32 $0xFFFFF800  }
0x34b: {  	_ =	swait.ge [sflag:s28], $0x800  }
0x34c: {  	s12 =	rddreg [dreg:$0x11]  }
0x34d: {  	s12 =	sadd.s32 @!p0 s31, s12  }
0x34e: {  	s21 =	simm.s32 @!p0 $0x0;
	[sflag:s28] =	ssyncset.done $0x0;
	s12 =	sshrl.u32 @!p0 s12, $0x3  }
0x34f: {  	s22 =	simm.s32 @!p0 $0x187B0;
	[sflag:s28] =	ssyncadd.s32 $0xFFFFF800;
	s18 =	sadd.s32 @!p0 s5, s12  }
0x350: {  	[tilespmem:s22], [sflag:$0x2] =	stream.linear.gather @!p0 [hbm4b:s18+s21], $0x100, $0x38;
	[tilespmem:$0x1D6C8] =	vst v63  }
0x351: {  	s18 =	sadd.s32 @!p0 s6, s12;
	s22 =	simm.s32 @!p0 $0x18BB0  }
0x352: {  	[tilespmem:s22], [sflag:$0x2] =	stream.linear.gather @!p0 [hbm4b:s18+s21], $0x100, $0x38;
	[tilespmem:$0x1D6C8] =	vst v63  }
0x353: {  	s18 =	sadd.s32 @!p0 s7, s12;
	s22 =	simm.s32 @!p0 $0x18FB0  }
0x354: {  	[tilespmem:s22], [sflag:$0x2] =	stream.linear.gather @!p0 [hbm4b:s18+s21], $0x100, $0x38;
	[tilespmem:$0x1D6C8] =	vst v63  }
0x355: {  	s12 =	sadd.s32 @!p0 s8, s12;
	s18 =	simm.s32 @!p0 $0x193B0  }
0x356: {  	[tilespmem:s18], [sflag:$0x2] =	stream.linear.gather @!p0 [hbm4b:s12+s21], $0x100, $0x38;
	[tilespmem:$0x1D6C8] =	vst v63  }
0x357: {  	s12 =	simm.s32 @!p0 $0x1  }
0x358: {  	_ =	swait.ge @!p0 [sflag:s12], $0x100  }
0x359: {  	[sflag:s12] =	ssyncset.done @!p0 $0x0  }
0x35a: {  	[sflag:s12] =	ssyncadd.s32 @!p0 $0xFFFFFF00  }
0x35b: {  	_ =	swait.ge @!p0 [sflag:s12], $0x100  }
0x35c: {  	[sflag:s12] =	ssyncset.done @!p0 $0x0  }
0x35d: {  	[sflag:s12] =	ssyncadd.s32 @!p0 $0xFFFFFF00  }
0x35e: {  	_ =	swait.ge @!p0 [sflag:s12], $0x100  }
0x35f: {  	[sflag:s12] =	ssyncset.done @!p0 $0x0  }
0x360: {  	[sflag:s12] =	ssyncadd.s32 @!p0 $0xFFFFFF00  }
0x361: {  	_ =	swait.ge @!p0 [sflag:s12], $0x100  }
0x362: {  	s18 =	simm.s32 @!p0 $0x186B0;
	[sflag:s12] =	ssyncset.done @!p0 $0x0  }
0x363: {  	s21 =	simm.s32 @!p0 $0x196B0;
	[sflag:s12] =	ssyncadd.s32 @!p0 $0xFFFFFF00;
	s12 =	simm.s32 @!p0 $0x80  }
0x364: {  	[tilespmem:s21], [sflag:$0x5] =	stream.indirect.gather @!p0 [hbm4b:s9+s12], $0x8, s18, s12, $0xb8;
	[tilespmem:$0x1D6C8] =	vst v63  }
0x365: {  	s18 =	simm.s32 @!p0 $0x18AB0;
	s21 =	simm.s32 @!p0 $0x1A6B0  }
0x366: {  	[tilespmem:s21], [sflag:$0x5] =	stream.indirect.gather @!p0 [hbm4b:s10+s12], $0x8, s18, s12, $0xb8;
	[tilespmem:$0x1D6C8] =	vst v63  }
0x367: {  	s18 =	simm.s32 @!p0 $0x18730;
	s21 =	simm.s32 @!p0 $0x19AB0  }
0x368: {  	[tilespmem:s21], [sflag:$0x5] =	stream.indirect.gather @!p0 [hbm4b:s9+s12], $0x8, s18, s12, $0xb8;
	[tilespmem:$0x1D6C8] =	vst v63  }
0x369: {  	s30 =	simm.s32 $0xFFFFFFFC;
	s18 =	simm.s32 @!p0 $0x18B30;
	s21 =	simm.s32 @!p0 $0x1AAB0  }
0x36a: {  	[tilespmem:s21], [sflag:$0x5] =	stream.indirect.gather @!p0 [hbm4b:s10+s12], $0x8, s18, s12, $0xb8;
	[tilespmem:$0x1D6C8] =	vst v63  }
0x36b: {  	s22 =	simm.s32 $0x195D0;
	s18 =	simm.s32 $0x0;
	s21 =	simm.s32 $0x191D0  }
.LBB2_9:
0x36c: {  	v20 =	vor.u32 s18, v0  }
0x36d: {  	v21 =	vshll.u32 v20, $0x3;
	_ =	sdelay $0x1  }
0x36e: {  	v23 =	vor.u32 $0x1, v21  }
0x36f: {  	v22 =	vld [tilespmem:s21+$0xFFFFFFE0]  }
0x370: {  	v27 =	vld [tilespmem:s22+$0xFFFFFFE0];
	v26 =	vor.u32 $0x2, v21  }
0x371: {  	v24 =	vld.idx.msk [tilespmem:v21+s3+$0x0], $0xffff  }
0x372: {  	v29 =	vor.u32 $0x3, v21;
	v25 =	vld.idx.msk [tilespmem:v21+s13+$0x0], $0xffff  }
0x373: {  	v28 =	vld.idx.msk [tilespmem:v23+s3+$0x0], $0xffff  }
0x374: {  	v32 =	vor.u32 $0x4, v21;
	v23 =	vld.idx.msk [tilespmem:v23+s13+$0x0], $0xffff  }
0x375: {  	v31 =	vld.idx.msk [tilespmem:v26+s3+$0x0], $0xffff  }
0x376: {  	v26 =	vld.idx.msk [tilespmem:v26+s13+$0x0], $0xffff  }
0x377: {  	v30 =	vmul.f32 v22, v2;
	v21 =	vor.u32 $0x5, v21;
	v33 =	vld.idx.msk [tilespmem:v29+s3+$0x0], $0xffff  }
0x378: {  	v46 =	vmul.f32 v27, v3;
	v47 =	vmul.f32 v22, v5;
	v29 =	vld.idx.msk [tilespmem:v29+s13+$0x0], $0xffff;
	v25 =	vadd.f32 v25, v24  }
0x379: {  	v35 =	vmul.f32 v27, v6;
	v36 =	vmul.f32 v22, v8;
	v48 =	vld.idx.msk [tilespmem:v32+s3+$0x0], $0xffff  }
0x37a: {  	v50 =	vmul.f32 v27, v9;
	v32 =	vld.idx.msk [tilespmem:v32+s13+$0x0], $0xffff;
	v23 =	vadd.f32 v23, v28;
	v25 =	vadd.f32 v25, v30  }
0x37b: {  	v51 =	vmul.f32 v22, v11;
	v52 =	vmul.f32 v27, v12;
	v26 =	vadd.f32 v26, v31  }
0x37c: {  	v53 =	vmul.f32 v22, v14;
	v49 =	vld.idx.msk [tilespmem:v21+s3+$0x0], $0xffff;
	v23 =	vadd.f32 v23, v47;
	v25 =	vadd.f32 v25, v46  }
0x37d: {  	v55 =	vmul.f32 v27, v15;
	v56 =	vmul.f32 v22, v17;
	v21 =	vld.idx.msk [tilespmem:v21+s13+$0x0], $0xffff;
	v29 =	vadd.f32 v29, v33  }
0x37e: {  	v26 =	vadd.f32 v26, v36;
	v23 =	vadd.f32 v23, v35;
	v34 =	vmul.f32 $2.000000030e-01, v25  }
0x37f: {  	v58 =	vmul.f32 v27, v18;
	v32 =	vadd.f32 v32, v48;
	v29 =	vadd.f32 v29, v51  }
0x380: {  	v26 =	vadd.f32 v26, v50;
	v37 =	vmul.f32 $2.000000030e-01, v23;
	v25 =	vmax.f32 v25, v34  }
0x381: {  	v32 =	vadd.f32 v32, v53;
	v29 =	vadd.f32 v29, v52;
	v25 =	vmul.f32 v25, v4  }
0x382: {  	v21 =	vadd.f32 v21, v49;
	v54 =	vmul.f32 $2.000000030e-01, v26;
	v23 =	vmax.f32 v23, v37  }
0x383: {  	v32 =	vadd.f32 v32, v55;
	v23 =	vmul.f32 v23, v7;
	v25 =	vadd.f32 $0.0e+00, v25  }
0x384: {  	v57 =	vmul.f32 $2.000000030e-01, v29;
	v21 =	vadd.f32 v21, v56;
	v26 =	vmax.f32 v26, v54  }
0x385: {  	v59 =	vmul.f32 v26, v10;
	v23 =	vadd.f32 v23, v25  }
0x386: {  	v61 =	vmul.f32 $2.000000030e-01, v32;
	v60 =	vmax.f32 v29, v57;
	v21 =	vadd.f32 v21, v58  }
0x387: {  	v62 =	vmul.f32 v60, v13;
	v23 =	vadd.f32 v59, v23  }
0x388: {  	v63 =	vmax.f32 v32, v61;
	v32 =	vmul.f32 $2.000000030e-01, v21  }
0x389: {  	v35 =	vmul.f32 v63, v16;
	v23 =	vadd.f32 v62, v23  }
0x38a: {  	v21 =	vmax.f32 v21, v32  }
0x38b: {  	v21 =	vmul.f32 v21, v19;
	v23 =	vadd.f32 v35, v23;
	_ =	sdelay $0x1  }
0x38c: {  	v21 =	vadd.f32 v21, v23;
	_ =	sdelay $0x1  }
0x38d: {  	v21 =	vmul.f32 $1.442695020e+00, v21;
	_ =	sdelay $0x1  }
0x38e: {  	(erf) = vpow2.f32 v21;
	_ =	sdelay $0x5  }
0x38f: {  	v20 =	vshll.u32 v20, $0x4  }
0x390: {  	v36 =	vor.u32 $0x1, v20  }
0x391: {  	v37 =	vor.u32 $0x2, v20  }
0x392: {  	v39 =	vor.u32 $0x3, v20;
	v38 =	vpop (erf)  }
0x393: {  	v40 =	vor.u32 $0x4, v20;
	v24 =	vmul.f32 v38, v24  }
0x394: {  	v41 =	vor.u32 $0x5, v20;
	[tilespmem:v20+s1+$0x0] =	vst.idx.msk $0xffff, v38;
	v28 =	vmul.f32 v38, v28  }
0x395: {  	v43 =	vor.u32 $0x6, v20;
	v42 =	vmul.f32 v38, v31;
	[tilespmem:v36+s1+$0x0] =	vst.idx.msk $0xffff, v24  }
0x396: {  	v45 =	vor.u32 $0x7, v20;
	v44 =	vmul.f32 v38, v33;
	[tilespmem:v37+s1+$0x0] =	vst.idx.msk $0xffff, v28  }
0x397: {  	v47 =	vor.u32 $0x8, v20;
	v46 =	vmul.f32 v38, v48;
	[tilespmem:v39+s1+$0x0] =	vst.idx.msk $0xffff, v42  }
0x398: {  	s12 =	sadd.s32 $0x10, s18;
	v48 =	vmul.f32 v38, v49;
	v20 =	vor.u32 $0x9, v20;
	[tilespmem:v40+s1+$0x0] =	vst.idx.msk $0xffff, v44  }
0x399: {  	v21 =	vor.u32 s12, v0;
	[tilespmem:v41+s1+$0x0] =	vst.idx.msk $0xffff, v46  }
0x39a: {  	v49 =	vshll.u32 v21, $0x3;
	[tilespmem:v43+s1+$0x0] =	vst.idx.msk $0xffff, v48  }
0x39b: {  	[tilespmem:v45+s1+$0x0] =	vst.idx.msk $0xffff, v1  }
0x39c: {  	[tilespmem:v47+s1+$0x0] =	vst.idx.msk $0xffff, v22  }
0x39d: {  	v50 =	vor.u32 $0x1, v49;
	[tilespmem:v20+s1+$0x0] =	vst.idx.msk $0xffff, v27  }
0x39e: {  	v20 =	vld [tilespmem:s21+$0xFFFFFFF0]  }
0x39f: {  	v52 =	vor.u32 $0x2, v49;
	v24 =	vld.idx.msk [tilespmem:v49+s3+$0x0], $0xffff  }
0x3a0: {  	v51 =	vld.idx.msk [tilespmem:v49+s13+$0x0], $0xffff  }
0x3a1: {  	v53 =	vor.u32 $0x3, v49;
	v27 =	vld [tilespmem:s22+$0xFFFFFFF0]  }
0x3a2: {  	v28 =	vld.idx.msk [tilespmem:v50+s3+$0x0], $0xffff  }
0x3a3: {  	v55 =	vor.u32 $0x4, v49;
	v22 =	vld.idx.msk [tilespmem:v50+s13+$0x0], $0xffff  }
0x3a4: {  	v31 =	vld.idx.msk [tilespmem:v52+s3+$0x0], $0xffff  }
0x3a5: {  	v23 =	vor.u32 $0x5, v49;
	v26 =	vld.idx.msk [tilespmem:v52+s13+$0x0], $0xffff  }
0x3a6: {  	v33 =	vld.idx.msk [tilespmem:v53+s3+$0x0], $0xffff  }
0x3a7: {  	v29 =	vld.idx.msk [tilespmem:v53+s13+$0x0], $0xffff  }
0x3a8: {  	v30 =	vld.idx.msk [tilespmem:v55+s3+$0x0], $0xffff  }
0x3a9: {  	v32 =	vld.idx.msk [tilespmem:v55+s13+$0x0], $0xffff;
	v25 =	vadd.f32 v51, v24;
	v54 =	vmul.f32 v20, v2;
	v56 =	vmul.f32 v27, v3  }
0x3aa: {  	v34 =	vld.idx.msk [tilespmem:v23+s3+$0x0], $0xffff;
	v22 =	vadd.f32 v22, v28;
	v57 =	vmul.f32 v20, v5;
	v59 =	vmul.f32 v27, v6  }
0x3ab: {  	v23 =	vld.idx.msk [tilespmem:v23+s13+$0x0], $0xffff;
	v26 =	vadd.f32 v26, v31;
	v60 =	vmul.f32 v20, v8;
	v25 =	vadd.f32 v25, v54  }
0x3ac: {  	v61 =	vmul.f32 v27, v9;
	v29 =	vadd.f32 v29, v33;
	v62 =	vmul.f32 v20, v11  }
0x3ad: {  	v40 =	vmul.f32 v27, v12;
	v22 =	vadd.f32 v22, v57;
	v25 =	vadd.f32 v25, v56  }
0x3ae: {  	v32 =	vadd.f32 v32, v30;
	v41 =	vmul.f32 v20, v14;
	v43 =	vmul.f32 v27, v15  }
0x3af: {  	v26 =	vadd.f32 v26, v60;
	v22 =	vadd.f32 v22, v59;
	v58 =	vmul.f32 $2.000000030e-01, v25  }
0x3b0: {  	v23 =	vadd.f32 v23, v34;
	v44 =	vmul.f32 v20, v17;
	v29 =	vadd.f32 v29, v62  }
0x3b1: {  	v26 =	vadd.f32 v26, v61;
	v63 =	vmul.f32 $2.000000030e-01, v22;
	v25 =	vmax.f32 v25, v58  }
0x3b2: {  	v46 =	vmul.f32 v27, v18;
	v32 =	vadd.f32 v32, v41;
	v25 =	vmul.f32 v25, v4  }
0x3b3: {  	v29 =	vadd.f32 v29, v40;
	v42 =	vmul.f32 $2.000000030e-01, v26;
	v22 =	vmax.f32 v22, v63  }
0x3b4: {  	v23 =	vadd.f32 v23, v44;
	v22 =	vmul.f32 v22, v7;
	v25 =	vadd.f32 $0.0e+00, v25  }
0x3b5: {  	v32 =	vadd.f32 v32, v43;
	v45 =	vmul.f32 $2.000000030e-01, v29;
	v26 =	vmax.f32 v26, v42  }
0x3b6: {  	v47 =	vmul.f32 v26, v10;
	v22 =	vadd.f32 v22, v25  }
0x3b7: {  	v23 =	vadd.f32 v23, v46;
	v49 =	vmul.f32 $2.000000030e-01, v32;
	v48 =	vmax.f32 v29, v45  }
0x3b8: {  	v50 =	vmul.f32 v48, v13;
	v22 =	vadd.f32 v47, v22  }
0x3b9: {  	v52 =	vmul.f32 $2.000000030e-01, v23;
	v51 =	vmax.f32 v32, v49  }
0x3ba: {  	v53 =	vmul.f32 v51, v16;
	v22 =	vadd.f32 v50, v22  }
0x3bb: {  	v23 =	vmax.f32 v23, v52  }
0x3bc: {  	v23 =	vmul.f32 v23, v19;
	v22 =	vadd.f32 v53, v22;
	_ =	sdelay $0x1  }
0x3bd: {  	v22 =	vadd.f32 v23, v22;
	_ =	sdelay $0x1  }
0x3be: {  	v22 =	vmul.f32 $1.442695020e+00, v22;
	_ =	sdelay $0x1  }
0x3bf: {  	(erf) = vpow2.f32 v22;
	_ =	sdelay $0x5  }
0x3c0: {  	v21 =	vshll.u32 v21, $0x4  }
0x3c1: {  	v54 =	vor.u32 $0x1, v21  }
0x3c2: {  	v55 =	vor.u32 $0x2, v21  }
0x3c3: {  	v57 =	vor.u32 $0x3, v21;
	v56 =	vpop (erf)  }
0x3c4: {  	v58 =	vor.u32 $0x4, v21;
	v24 =	vmul.f32 v56, v24  }
0x3c5: {  	v59 =	vor.u32 $0x5, v21;
	[tilespmem:v21+s1+$0x0] =	vst.idx.msk $0xffff, v56;
	v28 =	vmul.f32 v56, v28  }
0x3c6: {  	v61 =	vor.u32 $0x6, v21;
	v60 =	vmul.f32 v56, v31;
	[tilespmem:v54+s1+$0x0] =	vst.idx.msk $0xffff, v24  }
0x3c7: {  	v63 =	vor.u32 $0x7, v21;
	v62 =	vmul.f32 v56, v33;
	[tilespmem:v55+s1+$0x0] =	vst.idx.msk $0xffff, v28  }
0x3c8: {  	v35 =	vor.u32 $0x8, v21;
	v33 =	vmul.f32 v56, v30;
	[tilespmem:v57+s1+$0x0] =	vst.idx.msk $0xffff, v60  }
0x3c9: {  	s31 =	sadd.s32 $0x20, s18;
	v36 =	vmul.f32 v56, v34;
	v21 =	vor.u32 $0x9, v21;
	[tilespmem:v58+s1+$0x0] =	vst.idx.msk $0xffff, v62  }
0x3ca: {  	v22 =	vor.u32 s31, v0;
	[tilespmem:v59+s1+$0x0] =	vst.idx.msk $0xffff, v33  }
0x3cb: {  	v37 =	vshll.u32 v22, $0x3;
	[tilespmem:v61+s1+$0x0] =	vst.idx.msk $0xffff, v36  }
0x3cc: {  	[tilespmem:v63+s1+$0x0] =	vst.idx.msk $0xffff, v1  }
0x3cd: {  	[tilespmem:v35+s1+$0x0] =	vst.idx.msk $0xffff, v20  }
0x3ce: {  	v38 =	vor.u32 $0x1, v37;
	[tilespmem:v21+s1+$0x0] =	vst.idx.msk $0xffff, v27  }
0x3cf: {  	v20 =	vld [tilespmem:s21+$0x0]  }
0x3d0: {  	v40 =	vor.u32 $0x2, v37;
	v24 =	vld.idx.msk [tilespmem:v37+s3+$0x0], $0xffff  }
0x3d1: {  	v39 =	vld.idx.msk [tilespmem:v37+s13+$0x0], $0xffff  }
0x3d2: {  	v41 =	vor.u32 $0x3, v37;
	v27 =	vld [tilespmem:s22+$0x0]  }
0x3d3: {  	v28 =	vld.idx.msk [tilespmem:v38+s3+$0x0], $0xffff  }
0x3d4: {  	v43 =	vor.u32 $0x4, v37;
	v21 =	vld.idx.msk [tilespmem:v38+s13+$0x0], $0xffff  }
0x3d5: {  	v31 =	vld.idx.msk [tilespmem:v40+s3+$0x0], $0xffff  }
0x3d6: {  	v23 =	vor.u32 $0x5, v37;
	v26 =	vld.idx.msk [tilespmem:v40+s13+$0x0], $0xffff  }
0x3d7: {  	v33 =	vld.idx.msk [tilespmem:v41+s3+$0x0], $0xffff  }
0x3d8: {  	v29 =	vld.idx.msk [tilespmem:v41+s13+$0x0], $0xffff  }
0x3d9: {  	v30 =	vld.idx.msk [tilespmem:v43+s3+$0x0], $0xffff  }
0x3da: {  	v32 =	vld.idx.msk [tilespmem:v43+s13+$0x0], $0xffff;
	v25 =	vadd.f32 v39, v24;
	v42 =	vmul.f32 v20, v2;
	v44 =	vmul.f32 v27, v3  }
0x3db: {  	v49 =	vld.idx.msk [tilespmem:v23+s3+$0x0], $0xffff;
	v21 =	vadd.f32 v21, v28;
	v45 =	vmul.f32 v20, v5;
	v47 =	vmul.f32 v27, v6  }
0x3dc: {  	v23 =	vld.idx.msk [tilespmem:v23+s13+$0x0], $0xffff;
	v26 =	vadd.f32 v26, v31;
	v48 =	vmul.f32 v20, v8;
	v25 =	vadd.f32 v25, v42  }
0x3dd: {  	v50 =	vmul.f32 v27, v9;
	v29 =	vadd.f32 v29, v33;
	v51 =	vmul.f32 v20, v11  }
0x3de: {  	v53 =	vmul.f32 v27, v12;
	v21 =	vadd.f32 v21, v45;
	v25 =	vadd.f32 v25, v44  }
0x3df: {  	v32 =	vadd.f32 v32, v30;
	v54 =	vmul.f32 v20, v14;
	v56 =	vmul.f32 v27, v15  }
0x3e0: {  	v26 =	vadd.f32 v26, v48;
	v21 =	vadd.f32 v21, v47;
	v46 =	vmul.f32 $2.000000030e-01, v25  }
0x3e1: {  	v23 =	vadd.f32 v23, v49;
	v57 =	vmul.f32 v20, v17;
	v29 =	vadd.f32 v29, v51  }
0x3e2: {  	v26 =	vadd.f32 v26, v50;
	v52 =	vmul.f32 $2.000000030e-01, v21;
	v25 =	vmax.f32 v25, v46  }
0x3e3: {  	v59 =	vmul.f32 v27, v18;
	v32 =	vadd.f32 v32, v54;
	v25 =	vmul.f32 v25, v4  }
0x3e4: {  	v29 =	vadd.f32 v29, v53;
	v55 =	vmul.f32 $2.000000030e-01, v26;
	v21 =	vmax.f32 v21, v52  }
0x3e5: {  	v23 =	vadd.f32 v23, v57;
	v21 =	vmul.f32 v21, v7;
	v25 =	vadd.f32 $0.0e+00, v25  }
0x3e6: {  	v32 =	vadd.f32 v32, v56;
	v58 =	vmul.f32 $2.000000030e-01, v29;
	v26 =	vmax.f32 v26, v55  }
0x3e7: {  	v60 =	vmul.f32 v26, v10;
	v21 =	vadd.f32 v21, v25  }
0x3e8: {  	v23 =	vadd.f32 v23, v59;
	v62 =	vmul.f32 $2.000000030e-01, v32;
	v61 =	vmax.f32 v29, v58  }
0x3e9: {  	v63 =	vmul.f32 v61, v13;
	v21 =	vadd.f32 v60, v21  }
0x3ea: {  	v35 =	vmul.f32 $2.000000030e-01, v23;
	v32 =	vmax.f32 v32, v62  }
0x3eb: {  	v36 =	vmul.f32 v32, v16;
	v21 =	vadd.f32 v63, v21  }
0x3ec: {  	v23 =	vmax.f32 v23, v35  }
0x3ed: {  	v23 =	vmul.f32 v23, v19;
	v21 =	vadd.f32 v36, v21;
	_ =	sdelay $0x1  }
0x3ee: {  	v21 =	vadd.f32 v23, v21;
	_ =	sdelay $0x1  }
0x3ef: {  	v21 =	vmul.f32 $1.442695020e+00, v21;
	_ =	sdelay $0x1  }
0x3f0: {  	(erf) = vpow2.f32 v21;
	_ =	sdelay $0x5  }
0x3f1: {  	v37 =	vshll.u32 v22, $0x4  }
0x3f2: {  	v22 =	vor.u32 $0x1, v37  }
0x3f3: {  	v38 =	vor.u32 $0x2, v37  }
0x3f4: {  	v40 =	vor.u32 $0x3, v37;
	v39 =	vpop (erf)  }
0x3f5: {  	v41 =	vor.u32 $0x4, v37;
	v24 =	vmul.f32 v39, v24  }
0x3f6: {  	v42 =	vor.u32 $0x5, v37;
	[tilespmem:v37+s1+$0x0] =	vst.idx.msk $0xffff, v39;
	v28 =	vmul.f32 v39, v28  }
0x3f7: {  	v44 =	vor.u32 $0x6, v37;
	v43 =	vmul.f32 v39, v31;
	[tilespmem:v22+s1+$0x0] =	vst.idx.msk $0xffff, v24  }
0x3f8: {  	v46 =	vor.u32 $0x7, v37;
	v45 =	vmul.f32 v39, v33;
	[tilespmem:v38+s1+$0x0] =	vst.idx.msk $0xffff, v28  }
0x3f9: {  	v48 =	vor.u32 $0x8, v37;
	v47 =	vmul.f32 v39, v30;
	[tilespmem:v40+s1+$0x0] =	vst.idx.msk $0xffff, v43  }
0x3fa: {  	v21 =	vor.u32 $0x9, v37;
	v49 =	vmul.f32 v39, v49;
	[tilespmem:v41+s1+$0x0] =	vst.idx.msk $0xffff, v45  }
0x3fb: {  	s31 =	sadd.s32 $0x30, s18;
	[tilespmem:v42+s1+$0x0] =	vst.idx.msk $0xffff, v47  }
0x3fc: {  	v22 =	vor.u32 s31, v0;
	[tilespmem:v44+s1+$0x0] =	vst.idx.msk $0xffff, v49  }
0x3fd: {  	v50 =	vshll.u32 v22, $0x3;
	[tilespmem:v46+s1+$0x0] =	vst.idx.msk $0xffff, v1  }
0x3fe: {  	[tilespmem:v48+s1+$0x0] =	vst.idx.msk $0xffff, v20  }
0x3ff: {  	v51 =	vor.u32 $0x2, v50;
	[tilespmem:v21+s1+$0x0] =	vst.idx.msk $0xffff, v27  }
0x400: {  	v21 =	vld [tilespmem:s21+$0x10]  }
0x401: {  	v52 =	vor.u32 $0x3, v50;
	v25 =	vld [tilespmem:s22+$0x10]  }
0x402: {  	v20 =	vor.u32 $0x1, v50;
	v26 =	vld.idx.msk [tilespmem:v50+s3+$0x0], $0xffff  }
0x403: {  	v27 =	vld.idx.msk [tilespmem:v50+s13+$0x0], $0xffff  }
0x404: {  	v29 =	vld.idx.msk [tilespmem:v51+s3+$0x0], $0xffff  }
0x405: {  	v53 =	vor.u32 $0x4, v50;
	v24 =	vld.idx.msk [tilespmem:v51+s13+$0x0], $0xffff  }
0x406: {  	v32 =	vld.idx.msk [tilespmem:v52+s3+$0x0], $0xffff  }
0x407: {  	v23 =	vor.u32 $0x5, v50;
	v28 =	vld.idx.msk [tilespmem:v20+s3+$0x0], $0xffff  }
0x408: {  	v20 =	vld.idx.msk [tilespmem:v20+s13+$0x0], $0xffff  }
0x409: {  	v30 =	vld.idx.msk [tilespmem:v52+s13+$0x0], $0xffff  }
0x40a: {  	v35 =	vld.idx.msk [tilespmem:v53+s3+$0x0], $0xffff  }
0x40b: {  	v31 =	vld.idx.msk [tilespmem:v53+s13+$0x0], $0xffff;
	v27 =	vadd.f32 v27, v26;
	v54 =	vmul.f32 v21, v2;
	v55 =	vmul.f32 v25, v3  }
0x40c: {  	v33 =	vld.idx.msk [tilespmem:v23+s3+$0x0], $0xffff;
	v56 =	vmul.f32 v21, v5;
	v24 =	vadd.f32 v24, v29;
	v57 =	vmul.f32 v21, v8  }
0x40d: {  	v23 =	vld.idx.msk [tilespmem:v23+s13+$0x0], $0xffff;
	v58 =	vmul.f32 v25, v6;
	v27 =	vadd.f32 v27, v54;
	v20 =	vadd.f32 v20, v28  }
0x40e: {  	v59 =	vmul.f32 v25, v9;
	v30 =	vadd.f32 v30, v32;
	v63 =	vmul.f32 v21, v11  }
0x40f: {  	v40 =	vmul.f32 v21, v14;
	v27 =	vadd.f32 v27, v55;
	v20 =	vadd.f32 v20, v56  }
0x410: {  	v31 =	vadd.f32 v31, v35;
	v41 =	vmul.f32 v25, v12;
	v42 =	vmul.f32 v25, v15  }
0x411: {  	v24 =	vadd.f32 v24, v57;
	v60 =	vmul.f32 $2.000000030e-01, v27;
	v20 =	vadd.f32 v20, v58  }
0x412: {  	v23 =	vadd.f32 v23, v33;
	v43 =	vmul.f32 v21, v17;
	v30 =	vadd.f32 v30, v63  }
0x413: {  	v24 =	vadd.f32 v24, v59;
	v27 =	vmax.f32 v27, v60;
	v61 =	vmul.f32 $2.000000030e-01, v20  }
0x414: {  	v45 =	vmul.f32 v25, v18;
	v31 =	vadd.f32 v31, v40;
	v27 =	vmul.f32 v27, v4  }
0x415: {  	v30 =	vadd.f32 v30, v41;
	v62 =	vmul.f32 $2.000000030e-01, v24;
	v20 =	vmax.f32 v20, v61  }
0x416: {  	v23 =	vadd.f32 v23, v43;
	v27 =	vadd.f32 $0.0e+00, v27;
	v20 =	vmul.f32 v20, v7  }
0x417: {  	v31 =	vadd.f32 v31, v42;
	v44 =	vmul.f32 $2.000000030e-01, v30;
	v24 =	vmax.f32 v24, v62  }
0x418: {  	v24 =	vmul.f32 v24, v10;
	v20 =	vadd.f32 v20, v27  }
0x419: {  	v23 =	vadd.f32 v23, v45;
	v47 =	vmul.f32 $2.000000030e-01, v31;
	v46 =	vmax.f32 v30, v44  }
0x41a: {  	v48 =	vmul.f32 v46, v13;
	v20 =	vadd.f32 v24, v20  }
0x41b: {  	v50 =	vmul.f32 $2.000000030e-01, v23;
	v49 =	vmax.f32 v31, v47  }
0x41c: {  	v51 =	vmul.f32 v49, v16;
	v20 =	vadd.f32 v48, v20  }
0x41d: {  	v23 =	vmax.f32 v23, v50  }
0x41e: {  	v23 =	vmul.f32 v23, v19;
	v20 =	vadd.f32 v51, v20;
	_ =	sdelay $0x1  }
0x41f: {  	v20 =	vadd.f32 v23, v20;
	_ =	sdelay $0x1  }
0x420: {  	v20 =	vmul.f32 $1.442695020e+00, v20;
	_ =	sdelay $0x1  }
0x421: {  	(erf) = vpow2.f32 v20;
	_ =	sdelay $0x5  }
0x422: {  	v20 =	vshll.u32 v22, $0x4  }
0x423: {  	v22 =	vor.u32 $0x1, v20  }
0x424: {  	v52 =	vor.u32 $0x2, v20  }
0x425: {  	v54 =	vor.u32 $0x3, v20;
	v53 =	vpop (erf)  }
0x426: {  	v55 =	vor.u32 $0x4, v20;
	v26 =	vmul.f32 v53, v26  }
0x427: {  	v56 =	vor.u32 $0x5, v20;
	[tilespmem:v20+s1+$0x0] =	vst.idx.msk $0xffff, v53;
	v28 =	vmul.f32 v53, v28  }
0x428: {  	v58 =	vor.u32 $0x6, v20;
	v57 =	vmul.f32 v53, v29;
	[tilespmem:v22+s1+$0x0] =	vst.idx.msk $0xffff, v26  }
0x429: {  	v60 =	vor.u32 $0x7, v20;
	v59 =	vmul.f32 v53, v32;
	[tilespmem:v52+s1+$0x0] =	vst.idx.msk $0xffff, v28  }
0x42a: {  	s30 =	sadd.s32 $0x4, s30;
	v62 =	vor.u32 $0x8, v20;
	v61 =	vmul.f32 v53, v35;
	[tilespmem:v54+s1+$0x0] =	vst.idx.msk $0xffff, v57  }
0x42b: {  	p0 =	slt.u32 s30, $0xC;
	v63 =	vmul.f32 v53, v33;
	v20 =	vor.u32 $0x9, v20;
	[tilespmem:v55+s1+$0x0] =	vst.idx.msk $0xffff, v59  }
.Ltmp3:
0x42c: {  	[tilespmem:v56+s1+$0x0] =	vst.idx.msk $0xffff, v61;
	(pc) =	sbr.rel @p0 .LBB2_9-.Ltmp3, $4  }
0x42d: {  	[tilespmem:v58+s1+$0x0] =	vst.idx.msk $0xffff, v63  }
0x42e: {  	[tilespmem:v60+s1+$0x0] =	vst.idx.msk $0xffff, v1  }
0x42f: {  	[tilespmem:v62+s1+$0x0] =	vst.idx.msk $0xffff, v21  }
0x430: {  	s18 =	sadd.s32 $0x40, s18;
	s21 =	sadd.s32 $0x40, s21;
	s22 =	sadd.s32 $0x40, s22;
	[tilespmem:v20+s1+$0x0] =	vst.idx.msk $0xffff, v25  }
0x431: {  	s29 =	sadd.s32 $0x1, s29  }
0x432: {  	p0 =	sne.s32 s29, $0xC4  }
.Ltmp4:
0x433: {  	_ = 	snop;
	(pc) =	sbr.rel @p0 .LBB2_2-.Ltmp4, $4  }
0x434: {  	_ = 	snop  }
0x435: {  	[spmem:s2] =	stream.indirect.scatter.add.f32 [tilespmem:s1], [sflag:$0xA], $0x10, s19, s14, $0xb8;
	[tilespmem:$0x1D6C8] =	vst v63  }
0x436: {  	s12 =	simm.s32 $0x1CEB0  }
0x437: {  	[spmem:s2] =	stream.indirect.scatter.add.f32 [tilespmem:s12], [sflag:$0xA], $0x10, s25, s14, $0xb8;
	[tilespmem:$0x1D6C8] =	vst v63  }
0x438: {  	s12 =	simm.s32 $0x9  }
0x439: {  	_ =	swait.ge [sflag:s12], $0x800  }
0x43a: {  	[sflag:s12] =	ssyncset.done $0x0  }
0x43b: {  	[sflag:s12] =	ssyncadd.s32 $0xFFFFF800  }
0x43c: {  	_ =	swait.ge [sflag:s12], $0x800  }
0x43d: {  	[sflag:s12] =	ssyncset.done $0x0  }
0x43e: {  	s22 =	simm.s32 $0xA;
	[sflag:s12] =	ssyncadd.s32 $0xFFFFF800  }
0x43f: {  	_ =	swait.ge [sflag:s22], $0x800  }
0x440: {  	[sflag:s22] =	ssyncset.done $0x0  }
0x441: {  	[sflag:s22] =	ssyncadd.s32 $0xFFFFF800  }
0x442: {  	_ =	swait.ge [sflag:s22], $0x800  }
0x443: {  	[sflag:s22] =	ssyncset.done $0x0  }
0x444: {  	[sflag:s22] =	ssyncadd.s32 $0xFFFFF800  }
0x445: {  	[bflag:$0x0] =	sbarrier.arrive $0xFFFF  }
0x446: {  	s29 =	rddreg [dreg:$0x12]  }
0x447: {  	s18 =	rddreg [dreg:$0x15]  }
0x448: {  	s22 =	simm.s32 $0xB;
	s21 =	rddreg [dreg:$0x17]  }
0x449: {  	[hbm:s29], [sflag:s21] =	dma.local [spmem:s18], $0x30D4  }
0x44a: {  	_ =	swait.ge [sflag:s22], $0x30D4  }
0x44b: {  	s30 =	rddreg [dreg:$0x16]  }
0x44c: {  	s31 =	rddreg [dreg:$0x13];
	s18 =	sadd.s32 $0x1, s30  }
0x44d: {  	p0 =	sne.s32 s18, s31  }
.Ltmp5:
0x44e: {  	_ = 	snop;
	(pc) =	sbr.rel @p0 .LBB2_1-.Ltmp5, $3  }
0x44f: {  	_ =	sdelay $0x1  }
0x450: {  	[sflag:s22] =	ssyncset.done $0x0  }
0x451: {  	[sflag:s22] =	ssyncadd.s32 $0xFFFFCF2C  }
0x452: {  	_ =	sfence.sel $0x180000  }
0x453: {  	[bflag:$0x0] =	sbarrier.arrive $0xFFFF  }
0x454: {  	_ =	strace $0x90000047  }
0x455: {  	s0 =	stileid.u32;
	[bflag:$0x2] =	sbarrier.arrive $0xFFFF  }
0x456: {  	p0 =	sne.s32 s0, $0x0;
	s0 =	rddreg [dreg:$0x3]  }
0x457: {  	s0 =	sadd.s32 @!p0 $0x100000, s0  }
0x458: {  	[sflag:s0] =	ssyncadd.tile.s32 @!p0 $0x1;
	_ =	shalt  }
.Lfunc_end2:
_tile_overlayer_lowered:
.L_overlay_start_2:
0x459: {  	(tag) =	ssettag $0x2  }
0x45a: {  	s0 =	rddreg [dreg:$0x0];
	s2 =	stileid.u32  }
0x45b: {  	s1 =	rddreg [dreg:$0x1];
	p0 =	sne.s32 s2, $0x0  }
0x45c: {  	s3 =	rddreg [dreg:$0x2];
	[bflag:$0x3] =	sbarrier.arrive $0xFFFF;
	s2 =	simm.s32 @!p0 $0x1C0B  }
0x45d: {  	[timem:s3], [sflag:s2] =	dma.local @!p0 [hbm:s0], s1  }
0x45e: {  	s0 =	simm.s32 @!p0 $0xB  }
0x45f: {  	_ =	swait.ge @!p0 [sflag:s0], s1  }
0x460: {  	s1 =	ssub.s32 @!p0 $0x0, s1;
	[sflag:s0] =	ssyncset.done @!p0 $0x0  }
0x461: {  	[sflag:s0] =	ssyncadd.s32 @!p0 s1  }
0x462: {  	[bflag:$0x3] =	sbarrier.arrive $0xFFFF  }
0x463: {  	_ =	shalt  }

</sc_bundles>
